<compile_context>
chip_gen: v7x
topology: tpu7x:2x2x1
jax: 0.10.2.dev20260603
libtpu: 0.0.44.dev20260713+nightly
codegen_flags: <defaults>
</compile_context>

<pallas_src>
import functools

import jax
import jax.numpy as jnp
from jax import lax
from jax.experimental import pallas as pl
from jax.experimental.pallas import tpu as pltpu
from jax.experimental.pallas import tpu_sc as plsc

_NC, _NS = 2, 16
_NW = _NC * _NS
_D = 128
_BW = 128
_CW = 64
_NH = _BW // _CW
_NBUF = 10


@functools.lru_cache(maxsize=None)
def _make_gather(S: int, N: int):
    assert N == _NW * _BW and (S * _NH) % _NBUF == 0
    n_chunks = S * _NH
    n_groups = n_chunks // _NBUF
    mesh = plsc.VectorSubcoreMesh(core_axis_name="c", subcore_axis_name="s")

    @functools.partial(
        pl.kernel,
        out_type=jax.ShapeDtypeStruct((S, N, _D), jnp.float32),
        mesh=mesh,
        scratch_types=[
            pltpu.VMEM((_NBUF, _CW), jnp.int32),
            pltpu.VMEM((_NBUF, _CW, _D), jnp.float32),
            pltpu.SemaphoreType.DMA((_NBUF,)),
            pltpu.SemaphoreType.DMA((_NBUF,)),
            pltpu.SemaphoreType.DMA((_NBUF,)),
        ],
    )
    def gather_kernel(idx_hbm, table_hbm, out_hbm, idx_v, rows_v,
                      sem_i, sem_g, sem_s):
        wid = lax.axis_index("s") * _NC + lax.axis_index("c")
        b0 = wid * _BW

        def chunk_pos(g, b):
            k = g * _NBUF + b
            return k // _NH, b0 + (k % _NH) * _CW

        def idx_copy(g, b):
            s, co = chunk_pos(g, b)
            return pltpu.make_async_copy(
                idx_hbm.at[s, pl.ds(co, _CW)], idx_v.at[b], sem_i.at[b])

        def gather(b):
            return pltpu.make_async_copy(
                table_hbm.at[idx_v.at[b]], rows_v.at[b], sem_g.at[b])

        def store(g, b):
            s, co = chunk_pos(g, b)
            return pltpu.make_async_copy(
                rows_v.at[b], out_hbm.at[s, pl.ds(co, _CW)], sem_s.at[b])

        for b in range(_NBUF):
            idx_copy(0, b).start()

        def group(g, carry):
            for b in range(_NBUF):
                idx_copy(g, b).wait()

                @pl.when(g > 0)
                def _():
                    store(g - 1, b).wait()

                gather(b).start()
            for b in range(_NBUF):
                gather(b).wait()
                store(g, b).start()

                @pl.when(g + 1 < n_groups)
                def _():
                    idx_copy(g + 1, b).start()
            return carry

        lax.fori_loop(0, n_groups, group, 0)
        for b in range(_NBUF):
            store(n_groups - 1, b).wait()

    return gather_kernel


def kernel(index, features):
    n, s = index.shape
    out_t = _make_gather(s, n)(index.T, features)
    return jnp.transpose(out_t, (1, 0, 2))

# --- scband reference (transcript-rebuilt; emitter-appended) ---
"""Pipeline reference for scband-feature-provider-layer-25228637897066 (READ-ONLY COPY).

The authoritative reference and input builder live on the scoring server;
editing this copy changes nothing except your own understanding.
"""

import jax, jax.numpy as jnp
import numpy as np


def setup_inputs(seed: int = 0) -> dict:
    key = jax.random.key(seed)
    k1, k2 = jax.random.split(key)
    index = jax.random.randint(k1, (4096, 50), 0, 100000, dtype=jnp.int64 if jax.config.jax_enable_x64 else jnp.int32).astype(jnp.int32)
    features = jax.random.normal(k2, (100000, 128), dtype=jnp.float32)
    return {"index": index, "features": features}


def reference(index, features):
    # tf.gather(self.features, index) -> features[index]
    return jnp.take(features, index, axis=0)

if __name__ == "__main__":
    import jax
    _d = setup_inputs()
    print(jax.jit(kernel)(*tuple(_d.values())))

</pallas_src>

<mosaic_0001>
#map = affine_map<(d0, d1) -> (0, 0)>
#map1 = affine_map<(d0, d1) -> (0, 0, 0)>
module attributes {stable_mosaic.version = 14 : i64} {
  func.func @gather_kernel(%arg0: i32, %arg1: i32, %arg2: memref<50x4096xi32, #tpu.memory_space<hbm>>, %arg3: memref<100000x128xf32, #tpu.memory_space<hbm>>, %arg4: memref<50x4096x128xf32, #tpu.memory_space<hbm>>, %arg5: memref<10x64xi32, #tpu.memory_space<vmem>>, %arg6: memref<10x64x128xf32, #tpu.memory_space<vmem>>, %arg7: memref<10x!tpu.dma_semaphore, #tpu.memory_space<semaphore_mem>>, %arg8: memref<10x!tpu.dma_semaphore, #tpu.memory_space<semaphore_mem>>, %arg9: memref<10x!tpu.dma_semaphore, #tpu.memory_space<semaphore_mem>>) attributes {dimension_semantics = [#tpu.dimension_semantics<core_parallel>, #tpu.dimension_semantics<subcore_parallel>], iteration_bounds = array<i64: 2, 16>, scalar_prefetch = 0 : i64, scratch_operands = 5 : i64, tpu.core_type = #tpu.core_type<sc_vector_subcore>, window_params = [{transform_indices = #map}, {transform_indices = #map}, {transform_indices = #map1}]} {
    %mul3A = arith.constant 2 : i32
    %mul3A_0 = arith.muli %arg1, %mul3A : i32
    %add3A = arith.addi %mul3A_0, %arg0 : i32
    %mul3A_1 = arith.constant 128 : i32
    %mul3A_2 = arith.muli %add3A, %mul3A_1 : i32
    %add3A_3 = arith.constant 0 : i32
    %add3A_4 = arith.addi %mul3A_2, %add3A_3 : i32
    %dma_start3A = arith.constant 0 : i32
    %dma_start3A_5 = arith.constant 0 : i32
    %dma_start3A_6 = arith.constant 0 : i32
    %dma_start3A_7 = arith.constant 0 : i32
    %dma_start3A_8 = tpu.memref_slice %arg5[%dma_start3A_5, %dma_start3A_7] : memref<10x64xi32, #tpu.memory_space<vmem>> -> memref<1x64xi32, #tpu.memory_space<vmem>>
    %dma_start3A_9 = tpu.memref_squeeze %dma_start3A_8 : memref<1x64xi32, #tpu.memory_space<vmem>> -> memref<64xi32, #tpu.memory_space<vmem>>
    %dma_start3A_10 = tpu.memref_slice %arg2[%dma_start3A, %add3A_4] : memref<50x4096xi32, #tpu.memory_space<hbm>> -> memref<1x64xi32, #tpu.memory_space<hbm>>
    %dma_start3A_11 = tpu.memref_squeeze %dma_start3A_10 : memref<1x64xi32, #tpu.memory_space<hbm>> -> memref<64xi32, #tpu.memory_space<hbm>>
    %dma_start3A_12 = tpu.memref_slice %arg7[%dma_start3A_6] : memref<10x!tpu.dma_semaphore, #tpu.memory_space<semaphore_mem>> -> memref<1x!tpu.dma_semaphore, #tpu.memory_space<semaphore_mem>>
    %dma_start3A_13 = tpu.memref_squeeze %dma_start3A_12 : memref<1x!tpu.dma_semaphore, #tpu.memory_space<semaphore_mem>> -> memref<!tpu.dma_semaphore, #tpu.memory_space<semaphore_mem>>
    %dma_start3A_14 = arith.constant 0 : i32
    %dma_start3A_15 = tpu.memref_slice %arg5[%dma_start3A_5, %dma_start3A_14] : memref<10x64xi32, #tpu.memory_space<vmem>> -> memref<1x64xi32, #tpu.memory_space<vmem>>
    %dma_start3A_16 = tpu.memref_squeeze %dma_start3A_15 : memref<1x64xi32, #tpu.memory_space<vmem>> -> memref<64xi32, #tpu.memory_space<vmem>>
    %dma_start3A_17 = tpu.memref_slice %arg2[%dma_start3A, %add3A_4] : memref<50x4096xi32, #tpu.memory_space<hbm>> -> memref<1x64xi32, #tpu.memory_space<hbm>>
    %dma_start3A_18 = tpu.memref_squeeze %dma_start3A_17 : memref<1x64xi32, #tpu.memory_space<hbm>> -> memref<64xi32, #tpu.memory_space<hbm>>
    tpu.enqueue_dma source(%dma_start3A_18 : memref<64xi32, #tpu.memory_space<hbm>>) target(%dma_start3A_16 : memref<64xi32, #tpu.memory_space<vmem>>) target_semaphore(%dma_start3A_13 : memref<!tpu.dma_semaphore, #tpu.memory_space<semaphore_mem>>)
    %add3A_19 = arith.constant 64 : i32
    %add3A_20 = arith.addi %mul3A_2, %add3A_19 : i32
    %dma_start3A_21 = arith.constant 0 : i32
    %dma_start3A_22 = arith.constant 1 : i32
    %dma_start3A_23 = arith.constant 1 : i32
    %dma_start3A_24 = arith.constant 0 : i32
    %dma_start3A_25 = tpu.memref_slice %arg5[%dma_start3A_22, %dma_start3A_24] : memref<10x64xi32, #tpu.memory_space<vmem>> -> memref<1x64xi32, #tpu.memory_space<vmem>>
    %dma_start3A_26 = tpu.memref_squeeze %dma_start3A_25 : memref<1x64xi32, #tpu.memory_space<vmem>> -> memref<64xi32, #tpu.memory_space<vmem>>
    %dma_start3A_27 = tpu.memref_slice %arg2[%dma_start3A_21, %add3A_20] : memref<50x4096xi32, #tpu.memory_space<hbm>> -> memref<1x64xi32, #tpu.memory_space<hbm>>
    %dma_start3A_28 = tpu.memref_squeeze %dma_start3A_27 : memref<1x64xi32, #tpu.memory_space<hbm>> -> memref<64xi32, #tpu.memory_space<hbm>>
    %dma_start3A_29 = tpu.memref_slice %arg7[%dma_start3A_23] : memref<10x!tpu.dma_semaphore, #tpu.memory_space<semaphore_mem>> -> memref<1x!tpu.dma_semaphore, #tpu.memory_space<semaphore_mem>>
    %dma_start3A_30 = tpu.memref_squeeze %dma_start3A_29 : memref<1x!tpu.dma_semaphore, #tpu.memory_space<semaphore_mem>> -> memref<!tpu.dma_semaphore, #tpu.memory_space<semaphore_mem>>
    %dma_start3A_31 = arith.constant 0 : i32
    %dma_start3A_32 = tpu.memref_slice %arg5[%dma_start3A_22, %dma_start3A_31] : memref<10x64xi32, #tpu.memory_space<vmem>> -> memref<1x64xi32, #tpu.memory_space<vmem>>
    %dma_start3A_33 = tpu.memref_squeeze %dma_start3A_32 : memref<1x64xi32, #tpu.memory_space<vmem>> -> memref<64xi32, #tpu.memory_space<vmem>>
    %dma_start3A_34 = tpu.memref_slice %arg2[%dma_start3A_21, %add3A_20] : memref<50x4096xi32, #tpu.memory_space<hbm>> -> memref<1x64xi32, #tpu.memory_space<hbm>>
    %dma_start3A_35 = tpu.memref_squeeze %dma_start3A_34 : memref<1x64xi32, #tpu.memory_space<hbm>> -> memref<64xi32, #tpu.memory_space<hbm>>
    tpu.enqueue_dma source(%dma_start3A_35 : memref<64xi32, #tpu.memory_space<hbm>>) target(%dma_start3A_33 : memref<64xi32, #tpu.memory_space<vmem>>) target_semaphore(%dma_start3A_30 : memref<!tpu.dma_semaphore, #tpu.memory_space<semaphore_mem>>)
    %add3A_36 = arith.constant 0 : i32
    %add3A_37 = arith.addi %mul3A_2, %add3A_36 : i32
    %dma_start3A_38 = arith.constant 1 : i32
    %dma_start3A_39 = arith.constant 2 : i32
    %dma_start3A_40 = arith.constant 2 : i32
    %dma_start3A_41 = arith.constant 0 : i32
    %dma_start3A_42 = tpu.memref_slice %arg5[%dma_start3A_39, %dma_start3A_41] : memref<10x64xi32, #tpu.memory_space<vmem>> -> memref<1x64xi32, #tpu.memory_space<vmem>>
    %dma_start3A_43 = tpu.memref_squeeze %dma_start3A_42 : memref<1x64xi32, #tpu.memory_space<vmem>> -> memref<64xi32, #tpu.memory_space<vmem>>
    %dma_start3A_44 = tpu.memref_slice %arg2[%dma_start3A_38, %add3A_37] : memref<50x4096xi32, #tpu.memory_space<hbm>> -> memref<1x64xi32, #tpu.memory_space<hbm>>
    %dma_start3A_45 = tpu.memref_squeeze %dma_start3A_44 : memref<1x64xi32, #tpu.memory_space<hbm>> -> memref<64xi32, #tpu.memory_space<hbm>>
    %dma_start3A_46 = tpu.memref_slice %arg7[%dma_start3A_40] : memref<10x!tpu.dma_semaphore, #tpu.memory_space<semaphore_mem>> -> memref<1x!tpu.dma_semaphore, #tpu.memory_space<semaphore_mem>>
    %dma_start3A_47 = tpu.memref_squeeze %dma_start3A_46 : memref<1x!tpu.dma_semaphore, #tpu.memory_space<semaphore_mem>> -> memref<!tpu.dma_semaphore, #tpu.memory_space<semaphore_mem>>
    %dma_start3A_48 = arith.constant 0 : i32
    %dma_start3A_49 = tpu.memref_slice %arg5[%dma_start3A_39, %dma_start3A_48] : memref<10x64xi32, #tpu.memory_space<vmem>> -> memref<1x64xi32, #tpu.memory_space<vmem>>
    %dma_start3A_50 = tpu.memref_squeeze %dma_start3A_49 : memref<1x64xi32, #tpu.memory_space<vmem>> -> memref<64xi32, #tpu.memory_space<vmem>>
    %dma_start3A_51 = tpu.memref_slice %arg2[%dma_start3A_38, %add3A_37] : memref<50x4096xi32, #tpu.memory_space<hbm>> -> memref<1x64xi32, #tpu.memory_space<hbm>>
    %dma_start3A_52 = tpu.memref_squeeze %dma_start3A_51 : memref<1x64xi32, #tpu.memory_space<hbm>> -> memref<64xi32, #tpu.memory_space<hbm>>
    tpu.enqueue_dma source(%dma_start3A_52 : memref<64xi32, #tpu.memory_space<hbm>>) target(%dma_start3A_50 : memref<64xi32, #tpu.memory_space<vmem>>) target_semaphore(%dma_start3A_47 : memref<!tpu.dma_semaphore, #tpu.memory_space<semaphore_mem>>)
    %add3A_53 = arith.constant 64 : i32
    %add3A_54 = arith.addi %mul3A_2, %add3A_53 : i32
    %dma_start3A_55 = arith.constant 1 : i32
    %dma_start3A_56 = arith.constant 3 : i32
    %dma_start3A_57 = arith.constant 3 : i32
    %dma_start3A_58 = arith.constant 0 : i32
    %dma_start3A_59 = tpu.memref_slice %arg5[%dma_start3A_56, %dma_start3A_58] : memref<10x64xi32, #tpu.memory_space<vmem>> -> memref<1x64xi32, #tpu.memory_space<vmem>>
    %dma_start3A_60 = tpu.memref_squeeze %dma_start3A_59 : memref<1x64xi32, #tpu.memory_space<vmem>> -> memref<64xi32, #tpu.memory_space<vmem>>
    %dma_start3A_61 = tpu.memref_slice %arg2[%dma_start3A_55, %add3A_54] : memref<50x4096xi32, #tpu.memory_space<hbm>> -> memref<1x64xi32, #tpu.memory_space<hbm>>
    %dma_start3A_62 = tpu.memref_squeeze %dma_start3A_61 : memref<1x64xi32, #tpu.memory_space<hbm>> -> memref<64xi32, #tpu.memory_space<hbm>>
    %dma_start3A_63 = tpu.memref_slice %arg7[%dma_start3A_57] : memref<10x!tpu.dma_semaphore, #tpu.memory_space<semaphore_mem>> -> memref<1x!tpu.dma_semaphore, #tpu.memory_space<semaphore_mem>>
    %dma_start3A_64 = tpu.memref_squeeze %dma_start3A_63 : memref<1x!tpu.dma_semaphore, #tpu.memory_space<semaphore_mem>> -> memref<!tpu.dma_semaphore, #tpu.memory_space<semaphore_mem>>
    %dma_start3A_65 = arith.constant 0 : i32
    %dma_start3A_66 = tpu.memref_slice %arg5[%dma_start3A_56, %dma_start3A_65] : memref<10x64xi32, #tpu.memory_space<vmem>> -> memref<1x64xi32, #tpu.memory_space<vmem>>
    %dma_start3A_67 = tpu.memref_squeeze %dma_start3A_66 : memref<1x64xi32, #tpu.memory_space<vmem>> -> memref<64xi32, #tpu.memory_space<vmem>>
    %dma_start3A_68 = tpu.memref_slice %arg2[%dma_start3A_55, %add3A_54] : memref<50x4096xi32, #tpu.memory_space<hbm>> -> memref<1x64xi32, #tpu.memory_space<hbm>>
    %dma_start3A_69 = tpu.memref_squeeze %dma_start3A_68 : memref<1x64xi32, #tpu.memory_space<hbm>> -> memref<64xi32, #tpu.memory_space<hbm>>
    tpu.enqueue_dma source(%dma_start3A_69 : memref<64xi32, #tpu.memory_space<hbm>>) target(%dma_start3A_67 : memref<64xi32, #tpu.memory_space<vmem>>) target_semaphore(%dma_start3A_64 : memref<!tpu.dma_semaphore, #tpu.memory_space<semaphore_mem>>)
    %add3A_70 = arith.constant 0 : i32
    %add3A_71 = arith.addi %mul3A_2, %add3A_70 : i32
    %dma_start3A_72 = arith.constant 2 : i32
    %dma_start3A_73 = arith.constant 4 : i32
    %dma_start3A_74 = arith.constant 4 : i32
    %dma_start3A_75 = arith.constant 0 : i32
    %dma_start3A_76 = tpu.memref_slice %arg5[%dma_start3A_73, %dma_start3A_75] : memref<10x64xi32, #tpu.memory_space<vmem>> -> memref<1x64xi32, #tpu.memory_space<vmem>>
    %dma_start3A_77 = tpu.memref_squeeze %dma_start3A_76 : memref<1x64xi32, #tpu.memory_space<vmem>> -> memref<64xi32, #tpu.memory_space<vmem>>
    %dma_start3A_78 = tpu.memref_slice %arg2[%dma_start3A_72, %add3A_71] : memref<50x4096xi32, #tpu.memory_space<hbm>> -> memref<1x64xi32, #tpu.memory_space<hbm>>
    %dma_start3A_79 = tpu.memref_squeeze %dma_start3A_78 : memref<1x64xi32, #tpu.memory_space<hbm>> -> memref<64xi32, #tpu.memory_space<hbm>>
    %dma_start3A_80 = tpu.memref_slice %arg7[%dma_start3A_74] : memref<10x!tpu.dma_semaphore, #tpu.memory_space<semaphore_mem>> -> memref<1x!tpu.dma_semaphore, #tpu.memory_space<semaphore_mem>>
    %dma_start3A_81 = tpu.memref_squeeze %dma_start3A_80 : memref<1x!tpu.dma_semaphore, #tpu.memory_space<semaphore_mem>> -> memref<!tpu.dma_semaphore, #tpu.memory_space<semaphore_mem>>
    %dma_start3A_82 = arith.constant 0 : i32
    %dma_start3A_83 = tpu.memref_slice %arg5[%dma_start3A_73, %dma_start3A_82] : memref<10x64xi32, #tpu.memory_space<vmem>> -> memref<1x64xi32, #tpu.memory_space<vmem>>
    %dma_start3A_84 = tpu.memref_squeeze %dma_start3A_83 : memref<1x64xi32, #tpu.memory_space<vmem>> -> memref<64xi32, #tpu.memory_space<vmem>>
    %dma_start3A_85 = tpu.memref_slice %arg2[%dma_start3A_72, %add3A_71] : memref<50x4096xi32, #tpu.memory_space<hbm>> -> memref<1x64xi32, #tpu.memory_space<hbm>>
    %dma_start3A_86 = tpu.memref_squeeze %dma_start3A_85 : memref<1x64xi32, #tpu.memory_space<hbm>> -> memref<64xi32, #tpu.memory_space<hbm>>
    tpu.enqueue_dma source(%dma_start3A_86 : memref<64xi32, #tpu.memory_space<hbm>>) target(%dma_start3A_84 : memref<64xi32, #tpu.memory_space<vmem>>) target_semaphore(%dma_start3A_81 : memref<!tpu.dma_semaphore, #tpu.memory_space<semaphore_mem>>)
    %add3A_87 = arith.constant 64 : i32
    %add3A_88 = arith.addi %mul3A_2, %add3A_87 : i32
    %dma_start3A_89 = arith.constant 2 : i32
    %dma_start3A_90 = arith.constant 5 : i32
    %dma_start3A_91 = arith.constant 5 : i32
    %dma_start3A_92 = arith.constant 0 : i32
    %dma_start3A_93 = tpu.memref_slice %arg5[%dma_start3A_90, %dma_start3A_92] : memref<10x64xi32, #tpu.memory_space<vmem>> -> memref<1x64xi32, #tpu.memory_space<vmem>>
    %dma_start3A_94 = tpu.memref_squeeze %dma_start3A_93 : memref<1x64xi32, #tpu.memory_space<vmem>> -> memref<64xi32, #tpu.memory_space<vmem>>
    %dma_start3A_95 = tpu.memref_slice %arg2[%dma_start3A_89, %add3A_88] : memref<50x4096xi32, #tpu.memory_space<hbm>> -> memref<1x64xi32, #tpu.memory_space<hbm>>
    %dma_start3A_96 = tpu.memref_squeeze %dma_start3A_95 : memref<1x64xi32, #tpu.memory_space<hbm>> -> memref<64xi32, #tpu.memory_space<hbm>>
    %dma_start3A_97 = tpu.memref_slice %arg7[%dma_start3A_91] : memref<10x!tpu.dma_semaphore, #tpu.memory_space<semaphore_mem>> -> memref<1x!tpu.dma_semaphore, #tpu.memory_space<semaphore_mem>>
    %dma_start3A_98 = tpu.memref_squeeze %dma_start3A_97 : memref<1x!tpu.dma_semaphore, #tpu.memory_space<semaphore_mem>> -> memref<!tpu.dma_semaphore, #tpu.memory_space<semaphore_mem>>
    %dma_start3A_99 = arith.constant 0 : i32
    %dma_start3A_100 = tpu.memref_slice %arg5[%dma_start3A_90, %dma_start3A_99] : memref<10x64xi32, #tpu.memory_space<vmem>> -> memref<1x64xi32, #tpu.memory_space<vmem>>
    %dma_start3A_101 = tpu.memref_squeeze %dma_start3A_100 : memref<1x64xi32, #tpu.memory_space<vmem>> -> memref<64xi32, #tpu.memory_space<vmem>>
    %dma_start3A_102 = tpu.memref_slice %arg2[%dma_start3A_89, %add3A_88] : memref<50x4096xi32, #tpu.memory_space<hbm>> -> memref<1x64xi32, #tpu.memory_space<hbm>>
    %dma_start3A_103 = tpu.memref_squeeze %dma_start3A_102 : memref<1x64xi32, #tpu.memory_space<hbm>> -> memref<64xi32, #tpu.memory_space<hbm>>
    tpu.enqueue_dma source(%dma_start3A_103 : memref<64xi32, #tpu.memory_space<hbm>>) target(%dma_start3A_101 : memref<64xi32, #tpu.memory_space<vmem>>) target_semaphore(%dma_start3A_98 : memref<!tpu.dma_semaphore, #tpu.memory_space<semaphore_mem>>)
    %add3A_104 = arith.constant 0 : i32
    %add3A_105 = arith.addi %mul3A_2, %add3A_104 : i32
    %dma_start3A_106 = arith.constant 3 : i32
    %dma_start3A_107 = arith.constant 6 : i32
    %dma_start3A_108 = arith.constant 6 : i32
    %dma_start3A_109 = arith.constant 0 : i32
    %dma_start3A_110 = tpu.memref_slice %arg5[%dma_start3A_107, %dma_start3A_109] : memref<10x64xi32, #tpu.memory_space<vmem>> -> memref<1x64xi32, #tpu.memory_space<vmem>>
    %dma_start3A_111 = tpu.memref_squeeze %dma_start3A_110 : memref<1x64xi32, #tpu.memory_space<vmem>> -> memref<64xi32, #tpu.memory_space<vmem>>
    %dma_start3A_112 = tpu.memref_slice %arg2[%dma_start3A_106, %add3A_105] : memref<50x4096xi32, #tpu.memory_space<hbm>> -> memref<1x64xi32, #tpu.memory_space<hbm>>
    %dma_start3A_113 = tpu.memref_squeeze %dma_start3A_112 : memref<1x64xi32, #tpu.memory_space<hbm>> -> memref<64xi32, #tpu.memory_space<hbm>>
    %dma_start3A_114 = tpu.memref_slice %arg7[%dma_start3A_108] : memref<10x!tpu.dma_semaphore, #tpu.memory_space<semaphore_mem>> -> memref<1x!tpu.dma_semaphore, #tpu.memory_space<semaphore_mem>>
    %dma_start3A_115 = tpu.memref_squeeze %dma_start3A_114 : memref<1x!tpu.dma_semaphore, #tpu.memory_space<semaphore_mem>> -> memref<!tpu.dma_semaphore, #tpu.memory_space<semaphore_mem>>
    %dma_start3A_116 = arith.constant 0 : i32
    %dma_start3A_117 = tpu.memref_slice %arg5[%dma_start3A_107, %dma_start3A_116] : memref<10x64xi32, #tpu.memory_space<vmem>> -> memref<1x64xi32, #tpu.memory_space<vmem>>
    %dma_start3A_118 = tpu.memref_squeeze %dma_start3A_117 : memref<1x64xi32, #tpu.memory_space<vmem>> -> memref<64xi32, #tpu.memory_space<vmem>>
    %dma_start3A_119 = tpu.memref_slice %arg2[%dma_start3A_106, %add3A_105] : memref<50x4096xi32, #tpu.memory_space<hbm>> -> memref<1x64xi32, #tpu.memory_space<hbm>>
    %dma_start3A_120 = tpu.memref_squeeze %dma_start3A_119 : memref<1x64xi32, #tpu.memory_space<hbm>> -> memref<64xi32, #tpu.memory_space<hbm>>
    tpu.enqueue_dma source(%dma_start3A_120 : memref<64xi32, #tpu.memory_space<hbm>>) target(%dma_start3A_118 : memref<64xi32, #tpu.memory_space<vmem>>) target_semaphore(%dma_start3A_115 : memref<!tpu.dma_semaphore, #tpu.memory_space<semaphore_mem>>)
    %add3A_121 = arith.constant 64 : i32
    %add3A_122 = arith.addi %mul3A_2, %add3A_121 : i32
    %dma_start3A_123 = arith.constant 3 : i32
    %dma_start3A_124 = arith.constant 7 : i32
    %dma_start3A_125 = arith.constant 7 : i32
    %dma_start3A_126 = arith.constant 0 : i32
    %dma_start3A_127 = tpu.memref_slice %arg5[%dma_start3A_124, %dma_start3A_126] : memref<10x64xi32, #tpu.memory_space<vmem>> -> memref<1x64xi32, #tpu.memory_space<vmem>>
    %dma_start3A_128 = tpu.memref_squeeze %dma_start3A_127 : memref<1x64xi32, #tpu.memory_space<vmem>> -> memref<64xi32, #tpu.memory_space<vmem>>
    %dma_start3A_129 = tpu.memref_slice %arg2[%dma_start3A_123, %add3A_122] : memref<50x4096xi32, #tpu.memory_space<hbm>> -> memref<1x64xi32, #tpu.memory_space<hbm>>
    %dma_start3A_130 = tpu.memref_squeeze %dma_start3A_129 : memref<1x64xi32, #tpu.memory_space<hbm>> -> memref<64xi32, #tpu.memory_space<hbm>>
    %dma_start3A_131 = tpu.memref_slice %arg7[%dma_start3A_125] : memref<10x!tpu.dma_semaphore, #tpu.memory_space<semaphore_mem>> -> memref<1x!tpu.dma_semaphore, #tpu.memory_space<semaphore_mem>>
    %dma_start3A_132 = tpu.memref_squeeze %dma_start3A_131 : memref<1x!tpu.dma_semaphore, #tpu.memory_space<semaphore_mem>> -> memref<!tpu.dma_semaphore, #tpu.memory_space<semaphore_mem>>
    %dma_start3A_133 = arith.constant 0 : i32
    %dma_start3A_134 = tpu.memref_slice %arg5[%dma_start3A_124, %dma_start3A_133] : memref<10x64xi32, #tpu.memory_space<vmem>> -> memref<1x64xi32, #tpu.memory_space<vmem>>
    %dma_start3A_135 = tpu.memref_squeeze %dma_start3A_134 : memref<1x64xi32, #tpu.memory_space<vmem>> -> memref<64xi32, #tpu.memory_space<vmem>>
    %dma_start3A_136 = tpu.memref_slice %arg2[%dma_start3A_123, %add3A_122] : memref<50x4096xi32, #tpu.memory_space<hbm>> -> memref<1x64xi32, #tpu.memory_space<hbm>>
    %dma_start3A_137 = tpu.memref_squeeze %dma_start3A_136 : memref<1x64xi32, #tpu.memory_space<hbm>> -> memref<64xi32, #tpu.memory_space<hbm>>
    tpu.enqueue_dma source(%dma_start3A_137 : memref<64xi32, #tpu.memory_space<hbm>>) target(%dma_start3A_135 : memref<64xi32, #tpu.memory_space<vmem>>) target_semaphore(%dma_start3A_132 : memref<!tpu.dma_semaphore, #tpu.memory_space<semaphore_mem>>)
    %add3A_138 = arith.constant 0 : i32
    %add3A_139 = arith.addi %mul3A_2, %add3A_138 : i32
    %dma_start3A_140 = arith.constant 4 : i32
    %dma_start3A_141 = arith.constant 8 : i32
    %dma_start3A_142 = arith.constant 8 : i32
    %dma_start3A_143 = arith.constant 0 : i32
    %dma_start3A_144 = tpu.memref_slice %arg5[%dma_start3A_141, %dma_start3A_143] : memref<10x64xi32, #tpu.memory_space<vmem>> -> memref<1x64xi32, #tpu.memory_space<vmem>>
    %dma_start3A_145 = tpu.memref_squeeze %dma_start3A_144 : memref<1x64xi32, #tpu.memory_space<vmem>> -> memref<64xi32, #tpu.memory_space<vmem>>
    %dma_start3A_146 = tpu.memref_slice %arg2[%dma_start3A_140, %add3A_139] : memref<50x4096xi32, #tpu.memory_space<hbm>> -> memref<1x64xi32, #tpu.memory_space<hbm>>
    %dma_start3A_147 = tpu.memref_squeeze %dma_start3A_146 : memref<1x64xi32, #tpu.memory_space<hbm>> -> memref<64xi32, #tpu.memory_space<hbm>>
    %dma_start3A_148 = tpu.memref_slice %arg7[%dma_start3A_142] : memref<10x!tpu.dma_semaphore, #tpu.memory_space<semaphore_mem>> -> memref<1x!tpu.dma_semaphore, #tpu.memory_space<semaphore_mem>>
    %dma_start3A_149 = tpu.memref_squeeze %dma_start3A_148 : memref<1x!tpu.dma_semaphore, #tpu.memory_space<semaphore_mem>> -> memref<!tpu.dma_semaphore, #tpu.memory_space<semaphore_mem>>
    %dma_start3A_150 = arith.constant 0 : i32
    %dma_start3A_151 = tpu.memref_slice %arg5[%dma_start3A_141, %dma_start3A_150] : memref<10x64xi32, #tpu.memory_space<vmem>> -> memref<1x64xi32, #tpu.memory_space<vmem>>
    %dma_start3A_152 = tpu.memref_squeeze %dma_start3A_151 : memref<1x64xi32, #tpu.memory_space<vmem>> -> memref<64xi32, #tpu.memory_space<vmem>>
    %dma_start3A_153 = tpu.memref_slice %arg2[%dma_start3A_140, %add3A_139] : memref<50x4096xi32, #tpu.memory_space<hbm>> -> memref<1x64xi32, #tpu.memory_space<hbm>>
    %dma_start3A_154 = tpu.memref_squeeze %dma_start3A_153 : memref<1x64xi32, #tpu.memory_space<hbm>> -> memref<64xi32, #tpu.memory_space<hbm>>
    tpu.enqueue_dma source(%dma_start3A_154 : memref<64xi32, #tpu.memory_space<hbm>>) target(%dma_start3A_152 : memref<64xi32, #tpu.memory_space<vmem>>) target_semaphore(%dma_start3A_149 : memref<!tpu.dma_semaphore, #tpu.memory_space<semaphore_mem>>)
    %add3A_155 = arith.constant 64 : i32
    %add3A_156 = arith.addi %mul3A_2, %add3A_155 : i32
    %dma_start3A_157 = arith.constant 4 : i32
    %dma_start3A_158 = arith.constant 9 : i32
    %dma_start3A_159 = arith.constant 9 : i32
    %dma_start3A_160 = arith.constant 0 : i32
    %dma_start3A_161 = tpu.memref_slice %arg5[%dma_start3A_158, %dma_start3A_160] : memref<10x64xi32, #tpu.memory_space<vmem>> -> memref<1x64xi32, #tpu.memory_space<vmem>>
    %dma_start3A_162 = tpu.memref_squeeze %dma_start3A_161 : memref<1x64xi32, #tpu.memory_space<vmem>> -> memref<64xi32, #tpu.memory_space<vmem>>
    %dma_start3A_163 = tpu.memref_slice %arg2[%dma_start3A_157, %add3A_156] : memref<50x4096xi32, #tpu.memory_space<hbm>> -> memref<1x64xi32, #tpu.memory_space<hbm>>
    %dma_start3A_164 = tpu.memref_squeeze %dma_start3A_163 : memref<1x64xi32, #tpu.memory_space<hbm>> -> memref<64xi32, #tpu.memory_space<hbm>>
    %dma_start3A_165 = tpu.memref_slice %arg7[%dma_start3A_159] : memref<10x!tpu.dma_semaphore, #tpu.memory_space<semaphore_mem>> -> memref<1x!tpu.dma_semaphore, #tpu.memory_space<semaphore_mem>>
    %dma_start3A_166 = tpu.memref_squeeze %dma_start3A_165 : memref<1x!tpu.dma_semaphore, #tpu.memory_space<semaphore_mem>> -> memref<!tpu.dma_semaphore, #tpu.memory_space<semaphore_mem>>
    %dma_start3A_167 = arith.constant 0 : i32
    %dma_start3A_168 = tpu.memref_slice %arg5[%dma_start3A_158, %dma_start3A_167] : memref<10x64xi32, #tpu.memory_space<vmem>> -> memref<1x64xi32, #tpu.memory_space<vmem>>
    %dma_start3A_169 = tpu.memref_squeeze %dma_start3A_168 : memref<1x64xi32, #tpu.memory_space<vmem>> -> memref<64xi32, #tpu.memory_space<vmem>>
    %dma_start3A_170 = tpu.memref_slice %arg2[%dma_start3A_157, %add3A_156] : memref<50x4096xi32, #tpu.memory_space<hbm>> -> memref<1x64xi32, #tpu.memory_space<hbm>>
    %dma_start3A_171 = tpu.memref_squeeze %dma_start3A_170 : memref<1x64xi32, #tpu.memory_space<hbm>> -> memref<64xi32, #tpu.memory_space<hbm>>
    tpu.enqueue_dma source(%dma_start3A_171 : memref<64xi32, #tpu.memory_space<hbm>>) target(%dma_start3A_169 : memref<64xi32, #tpu.memory_space<vmem>>) target_semaphore(%dma_start3A_166 : memref<!tpu.dma_semaphore, #tpu.memory_space<semaphore_mem>>)
    %scan3A = arith.constant 0 : i32
    %scan3A_172 = arith.constant 0 : i32
    %scan3A_173 = arith.constant 10 : i32
    %scan3A_174 = arith.addi %scan3A_172, %scan3A_173 : i32
    %scan3A_175 = arith.constant 1 : i32
    scf.for %scan3A_386 = %scan3A_172 to %scan3A_174 step %scan3A_175  : i32 {
      %mul3A_387 = arith.constant 10 : i32
      %mul3A_388 = arith.muli %scan3A_386, %mul3A_387 : i32
      %add3A_389 = arith.constant 0 : i32
      %add3A_390 = arith.addi %mul3A_388, %add3A_389 : i32
      %jit3A = arith.constant 2 : i32
      %div3A = arith.divsi %add3A_390, %jit3A : i32
      %sign3A = arith.constant 0 : i32
      %sign3A_391 = arith.cmpi sgt, %add3A_390, %sign3A : i32
      %sign3A_392 = arith.extui %sign3A_391 : i1 to i32
      %sign3A_393 = arith.constant 0 : i32
      %sign3A_394 = arith.cmpi slt, %add3A_390, %sign3A_393 : i32
      %sign3A_395 = arith.extui %sign3A_394 : i1 to i32
      %sign3A_396 = arith.subi %sign3A_392, %sign3A_395 : i32
      %sign3A_397 = arith.constant 0 : i32
      %sign3A_398 = arith.cmpi sgt, %jit3A, %sign3A_397 : i32
      %sign3A_399 = arith.extui %sign3A_398 : i1 to i32
      %sign3A_400 = arith.constant 0 : i32
      %sign3A_401 = arith.cmpi slt, %jit3A, %sign3A_400 : i32
      %sign3A_402 = arith.extui %sign3A_401 : i1 to i32
      %sign3A_403 = arith.subi %sign3A_399, %sign3A_402 : i32
      %ne3A = arith.cmpi ne, %sign3A_396, %sign3A_403 : i32
      %rem3A = arith.remsi %add3A_390, %jit3A : i32
      %ne3A_404 = arith.constant 0 : i32
      %ne3A_405 = arith.cmpi ne, %rem3A, %ne3A_404 : i32
      %and3A = arith.andi %ne3A, %ne3A_405 : i1
      %sub3A = arith.constant 1 : i32
      %sub3A_406 = arith.subi %div3A, %sub3A : i32
      %select_n3A = arith.select %and3A, %sub3A_406, %div3A : i32
      %jit3A_407 = arith.constant 2 : i32
      %eq3A = arith.constant 0 : i32
      %eq3A_408 = arith.cmpi eq, %jit3A_407, %eq3A : i32
      %jit3A_409 = arith.constant 1 : i32
      %select_n3A_410 = arith.select %eq3A_408, %jit3A_409, %jit3A_407 : i32
      %rem3A_411 = arith.remsi %add3A_390, %select_n3A_410 : i32
      %ne3A_412 = arith.constant 0 : i32
      %ne3A_413 = arith.cmpi ne, %rem3A_411, %ne3A_412 : i32
      %lt3A = arith.constant 0 : i32
      %lt3A_414 = arith.cmpi slt, %rem3A_411, %lt3A : i32
      %lt3A_415 = arith.constant 0 : i32
      %lt3A_416 = arith.cmpi slt, %select_n3A_410, %lt3A_415 : i32
      %ne3A_417 = arith.xori %lt3A_414, %lt3A_416 : i1
      %and3A_418 = arith.andi %ne3A_417, %ne3A_413 : i1
      %add3A_419 = arith.addi %rem3A_411, %select_n3A_410 : i32
      %select_n3A_420 = arith.select %and3A_418, %add3A_419, %rem3A_411 : i32
      %mul3A_421 = arith.constant 64 : i32
      %mul3A_422 = arith.muli %select_n3A_420, %mul3A_421 : i32
      %add3A_423 = arith.addi %mul3A_2, %mul3A_422 : i32
      %dma_wait3A_424 = arith.constant 0 : i32
      %dma_wait3A_425 = arith.constant 0 : i32
      %dma_wait3A_426 = arith.constant 0 : i32
      %dma_wait3A_427 = tpu.memref_slice %arg5[%dma_wait3A_424, %dma_wait3A_426] : memref<10x64xi32, #tpu.memory_space<vmem>> -> memref<1x64xi32, #tpu.memory_space<vmem>>
      %dma_wait3A_428 = tpu.memref_squeeze %dma_wait3A_427 : memref<1x64xi32, #tpu.memory_space<vmem>> -> memref<64xi32, #tpu.memory_space<vmem>>
      %dma_wait3A_429 = tpu.memref_slice %arg2[%select_n3A, %add3A_423] : memref<50x4096xi32, #tpu.memory_space<hbm>> -> memref<1x64xi32, #tpu.memory_space<hbm>>
      %dma_wait3A_430 = tpu.memref_squeeze %dma_wait3A_429 : memref<1x64xi32, #tpu.memory_space<hbm>> -> memref<64xi32, #tpu.memory_space<hbm>>
      %dma_wait3A_431 = tpu.memref_slice %arg7[%dma_wait3A_425] : memref<10x!tpu.dma_semaphore, #tpu.memory_space<semaphore_mem>> -> memref<1x!tpu.dma_semaphore, #tpu.memory_space<semaphore_mem>>
      %dma_wait3A_432 = tpu.memref_squeeze %dma_wait3A_431 : memref<1x!tpu.dma_semaphore, #tpu.memory_space<semaphore_mem>> -> memref<!tpu.dma_semaphore, #tpu.memory_space<semaphore_mem>>
      %dma_wait3A_433 = arith.constant 0 : i32
      %dma_wait3A_434 = tpu.memref_slice %arg5[%dma_wait3A_424, %dma_wait3A_433] : memref<10x64xi32, #tpu.memory_space<vmem>> -> memref<1x64xi32, #tpu.memory_space<vmem>>
      %dma_wait3A_435 = tpu.memref_squeeze %dma_wait3A_434 : memref<1x64xi32, #tpu.memory_space<vmem>> -> memref<64xi32, #tpu.memory_space<vmem>>
      %dma_wait3A_436 = tpu.memref_slice %arg2[%select_n3A, %add3A_423] : memref<50x4096xi32, #tpu.memory_space<hbm>> -> memref<1x64xi32, #tpu.memory_space<hbm>>
      %dma_wait3A_437 = tpu.memref_squeeze %dma_wait3A_436 : memref<1x64xi32, #tpu.memory_space<hbm>> -> memref<64xi32, #tpu.memory_space<hbm>>
      tpu.wait_dma2 semaphore(%dma_wait3A_432 : memref<!tpu.dma_semaphore, #tpu.memory_space<semaphore_mem>>) src(%dma_wait3A_437 : memref<64xi32, #tpu.memory_space<hbm>>) dst(%dma_wait3A_435 : memref<64xi32, #tpu.memory_space<vmem>>)
      %gt3A = arith.constant 0 : i32
      %gt3A_438 = arith.cmpi sgt, %scan3A_386, %gt3A : i32
      %convert_element_type3A = arith.extui %gt3A_438 : i1 to i32
      %cond3A = arith.constant 0 : i32
      %cond3A_439 = arith.cmpi ne, %convert_element_type3A, %cond3A : i32
      scf.if %cond3A_439 {
        %sub3A_2054 = arith.constant 1 : i32
        %sub3A_2055 = arith.subi %scan3A_386, %sub3A_2054 : i32
        %mul3A_2056 = arith.constant 10 : i32
        %mul3A_2057 = arith.muli %sub3A_2055, %mul3A_2056 : i32
        %add3A_2058 = arith.constant 0 : i32
        %add3A_2059 = arith.addi %mul3A_2057, %add3A_2058 : i32
        %jit3A_2060 = arith.constant 2 : i32
        %div3A_2061 = arith.divsi %add3A_2059, %jit3A_2060 : i32
        %sign3A_2062 = arith.constant 0 : i32
        %sign3A_2063 = arith.cmpi sgt, %add3A_2059, %sign3A_2062 : i32
        %sign3A_2064 = arith.extui %sign3A_2063 : i1 to i32
        %sign3A_2065 = arith.constant 0 : i32
        %sign3A_2066 = arith.cmpi slt, %add3A_2059, %sign3A_2065 : i32
        %sign3A_2067 = arith.extui %sign3A_2066 : i1 to i32
        %sign3A_2068 = arith.subi %sign3A_2064, %sign3A_2067 : i32
        %sign3A_2069 = arith.constant 0 : i32
        %sign3A_2070 = arith.cmpi sgt, %jit3A_2060, %sign3A_2069 : i32
        %sign3A_2071 = arith.extui %sign3A_2070 : i1 to i32
        %sign3A_2072 = arith.constant 0 : i32
        %sign3A_2073 = arith.cmpi slt, %jit3A_2060, %sign3A_2072 : i32
        %sign3A_2074 = arith.extui %sign3A_2073 : i1 to i32
        %sign3A_2075 = arith.subi %sign3A_2071, %sign3A_2074 : i32
        %ne3A_2076 = arith.cmpi ne, %sign3A_2068, %sign3A_2075 : i32
        %rem3A_2077 = arith.remsi %add3A_2059, %jit3A_2060 : i32
        %ne3A_2078 = arith.constant 0 : i32
        %ne3A_2079 = arith.cmpi ne, %rem3A_2077, %ne3A_2078 : i32
        %and3A_2080 = arith.andi %ne3A_2076, %ne3A_2079 : i1
        %sub3A_2081 = arith.constant 1 : i32
        %sub3A_2082 = arith.subi %div3A_2061, %sub3A_2081 : i32
        %select_n3A_2083 = arith.select %and3A_2080, %sub3A_2082, %div3A_2061 : i32
        %jit3A_2084 = arith.constant 2 : i32
        %eq3A_2085 = arith.constant 0 : i32
        %eq3A_2086 = arith.cmpi eq, %jit3A_2084, %eq3A_2085 : i32
        %jit3A_2087 = arith.constant 1 : i32
        %select_n3A_2088 = arith.select %eq3A_2086, %jit3A_2087, %jit3A_2084 : i32
        %rem3A_2089 = arith.remsi %add3A_2059, %select_n3A_2088 : i32
        %ne3A_2090 = arith.constant 0 : i32
        %ne3A_2091 = arith.cmpi ne, %rem3A_2089, %ne3A_2090 : i32
        %lt3A_2092 = arith.constant 0 : i32
        %lt3A_2093 = arith.cmpi slt, %rem3A_2089, %lt3A_2092 : i32
        %lt3A_2094 = arith.constant 0 : i32
        %lt3A_2095 = arith.cmpi slt, %select_n3A_2088, %lt3A_2094 : i32
        %ne3A_2096 = arith.xori %lt3A_2093, %lt3A_2095 : i1
        %and3A_2097 = arith.andi %ne3A_2096, %ne3A_2091 : i1
        %add3A_2098 = arith.addi %rem3A_2089, %select_n3A_2088 : i32
        %select_n3A_2099 = arith.select %and3A_2097, %add3A_2098, %rem3A_2089 : i32
        %mul3A_2100 = arith.constant 64 : i32
        %mul3A_2101 = arith.muli %select_n3A_2099, %mul3A_2100 : i32
        %add3A_2102 = arith.addi %mul3A_2, %mul3A_2101 : i32
        %dma_wait3A_2103 = arith.constant 0 : i32
        %dma_wait3A_2104 = arith.constant 0 : i32
        %dma_wait3A_2105 = arith.constant 0 : i32
        %dma_wait3A_2106 = arith.constant 0 : i32
        %dma_wait3A_2107 = tpu.memref_slice %arg6[%dma_wait3A_2103, %dma_wait3A_2105, %dma_wait3A_2106] : memref<10x64x128xf32, #tpu.memory_space<vmem>> -> memref<1x64x128xf32, #tpu.memory_space<vmem>>
        %dma_wait3A_2108 = tpu.memref_squeeze %dma_wait3A_2107 : memref<1x64x128xf32, #tpu.memory_space<vmem>> -> memref<64x128xf32, #tpu.memory_space<vmem>>
        %dma_wait3A_2109 = arith.constant 0 : i32
        %dma_wait3A_2110 = tpu.memref_slice %arg4[%select_n3A_2083, %add3A_2102, %dma_wait3A_2109] : memref<50x4096x128xf32, #tpu.memory_space<hbm>> -> memref<1x64x128xf32, #tpu.memory_space<hbm>>
        %dma_wait3A_2111 = tpu.memref_squeeze %dma_wait3A_2110 : memref<1x64x128xf32, #tpu.memory_space<hbm>> -> memref<64x128xf32, #tpu.memory_space<hbm>>
        %dma_wait3A_2112 = tpu.memref_slice %arg9[%dma_wait3A_2104] : memref<10x!tpu.dma_semaphore, #tpu.memory_space<semaphore_mem>> -> memref<1x!tpu.dma_semaphore, #tpu.memory_space<semaphore_mem>>
        %dma_wait3A_2113 = tpu.memref_squeeze %dma_wait3A_2112 : memref<1x!tpu.dma_semaphore, #tpu.memory_space<semaphore_mem>> -> memref<!tpu.dma_semaphore, #tpu.memory_space<semaphore_mem>>
        %dma_wait3A_2114 = arith.constant 0 : i32
        %dma_wait3A_2115 = tpu.memref_slice %arg4[%select_n3A_2083, %add3A_2102, %dma_wait3A_2114] : memref<50x4096x128xf32, #tpu.memory_space<hbm>> -> memref<1x64x128xf32, #tpu.memory_space<hbm>>
        %dma_wait3A_2116 = tpu.memref_squeeze %dma_wait3A_2115 : memref<1x64x128xf32, #tpu.memory_space<hbm>> -> memref<64x128xf32, #tpu.memory_space<hbm>>
        %dma_wait3A_2117 = arith.constant 0 : i32
        %dma_wait3A_2118 = arith.constant 0 : i32
        %dma_wait3A_2119 = tpu.memref_slice %arg6[%dma_wait3A_2103, %dma_wait3A_2117, %dma_wait3A_2118] : memref<10x64x128xf32, #tpu.memory_space<vmem>> -> memref<1x64x128xf32, #tpu.memory_space<vmem>>
        %dma_wait3A_2120 = tpu.memref_squeeze %dma_wait3A_2119 : memref<1x64x128xf32, #tpu.memory_space<vmem>> -> memref<64x128xf32, #tpu.memory_space<vmem>>
        tpu.wait_dma2 semaphore(%dma_wait3A_2113 : memref<!tpu.dma_semaphore, #tpu.memory_space<semaphore_mem>>) src(%dma_wait3A_2120 : memref<64x128xf32, #tpu.memory_space<vmem>>) dst(%dma_wait3A_2116 : memref<64x128xf32, #tpu.memory_space<hbm>>)
      } else {
      }
      %dma_start3A_440 = arith.constant 0 : i32
      %dma_start3A_441 = arith.constant 0 : i32
      %dma_start3A_442 = arith.constant 0 : i32
      %dma_start3A_443 = arith.constant 0 : i32
      %dma_start3A_444 = arith.constant 0 : i32
      %dma_start3A_445 = tpu.memref_slice %arg6[%dma_start3A_441, %dma_start3A_443, %dma_start3A_444] : memref<10x64x128xf32, #tpu.memory_space<vmem>> -> memref<1x64x128xf32, #tpu.memory_space<vmem>>
      %dma_start3A_446 = tpu.memref_squeeze %dma_start3A_445 : memref<1x64x128xf32, #tpu.memory_space<vmem>> -> memref<64x128xf32, #tpu.memory_space<vmem>>
      %dma_start3A_447 = arith.constant 0 : i32
      %dma_start3A_448 = tpu.memref_slice %arg5[%dma_start3A_440, %dma_start3A_447] : memref<10x64xi32, #tpu.memory_space<vmem>> -> memref<1x64xi32, #tpu.memory_space<vmem>>
      %dma_start3A_449 = tpu.memref_squeeze %dma_start3A_448 : memref<1x64xi32, #tpu.memory_space<vmem>> -> memref<64xi32, #tpu.memory_space<vmem>>
      %dma_start3A_450 = arith.constant 0 : i32
      %dma_start3A_451 = arith.constant 0 : i32
      %dma_start3A_452 = tpu.memref_slice %arg3[%dma_start3A_450, %dma_start3A_451] : memref<100000x128xf32, #tpu.memory_space<hbm>> -> memref<100000x128xf32, #tpu.memory_space<hbm>>
      %dma_start3A_453 = tpu.memref_slice %arg8[%dma_start3A_442] : memref<10x!tpu.dma_semaphore, #tpu.memory_space<semaphore_mem>> -> memref<1x!tpu.dma_semaphore, #tpu.memory_space<semaphore_mem>>
      %dma_start3A_454 = tpu.memref_squeeze %dma_start3A_453 : memref<1x!tpu.dma_semaphore, #tpu.memory_space<semaphore_mem>> -> memref<!tpu.dma_semaphore, #tpu.memory_space<semaphore_mem>>
      tpu.enqueue_indirect_dma source(%dma_start3A_452 : memref<100000x128xf32, #tpu.memory_space<hbm>>) target(%dma_start3A_446 : memref<64x128xf32, #tpu.memory_space<vmem>>) offsets(%dma_start3A_449 : memref<64xi32, #tpu.memory_space<vmem>>) semaphore(%dma_start3A_454 : memref<!tpu.dma_semaphore, #tpu.memory_space<semaphore_mem>>)
      %mul3A_455 = arith.constant 10 : i32
      %mul3A_456 = arith.muli %scan3A_386, %mul3A_455 : i32
      %add3A_457 = arith.constant 1 : i32
      %add3A_458 = arith.addi %mul3A_456, %add3A_457 : i32
      %jit3A_459 = arith.constant 2 : i32
      %div3A_460 = arith.divsi %add3A_458, %jit3A_459 : i32
      %sign3A_461 = arith.constant 0 : i32
      %sign3A_462 = arith.cmpi sgt, %add3A_458, %sign3A_461 : i32
      %sign3A_463 = arith.extui %sign3A_462 : i1 to i32
      %sign3A_464 = arith.constant 0 : i32
      %sign3A_465 = arith.cmpi slt, %add3A_458, %sign3A_464 : i32
      %sign3A_466 = arith.extui %sign3A_465 : i1 to i32
      %sign3A_467 = arith.subi %sign3A_463, %sign3A_466 : i32
      %sign3A_468 = arith.constant 0 : i32
      %sign3A_469 = arith.cmpi sgt, %jit3A_459, %sign3A_468 : i32
      %sign3A_470 = arith.extui %sign3A_469 : i1 to i32
      %sign3A_471 = arith.constant 0 : i32
      %sign3A_472 = arith.cmpi slt, %jit3A_459, %sign3A_471 : i32
      %sign3A_473 = arith.extui %sign3A_472 : i1 to i32
      %sign3A_474 = arith.subi %sign3A_470, %sign3A_473 : i32
      %ne3A_475 = arith.cmpi ne, %sign3A_467, %sign3A_474 : i32
      %rem3A_476 = arith.remsi %add3A_458, %jit3A_459 : i32
      %ne3A_477 = arith.constant 0 : i32
      %ne3A_478 = arith.cmpi ne, %rem3A_476, %ne3A_477 : i32
      %and3A_479 = arith.andi %ne3A_475, %ne3A_478 : i1
      %sub3A_480 = arith.constant 1 : i32
      %sub3A_481 = arith.subi %div3A_460, %sub3A_480 : i32
      %select_n3A_482 = arith.select %and3A_479, %sub3A_481, %div3A_460 : i32
      %jit3A_483 = arith.constant 2 : i32
      %eq3A_484 = arith.constant 0 : i32
      %eq3A_485 = arith.cmpi eq, %jit3A_483, %eq3A_484 : i32
      %jit3A_486 = arith.constant 1 : i32
      %select_n3A_487 = arith.select %eq3A_485, %jit3A_486, %jit3A_483 : i32
      %rem3A_488 = arith.remsi %add3A_458, %select_n3A_487 : i32
      %ne3A_489 = arith.constant 0 : i32
      %ne3A_490 = arith.cmpi ne, %rem3A_488, %ne3A_489 : i32
      %lt3A_491 = arith.constant 0 : i32
      %lt3A_492 = arith.cmpi slt, %rem3A_488, %lt3A_491 : i32
      %lt3A_493 = arith.constant 0 : i32
      %lt3A_494 = arith.cmpi slt, %select_n3A_487, %lt3A_493 : i32
      %ne3A_495 = arith.xori %lt3A_492, %lt3A_494 : i1
      %and3A_496 = arith.andi %ne3A_495, %ne3A_490 : i1
      %add3A_497 = arith.addi %rem3A_488, %select_n3A_487 : i32
      %select_n3A_498 = arith.select %and3A_496, %add3A_497, %rem3A_488 : i32
      %mul3A_499 = arith.constant 64 : i32
      %mul3A_500 = arith.muli %select_n3A_498, %mul3A_499 : i32
      %add3A_501 = arith.addi %mul3A_2, %mul3A_500 : i32
      %dma_wait3A_502 = arith.constant 1 : i32
      %dma_wait3A_503 = arith.constant 1 : i32
      %dma_wait3A_504 = arith.constant 0 : i32
      %dma_wait3A_505 = tpu.memref_slice %arg5[%dma_wait3A_502, %dma_wait3A_504] : memref<10x64xi32, #tpu.memory_space<vmem>> -> memref<1x64xi32, #tpu.memory_space<vmem>>
      %dma_wait3A_506 = tpu.memref_squeeze %dma_wait3A_505 : memref<1x64xi32, #tpu.memory_space<vmem>> -> memref<64xi32, #tpu.memory_space<vmem>>
      %dma_wait3A_507 = tpu.memref_slice %arg2[%select_n3A_482, %add3A_501] : memref<50x4096xi32, #tpu.memory_space<hbm>> -> memref<1x64xi32, #tpu.memory_space<hbm>>
      %dma_wait3A_508 = tpu.memref_squeeze %dma_wait3A_507 : memref<1x64xi32, #tpu.memory_space<hbm>> -> memref<64xi32, #tpu.memory_space<hbm>>
      %dma_wait3A_509 = tpu.memref_slice %arg7[%dma_wait3A_503] : memref<10x!tpu.dma_semaphore, #tpu.memory_space<semaphore_mem>> -> memref<1x!tpu.dma_semaphore, #tpu.memory_space<semaphore_mem>>
      %dma_wait3A_510 = tpu.memref_squeeze %dma_wait3A_509 : memref<1x!tpu.dma_semaphore, #tpu.memory_space<semaphore_mem>> -> memref<!tpu.dma_semaphore, #tpu.memory_space<semaphore_mem>>
      %dma_wait3A_511 = arith.constant 0 : i32
      %dma_wait3A_512 = tpu.memref_slice %arg5[%dma_wait3A_502, %dma_wait3A_511] : memref<10x64xi32, #tpu.memory_space<vmem>> -> memref<1x64xi32, #tpu.memory_space<vmem>>
      %dma_wait3A_513 = tpu.memref_squeeze %dma_wait3A_512 : memref<1x64xi32, #tpu.memory_space<vmem>> -> memref<64xi32, #tpu.memory_space<vmem>>
      %dma_wait3A_514 = tpu.memref_slice %arg2[%select_n3A_482, %add3A_501] : memref<50x4096xi32, #tpu.memory_space<hbm>> -> memref<1x64xi32, #tpu.memory_space<hbm>>
      %dma_wait3A_515 = tpu.memref_squeeze %dma_wait3A_514 : memref<1x64xi32, #tpu.memory_space<hbm>> -> memref<64xi32, #tpu.memory_space<hbm>>
      tpu.wait_dma2 semaphore(%dma_wait3A_510 : memref<!tpu.dma_semaphore, #tpu.memory_space<semaphore_mem>>) src(%dma_wait3A_515 : memref<64xi32, #tpu.memory_space<hbm>>) dst(%dma_wait3A_513 : memref<64xi32, #tpu.memory_space<vmem>>)
      %gt3A_516 = arith.constant 0 : i32
      %gt3A_517 = arith.cmpi sgt, %scan3A_386, %gt3A_516 : i32
      %convert_element_type3A_518 = arith.extui %gt3A_517 : i1 to i32
      %cond3A_519 = arith.constant 0 : i32
      %cond3A_520 = arith.cmpi ne, %convert_element_type3A_518, %cond3A_519 : i32
      scf.if %cond3A_520 {
        %sub3A_2054 = arith.constant 1 : i32
        %sub3A_2055 = arith.subi %scan3A_386, %sub3A_2054 : i32
        %mul3A_2056 = arith.constant 10 : i32
        %mul3A_2057 = arith.muli %sub3A_2055, %mul3A_2056 : i32
        %add3A_2058 = arith.constant 1 : i32
        %add3A_2059 = arith.addi %mul3A_2057, %add3A_2058 : i32
        %jit3A_2060 = arith.constant 2 : i32
        %div3A_2061 = arith.divsi %add3A_2059, %jit3A_2060 : i32
        %sign3A_2062 = arith.constant 0 : i32
        %sign3A_2063 = arith.cmpi sgt, %add3A_2059, %sign3A_2062 : i32
        %sign3A_2064 = arith.extui %sign3A_2063 : i1 to i32
        %sign3A_2065 = arith.constant 0 : i32
        %sign3A_2066 = arith.cmpi slt, %add3A_2059, %sign3A_2065 : i32
        %sign3A_2067 = arith.extui %sign3A_2066 : i1 to i32
        %sign3A_2068 = arith.subi %sign3A_2064, %sign3A_2067 : i32
        %sign3A_2069 = arith.constant 0 : i32
        %sign3A_2070 = arith.cmpi sgt, %jit3A_2060, %sign3A_2069 : i32
        %sign3A_2071 = arith.extui %sign3A_2070 : i1 to i32
        %sign3A_2072 = arith.constant 0 : i32
        %sign3A_2073 = arith.cmpi slt, %jit3A_2060, %sign3A_2072 : i32
        %sign3A_2074 = arith.extui %sign3A_2073 : i1 to i32
        %sign3A_2075 = arith.subi %sign3A_2071, %sign3A_2074 : i32
        %ne3A_2076 = arith.cmpi ne, %sign3A_2068, %sign3A_2075 : i32
        %rem3A_2077 = arith.remsi %add3A_2059, %jit3A_2060 : i32
        %ne3A_2078 = arith.constant 0 : i32
        %ne3A_2079 = arith.cmpi ne, %rem3A_2077, %ne3A_2078 : i32
        %and3A_2080 = arith.andi %ne3A_2076, %ne3A_2079 : i1
        %sub3A_2081 = arith.constant 1 : i32
        %sub3A_2082 = arith.subi %div3A_2061, %sub3A_2081 : i32
        %select_n3A_2083 = arith.select %and3A_2080, %sub3A_2082, %div3A_2061 : i32
        %jit3A_2084 = arith.constant 2 : i32
        %eq3A_2085 = arith.constant 0 : i32
        %eq3A_2086 = arith.cmpi eq, %jit3A_2084, %eq3A_2085 : i32
        %jit3A_2087 = arith.constant 1 : i32
        %select_n3A_2088 = arith.select %eq3A_2086, %jit3A_2087, %jit3A_2084 : i32
        %rem3A_2089 = arith.remsi %add3A_2059, %select_n3A_2088 : i32
        %ne3A_2090 = arith.constant 0 : i32
        %ne3A_2091 = arith.cmpi ne, %rem3A_2089, %ne3A_2090 : i32
        %lt3A_2092 = arith.constant 0 : i32
        %lt3A_2093 = arith.cmpi slt, %rem3A_2089, %lt3A_2092 : i32
        %lt3A_2094 = arith.constant 0 : i32
        %lt3A_2095 = arith.cmpi slt, %select_n3A_2088, %lt3A_2094 : i32
        %ne3A_2096 = arith.xori %lt3A_2093, %lt3A_2095 : i1
        %and3A_2097 = arith.andi %ne3A_2096, %ne3A_2091 : i1
        %add3A_2098 = arith.addi %rem3A_2089, %select_n3A_2088 : i32
        %select_n3A_2099 = arith.select %and3A_2097, %add3A_2098, %rem3A_2089 : i32
        %mul3A_2100 = arith.constant 64 : i32
        %mul3A_2101 = arith.muli %select_n3A_2099, %mul3A_2100 : i32
        %add3A_2102 = arith.addi %mul3A_2, %mul3A_2101 : i32
        %dma_wait3A_2103 = arith.constant 1 : i32
        %dma_wait3A_2104 = arith.constant 1 : i32
        %dma_wait3A_2105 = arith.constant 0 : i32
        %dma_wait3A_2106 = arith.constant 0 : i32
        %dma_wait3A_2107 = tpu.memref_slice %arg6[%dma_wait3A_2103, %dma_wait3A_2105, %dma_wait3A_2106] : memref<10x64x128xf32, #tpu.memory_space<vmem>> -> memref<1x64x128xf32, #tpu.memory_space<vmem>>
        %dma_wait3A_2108 = tpu.memref_squeeze %dma_wait3A_2107 : memref<1x64x128xf32, #tpu.memory_space<vmem>> -> memref<64x128xf32, #tpu.memory_space<vmem>>
        %dma_wait3A_2109 = arith.constant 0 : i32
        %dma_wait3A_2110 = tpu.memref_slice %arg4[%select_n3A_2083, %add3A_2102, %dma_wait3A_2109] : memref<50x4096x128xf32, #tpu.memory_space<hbm>> -> memref<1x64x128xf32, #tpu.memory_space<hbm>>
        %dma_wait3A_2111 = tpu.memref_squeeze %dma_wait3A_2110 : memref<1x64x128xf32, #tpu.memory_space<hbm>> -> memref<64x128xf32, #tpu.memory_space<hbm>>
        %dma_wait3A_2112 = tpu.memref_slice %arg9[%dma_wait3A_2104] : memref<10x!tpu.dma_semaphore, #tpu.memory_space<semaphore_mem>> -> memref<1x!tpu.dma_semaphore, #tpu.memory_space<semaphore_mem>>
        %dma_wait3A_2113 = tpu.memref_squeeze %dma_wait3A_2112 : memref<1x!tpu.dma_semaphore, #tpu.memory_space<semaphore_mem>> -> memref<!tpu.dma_semaphore, #tpu.memory_space<semaphore_mem>>
        %dma_wait3A_2114 = arith.constant 0 : i32
        %dma_wait3A_2115 = tpu.memref_slice %arg4[%select_n3A_2083, %add3A_2102, %dma_wait3A_2114] : memref<50x4096x128xf32, #tpu.memory_space<hbm>> -> memref<1x64x128xf32, #tpu.memory_space<hbm>>
        %dma_wait3A_2116 = tpu.memref_squeeze %dma_wait3A_2115 : memref<1x64x128xf32, #tpu.memory_space<hbm>> -> memref<64x128xf32, #tpu.memory_space<hbm>>
        %dma_wait3A_2117 = arith.constant 0 : i32
        %dma_wait3A_2118 = arith.constant 0 : i32
        %dma_wait3A_2119 = tpu.memref_slice %arg6[%dma_wait3A_2103, %dma_wait3A_2117, %dma_wait3A_2118] : memref<10x64x128xf32, #tpu.memory_space<vmem>> -> memref<1x64x128xf32, #tpu.memory_space<vmem>>
        %dma_wait3A_2120 = tpu.memref_squeeze %dma_wait3A_2119 : memref<1x64x128xf32, #tpu.memory_space<vmem>> -> memref<64x128xf32, #tpu.memory_space<vmem>>
        tpu.wait_dma2 semaphore(%dma_wait3A_2113 : memref<!tpu.dma_semaphore, #tpu.memory_space<semaphore_mem>>) src(%dma_wait3A_2120 : memref<64x128xf32, #tpu.memory_space<vmem>>) dst(%dma_wait3A_2116 : memref<64x128xf32, #tpu.memory_space<hbm>>)
      } else {
      }
      %dma_start3A_521 = arith.constant 1 : i32
      %dma_start3A_522 = arith.constant 1 : i32
      %dma_start3A_523 = arith.constant 1 : i32
      %dma_start3A_524 = arith.constant 0 : i32
      %dma_start3A_525 = arith.constant 0 : i32
      %dma_start3A_526 = tpu.memref_slice %arg6[%dma_start3A_522, %dma_start3A_524, %dma_start3A_525] : memref<10x64x128xf32, #tpu.memory_space<vmem>> -> memref<1x64x128xf32, #tpu.memory_space<vmem>>
      %dma_start3A_527 = tpu.memref_squeeze %dma_start3A_526 : memref<1x64x128xf32, #tpu.memory_space<vmem>> -> memref<64x128xf32, #tpu.memory_space<vmem>>
      %dma_start3A_528 = arith.constant 0 : i32
      %dma_start3A_529 = tpu.memref_slice %arg5[%dma_start3A_521, %dma_start3A_528] : memref<10x64xi32, #tpu.memory_space<vmem>> -> memref<1x64xi32, #tpu.memory_space<vmem>>
      %dma_start3A_530 = tpu.memref_squeeze %dma_start3A_529 : memref<1x64xi32, #tpu.memory_space<vmem>> -> memref<64xi32, #tpu.memory_space<vmem>>
      %dma_start3A_531 = arith.constant 0 : i32
      %dma_start3A_532 = arith.constant 0 : i32
      %dma_start3A_533 = tpu.memref_slice %arg3[%dma_start3A_531, %dma_start3A_532] : memref<100000x128xf32, #tpu.memory_space<hbm>> -> memref<100000x128xf32, #tpu.memory_space<hbm>>
      %dma_start3A_534 = tpu.memref_slice %arg8[%dma_start3A_523] : memref<10x!tpu.dma_semaphore, #tpu.memory_space<semaphore_mem>> -> memref<1x!tpu.dma_semaphore, #tpu.memory_space<semaphore_mem>>
      %dma_start3A_535 = tpu.memref_squeeze %dma_start3A_534 : memref<1x!tpu.dma_semaphore, #tpu.memory_space<semaphore_mem>> -> memref<!tpu.dma_semaphore, #tpu.memory_space<semaphore_mem>>
      tpu.enqueue_indirect_dma source(%dma_start3A_533 : memref<100000x128xf32, #tpu.memory_space<hbm>>) target(%dma_start3A_527 : memref<64x128xf32, #tpu.memory_space<vmem>>) offsets(%dma_start3A_530 : memref<64xi32, #tpu.memory_space<vmem>>) semaphore(%dma_start3A_535 : memref<!tpu.dma_semaphore, #tpu.memory_space<semaphore_mem>>)
      %mul3A_536 = arith.constant 10 : i32
      %mul3A_537 = arith.muli %scan3A_386, %mul3A_536 : i32
      %add3A_538 = arith.constant 2 : i32
      %add3A_539 = arith.addi %mul3A_537, %add3A_538 : i32
      %jit3A_540 = arith.constant 2 : i32
      %div3A_541 = arith.divsi %add3A_539, %jit3A_540 : i32
      %sign3A_542 = arith.constant 0 : i32
      %sign3A_543 = arith.cmpi sgt, %add3A_539, %sign3A_542 : i32
      %sign3A_544 = arith.extui %sign3A_543 : i1 to i32
      %sign3A_545 = arith.constant 0 : i32
      %sign3A_546 = arith.cmpi slt, %add3A_539, %sign3A_545 : i32
      %sign3A_547 = arith.extui %sign3A_546 : i1 to i32
      %sign3A_548 = arith.subi %sign3A_544, %sign3A_547 : i32
      %sign3A_549 = arith.constant 0 : i32
      %sign3A_550 = arith.cmpi sgt, %jit3A_540, %sign3A_549 : i32
      %sign3A_551 = arith.extui %sign3A_550 : i1 to i32
      %sign3A_552 = arith.constant 0 : i32
      %sign3A_553 = arith.cmpi slt, %jit3A_540, %sign3A_552 : i32
      %sign3A_554 = arith.extui %sign3A_553 : i1 to i32
      %sign3A_555 = arith.subi %sign3A_551, %sign3A_554 : i32
      %ne3A_556 = arith.cmpi ne, %sign3A_548, %sign3A_555 : i32
      %rem3A_557 = arith.remsi %add3A_539, %jit3A_540 : i32
      %ne3A_558 = arith.constant 0 : i32
      %ne3A_559 = arith.cmpi ne, %rem3A_557, %ne3A_558 : i32
      %and3A_560 = arith.andi %ne3A_556, %ne3A_559 : i1
      %sub3A_561 = arith.constant 1 : i32
      %sub3A_562 = arith.subi %div3A_541, %sub3A_561 : i32
      %select_n3A_563 = arith.select %and3A_560, %sub3A_562, %div3A_541 : i32
      %jit3A_564 = arith.constant 2 : i32
      %eq3A_565 = arith.constant 0 : i32
      %eq3A_566 = arith.cmpi eq, %jit3A_564, %eq3A_565 : i32
      %jit3A_567 = arith.constant 1 : i32
      %select_n3A_568 = arith.select %eq3A_566, %jit3A_567, %jit3A_564 : i32
      %rem3A_569 = arith.remsi %add3A_539, %select_n3A_568 : i32
      %ne3A_570 = arith.constant 0 : i32
      %ne3A_571 = arith.cmpi ne, %rem3A_569, %ne3A_570 : i32
      %lt3A_572 = arith.constant 0 : i32
      %lt3A_573 = arith.cmpi slt, %rem3A_569, %lt3A_572 : i32
      %lt3A_574 = arith.constant 0 : i32
      %lt3A_575 = arith.cmpi slt, %select_n3A_568, %lt3A_574 : i32
      %ne3A_576 = arith.xori %lt3A_573, %lt3A_575 : i1
      %and3A_577 = arith.andi %ne3A_576, %ne3A_571 : i1
      %add3A_578 = arith.addi %rem3A_569, %select_n3A_568 : i32
      %select_n3A_579 = arith.select %and3A_577, %add3A_578, %rem3A_569 : i32
      %mul3A_580 = arith.constant 64 : i32
      %mul3A_581 = arith.muli %select_n3A_579, %mul3A_580 : i32
      %add3A_582 = arith.addi %mul3A_2, %mul3A_581 : i32
      %dma_wait3A_583 = arith.constant 2 : i32
      %dma_wait3A_584 = arith.constant 2 : i32
      %dma_wait3A_585 = arith.constant 0 : i32
      %dma_wait3A_586 = tpu.memref_slice %arg5[%dma_wait3A_583, %dma_wait3A_585] : memref<10x64xi32, #tpu.memory_space<vmem>> -> memref<1x64xi32, #tpu.memory_space<vmem>>
      %dma_wait3A_587 = tpu.memref_squeeze %dma_wait3A_586 : memref<1x64xi32, #tpu.memory_space<vmem>> -> memref<64xi32, #tpu.memory_space<vmem>>
      %dma_wait3A_588 = tpu.memref_slice %arg2[%select_n3A_563, %add3A_582] : memref<50x4096xi32, #tpu.memory_space<hbm>> -> memref<1x64xi32, #tpu.memory_space<hbm>>
      %dma_wait3A_589 = tpu.memref_squeeze %dma_wait3A_588 : memref<1x64xi32, #tpu.memory_space<hbm>> -> memref<64xi32, #tpu.memory_space<hbm>>
      %dma_wait3A_590 = tpu.memref_slice %arg7[%dma_wait3A_584] : memref<10x!tpu.dma_semaphore, #tpu.memory_space<semaphore_mem>> -> memref<1x!tpu.dma_semaphore, #tpu.memory_space<semaphore_mem>>
      %dma_wait3A_591 = tpu.memref_squeeze %dma_wait3A_590 : memref<1x!tpu.dma_semaphore, #tpu.memory_space<semaphore_mem>> -> memref<!tpu.dma_semaphore, #tpu.memory_space<semaphore_mem>>
      %dma_wait3A_592 = arith.constant 0 : i32
      %dma_wait3A_593 = tpu.memref_slice %arg5[%dma_wait3A_583, %dma_wait3A_592] : memref<10x64xi32, #tpu.memory_space<vmem>> -> memref<1x64xi32, #tpu.memory_space<vmem>>
      %dma_wait3A_594 = tpu.memref_squeeze %dma_wait3A_593 : memref<1x64xi32, #tpu.memory_space<vmem>> -> memref<64xi32, #tpu.memory_space<vmem>>
      %dma_wait3A_595 = tpu.memref_slice %arg2[%select_n3A_563, %add3A_582] : memref<50x4096xi32, #tpu.memory_space<hbm>> -> memref<1x64xi32, #tpu.memory_space<hbm>>
      %dma_wait3A_596 = tpu.memref_squeeze %dma_wait3A_595 : memref<1x64xi32, #tpu.memory_space<hbm>> -> memref<64xi32, #tpu.memory_space<hbm>>
      tpu.wait_dma2 semaphore(%dma_wait3A_591 : memref<!tpu.dma_semaphore, #tpu.memory_space<semaphore_mem>>) src(%dma_wait3A_596 : memref<64xi32, #tpu.memory_space<hbm>>) dst(%dma_wait3A_594 : memref<64xi32, #tpu.memory_space<vmem>>)
      %gt3A_597 = arith.constant 0 : i32
      %gt3A_598 = arith.cmpi sgt, %scan3A_386, %gt3A_597 : i32
      %convert_element_type3A_599 = arith.extui %gt3A_598 : i1 to i32
      %cond3A_600 = arith.constant 0 : i32
      %cond3A_601 = arith.cmpi ne, %convert_element_type3A_599, %cond3A_600 : i32
      scf.if %cond3A_601 {
        %sub3A_2054 = arith.constant 1 : i32
        %sub3A_2055 = arith.subi %scan3A_386, %sub3A_2054 : i32
        %mul3A_2056 = arith.constant 10 : i32
        %mul3A_2057 = arith.muli %sub3A_2055, %mul3A_2056 : i32
        %add3A_2058 = arith.constant 2 : i32
        %add3A_2059 = arith.addi %mul3A_2057, %add3A_2058 : i32
        %jit3A_2060 = arith.constant 2 : i32
        %div3A_2061 = arith.divsi %add3A_2059, %jit3A_2060 : i32
        %sign3A_2062 = arith.constant 0 : i32
        %sign3A_2063 = arith.cmpi sgt, %add3A_2059, %sign3A_2062 : i32
        %sign3A_2064 = arith.extui %sign3A_2063 : i1 to i32
        %sign3A_2065 = arith.constant 0 : i32
        %sign3A_2066 = arith.cmpi slt, %add3A_2059, %sign3A_2065 : i32
        %sign3A_2067 = arith.extui %sign3A_2066 : i1 to i32
        %sign3A_2068 = arith.subi %sign3A_2064, %sign3A_2067 : i32
        %sign3A_2069 = arith.constant 0 : i32
        %sign3A_2070 = arith.cmpi sgt, %jit3A_2060, %sign3A_2069 : i32
        %sign3A_2071 = arith.extui %sign3A_2070 : i1 to i32
        %sign3A_2072 = arith.constant 0 : i32
        %sign3A_2073 = arith.cmpi slt, %jit3A_2060, %sign3A_2072 : i32
        %sign3A_2074 = arith.extui %sign3A_2073 : i1 to i32
        %sign3A_2075 = arith.subi %sign3A_2071, %sign3A_2074 : i32
        %ne3A_2076 = arith.cmpi ne, %sign3A_2068, %sign3A_2075 : i32
        %rem3A_2077 = arith.remsi %add3A_2059, %jit3A_2060 : i32
        %ne3A_2078 = arith.constant 0 : i32
        %ne3A_2079 = arith.cmpi ne, %rem3A_2077, %ne3A_2078 : i32
        %and3A_2080 = arith.andi %ne3A_2076, %ne3A_2079 : i1
        %sub3A_2081 = arith.constant 1 : i32
        %sub3A_2082 = arith.subi %div3A_2061, %sub3A_2081 : i32
        %select_n3A_2083 = arith.select %and3A_2080, %sub3A_2082, %div3A_2061 : i32
        %jit3A_2084 = arith.constant 2 : i32
        %eq3A_2085 = arith.constant 0 : i32
        %eq3A_2086 = arith.cmpi eq, %jit3A_2084, %eq3A_2085 : i32
        %jit3A_2087 = arith.constant 1 : i32
        %select_n3A_2088 = arith.select %eq3A_2086, %jit3A_2087, %jit3A_2084 : i32
        %rem3A_2089 = arith.remsi %add3A_2059, %select_n3A_2088 : i32
        %ne3A_2090 = arith.constant 0 : i32
        %ne3A_2091 = arith.cmpi ne, %rem3A_2089, %ne3A_2090 : i32
        %lt3A_2092 = arith.constant 0 : i32
        %lt3A_2093 = arith.cmpi slt, %rem3A_2089, %lt3A_2092 : i32
        %lt3A_2094 = arith.constant 0 : i32
        %lt3A_2095 = arith.cmpi slt, %select_n3A_2088, %lt3A_2094 : i32
        %ne3A_2096 = arith.xori %lt3A_2093, %lt3A_2095 : i1
        %and3A_2097 = arith.andi %ne3A_2096, %ne3A_2091 : i1
        %add3A_2098 = arith.addi %rem3A_2089, %select_n3A_2088 : i32
        %select_n3A_2099 = arith.select %and3A_2097, %add3A_2098, %rem3A_2089 : i32
        %mul3A_2100 = arith.constant 64 : i32
        %mul3A_2101 = arith.muli %select_n3A_2099, %mul3A_2100 : i32
        %add3A_2102 = arith.addi %mul3A_2, %mul3A_2101 : i32
        %dma_wait3A_2103 = arith.constant 2 : i32
        %dma_wait3A_2104 = arith.constant 2 : i32
        %dma_wait3A_2105 = arith.constant 0 : i32
        %dma_wait3A_2106 = arith.constant 0 : i32
        %dma_wait3A_2107 = tpu.memref_slice %arg6[%dma_wait3A_2103, %dma_wait3A_2105, %dma_wait3A_2106] : memref<10x64x128xf32, #tpu.memory_space<vmem>> -> memref<1x64x128xf32, #tpu.memory_space<vmem>>
        %dma_wait3A_2108 = tpu.memref_squeeze %dma_wait3A_2107 : memref<1x64x128xf32, #tpu.memory_space<vmem>> -> memref<64x128xf32, #tpu.memory_space<vmem>>
        %dma_wait3A_2109 = arith.constant 0 : i32
        %dma_wait3A_2110 = tpu.memref_slice %arg4[%select_n3A_2083, %add3A_2102, %dma_wait3A_2109] : memref<50x4096x128xf32, #tpu.memory_space<hbm>> -> memref<1x64x128xf32, #tpu.memory_space<hbm>>
        %dma_wait3A_2111 = tpu.memref_squeeze %dma_wait3A_2110 : memref<1x64x128xf32, #tpu.memory_space<hbm>> -> memref<64x128xf32, #tpu.memory_space<hbm>>
        %dma_wait3A_2112 = tpu.memref_slice %arg9[%dma_wait3A_2104] : memref<10x!tpu.dma_semaphore, #tpu.memory_space<semaphore_mem>> -> memref<1x!tpu.dma_semaphore, #tpu.memory_space<semaphore_mem>>
        %dma_wait3A_2113 = tpu.memref_squeeze %dma_wait3A_2112 : memref<1x!tpu.dma_semaphore, #tpu.memory_space<semaphore_mem>> -> memref<!tpu.dma_semaphore, #tpu.memory_space<semaphore_mem>>
        %dma_wait3A_2114 = arith.constant 0 : i32
        %dma_wait3A_2115 = tpu.memref_slice %arg4[%select_n3A_2083, %add3A_2102, %dma_wait3A_2114] : memref<50x4096x128xf32, #tpu.memory_space<hbm>> -> memref<1x64x128xf32, #tpu.memory_space<hbm>>
        %dma_wait3A_2116 = tpu.memref_squeeze %dma_wait3A_2115 : memref<1x64x128xf32, #tpu.memory_space<hbm>> -> memref<64x128xf32, #tpu.memory_space<hbm>>
        %dma_wait3A_2117 = arith.constant 0 : i32
        %dma_wait3A_2118 = arith.constant 0 : i32
        %dma_wait3A_2119 = tpu.memref_slice %arg6[%dma_wait3A_2103, %dma_wait3A_2117, %dma_wait3A_2118] : memref<10x64x128xf32, #tpu.memory_space<vmem>> -> memref<1x64x128xf32, #tpu.memory_space<vmem>>
        %dma_wait3A_2120 = tpu.memref_squeeze %dma_wait3A_2119 : memref<1x64x128xf32, #tpu.memory_space<vmem>> -> memref<64x128xf32, #tpu.memory_space<vmem>>
        tpu.wait_dma2 semaphore(%dma_wait3A_2113 : memref<!tpu.dma_semaphore, #tpu.memory_space<semaphore_mem>>) src(%dma_wait3A_2120 : memref<64x128xf32, #tpu.memory_space<vmem>>) dst(%dma_wait3A_2116 : memref<64x128xf32, #tpu.memory_space<hbm>>)
      } else {
      }
      %dma_start3A_602 = arith.constant 2 : i32
      %dma_start3A_603 = arith.constant 2 : i32
      %dma_start3A_604 = arith.constant 2 : i32
      %dma_start3A_605 = arith.constant 0 : i32
      %dma_start3A_606 = arith.constant 0 : i32
      %dma_start3A_607 = tpu.memref_slice %arg6[%dma_start3A_603, %dma_start3A_605, %dma_start3A_606] : memref<10x64x128xf32, #tpu.memory_space<vmem>> -> memref<1x64x128xf32, #tpu.memory_space<vmem>>
      %dma_start3A_608 = tpu.memref_squeeze %dma_start3A_607 : memref<1x64x128xf32, #tpu.memory_space<vmem>> -> memref<64x128xf32, #tpu.memory_space<vmem>>
      %dma_start3A_609 = arith.constant 0 : i32
      %dma_start3A_610 = tpu.memref_slice %arg5[%dma_start3A_602, %dma_start3A_609] : memref<10x64xi32, #tpu.memory_space<vmem>> -> memref<1x64xi32, #tpu.memory_space<vmem>>
      %dma_start3A_611 = tpu.memref_squeeze %dma_start3A_610 : memref<1x64xi32, #tpu.memory_space<vmem>> -> memref<64xi32, #tpu.memory_space<vmem>>
      %dma_start3A_612 = arith.constant 0 : i32
      %dma_start3A_613 = arith.constant 0 : i32
      %dma_start3A_614 = tpu.memref_slice %arg3[%dma_start3A_612, %dma_start3A_613] : memref<100000x128xf32, #tpu.memory_space<hbm>> -> memref<100000x128xf32, #tpu.memory_space<hbm>>
      %dma_start3A_615 = tpu.memref_slice %arg8[%dma_start3A_604] : memref<10x!tpu.dma_semaphore, #tpu.memory_space<semaphore_mem>> -> memref<1x!tpu.dma_semaphore, #tpu.memory_space<semaphore_mem>>
      %dma_start3A_616 = tpu.memref_squeeze %dma_start3A_615 : memref<1x!tpu.dma_semaphore, #tpu.memory_space<semaphore_mem>> -> memref<!tpu.dma_semaphore, #tpu.memory_space<semaphore_mem>>
      tpu.enqueue_indirect_dma source(%dma_start3A_614 : memref<100000x128xf32, #tpu.memory_space<hbm>>) target(%dma_start3A_608 : memref<64x128xf32, #tpu.memory_space<vmem>>) offsets(%dma_start3A_611 : memref<64xi32, #tpu.memory_space<vmem>>) semaphore(%dma_start3A_616 : memref<!tpu.dma_semaphore, #tpu.memory_space<semaphore_mem>>)
      %mul3A_617 = arith.constant 10 : i32
      %mul3A_618 = arith.muli %scan3A_386, %mul3A_617 : i32
      %add3A_619 = arith.constant 3 : i32
      %add3A_620 = arith.addi %mul3A_618, %add3A_619 : i32
      %jit3A_621 = arith.constant 2 : i32
      %div3A_622 = arith.divsi %add3A_620, %jit3A_621 : i32
      %sign3A_623 = arith.constant 0 : i32
      %sign3A_624 = arith.cmpi sgt, %add3A_620, %sign3A_623 : i32
      %sign3A_625 = arith.extui %sign3A_624 : i1 to i32
      %sign3A_626 = arith.constant 0 : i32
      %sign3A_627 = arith.cmpi slt, %add3A_620, %sign3A_626 : i32
      %sign3A_628 = arith.extui %sign3A_627 : i1 to i32
      %sign3A_629 = arith.subi %sign3A_625, %sign3A_628 : i32
      %sign3A_630 = arith.constant 0 : i32
      %sign3A_631 = arith.cmpi sgt, %jit3A_621, %sign3A_630 : i32
      %sign3A_632 = arith.extui %sign3A_631 : i1 to i32
      %sign3A_633 = arith.constant 0 : i32
      %sign3A_634 = arith.cmpi slt, %jit3A_621, %sign3A_633 : i32
      %sign3A_635 = arith.extui %sign3A_634 : i1 to i32
      %sign3A_636 = arith.subi %sign3A_632, %sign3A_635 : i32
      %ne3A_637 = arith.cmpi ne, %sign3A_629, %sign3A_636 : i32
      %rem3A_638 = arith.remsi %add3A_620, %jit3A_621 : i32
      %ne3A_639 = arith.constant 0 : i32
      %ne3A_640 = arith.cmpi ne, %rem3A_638, %ne3A_639 : i32
      %and3A_641 = arith.andi %ne3A_637, %ne3A_640 : i1
      %sub3A_642 = arith.constant 1 : i32
      %sub3A_643 = arith.subi %div3A_622, %sub3A_642 : i32
      %select_n3A_644 = arith.select %and3A_641, %sub3A_643, %div3A_622 : i32
      %jit3A_645 = arith.constant 2 : i32
      %eq3A_646 = arith.constant 0 : i32
      %eq3A_647 = arith.cmpi eq, %jit3A_645, %eq3A_646 : i32
      %jit3A_648 = arith.constant 1 : i32
      %select_n3A_649 = arith.select %eq3A_647, %jit3A_648, %jit3A_645 : i32
      %rem3A_650 = arith.remsi %add3A_620, %select_n3A_649 : i32
      %ne3A_651 = arith.constant 0 : i32
      %ne3A_652 = arith.cmpi ne, %rem3A_650, %ne3A_651 : i32
      %lt3A_653 = arith.constant 0 : i32
      %lt3A_654 = arith.cmpi slt, %rem3A_650, %lt3A_653 : i32
      %lt3A_655 = arith.constant 0 : i32
      %lt3A_656 = arith.cmpi slt, %select_n3A_649, %lt3A_655 : i32
      %ne3A_657 = arith.xori %lt3A_654, %lt3A_656 : i1
      %and3A_658 = arith.andi %ne3A_657, %ne3A_652 : i1
      %add3A_659 = arith.addi %rem3A_650, %select_n3A_649 : i32
      %select_n3A_660 = arith.select %and3A_658, %add3A_659, %rem3A_650 : i32
      %mul3A_661 = arith.constant 64 : i32
      %mul3A_662 = arith.muli %select_n3A_660, %mul3A_661 : i32
      %add3A_663 = arith.addi %mul3A_2, %mul3A_662 : i32
      %dma_wait3A_664 = arith.constant 3 : i32
      %dma_wait3A_665 = arith.constant 3 : i32
      %dma_wait3A_666 = arith.constant 0 : i32
      %dma_wait3A_667 = tpu.memref_slice %arg5[%dma_wait3A_664, %dma_wait3A_666] : memref<10x64xi32, #tpu.memory_space<vmem>> -> memref<1x64xi32, #tpu.memory_space<vmem>>
      %dma_wait3A_668 = tpu.memref_squeeze %dma_wait3A_667 : memref<1x64xi32, #tpu.memory_space<vmem>> -> memref<64xi32, #tpu.memory_space<vmem>>
      %dma_wait3A_669 = tpu.memref_slice %arg2[%select_n3A_644, %add3A_663] : memref<50x4096xi32, #tpu.memory_space<hbm>> -> memref<1x64xi32, #tpu.memory_space<hbm>>
      %dma_wait3A_670 = tpu.memref_squeeze %dma_wait3A_669 : memref<1x64xi32, #tpu.memory_space<hbm>> -> memref<64xi32, #tpu.memory_space<hbm>>
      %dma_wait3A_671 = tpu.memref_slice %arg7[%dma_wait3A_665] : memref<10x!tpu.dma_semaphore, #tpu.memory_space<semaphore_mem>> -> memref<1x!tpu.dma_semaphore, #tpu.memory_space<semaphore_mem>>
      %dma_wait3A_672 = tpu.memref_squeeze %dma_wait3A_671 : memref<1x!tpu.dma_semaphore, #tpu.memory_space<semaphore_mem>> -> memref<!tpu.dma_semaphore, #tpu.memory_space<semaphore_mem>>
      %dma_wait3A_673 = arith.constant 0 : i32
      %dma_wait3A_674 = tpu.memref_slice %arg5[%dma_wait3A_664, %dma_wait3A_673] : memref<10x64xi32, #tpu.memory_space<vmem>> -> memref<1x64xi32, #tpu.memory_space<vmem>>
      %dma_wait3A_675 = tpu.memref_squeeze %dma_wait3A_674 : memref<1x64xi32, #tpu.memory_space<vmem>> -> memref<64xi32, #tpu.memory_space<vmem>>
      %dma_wait3A_676 = tpu.memref_slice %arg2[%select_n3A_644, %add3A_663] : memref<50x4096xi32, #tpu.memory_space<hbm>> -> memref<1x64xi32, #tpu.memory_space<hbm>>
      %dma_wait3A_677 = tpu.memref_squeeze %dma_wait3A_676 : memref<1x64xi32, #tpu.memory_space<hbm>> -> memref<64xi32, #tpu.memory_space<hbm>>
      tpu.wait_dma2 semaphore(%dma_wait3A_672 : memref<!tpu.dma_semaphore, #tpu.memory_space<semaphore_mem>>) src(%dma_wait3A_677 : memref<64xi32, #tpu.memory_space<hbm>>) dst(%dma_wait3A_675 : memref<64xi32, #tpu.memory_space<vmem>>)
      %gt3A_678 = arith.constant 0 : i32
      %gt3A_679 = arith.cmpi sgt, %scan3A_386, %gt3A_678 : i32
      %convert_element_type3A_680 = arith.extui %gt3A_679 : i1 to i32
      %cond3A_681 = arith.constant 0 : i32
      %cond3A_682 = arith.cmpi ne, %convert_element_type3A_680, %cond3A_681 : i32
      scf.if %cond3A_682 {
        %sub3A_2054 = arith.constant 1 : i32
        %sub3A_2055 = arith.subi %scan3A_386, %sub3A_2054 : i32
        %mul3A_2056 = arith.constant 10 : i32
        %mul3A_2057 = arith.muli %sub3A_2055, %mul3A_2056 : i32
        %add3A_2058 = arith.constant 3 : i32
        %add3A_2059 = arith.addi %mul3A_2057, %add3A_2058 : i32
        %jit3A_2060 = arith.constant 2 : i32
        %div3A_2061 = arith.divsi %add3A_2059, %jit3A_2060 : i32
        %sign3A_2062 = arith.constant 0 : i32
        %sign3A_2063 = arith.cmpi sgt, %add3A_2059, %sign3A_2062 : i32
        %sign3A_2064 = arith.extui %sign3A_2063 : i1 to i32
        %sign3A_2065 = arith.constant 0 : i32
        %sign3A_2066 = arith.cmpi slt, %add3A_2059, %sign3A_2065 : i32
        %sign3A_2067 = arith.extui %sign3A_2066 : i1 to i32
        %sign3A_2068 = arith.subi %sign3A_2064, %sign3A_2067 : i32
        %sign3A_2069 = arith.constant 0 : i32
        %sign3A_2070 = arith.cmpi sgt, %jit3A_2060, %sign3A_2069 : i32
        %sign3A_2071 = arith.extui %sign3A_2070 : i1 to i32
        %sign3A_2072 = arith.constant 0 : i32
        %sign3A_2073 = arith.cmpi slt, %jit3A_2060, %sign3A_2072 : i32
        %sign3A_2074 = arith.extui %sign3A_2073 : i1 to i32
        %sign3A_2075 = arith.subi %sign3A_2071, %sign3A_2074 : i32
        %ne3A_2076 = arith.cmpi ne, %sign3A_2068, %sign3A_2075 : i32
        %rem3A_2077 = arith.remsi %add3A_2059, %jit3A_2060 : i32
        %ne3A_2078 = arith.constant 0 : i32
        %ne3A_2079 = arith.cmpi ne, %rem3A_2077, %ne3A_2078 : i32
        %and3A_2080 = arith.andi %ne3A_2076, %ne3A_2079 : i1
        %sub3A_2081 = arith.constant 1 : i32
        %sub3A_2082 = arith.subi %div3A_2061, %sub3A_2081 : i32
        %select_n3A_2083 = arith.select %and3A_2080, %sub3A_2082, %div3A_2061 : i32
        %jit3A_2084 = arith.constant 2 : i32
        %eq3A_2085 = arith.constant 0 : i32
        %eq3A_2086 = arith.cmpi eq, %jit3A_2084, %eq3A_2085 : i32
        %jit3A_2087 = arith.constant 1 : i32
        %select_n3A_2088 = arith.select %eq3A_2086, %jit3A_2087, %jit3A_2084 : i32
        %rem3A_2089 = arith.remsi %add3A_2059, %select_n3A_2088 : i32
        %ne3A_2090 = arith.constant 0 : i32
        %ne3A_2091 = arith.cmpi ne, %rem3A_2089, %ne3A_2090 : i32
        %lt3A_2092 = arith.constant 0 : i32
        %lt3A_2093 = arith.cmpi slt, %rem3A_2089, %lt3A_2092 : i32
        %lt3A_2094 = arith.constant 0 : i32
        %lt3A_2095 = arith.cmpi slt, %select_n3A_2088, %lt3A_2094 : i32
        %ne3A_2096 = arith.xori %lt3A_2093, %lt3A_2095 : i1
        %and3A_2097 = arith.andi %ne3A_2096, %ne3A_2091 : i1
        %add3A_2098 = arith.addi %rem3A_2089, %select_n3A_2088 : i32
        %select_n3A_2099 = arith.select %and3A_2097, %add3A_2098, %rem3A_2089 : i32
        %mul3A_2100 = arith.constant 64 : i32
        %mul3A_2101 = arith.muli %select_n3A_2099, %mul3A_2100 : i32
        %add3A_2102 = arith.addi %mul3A_2, %mul3A_2101 : i32
        %dma_wait3A_2103 = arith.constant 3 : i32
        %dma_wait3A_2104 = arith.constant 3 : i32
        %dma_wait3A_2105 = arith.constant 0 : i32
        %dma_wait3A_2106 = arith.constant 0 : i32
        %dma_wait3A_2107 = tpu.memref_slice %arg6[%dma_wait3A_2103, %dma_wait3A_2105, %dma_wait3A_2106] : memref<10x64x128xf32, #tpu.memory_space<vmem>> -> memref<1x64x128xf32, #tpu.memory_space<vmem>>
        %dma_wait3A_2108 = tpu.memref_squeeze %dma_wait3A_2107 : memref<1x64x128xf32, #tpu.memory_space<vmem>> -> memref<64x128xf32, #tpu.memory_space<vmem>>
        %dma_wait3A_2109 = arith.constant 0 : i32
        %dma_wait3A_2110 = tpu.memref_slice %arg4[%select_n3A_2083, %add3A_2102, %dma_wait3A_2109] : memref<50x4096x128xf32, #tpu.memory_space<hbm>> -> memref<1x64x128xf32, #tpu.memory_space<hbm>>
        %dma_wait3A_2111 = tpu.memref_squeeze %dma_wait3A_2110 : memref<1x64x128xf32, #tpu.memory_space<hbm>> -> memref<64x128xf32, #tpu.memory_space<hbm>>
        %dma_wait3A_2112 = tpu.memref_slice %arg9[%dma_wait3A_2104] : memref<10x!tpu.dma_semaphore, #tpu.memory_space<semaphore_mem>> -> memref<1x!tpu.dma_semaphore, #tpu.memory_space<semaphore_mem>>
        %dma_wait3A_2113 = tpu.memref_squeeze %dma_wait3A_2112 : memref<1x!tpu.dma_semaphore, #tpu.memory_space<semaphore_mem>> -> memref<!tpu.dma_semaphore, #tpu.memory_space<semaphore_mem>>
        %dma_wait3A_2114 = arith.constant 0 : i32
        %dma_wait3A_2115 = tpu.memref_slice %arg4[%select_n3A_2083, %add3A_2102, %dma_wait3A_2114] : memref<50x4096x128xf32, #tpu.memory_space<hbm>> -> memref<1x64x128xf32, #tpu.memory_space<hbm>>
        %dma_wait3A_2116 = tpu.memref_squeeze %dma_wait3A_2115 : memref<1x64x128xf32, #tpu.memory_space<hbm>> -> memref<64x128xf32, #tpu.memory_space<hbm>>
        %dma_wait3A_2117 = arith.constant 0 : i32
        %dma_wait3A_2118 = arith.constant 0 : i32
        %dma_wait3A_2119 = tpu.memref_slice %arg6[%dma_wait3A_2103, %dma_wait3A_2117, %dma_wait3A_2118] : memref<10x64x128xf32, #tpu.memory_space<vmem>> -> memref<1x64x128xf32, #tpu.memory_space<vmem>>
        %dma_wait3A_2120 = tpu.memref_squeeze %dma_wait3A_2119 : memref<1x64x128xf32, #tpu.memory_space<vmem>> -> memref<64x128xf32, #tpu.memory_space<vmem>>
        tpu.wait_dma2 semaphore(%dma_wait3A_2113 : memref<!tpu.dma_semaphore, #tpu.memory_space<semaphore_mem>>) src(%dma_wait3A_2120 : memref<64x128xf32, #tpu.memory_space<vmem>>) dst(%dma_wait3A_2116 : memref<64x128xf32, #tpu.memory_space<hbm>>)
      } else {
      }
      %dma_start3A_683 = arith.constant 3 : i32
      %dma_start3A_684 = arith.constant 3 : i32
      %dma_start3A_685 = arith.constant 3 : i32
      %dma_start3A_686 = arith.constant 0 : i32
      %dma_start3A_687 = arith.constant 0 : i32
      %dma_start3A_688 = tpu.memref_slice %arg6[%dma_start3A_684, %dma_start3A_686, %dma_start3A_687] : memref<10x64x128xf32, #tpu.memory_space<vmem>> -> memref<1x64x128xf32, #tpu.memory_space<vmem>>
      %dma_start3A_689 = tpu.memref_squeeze %dma_start3A_688 : memref<1x64x128xf32, #tpu.memory_space<vmem>> -> memref<64x128xf32, #tpu.memory_space<vmem>>
      %dma_start3A_690 = arith.constant 0 : i32
      %dma_start3A_691 = tpu.memref_slice %arg5[%dma_start3A_683, %dma_start3A_690] : memref<10x64xi32, #tpu.memory_space<vmem>> -> memref<1x64xi32, #tpu.memory_space<vmem>>
      %dma_start3A_692 = tpu.memref_squeeze %dma_start3A_691 : memref<1x64xi32, #tpu.memory_space<vmem>> -> memref<64xi32, #tpu.memory_space<vmem>>
      %dma_start3A_693 = arith.constant 0 : i32
      %dma_start3A_694 = arith.constant 0 : i32
      %dma_start3A_695 = tpu.memref_slice %arg3[%dma_start3A_693, %dma_start3A_694] : memref<100000x128xf32, #tpu.memory_space<hbm>> -> memref<100000x128xf32, #tpu.memory_space<hbm>>
      %dma_start3A_696 = tpu.memref_slice %arg8[%dma_start3A_685] : memref<10x!tpu.dma_semaphore, #tpu.memory_space<semaphore_mem>> -> memref<1x!tpu.dma_semaphore, #tpu.memory_space<semaphore_mem>>
      %dma_start3A_697 = tpu.memref_squeeze %dma_start3A_696 : memref<1x!tpu.dma_semaphore, #tpu.memory_space<semaphore_mem>> -> memref<!tpu.dma_semaphore, #tpu.memory_space<semaphore_mem>>
      tpu.enqueue_indirect_dma source(%dma_start3A_695 : memref<100000x128xf32, #tpu.memory_space<hbm>>) target(%dma_start3A_689 : memref<64x128xf32, #tpu.memory_space<vmem>>) offsets(%dma_start3A_692 : memref<64xi32, #tpu.memory_space<vmem>>) semaphore(%dma_start3A_697 : memref<!tpu.dma_semaphore, #tpu.memory_space<semaphore_mem>>)
      %mul3A_698 = arith.constant 10 : i32
      %mul3A_699 = arith.muli %scan3A_386, %mul3A_698 : i32
      %add3A_700 = arith.constant 4 : i32
      %add3A_701 = arith.addi %mul3A_699, %add3A_700 : i32
      %jit3A_702 = arith.constant 2 : i32
      %div3A_703 = arith.divsi %add3A_701, %jit3A_702 : i32
      %sign3A_704 = arith.constant 0 : i32
      %sign3A_705 = arith.cmpi sgt, %add3A_701, %sign3A_704 : i32
      %sign3A_706 = arith.extui %sign3A_705 : i1 to i32
      %sign3A_707 = arith.constant 0 : i32
      %sign3A_708 = arith.cmpi slt, %add3A_701, %sign3A_707 : i32
      %sign3A_709 = arith.extui %sign3A_708 : i1 to i32
      %sign3A_710 = arith.subi %sign3A_706, %sign3A_709 : i32
      %sign3A_711 = arith.constant 0 : i32
      %sign3A_712 = arith.cmpi sgt, %jit3A_702, %sign3A_711 : i32
      %sign3A_713 = arith.extui %sign3A_712 : i1 to i32
      %sign3A_714 = arith.constant 0 : i32
      %sign3A_715 = arith.cmpi slt, %jit3A_702, %sign3A_714 : i32
      %sign3A_716 = arith.extui %sign3A_715 : i1 to i32
      %sign3A_717 = arith.subi %sign3A_713, %sign3A_716 : i32
      %ne3A_718 = arith.cmpi ne, %sign3A_710, %sign3A_717 : i32
      %rem3A_719 = arith.remsi %add3A_701, %jit3A_702 : i32
      %ne3A_720 = arith.constant 0 : i32
      %ne3A_721 = arith.cmpi ne, %rem3A_719, %ne3A_720 : i32
      %and3A_722 = arith.andi %ne3A_718, %ne3A_721 : i1
      %sub3A_723 = arith.constant 1 : i32
      %sub3A_724 = arith.subi %div3A_703, %sub3A_723 : i32
      %select_n3A_725 = arith.select %and3A_722, %sub3A_724, %div3A_703 : i32
      %jit3A_726 = arith.constant 2 : i32
      %eq3A_727 = arith.constant 0 : i32
      %eq3A_728 = arith.cmpi eq, %jit3A_726, %eq3A_727 : i32
      %jit3A_729 = arith.constant 1 : i32
      %select_n3A_730 = arith.select %eq3A_728, %jit3A_729, %jit3A_726 : i32
      %rem3A_731 = arith.remsi %add3A_701, %select_n3A_730 : i32
      %ne3A_732 = arith.constant 0 : i32
      %ne3A_733 = arith.cmpi ne, %rem3A_731, %ne3A_732 : i32
      %lt3A_734 = arith.constant 0 : i32
      %lt3A_735 = arith.cmpi slt, %rem3A_731, %lt3A_734 : i32
      %lt3A_736 = arith.constant 0 : i32
      %lt3A_737 = arith.cmpi slt, %select_n3A_730, %lt3A_736 : i32
      %ne3A_738 = arith.xori %lt3A_735, %lt3A_737 : i1
      %and3A_739 = arith.andi %ne3A_738, %ne3A_733 : i1
      %add3A_740 = arith.addi %rem3A_731, %select_n3A_730 : i32
      %select_n3A_741 = arith.select %and3A_739, %add3A_740, %rem3A_731 : i32
      %mul3A_742 = arith.constant 64 : i32
      %mul3A_743 = arith.muli %select_n3A_741, %mul3A_742 : i32
      %add3A_744 = arith.addi %mul3A_2, %mul3A_743 : i32
      %dma_wait3A_745 = arith.constant 4 : i32
      %dma_wait3A_746 = arith.constant 4 : i32
      %dma_wait3A_747 = arith.constant 0 : i32
      %dma_wait3A_748 = tpu.memref_slice %arg5[%dma_wait3A_745, %dma_wait3A_747] : memref<10x64xi32, #tpu.memory_space<vmem>> -> memref<1x64xi32, #tpu.memory_space<vmem>>
      %dma_wait3A_749 = tpu.memref_squeeze %dma_wait3A_748 : memref<1x64xi32, #tpu.memory_space<vmem>> -> memref<64xi32, #tpu.memory_space<vmem>>
      %dma_wait3A_750 = tpu.memref_slice %arg2[%select_n3A_725, %add3A_744] : memref<50x4096xi32, #tpu.memory_space<hbm>> -> memref<1x64xi32, #tpu.memory_space<hbm>>
      %dma_wait3A_751 = tpu.memref_squeeze %dma_wait3A_750 : memref<1x64xi32, #tpu.memory_space<hbm>> -> memref<64xi32, #tpu.memory_space<hbm>>
      %dma_wait3A_752 = tpu.memref_slice %arg7[%dma_wait3A_746] : memref<10x!tpu.dma_semaphore, #tpu.memory_space<semaphore_mem>> -> memref<1x!tpu.dma_semaphore, #tpu.memory_space<semaphore_mem>>
      %dma_wait3A_753 = tpu.memref_squeeze %dma_wait3A_752 : memref<1x!tpu.dma_semaphore, #tpu.memory_space<semaphore_mem>> -> memref<!tpu.dma_semaphore, #tpu.memory_space<semaphore_mem>>
      %dma_wait3A_754 = arith.constant 0 : i32
      %dma_wait3A_755 = tpu.memref_slice %arg5[%dma_wait3A_745, %dma_wait3A_754] : memref<10x64xi32, #tpu.memory_space<vmem>> -> memref<1x64xi32, #tpu.memory_space<vmem>>
      %dma_wait3A_756 = tpu.memref_squeeze %dma_wait3A_755 : memref<1x64xi32, #tpu.memory_space<vmem>> -> memref<64xi32, #tpu.memory_space<vmem>>
      %dma_wait3A_757 = tpu.memref_slice %arg2[%select_n3A_725, %add3A_744] : memref<50x4096xi32, #tpu.memory_space<hbm>> -> memref<1x64xi32, #tpu.memory_space<hbm>>
      %dma_wait3A_758 = tpu.memref_squeeze %dma_wait3A_757 : memref<1x64xi32, #tpu.memory_space<hbm>> -> memref<64xi32, #tpu.memory_space<hbm>>
      tpu.wait_dma2 semaphore(%dma_wait3A_753 : memref<!tpu.dma_semaphore, #tpu.memory_space<semaphore_mem>>) src(%dma_wait3A_758 : memref<64xi32, #tpu.memory_space<hbm>>) dst(%dma_wait3A_756 : memref<64xi32, #tpu.memory_space<vmem>>)
      %gt3A_759 = arith.constant 0 : i32
      %gt3A_760 = arith.cmpi sgt, %scan3A_386, %gt3A_759 : i32
      %convert_element_type3A_761 = arith.extui %gt3A_760 : i1 to i32
      %cond3A_762 = arith.constant 0 : i32
      %cond3A_763 = arith.cmpi ne, %convert_element_type3A_761, %cond3A_762 : i32
      scf.if %cond3A_763 {
        %sub3A_2054 = arith.constant 1 : i32
        %sub3A_2055 = arith.subi %scan3A_386, %sub3A_2054 : i32
        %mul3A_2056 = arith.constant 10 : i32
        %mul3A_2057 = arith.muli %sub3A_2055, %mul3A_2056 : i32
        %add3A_2058 = arith.constant 4 : i32
        %add3A_2059 = arith.addi %mul3A_2057, %add3A_2058 : i32
        %jit3A_2060 = arith.constant 2 : i32
        %div3A_2061 = arith.divsi %add3A_2059, %jit3A_2060 : i32
        %sign3A_2062 = arith.constant 0 : i32
        %sign3A_2063 = arith.cmpi sgt, %add3A_2059, %sign3A_2062 : i32
        %sign3A_2064 = arith.extui %sign3A_2063 : i1 to i32
        %sign3A_2065 = arith.constant 0 : i32
        %sign3A_2066 = arith.cmpi slt, %add3A_2059, %sign3A_2065 : i32
        %sign3A_2067 = arith.extui %sign3A_2066 : i1 to i32
        %sign3A_2068 = arith.subi %sign3A_2064, %sign3A_2067 : i32
        %sign3A_2069 = arith.constant 0 : i32
        %sign3A_2070 = arith.cmpi sgt, %jit3A_2060, %sign3A_2069 : i32
        %sign3A_2071 = arith.extui %sign3A_2070 : i1 to i32
        %sign3A_2072 = arith.constant 0 : i32
        %sign3A_2073 = arith.cmpi slt, %jit3A_2060, %sign3A_2072 : i32
        %sign3A_2074 = arith.extui %sign3A_2073 : i1 to i32
        %sign3A_2075 = arith.subi %sign3A_2071, %sign3A_2074 : i32
        %ne3A_2076 = arith.cmpi ne, %sign3A_2068, %sign3A_2075 : i32
        %rem3A_2077 = arith.remsi %add3A_2059, %jit3A_2060 : i32
        %ne3A_2078 = arith.constant 0 : i32
        %ne3A_2079 = arith.cmpi ne, %rem3A_2077, %ne3A_2078 : i32
        %and3A_2080 = arith.andi %ne3A_2076, %ne3A_2079 : i1
        %sub3A_2081 = arith.constant 1 : i32
        %sub3A_2082 = arith.subi %div3A_2061, %sub3A_2081 : i32
        %select_n3A_2083 = arith.select %and3A_2080, %sub3A_2082, %div3A_2061 : i32
        %jit3A_2084 = arith.constant 2 : i32
        %eq3A_2085 = arith.constant 0 : i32
        %eq3A_2086 = arith.cmpi eq, %jit3A_2084, %eq3A_2085 : i32
        %jit3A_2087 = arith.constant 1 : i32
        %select_n3A_2088 = arith.select %eq3A_2086, %jit3A_2087, %jit3A_2084 : i32
        %rem3A_2089 = arith.remsi %add3A_2059, %select_n3A_2088 : i32
        %ne3A_2090 = arith.constant 0 : i32
        %ne3A_2091 = arith.cmpi ne, %rem3A_2089, %ne3A_2090 : i32
        %lt3A_2092 = arith.constant 0 : i32
        %lt3A_2093 = arith.cmpi slt, %rem3A_2089, %lt3A_2092 : i32
        %lt3A_2094 = arith.constant 0 : i32
        %lt3A_2095 = arith.cmpi slt, %select_n3A_2088, %lt3A_2094 : i32
        %ne3A_2096 = arith.xori %lt3A_2093, %lt3A_2095 : i1
        %and3A_2097 = arith.andi %ne3A_2096, %ne3A_2091 : i1
        %add3A_2098 = arith.addi %rem3A_2089, %select_n3A_2088 : i32
        %select_n3A_2099 = arith.select %and3A_2097, %add3A_2098, %rem3A_2089 : i32
        %mul3A_2100 = arith.constant 64 : i32
        %mul3A_2101 = arith.muli %select_n3A_2099, %mul3A_2100 : i32
        %add3A_2102 = arith.addi %mul3A_2, %mul3A_2101 : i32
        %dma_wait3A_2103 = arith.constant 4 : i32
        %dma_wait3A_2104 = arith.constant 4 : i32
        %dma_wait3A_2105 = arith.constant 0 : i32
        %dma_wait3A_2106 = arith.constant 0 : i32
        %dma_wait3A_2107 = tpu.memref_slice %arg6[%dma_wait3A_2103, %dma_wait3A_2105, %dma_wait3A_2106] : memref<10x64x128xf32, #tpu.memory_space<vmem>> -> memref<1x64x128xf32, #tpu.memory_space<vmem>>
        %dma_wait3A_2108 = tpu.memref_squeeze %dma_wait3A_2107 : memref<1x64x128xf32, #tpu.memory_space<vmem>> -> memref<64x128xf32, #tpu.memory_space<vmem>>
        %dma_wait3A_2109 = arith.constant 0 : i32
        %dma_wait3A_2110 = tpu.memref_slice %arg4[%select_n3A_2083, %add3A_2102, %dma_wait3A_2109] : memref<50x4096x128xf32, #tpu.memory_space<hbm>> -> memref<1x64x128xf32, #tpu.memory_space<hbm>>
        %dma_wait3A_2111 = tpu.memref_squeeze %dma_wait3A_2110 : memref<1x64x128xf32, #tpu.memory_space<hbm>> -> memref<64x128xf32, #tpu.memory_space<hbm>>
        %dma_wait3A_2112 = tpu.memref_slice %arg9[%dma_wait3A_2104] : memref<10x!tpu.dma_semaphore, #tpu.memory_space<semaphore_mem>> -> memref<1x!tpu.dma_semaphore, #tpu.memory_space<semaphore_mem>>
        %dma_wait3A_2113 = tpu.memref_squeeze %dma_wait3A_2112 : memref<1x!tpu.dma_semaphore, #tpu.memory_space<semaphore_mem>> -> memref<!tpu.dma_semaphore, #tpu.memory_space<semaphore_mem>>
        %dma_wait3A_2114 = arith.constant 0 : i32
        %dma_wait3A_2115 = tpu.memref_slice %arg4[%select_n3A_2083, %add3A_2102, %dma_wait3A_2114] : memref<50x4096x128xf32, #tpu.memory_space<hbm>> -> memref<1x64x128xf32, #tpu.memory_space<hbm>>
        %dma_wait3A_2116 = tpu.memref_squeeze %dma_wait3A_2115 : memref<1x64x128xf32, #tpu.memory_space<hbm>> -> memref<64x128xf32, #tpu.memory_space<hbm>>
        %dma_wait3A_2117 = arith.constant 0 : i32
        %dma_wait3A_2118 = arith.constant 0 : i32
        %dma_wait3A_2119 = tpu.memref_slice %arg6[%dma_wait3A_2103, %dma_wait3A_2117, %dma_wait3A_2118] : memref<10x64x128xf32, #tpu.memory_space<vmem>> -> memref<1x64x128xf32, #tpu.memory_space<vmem>>
        %dma_wait3A_2120 = tpu.memref_squeeze %dma_wait3A_2119 : memref<1x64x128xf32, #tpu.memory_space<vmem>> -> memref<64x128xf32, #tpu.memory_space<vmem>>
        tpu.wait_dma2 semaphore(%dma_wait3A_2113 : memref<!tpu.dma_semaphore, #tpu.memory_space<semaphore_mem>>) src(%dma_wait3A_2120 : memref<64x128xf32, #tpu.memory_space<vmem>>) dst(%dma_wait3A_2116 : memref<64x128xf32, #tpu.memory_space<hbm>>)
      } else {
      }
      %dma_start3A_764 = arith.constant 4 : i32
      %dma_start3A_765 = arith.constant 4 : i32
      %dma_start3A_766 = arith.constant 4 : i32
      %dma_start3A_767 = arith.constant 0 : i32
      %dma_start3A_768 = arith.constant 0 : i32
      %dma_start3A_769 = tpu.memref_slice %arg6[%dma_start3A_765, %dma_start3A_767, %dma_start3A_768] : memref<10x64x128xf32, #tpu.memory_space<vmem>> -> memref<1x64x128xf32, #tpu.memory_space<vmem>>
      %dma_start3A_770 = tpu.memref_squeeze %dma_start3A_769 : memref<1x64x128xf32, #tpu.memory_space<vmem>> -> memref<64x128xf32, #tpu.memory_space<vmem>>
      %dma_start3A_771 = arith.constant 0 : i32
      %dma_start3A_772 = tpu.memref_slice %arg5[%dma_start3A_764, %dma_start3A_771] : memref<10x64xi32, #tpu.memory_space<vmem>> -> memref<1x64xi32, #tpu.memory_space<vmem>>
      %dma_start3A_773 = tpu.memref_squeeze %dma_start3A_772 : memref<1x64xi32, #tpu.memory_space<vmem>> -> memref<64xi32, #tpu.memory_space<vmem>>
      %dma_start3A_774 = arith.constant 0 : i32
      %dma_start3A_775 = arith.constant 0 : i32
      %dma_start3A_776 = tpu.memref_slice %arg3[%dma_start3A_774, %dma_start3A_775] : memref<100000x128xf32, #tpu.memory_space<hbm>> -> memref<100000x128xf32, #tpu.memory_space<hbm>>
      %dma_start3A_777 = tpu.memref_slice %arg8[%dma_start3A_766] : memref<10x!tpu.dma_semaphore, #tpu.memory_space<semaphore_mem>> -> memref<1x!tpu.dma_semaphore, #tpu.memory_space<semaphore_mem>>
      %dma_start3A_778 = tpu.memref_squeeze %dma_start3A_777 : memref<1x!tpu.dma_semaphore, #tpu.memory_space<semaphore_mem>> -> memref<!tpu.dma_semaphore, #tpu.memory_space<semaphore_mem>>
      tpu.enqueue_indirect_dma source(%dma_start3A_776 : memref<100000x128xf32, #tpu.memory_space<hbm>>) target(%dma_start3A_770 : memref<64x128xf32, #tpu.memory_space<vmem>>) offsets(%dma_start3A_773 : memref<64xi32, #tpu.memory_space<vmem>>) semaphore(%dma_start3A_778 : memref<!tpu.dma_semaphore, #tpu.memory_space<semaphore_mem>>)
      %mul3A_779 = arith.constant 10 : i32
      %mul3A_780 = arith.muli %scan3A_386, %mul3A_779 : i32
      %add3A_781 = arith.constant 5 : i32
      %add3A_782 = arith.addi %mul3A_780, %add3A_781 : i32
      %jit3A_783 = arith.constant 2 : i32
      %div3A_784 = arith.divsi %add3A_782, %jit3A_783 : i32
      %sign3A_785 = arith.constant 0 : i32
      %sign3A_786 = arith.cmpi sgt, %add3A_782, %sign3A_785 : i32
      %sign3A_787 = arith.extui %sign3A_786 : i1 to i32
      %sign3A_788 = arith.constant 0 : i32
      %sign3A_789 = arith.cmpi slt, %add3A_782, %sign3A_788 : i32
      %sign3A_790 = arith.extui %sign3A_789 : i1 to i32
      %sign3A_791 = arith.subi %sign3A_787, %sign3A_790 : i32
      %sign3A_792 = arith.constant 0 : i32
      %sign3A_793 = arith.cmpi sgt, %jit3A_783, %sign3A_792 : i32
      %sign3A_794 = arith.extui %sign3A_793 : i1 to i32
      %sign3A_795 = arith.constant 0 : i32
      %sign3A_796 = arith.cmpi slt, %jit3A_783, %sign3A_795 : i32
      %sign3A_797 = arith.extui %sign3A_796 : i1 to i32
      %sign3A_798 = arith.subi %sign3A_794, %sign3A_797 : i32
      %ne3A_799 = arith.cmpi ne, %sign3A_791, %sign3A_798 : i32
      %rem3A_800 = arith.remsi %add3A_782, %jit3A_783 : i32
      %ne3A_801 = arith.constant 0 : i32
      %ne3A_802 = arith.cmpi ne, %rem3A_800, %ne3A_801 : i32
      %and3A_803 = arith.andi %ne3A_799, %ne3A_802 : i1
      %sub3A_804 = arith.constant 1 : i32
      %sub3A_805 = arith.subi %div3A_784, %sub3A_804 : i32
      %select_n3A_806 = arith.select %and3A_803, %sub3A_805, %div3A_784 : i32
      %jit3A_807 = arith.constant 2 : i32
      %eq3A_808 = arith.constant 0 : i32
      %eq3A_809 = arith.cmpi eq, %jit3A_807, %eq3A_808 : i32
      %jit3A_810 = arith.constant 1 : i32
      %select_n3A_811 = arith.select %eq3A_809, %jit3A_810, %jit3A_807 : i32
      %rem3A_812 = arith.remsi %add3A_782, %select_n3A_811 : i32
      %ne3A_813 = arith.constant 0 : i32
      %ne3A_814 = arith.cmpi ne, %rem3A_812, %ne3A_813 : i32
      %lt3A_815 = arith.constant 0 : i32
      %lt3A_816 = arith.cmpi slt, %rem3A_812, %lt3A_815 : i32
      %lt3A_817 = arith.constant 0 : i32
      %lt3A_818 = arith.cmpi slt, %select_n3A_811, %lt3A_817 : i32
      %ne3A_819 = arith.xori %lt3A_816, %lt3A_818 : i1
      %and3A_820 = arith.andi %ne3A_819, %ne3A_814 : i1
      %add3A_821 = arith.addi %rem3A_812, %select_n3A_811 : i32
      %select_n3A_822 = arith.select %and3A_820, %add3A_821, %rem3A_812 : i32
      %mul3A_823 = arith.constant 64 : i32
      %mul3A_824 = arith.muli %select_n3A_822, %mul3A_823 : i32
      %add3A_825 = arith.addi %mul3A_2, %mul3A_824 : i32
      %dma_wait3A_826 = arith.constant 5 : i32
      %dma_wait3A_827 = arith.constant 5 : i32
      %dma_wait3A_828 = arith.constant 0 : i32
      %dma_wait3A_829 = tpu.memref_slice %arg5[%dma_wait3A_826, %dma_wait3A_828] : memref<10x64xi32, #tpu.memory_space<vmem>> -> memref<1x64xi32, #tpu.memory_space<vmem>>
      %dma_wait3A_830 = tpu.memref_squeeze %dma_wait3A_829 : memref<1x64xi32, #tpu.memory_space<vmem>> -> memref<64xi32, #tpu.memory_space<vmem>>
      %dma_wait3A_831 = tpu.memref_slice %arg2[%select_n3A_806, %add3A_825] : memref<50x4096xi32, #tpu.memory_space<hbm>> -> memref<1x64xi32, #tpu.memory_space<hbm>>
      %dma_wait3A_832 = tpu.memref_squeeze %dma_wait3A_831 : memref<1x64xi32, #tpu.memory_space<hbm>> -> memref<64xi32, #tpu.memory_space<hbm>>
      %dma_wait3A_833 = tpu.memref_slice %arg7[%dma_wait3A_827] : memref<10x!tpu.dma_semaphore, #tpu.memory_space<semaphore_mem>> -> memref<1x!tpu.dma_semaphore, #tpu.memory_space<semaphore_mem>>
      %dma_wait3A_834 = tpu.memref_squeeze %dma_wait3A_833 : memref<1x!tpu.dma_semaphore, #tpu.memory_space<semaphore_mem>> -> memref<!tpu.dma_semaphore, #tpu.memory_space<semaphore_mem>>
      %dma_wait3A_835 = arith.constant 0 : i32
      %dma_wait3A_836 = tpu.memref_slice %arg5[%dma_wait3A_826, %dma_wait3A_835] : memref<10x64xi32, #tpu.memory_space<vmem>> -> memref<1x64xi32, #tpu.memory_space<vmem>>
      %dma_wait3A_837 = tpu.memref_squeeze %dma_wait3A_836 : memref<1x64xi32, #tpu.memory_space<vmem>> -> memref<64xi32, #tpu.memory_space<vmem>>
      %dma_wait3A_838 = tpu.memref_slice %arg2[%select_n3A_806, %add3A_825] : memref<50x4096xi32, #tpu.memory_space<hbm>> -> memref<1x64xi32, #tpu.memory_space<hbm>>
      %dma_wait3A_839 = tpu.memref_squeeze %dma_wait3A_838 : memref<1x64xi32, #tpu.memory_space<hbm>> -> memref<64xi32, #tpu.memory_space<hbm>>
      tpu.wait_dma2 semaphore(%dma_wait3A_834 : memref<!tpu.dma_semaphore, #tpu.memory_space<semaphore_mem>>) src(%dma_wait3A_839 : memref<64xi32, #tpu.memory_space<hbm>>) dst(%dma_wait3A_837 : memref<64xi32, #tpu.memory_space<vmem>>)
      %gt3A_840 = arith.constant 0 : i32
      %gt3A_841 = arith.cmpi sgt, %scan3A_386, %gt3A_840 : i32
      %convert_element_type3A_842 = arith.extui %gt3A_841 : i1 to i32
      %cond3A_843 = arith.constant 0 : i32
      %cond3A_844 = arith.cmpi ne, %convert_element_type3A_842, %cond3A_843 : i32
      scf.if %cond3A_844 {
        %sub3A_2054 = arith.constant 1 : i32
        %sub3A_2055 = arith.subi %scan3A_386, %sub3A_2054 : i32
        %mul3A_2056 = arith.constant 10 : i32
        %mul3A_2057 = arith.muli %sub3A_2055, %mul3A_2056 : i32
        %add3A_2058 = arith.constant 5 : i32
        %add3A_2059 = arith.addi %mul3A_2057, %add3A_2058 : i32
        %jit3A_2060 = arith.constant 2 : i32
        %div3A_2061 = arith.divsi %add3A_2059, %jit3A_2060 : i32
        %sign3A_2062 = arith.constant 0 : i32
        %sign3A_2063 = arith.cmpi sgt, %add3A_2059, %sign3A_2062 : i32
        %sign3A_2064 = arith.extui %sign3A_2063 : i1 to i32
        %sign3A_2065 = arith.constant 0 : i32
        %sign3A_2066 = arith.cmpi slt, %add3A_2059, %sign3A_2065 : i32
        %sign3A_2067 = arith.extui %sign3A_2066 : i1 to i32
        %sign3A_2068 = arith.subi %sign3A_2064, %sign3A_2067 : i32
        %sign3A_2069 = arith.constant 0 : i32
        %sign3A_2070 = arith.cmpi sgt, %jit3A_2060, %sign3A_2069 : i32
        %sign3A_2071 = arith.extui %sign3A_2070 : i1 to i32
        %sign3A_2072 = arith.constant 0 : i32
        %sign3A_2073 = arith.cmpi slt, %jit3A_2060, %sign3A_2072 : i32
        %sign3A_2074 = arith.extui %sign3A_2073 : i1 to i32
        %sign3A_2075 = arith.subi %sign3A_2071, %sign3A_2074 : i32
        %ne3A_2076 = arith.cmpi ne, %sign3A_2068, %sign3A_2075 : i32
        %rem3A_2077 = arith.remsi %add3A_2059, %jit3A_2060 : i32
        %ne3A_2078 = arith.constant 0 : i32
        %ne3A_2079 = arith.cmpi ne, %rem3A_2077, %ne3A_2078 : i32
        %and3A_2080 = arith.andi %ne3A_2076, %ne3A_2079 : i1
        %sub3A_2081 = arith.constant 1 : i32
        %sub3A_2082 = arith.subi %div3A_2061, %sub3A_2081 : i32
        %select_n3A_2083 = arith.select %and3A_2080, %sub3A_2082, %div3A_2061 : i32
        %jit3A_2084 = arith.constant 2 : i32
        %eq3A_2085 = arith.constant 0 : i32
        %eq3A_2086 = arith.cmpi eq, %jit3A_2084, %eq3A_2085 : i32
        %jit3A_2087 = arith.constant 1 : i32
        %select_n3A_2088 = arith.select %eq3A_2086, %jit3A_2087, %jit3A_2084 : i32
        %rem3A_2089 = arith.remsi %add3A_2059, %select_n3A_2088 : i32
        %ne3A_2090 = arith.constant 0 : i32
        %ne3A_2091 = arith.cmpi ne, %rem3A_2089, %ne3A_2090 : i32
        %lt3A_2092 = arith.constant 0 : i32
        %lt3A_2093 = arith.cmpi slt, %rem3A_2089, %lt3A_2092 : i32
        %lt3A_2094 = arith.constant 0 : i32
        %lt3A_2095 = arith.cmpi slt, %select_n3A_2088, %lt3A_2094 : i32
        %ne3A_2096 = arith.xori %lt3A_2093, %lt3A_2095 : i1
        %and3A_2097 = arith.andi %ne3A_2096, %ne3A_2091 : i1
        %add3A_2098 = arith.addi %rem3A_2089, %select_n3A_2088 : i32
        %select_n3A_2099 = arith.select %and3A_2097, %add3A_2098, %rem3A_2089 : i32
        %mul3A_2100 = arith.constant 64 : i32
        %mul3A_2101 = arith.muli %select_n3A_2099, %mul3A_2100 : i32
        %add3A_2102 = arith.addi %mul3A_2, %mul3A_2101 : i32
        %dma_wait3A_2103 = arith.constant 5 : i32
        %dma_wait3A_2104 = arith.constant 5 : i32
        %dma_wait3A_2105 = arith.constant 0 : i32
        %dma_wait3A_2106 = arith.constant 0 : i32
        %dma_wait3A_2107 = tpu.memref_slice %arg6[%dma_wait3A_2103, %dma_wait3A_2105, %dma_wait3A_2106] : memref<10x64x128xf32, #tpu.memory_space<vmem>> -> memref<1x64x128xf32, #tpu.memory_space<vmem>>
        %dma_wait3A_2108 = tpu.memref_squeeze %dma_wait3A_2107 : memref<1x64x128xf32, #tpu.memory_space<vmem>> -> memref<64x128xf32, #tpu.memory_space<vmem>>
        %dma_wait3A_2109 = arith.constant 0 : i32
        %dma_wait3A_2110 = tpu.memref_slice %arg4[%select_n3A_2083, %add3A_2102, %dma_wait3A_2109] : memref<50x4096x128xf32, #tpu.memory_space<hbm>> -> memref<1x64x128xf32, #tpu.memory_space<hbm>>
        %dma_wait3A_2111 = tpu.memref_squeeze %dma_wait3A_2110 : memref<1x64x128xf32, #tpu.memory_space<hbm>> -> memref<64x128xf32, #tpu.memory_space<hbm>>
        %dma_wait3A_2112 = tpu.memref_slice %arg9[%dma_wait3A_2104] : memref<10x!tpu.dma_semaphore, #tpu.memory_space<semaphore_mem>> -> memref<1x!tpu.dma_semaphore, #tpu.memory_space<semaphore_mem>>
        %dma_wait3A_2113 = tpu.memref_squeeze %dma_wait3A_2112 : memref<1x!tpu.dma_semaphore, #tpu.memory_space<semaphore_mem>> -> memref<!tpu.dma_semaphore, #tpu.memory_space<semaphore_mem>>
        %dma_wait3A_2114 = arith.constant 0 : i32
        %dma_wait3A_2115 = tpu.memref_slice %arg4[%select_n3A_2083, %add3A_2102, %dma_wait3A_2114] : memref<50x4096x128xf32, #tpu.memory_space<hbm>> -> memref<1x64x128xf32, #tpu.memory_space<hbm>>
        %dma_wait3A_2116 = tpu.memref_squeeze %dma_wait3A_2115 : memref<1x64x128xf32, #tpu.memory_space<hbm>> -> memref<64x128xf32, #tpu.memory_space<hbm>>
        %dma_wait3A_2117 = arith.constant 0 : i32
        %dma_wait3A_2118 = arith.constant 0 : i32
        %dma_wait3A_2119 = tpu.memref_slice %arg6[%dma_wait3A_2103, %dma_wait3A_2117, %dma_wait3A_2118] : memref<10x64x128xf32, #tpu.memory_space<vmem>> -> memref<1x64x128xf32, #tpu.memory_space<vmem>>
        %dma_wait3A_2120 = tpu.memref_squeeze %dma_wait3A_2119 : memref<1x64x128xf32, #tpu.memory_space<vmem>> -> memref<64x128xf32, #tpu.memory_space<vmem>>
        tpu.wait_dma2 semaphore(%dma_wait3A_2113 : memref<!tpu.dma_semaphore, #tpu.memory_space<semaphore_mem>>) src(%dma_wait3A_2120 : memref<64x128xf32, #tpu.memory_space<vmem>>) dst(%dma_wait3A_2116 : memref<64x128xf32, #tpu.memory_space<hbm>>)
      } else {
      }
      %dma_start3A_845 = arith.constant 5 : i32
      %dma_start3A_846 = arith.constant 5 : i32
      %dma_start3A_847 = arith.constant 5 : i32
      %dma_start3A_848 = arith.constant 0 : i32
      %dma_start3A_849 = arith.constant 0 : i32
      %dma_start3A_850 = tpu.memref_slice %arg6[%dma_start3A_846, %dma_start3A_848, %dma_start3A_849] : memref<10x64x128xf32, #tpu.memory_space<vmem>> -> memref<1x64x128xf32, #tpu.memory_space<vmem>>
      %dma_start3A_851 = tpu.memref_squeeze %dma_start3A_850 : memref<1x64x128xf32, #tpu.memory_space<vmem>> -> memref<64x128xf32, #tpu.memory_space<vmem>>
      %dma_start3A_852 = arith.constant 0 : i32
      %dma_start3A_853 = tpu.memref_slice %arg5[%dma_start3A_845, %dma_start3A_852] : memref<10x64xi32, #tpu.memory_space<vmem>> -> memref<1x64xi32, #tpu.memory_space<vmem>>
      %dma_start3A_854 = tpu.memref_squeeze %dma_start3A_853 : memref<1x64xi32, #tpu.memory_space<vmem>> -> memref<64xi32, #tpu.memory_space<vmem>>
      %dma_start3A_855 = arith.constant 0 : i32
      %dma_start3A_856 = arith.constant 0 : i32
      %dma_start3A_857 = tpu.memref_slice %arg3[%dma_start3A_855, %dma_start3A_856] : memref<100000x128xf32, #tpu.memory_space<hbm>> -> memref<100000x128xf32, #tpu.memory_space<hbm>>
      %dma_start3A_858 = tpu.memref_slice %arg8[%dma_start3A_847] : memref<10x!tpu.dma_semaphore, #tpu.memory_space<semaphore_mem>> -> memref<1x!tpu.dma_semaphore, #tpu.memory_space<semaphore_mem>>
      %dma_start3A_859 = tpu.memref_squeeze %dma_start3A_858 : memref<1x!tpu.dma_semaphore, #tpu.memory_space<semaphore_mem>> -> memref<!tpu.dma_semaphore, #tpu.memory_space<semaphore_mem>>
      tpu.enqueue_indirect_dma source(%dma_start3A_857 : memref<100000x128xf32, #tpu.memory_space<hbm>>) target(%dma_start3A_851 : memref<64x128xf32, #tpu.memory_space<vmem>>) offsets(%dma_start3A_854 : memref<64xi32, #tpu.memory_space<vmem>>) semaphore(%dma_start3A_859 : memref<!tpu.dma_semaphore, #tpu.memory_space<semaphore_mem>>)
      %mul3A_860 = arith.constant 10 : i32
      %mul3A_861 = arith.muli %scan3A_386, %mul3A_860 : i32
      %add3A_862 = arith.constant 6 : i32
      %add3A_863 = arith.addi %mul3A_861, %add3A_862 : i32
      %jit3A_864 = arith.constant 2 : i32
      %div3A_865 = arith.divsi %add3A_863, %jit3A_864 : i32
      %sign3A_866 = arith.constant 0 : i32
      %sign3A_867 = arith.cmpi sgt, %add3A_863, %sign3A_866 : i32
      %sign3A_868 = arith.extui %sign3A_867 : i1 to i32
      %sign3A_869 = arith.constant 0 : i32
      %sign3A_870 = arith.cmpi slt, %add3A_863, %sign3A_869 : i32
      %sign3A_871 = arith.extui %sign3A_870 : i1 to i32
      %sign3A_872 = arith.subi %sign3A_868, %sign3A_871 : i32
      %sign3A_873 = arith.constant 0 : i32
      %sign3A_874 = arith.cmpi sgt, %jit3A_864, %sign3A_873 : i32
      %sign3A_875 = arith.extui %sign3A_874 : i1 to i32
      %sign3A_876 = arith.constant 0 : i32
      %sign3A_877 = arith.cmpi slt, %jit3A_864, %sign3A_876 : i32
      %sign3A_878 = arith.extui %sign3A_877 : i1 to i32
      %sign3A_879 = arith.subi %sign3A_875, %sign3A_878 : i32
      %ne3A_880 = arith.cmpi ne, %sign3A_872, %sign3A_879 : i32
      %rem3A_881 = arith.remsi %add3A_863, %jit3A_864 : i32
      %ne3A_882 = arith.constant 0 : i32
      %ne3A_883 = arith.cmpi ne, %rem3A_881, %ne3A_882 : i32
      %and3A_884 = arith.andi %ne3A_880, %ne3A_883 : i1
      %sub3A_885 = arith.constant 1 : i32
      %sub3A_886 = arith.subi %div3A_865, %sub3A_885 : i32
      %select_n3A_887 = arith.select %and3A_884, %sub3A_886, %div3A_865 : i32
      %jit3A_888 = arith.constant 2 : i32
      %eq3A_889 = arith.constant 0 : i32
      %eq3A_890 = arith.cmpi eq, %jit3A_888, %eq3A_889 : i32
      %jit3A_891 = arith.constant 1 : i32
      %select_n3A_892 = arith.select %eq3A_890, %jit3A_891, %jit3A_888 : i32
      %rem3A_893 = arith.remsi %add3A_863, %select_n3A_892 : i32
      %ne3A_894 = arith.constant 0 : i32
      %ne3A_895 = arith.cmpi ne, %rem3A_893, %ne3A_894 : i32
      %lt3A_896 = arith.constant 0 : i32
      %lt3A_897 = arith.cmpi slt, %rem3A_893, %lt3A_896 : i32
      %lt3A_898 = arith.constant 0 : i32
      %lt3A_899 = arith.cmpi slt, %select_n3A_892, %lt3A_898 : i32
      %ne3A_900 = arith.xori %lt3A_897, %lt3A_899 : i1
      %and3A_901 = arith.andi %ne3A_900, %ne3A_895 : i1
      %add3A_902 = arith.addi %rem3A_893, %select_n3A_892 : i32
      %select_n3A_903 = arith.select %and3A_901, %add3A_902, %rem3A_893 : i32
      %mul3A_904 = arith.constant 64 : i32
      %mul3A_905 = arith.muli %select_n3A_903, %mul3A_904 : i32
      %add3A_906 = arith.addi %mul3A_2, %mul3A_905 : i32
      %dma_wait3A_907 = arith.constant 6 : i32
      %dma_wait3A_908 = arith.constant 6 : i32
      %dma_wait3A_909 = arith.constant 0 : i32
      %dma_wait3A_910 = tpu.memref_slice %arg5[%dma_wait3A_907, %dma_wait3A_909] : memref<10x64xi32, #tpu.memory_space<vmem>> -> memref<1x64xi32, #tpu.memory_space<vmem>>
      %dma_wait3A_911 = tpu.memref_squeeze %dma_wait3A_910 : memref<1x64xi32, #tpu.memory_space<vmem>> -> memref<64xi32, #tpu.memory_space<vmem>>
      %dma_wait3A_912 = tpu.memref_slice %arg2[%select_n3A_887, %add3A_906] : memref<50x4096xi32, #tpu.memory_space<hbm>> -> memref<1x64xi32, #tpu.memory_space<hbm>>
      %dma_wait3A_913 = tpu.memref_squeeze %dma_wait3A_912 : memref<1x64xi32, #tpu.memory_space<hbm>> -> memref<64xi32, #tpu.memory_space<hbm>>
      %dma_wait3A_914 = tpu.memref_slice %arg7[%dma_wait3A_908] : memref<10x!tpu.dma_semaphore, #tpu.memory_space<semaphore_mem>> -> memref<1x!tpu.dma_semaphore, #tpu.memory_space<semaphore_mem>>
      %dma_wait3A_915 = tpu.memref_squeeze %dma_wait3A_914 : memref<1x!tpu.dma_semaphore, #tpu.memory_space<semaphore_mem>> -> memref<!tpu.dma_semaphore, #tpu.memory_space<semaphore_mem>>
      %dma_wait3A_916 = arith.constant 0 : i32
      %dma_wait3A_917 = tpu.memref_slice %arg5[%dma_wait3A_907, %dma_wait3A_916] : memref<10x64xi32, #tpu.memory_space<vmem>> -> memref<1x64xi32, #tpu.memory_space<vmem>>
      %dma_wait3A_918 = tpu.memref_squeeze %dma_wait3A_917 : memref<1x64xi32, #tpu.memory_space<vmem>> -> memref<64xi32, #tpu.memory_space<vmem>>
      %dma_wait3A_919 = tpu.memref_slice %arg2[%select_n3A_887, %add3A_906] : memref<50x4096xi32, #tpu.memory_space<hbm>> -> memref<1x64xi32, #tpu.memory_space<hbm>>
      %dma_wait3A_920 = tpu.memref_squeeze %dma_wait3A_919 : memref<1x64xi32, #tpu.memory_space<hbm>> -> memref<64xi32, #tpu.memory_space<hbm>>
      tpu.wait_dma2 semaphore(%dma_wait3A_915 : memref<!tpu.dma_semaphore, #tpu.memory_space<semaphore_mem>>) src(%dma_wait3A_920 : memref<64xi32, #tpu.memory_space<hbm>>) dst(%dma_wait3A_918 : memref<64xi32, #tpu.memory_space<vmem>>)
      %gt3A_921 = arith.constant 0 : i32
      %gt3A_922 = arith.cmpi sgt, %scan3A_386, %gt3A_921 : i32
      %convert_element_type3A_923 = arith.extui %gt3A_922 : i1 to i32
      %cond3A_924 = arith.constant 0 : i32
      %cond3A_925 = arith.cmpi ne, %convert_element_type3A_923, %cond3A_924 : i32
      scf.if %cond3A_925 {
        %sub3A_2054 = arith.constant 1 : i32
        %sub3A_2055 = arith.subi %scan3A_386, %sub3A_2054 : i32
        %mul3A_2056 = arith.constant 10 : i32
        %mul3A_2057 = arith.muli %sub3A_2055, %mul3A_2056 : i32
        %add3A_2058 = arith.constant 6 : i32
        %add3A_2059 = arith.addi %mul3A_2057, %add3A_2058 : i32
        %jit3A_2060 = arith.constant 2 : i32
        %div3A_2061 = arith.divsi %add3A_2059, %jit3A_2060 : i32
        %sign3A_2062 = arith.constant 0 : i32
        %sign3A_2063 = arith.cmpi sgt, %add3A_2059, %sign3A_2062 : i32
        %sign3A_2064 = arith.extui %sign3A_2063 : i1 to i32
        %sign3A_2065 = arith.constant 0 : i32
        %sign3A_2066 = arith.cmpi slt, %add3A_2059, %sign3A_2065 : i32
        %sign3A_2067 = arith.extui %sign3A_2066 : i1 to i32
        %sign3A_2068 = arith.subi %sign3A_2064, %sign3A_2067 : i32
        %sign3A_2069 = arith.constant 0 : i32
        %sign3A_2070 = arith.cmpi sgt, %jit3A_2060, %sign3A_2069 : i32
        %sign3A_2071 = arith.extui %sign3A_2070 : i1 to i32
        %sign3A_2072 = arith.constant 0 : i32
        %sign3A_2073 = arith.cmpi slt, %jit3A_2060, %sign3A_2072 : i32
        %sign3A_2074 = arith.extui %sign3A_2073 : i1 to i32
        %sign3A_2075 = arith.subi %sign3A_2071, %sign3A_2074 : i32
        %ne3A_2076 = arith.cmpi ne, %sign3A_2068, %sign3A_2075 : i32
        %rem3A_2077 = arith.remsi %add3A_2059, %jit3A_2060 : i32
        %ne3A_2078 = arith.constant 0 : i32
        %ne3A_2079 = arith.cmpi ne, %rem3A_2077, %ne3A_2078 : i32
        %and3A_2080 = arith.andi %ne3A_2076, %ne3A_2079 : i1
        %sub3A_2081 = arith.constant 1 : i32
        %sub3A_2082 = arith.subi %div3A_2061, %sub3A_2081 : i32
        %select_n3A_2083 = arith.select %and3A_2080, %sub3A_2082, %div3A_2061 : i32
        %jit3A_2084 = arith.constant 2 : i32
        %eq3A_2085 = arith.constant 0 : i32
        %eq3A_2086 = arith.cmpi eq, %jit3A_2084, %eq3A_2085 : i32
        %jit3A_2087 = arith.constant 1 : i32
        %select_n3A_2088 = arith.select %eq3A_2086, %jit3A_2087, %jit3A_2084 : i32
        %rem3A_2089 = arith.remsi %add3A_2059, %select_n3A_2088 : i32
        %ne3A_2090 = arith.constant 0 : i32
        %ne3A_2091 = arith.cmpi ne, %rem3A_2089, %ne3A_2090 : i32
        %lt3A_2092 = arith.constant 0 : i32
        %lt3A_2093 = arith.cmpi slt, %rem3A_2089, %lt3A_2092 : i32
        %lt3A_2094 = arith.constant 0 : i32
        %lt3A_2095 = arith.cmpi slt, %select_n3A_2088, %lt3A_2094 : i32
        %ne3A_2096 = arith.xori %lt3A_2093, %lt3A_2095 : i1
        %and3A_2097 = arith.andi %ne3A_2096, %ne3A_2091 : i1
        %add3A_2098 = arith.addi %rem3A_2089, %select_n3A_2088 : i32
        %select_n3A_2099 = arith.select %and3A_2097, %add3A_2098, %rem3A_2089 : i32
        %mul3A_2100 = arith.constant 64 : i32
        %mul3A_2101 = arith.muli %select_n3A_2099, %mul3A_2100 : i32
        %add3A_2102 = arith.addi %mul3A_2, %mul3A_2101 : i32
        %dma_wait3A_2103 = arith.constant 6 : i32
        %dma_wait3A_2104 = arith.constant 6 : i32
        %dma_wait3A_2105 = arith.constant 0 : i32
        %dma_wait3A_2106 = arith.constant 0 : i32
        %dma_wait3A_2107 = tpu.memref_slice %arg6[%dma_wait3A_2103, %dma_wait3A_2105, %dma_wait3A_2106] : memref<10x64x128xf32, #tpu.memory_space<vmem>> -> memref<1x64x128xf32, #tpu.memory_space<vmem>>
        %dma_wait3A_2108 = tpu.memref_squeeze %dma_wait3A_2107 : memref<1x64x128xf32, #tpu.memory_space<vmem>> -> memref<64x128xf32, #tpu.memory_space<vmem>>
        %dma_wait3A_2109 = arith.constant 0 : i32
        %dma_wait3A_2110 = tpu.memref_slice %arg4[%select_n3A_2083, %add3A_2102, %dma_wait3A_2109] : memref<50x4096x128xf32, #tpu.memory_space<hbm>> -> memref<1x64x128xf32, #tpu.memory_space<hbm>>
        %dma_wait3A_2111 = tpu.memref_squeeze %dma_wait3A_2110 : memref<1x64x128xf32, #tpu.memory_space<hbm>> -> memref<64x128xf32, #tpu.memory_space<hbm>>
        %dma_wait3A_2112 = tpu.memref_slice %arg9[%dma_wait3A_2104] : memref<10x!tpu.dma_semaphore, #tpu.memory_space<semaphore_mem>> -> memref<1x!tpu.dma_semaphore, #tpu.memory_space<semaphore_mem>>
        %dma_wait3A_2113 = tpu.memref_squeeze %dma_wait3A_2112 : memref<1x!tpu.dma_semaphore, #tpu.memory_space<semaphore_mem>> -> memref<!tpu.dma_semaphore, #tpu.memory_space<semaphore_mem>>
        %dma_wait3A_2114 = arith.constant 0 : i32
        %dma_wait3A_2115 = tpu.memref_slice %arg4[%select_n3A_2083, %add3A_2102, %dma_wait3A_2114] : memref<50x4096x128xf32, #tpu.memory_space<hbm>> -> memref<1x64x128xf32, #tpu.memory_space<hbm>>
        %dma_wait3A_2116 = tpu.memref_squeeze %dma_wait3A_2115 : memref<1x64x128xf32, #tpu.memory_space<hbm>> -> memref<64x128xf32, #tpu.memory_space<hbm>>
        %dma_wait3A_2117 = arith.constant 0 : i32
        %dma_wait3A_2118 = arith.constant 0 : i32
        %dma_wait3A_2119 = tpu.memref_slice %arg6[%dma_wait3A_2103, %dma_wait3A_2117, %dma_wait3A_2118] : memref<10x64x128xf32, #tpu.memory_space<vmem>> -> memref<1x64x128xf32, #tpu.memory_space<vmem>>
        %dma_wait3A_2120 = tpu.memref_squeeze %dma_wait3A_2119 : memref<1x64x128xf32, #tpu.memory_space<vmem>> -> memref<64x128xf32, #tpu.memory_space<vmem>>
        tpu.wait_dma2 semaphore(%dma_wait3A_2113 : memref<!tpu.dma_semaphore, #tpu.memory_space<semaphore_mem>>) src(%dma_wait3A_2120 : memref<64x128xf32, #tpu.memory_space<vmem>>) dst(%dma_wait3A_2116 : memref<64x128xf32, #tpu.memory_space<hbm>>)
      } else {
      }
      %dma_start3A_926 = arith.constant 6 : i32
      %dma_start3A_927 = arith.constant 6 : i32
      %dma_start3A_928 = arith.constant 6 : i32
      %dma_start3A_929 = arith.constant 0 : i32
      %dma_start3A_930 = arith.constant 0 : i32
      %dma_start3A_931 = tpu.memref_slice %arg6[%dma_start3A_927, %dma_start3A_929, %dma_start3A_930] : memref<10x64x128xf32, #tpu.memory_space<vmem>> -> memref<1x64x128xf32, #tpu.memory_space<vmem>>
      %dma_start3A_932 = tpu.memref_squeeze %dma_start3A_931 : memref<1x64x128xf32, #tpu.memory_space<vmem>> -> memref<64x128xf32, #tpu.memory_space<vmem>>
      %dma_start3A_933 = arith.constant 0 : i32
      %dma_start3A_934 = tpu.memref_slice %arg5[%dma_start3A_926, %dma_start3A_933] : memref<10x64xi32, #tpu.memory_space<vmem>> -> memref<1x64xi32, #tpu.memory_space<vmem>>
      %dma_start3A_935 = tpu.memref_squeeze %dma_start3A_934 : memref<1x64xi32, #tpu.memory_space<vmem>> -> memref<64xi32, #tpu.memory_space<vmem>>
      %dma_start3A_936 = arith.constant 0 : i32
      %dma_start3A_937 = arith.constant 0 : i32
      %dma_start3A_938 = tpu.memref_slice %arg3[%dma_start3A_936, %dma_start3A_937] : memref<100000x128xf32, #tpu.memory_space<hbm>> -> memref<100000x128xf32, #tpu.memory_space<hbm>>
      %dma_start3A_939 = tpu.memref_slice %arg8[%dma_start3A_928] : memref<10x!tpu.dma_semaphore, #tpu.memory_space<semaphore_mem>> -> memref<1x!tpu.dma_semaphore, #tpu.memory_space<semaphore_mem>>
      %dma_start3A_940 = tpu.memref_squeeze %dma_start3A_939 : memref<1x!tpu.dma_semaphore, #tpu.memory_space<semaphore_mem>> -> memref<!tpu.dma_semaphore, #tpu.memory_space<semaphore_mem>>
      tpu.enqueue_indirect_dma source(%dma_start3A_938 : memref<100000x128xf32, #tpu.memory_space<hbm>>) target(%dma_start3A_932 : memref<64x128xf32, #tpu.memory_space<vmem>>) offsets(%dma_start3A_935 : memref<64xi32, #tpu.memory_space<vmem>>) semaphore(%dma_start3A_940 : memref<!tpu.dma_semaphore, #tpu.memory_space<semaphore_mem>>)
      %mul3A_941 = arith.constant 10 : i32
      %mul3A_942 = arith.muli %scan3A_386, %mul3A_941 : i32
      %add3A_943 = arith.constant 7 : i32
      %add3A_944 = arith.addi %mul3A_942, %add3A_943 : i32
      %jit3A_945 = arith.constant 2 : i32
      %div3A_946 = arith.divsi %add3A_944, %jit3A_945 : i32
      %sign3A_947 = arith.constant 0 : i32
      %sign3A_948 = arith.cmpi sgt, %add3A_944, %sign3A_947 : i32
      %sign3A_949 = arith.extui %sign3A_948 : i1 to i32
      %sign3A_950 = arith.constant 0 : i32
      %sign3A_951 = arith.cmpi slt, %add3A_944, %sign3A_950 : i32
      %sign3A_952 = arith.extui %sign3A_951 : i1 to i32
      %sign3A_953 = arith.subi %sign3A_949, %sign3A_952 : i32
      %sign3A_954 = arith.constant 0 : i32
      %sign3A_955 = arith.cmpi sgt, %jit3A_945, %sign3A_954 : i32
      %sign3A_956 = arith.extui %sign3A_955 : i1 to i32
      %sign3A_957 = arith.constant 0 : i32
      %sign3A_958 = arith.cmpi slt, %jit3A_945, %sign3A_957 : i32
      %sign3A_959 = arith.extui %sign3A_958 : i1 to i32
      %sign3A_960 = arith.subi %sign3A_956, %sign3A_959 : i32
      %ne3A_961 = arith.cmpi ne, %sign3A_953, %sign3A_960 : i32
      %rem3A_962 = arith.remsi %add3A_944, %jit3A_945 : i32
      %ne3A_963 = arith.constant 0 : i32
      %ne3A_964 = arith.cmpi ne, %rem3A_962, %ne3A_963 : i32
      %and3A_965 = arith.andi %ne3A_961, %ne3A_964 : i1
      %sub3A_966 = arith.constant 1 : i32
      %sub3A_967 = arith.subi %div3A_946, %sub3A_966 : i32
      %select_n3A_968 = arith.select %and3A_965, %sub3A_967, %div3A_946 : i32
      %jit3A_969 = arith.constant 2 : i32
      %eq3A_970 = arith.constant 0 : i32
      %eq3A_971 = arith.cmpi eq, %jit3A_969, %eq3A_970 : i32
      %jit3A_972 = arith.constant 1 : i32
      %select_n3A_973 = arith.select %eq3A_971, %jit3A_972, %jit3A_969 : i32
      %rem3A_974 = arith.remsi %add3A_944, %select_n3A_973 : i32
      %ne3A_975 = arith.constant 0 : i32
      %ne3A_976 = arith.cmpi ne, %rem3A_974, %ne3A_975 : i32
      %lt3A_977 = arith.constant 0 : i32
      %lt3A_978 = arith.cmpi slt, %rem3A_974, %lt3A_977 : i32
      %lt3A_979 = arith.constant 0 : i32
      %lt3A_980 = arith.cmpi slt, %select_n3A_973, %lt3A_979 : i32
      %ne3A_981 = arith.xori %lt3A_978, %lt3A_980 : i1
      %and3A_982 = arith.andi %ne3A_981, %ne3A_976 : i1
      %add3A_983 = arith.addi %rem3A_974, %select_n3A_973 : i32
      %select_n3A_984 = arith.select %and3A_982, %add3A_983, %rem3A_974 : i32
      %mul3A_985 = arith.constant 64 : i32
      %mul3A_986 = arith.muli %select_n3A_984, %mul3A_985 : i32
      %add3A_987 = arith.addi %mul3A_2, %mul3A_986 : i32
      %dma_wait3A_988 = arith.constant 7 : i32
      %dma_wait3A_989 = arith.constant 7 : i32
      %dma_wait3A_990 = arith.constant 0 : i32
      %dma_wait3A_991 = tpu.memref_slice %arg5[%dma_wait3A_988, %dma_wait3A_990] : memref<10x64xi32, #tpu.memory_space<vmem>> -> memref<1x64xi32, #tpu.memory_space<vmem>>
      %dma_wait3A_992 = tpu.memref_squeeze %dma_wait3A_991 : memref<1x64xi32, #tpu.memory_space<vmem>> -> memref<64xi32, #tpu.memory_space<vmem>>
      %dma_wait3A_993 = tpu.memref_slice %arg2[%select_n3A_968, %add3A_987] : memref<50x4096xi32, #tpu.memory_space<hbm>> -> memref<1x64xi32, #tpu.memory_space<hbm>>
      %dma_wait3A_994 = tpu.memref_squeeze %dma_wait3A_993 : memref<1x64xi32, #tpu.memory_space<hbm>> -> memref<64xi32, #tpu.memory_space<hbm>>
      %dma_wait3A_995 = tpu.memref_slice %arg7[%dma_wait3A_989] : memref<10x!tpu.dma_semaphore, #tpu.memory_space<semaphore_mem>> -> memref<1x!tpu.dma_semaphore, #tpu.memory_space<semaphore_mem>>
      %dma_wait3A_996 = tpu.memref_squeeze %dma_wait3A_995 : memref<1x!tpu.dma_semaphore, #tpu.memory_space<semaphore_mem>> -> memref<!tpu.dma_semaphore, #tpu.memory_space<semaphore_mem>>
      %dma_wait3A_997 = arith.constant 0 : i32
      %dma_wait3A_998 = tpu.memref_slice %arg5[%dma_wait3A_988, %dma_wait3A_997] : memref<10x64xi32, #tpu.memory_space<vmem>> -> memref<1x64xi32, #tpu.memory_space<vmem>>
      %dma_wait3A_999 = tpu.memref_squeeze %dma_wait3A_998 : memref<1x64xi32, #tpu.memory_space<vmem>> -> memref<64xi32, #tpu.memory_space<vmem>>
      %dma_wait3A_1000 = tpu.memref_slice %arg2[%select_n3A_968, %add3A_987] : memref<50x4096xi32, #tpu.memory_space<hbm>> -> memref<1x64xi32, #tpu.memory_space<hbm>>
      %dma_wait3A_1001 = tpu.memref_squeeze %dma_wait3A_1000 : memref<1x64xi32, #tpu.memory_space<hbm>> -> memref<64xi32, #tpu.memory_space<hbm>>
      tpu.wait_dma2 semaphore(%dma_wait3A_996 : memref<!tpu.dma_semaphore, #tpu.memory_space<semaphore_mem>>) src(%dma_wait3A_1001 : memref<64xi32, #tpu.memory_space<hbm>>) dst(%dma_wait3A_999 : memref<64xi32, #tpu.memory_space<vmem>>)
      %gt3A_1002 = arith.constant 0 : i32
      %gt3A_1003 = arith.cmpi sgt, %scan3A_386, %gt3A_1002 : i32
      %convert_element_type3A_1004 = arith.extui %gt3A_1003 : i1 to i32
      %cond3A_1005 = arith.constant 0 : i32
      %cond3A_1006 = arith.cmpi ne, %convert_element_type3A_1004, %cond3A_1005 : i32
      scf.if %cond3A_1006 {
        %sub3A_2054 = arith.constant 1 : i32
        %sub3A_2055 = arith.subi %scan3A_386, %sub3A_2054 : i32
        %mul3A_2056 = arith.constant 10 : i32
        %mul3A_2057 = arith.muli %sub3A_2055, %mul3A_2056 : i32
        %add3A_2058 = arith.constant 7 : i32
        %add3A_2059 = arith.addi %mul3A_2057, %add3A_2058 : i32
        %jit3A_2060 = arith.constant 2 : i32
        %div3A_2061 = arith.divsi %add3A_2059, %jit3A_2060 : i32
        %sign3A_2062 = arith.constant 0 : i32
        %sign3A_2063 = arith.cmpi sgt, %add3A_2059, %sign3A_2062 : i32
        %sign3A_2064 = arith.extui %sign3A_2063 : i1 to i32
        %sign3A_2065 = arith.constant 0 : i32
        %sign3A_2066 = arith.cmpi slt, %add3A_2059, %sign3A_2065 : i32
        %sign3A_2067 = arith.extui %sign3A_2066 : i1 to i32
        %sign3A_2068 = arith.subi %sign3A_2064, %sign3A_2067 : i32
        %sign3A_2069 = arith.constant 0 : i32
        %sign3A_2070 = arith.cmpi sgt, %jit3A_2060, %sign3A_2069 : i32
        %sign3A_2071 = arith.extui %sign3A_2070 : i1 to i32
        %sign3A_2072 = arith.constant 0 : i32
        %sign3A_2073 = arith.cmpi slt, %jit3A_2060, %sign3A_2072 : i32
        %sign3A_2074 = arith.extui %sign3A_2073 : i1 to i32
        %sign3A_2075 = arith.subi %sign3A_2071, %sign3A_2074 : i32
        %ne3A_2076 = arith.cmpi ne, %sign3A_2068, %sign3A_2075 : i32
        %rem3A_2077 = arith.remsi %add3A_2059, %jit3A_2060 : i32
        %ne3A_2078 = arith.constant 0 : i32
        %ne3A_2079 = arith.cmpi ne, %rem3A_2077, %ne3A_2078 : i32
        %and3A_2080 = arith.andi %ne3A_2076, %ne3A_2079 : i1
        %sub3A_2081 = arith.constant 1 : i32
        %sub3A_2082 = arith.subi %div3A_2061, %sub3A_2081 : i32
        %select_n3A_2083 = arith.select %and3A_2080, %sub3A_2082, %div3A_2061 : i32
        %jit3A_2084 = arith.constant 2 : i32
        %eq3A_2085 = arith.constant 0 : i32
        %eq3A_2086 = arith.cmpi eq, %jit3A_2084, %eq3A_2085 : i32
        %jit3A_2087 = arith.constant 1 : i32
        %select_n3A_2088 = arith.select %eq3A_2086, %jit3A_2087, %jit3A_2084 : i32
        %rem3A_2089 = arith.remsi %add3A_2059, %select_n3A_2088 : i32
        %ne3A_2090 = arith.constant 0 : i32
        %ne3A_2091 = arith.cmpi ne, %rem3A_2089, %ne3A_2090 : i32
        %lt3A_2092 = arith.constant 0 : i32
        %lt3A_2093 = arith.cmpi slt, %rem3A_2089, %lt3A_2092 : i32
        %lt3A_2094 = arith.constant 0 : i32
        %lt3A_2095 = arith.cmpi slt, %select_n3A_2088, %lt3A_2094 : i32
        %ne3A_2096 = arith.xori %lt3A_2093, %lt3A_2095 : i1
        %and3A_2097 = arith.andi %ne3A_2096, %ne3A_2091 : i1
        %add3A_2098 = arith.addi %rem3A_2089, %select_n3A_2088 : i32
        %select_n3A_2099 = arith.select %and3A_2097, %add3A_2098, %rem3A_2089 : i32
        %mul3A_2100 = arith.constant 64 : i32
        %mul3A_2101 = arith.muli %select_n3A_2099, %mul3A_2100 : i32
        %add3A_2102 = arith.addi %mul3A_2, %mul3A_2101 : i32
        %dma_wait3A_2103 = arith.constant 7 : i32
        %dma_wait3A_2104 = arith.constant 7 : i32
        %dma_wait3A_2105 = arith.constant 0 : i32
        %dma_wait3A_2106 = arith.constant 0 : i32
        %dma_wait3A_2107 = tpu.memref_slice %arg6[%dma_wait3A_2103, %dma_wait3A_2105, %dma_wait3A_2106] : memref<10x64x128xf32, #tpu.memory_space<vmem>> -> memref<1x64x128xf32, #tpu.memory_space<vmem>>
        %dma_wait3A_2108 = tpu.memref_squeeze %dma_wait3A_2107 : memref<1x64x128xf32, #tpu.memory_space<vmem>> -> memref<64x128xf32, #tpu.memory_space<vmem>>
        %dma_wait3A_2109 = arith.constant 0 : i32
        %dma_wait3A_2110 = tpu.memref_slice %arg4[%select_n3A_2083, %add3A_2102, %dma_wait3A_2109] : memref<50x4096x128xf32, #tpu.memory_space<hbm>> -> memref<1x64x128xf32, #tpu.memory_space<hbm>>
        %dma_wait3A_2111 = tpu.memref_squeeze %dma_wait3A_2110 : memref<1x64x128xf32, #tpu.memory_space<hbm>> -> memref<64x128xf32, #tpu.memory_space<hbm>>
        %dma_wait3A_2112 = tpu.memref_slice %arg9[%dma_wait3A_2104] : memref<10x!tpu.dma_semaphore, #tpu.memory_space<semaphore_mem>> -> memref<1x!tpu.dma_semaphore, #tpu.memory_space<semaphore_mem>>
        %dma_wait3A_2113 = tpu.memref_squeeze %dma_wait3A_2112 : memref<1x!tpu.dma_semaphore, #tpu.memory_space<semaphore_mem>> -> memref<!tpu.dma_semaphore, #tpu.memory_space<semaphore_mem>>
        %dma_wait3A_2114 = arith.constant 0 : i32
        %dma_wait3A_2115 = tpu.memref_slice %arg4[%select_n3A_2083, %add3A_2102, %dma_wait3A_2114] : memref<50x4096x128xf32, #tpu.memory_space<hbm>> -> memref<1x64x128xf32, #tpu.memory_space<hbm>>
        %dma_wait3A_2116 = tpu.memref_squeeze %dma_wait3A_2115 : memref<1x64x128xf32, #tpu.memory_space<hbm>> -> memref<64x128xf32, #tpu.memory_space<hbm>>
        %dma_wait3A_2117 = arith.constant 0 : i32
        %dma_wait3A_2118 = arith.constant 0 : i32
        %dma_wait3A_2119 = tpu.memref_slice %arg6[%dma_wait3A_2103, %dma_wait3A_2117, %dma_wait3A_2118] : memref<10x64x128xf32, #tpu.memory_space<vmem>> -> memref<1x64x128xf32, #tpu.memory_space<vmem>>
        %dma_wait3A_2120 = tpu.memref_squeeze %dma_wait3A_2119 : memref<1x64x128xf32, #tpu.memory_space<vmem>> -> memref<64x128xf32, #tpu.memory_space<vmem>>
        tpu.wait_dma2 semaphore(%dma_wait3A_2113 : memref<!tpu.dma_semaphore, #tpu.memory_space<semaphore_mem>>) src(%dma_wait3A_2120 : memref<64x128xf32, #tpu.memory_space<vmem>>) dst(%dma_wait3A_2116 : memref<64x128xf32, #tpu.memory_space<hbm>>)
      } else {
      }
      %dma_start3A_1007 = arith.constant 7 : i32
      %dma_start3A_1008 = arith.constant 7 : i32
      %dma_start3A_1009 = arith.constant 7 : i32
      %dma_start3A_1010 = arith.constant 0 : i32
      %dma_start3A_1011 = arith.constant 0 : i32
      %dma_start3A_1012 = tpu.memref_slice %arg6[%dma_start3A_1008, %dma_start3A_1010, %dma_start3A_1011] : memref<10x64x128xf32, #tpu.memory_space<vmem>> -> memref<1x64x128xf32, #tpu.memory_space<vmem>>
      %dma_start3A_1013 = tpu.memref_squeeze %dma_start3A_1012 : memref<1x64x128xf32, #tpu.memory_space<vmem>> -> memref<64x128xf32, #tpu.memory_space<vmem>>
      %dma_start3A_1014 = arith.constant 0 : i32
      %dma_start3A_1015 = tpu.memref_slice %arg5[%dma_start3A_1007, %dma_start3A_1014] : memref<10x64xi32, #tpu.memory_space<vmem>> -> memref<1x64xi32, #tpu.memory_space<vmem>>
      %dma_start3A_1016 = tpu.memref_squeeze %dma_start3A_1015 : memref<1x64xi32, #tpu.memory_space<vmem>> -> memref<64xi32, #tpu.memory_space<vmem>>
      %dma_start3A_1017 = arith.constant 0 : i32
      %dma_start3A_1018 = arith.constant 0 : i32
      %dma_start3A_1019 = tpu.memref_slice %arg3[%dma_start3A_1017, %dma_start3A_1018] : memref<100000x128xf32, #tpu.memory_space<hbm>> -> memref<100000x128xf32, #tpu.memory_space<hbm>>
      %dma_start3A_1020 = tpu.memref_slice %arg8[%dma_start3A_1009] : memref<10x!tpu.dma_semaphore, #tpu.memory_space<semaphore_mem>> -> memref<1x!tpu.dma_semaphore, #tpu.memory_space<semaphore_mem>>
      %dma_start3A_1021 = tpu.memref_squeeze %dma_start3A_1020 : memref<1x!tpu.dma_semaphore, #tpu.memory_space<semaphore_mem>> -> memref<!tpu.dma_semaphore, #tpu.memory_space<semaphore_mem>>
      tpu.enqueue_indirect_dma source(%dma_start3A_1019 : memref<100000x128xf32, #tpu.memory_space<hbm>>) target(%dma_start3A_1013 : memref<64x128xf32, #tpu.memory_space<vmem>>) offsets(%dma_start3A_1016 : memref<64xi32, #tpu.memory_space<vmem>>) semaphore(%dma_start3A_1021 : memref<!tpu.dma_semaphore, #tpu.memory_space<semaphore_mem>>)
      %mul3A_1022 = arith.constant 10 : i32
      %mul3A_1023 = arith.muli %scan3A_386, %mul3A_1022 : i32
      %add3A_1024 = arith.constant 8 : i32
      %add3A_1025 = arith.addi %mul3A_1023, %add3A_1024 : i32
      %jit3A_1026 = arith.constant 2 : i32
      %div3A_1027 = arith.divsi %add3A_1025, %jit3A_1026 : i32
      %sign3A_1028 = arith.constant 0 : i32
      %sign3A_1029 = arith.cmpi sgt, %add3A_1025, %sign3A_1028 : i32
      %sign3A_1030 = arith.extui %sign3A_1029 : i1 to i32
      %sign3A_1031 = arith.constant 0 : i32
      %sign3A_1032 = arith.cmpi slt, %add3A_1025, %sign3A_1031 : i32
      %sign3A_1033 = arith.extui %sign3A_1032 : i1 to i32
      %sign3A_1034 = arith.subi %sign3A_1030, %sign3A_1033 : i32
      %sign3A_1035 = arith.constant 0 : i32
      %sign3A_1036 = arith.cmpi sgt, %jit3A_1026, %sign3A_1035 : i32
      %sign3A_1037 = arith.extui %sign3A_1036 : i1 to i32
      %sign3A_1038 = arith.constant 0 : i32
      %sign3A_1039 = arith.cmpi slt, %jit3A_1026, %sign3A_1038 : i32
      %sign3A_1040 = arith.extui %sign3A_1039 : i1 to i32
      %sign3A_1041 = arith.subi %sign3A_1037, %sign3A_1040 : i32
      %ne3A_1042 = arith.cmpi ne, %sign3A_1034, %sign3A_1041 : i32
      %rem3A_1043 = arith.remsi %add3A_1025, %jit3A_1026 : i32
      %ne3A_1044 = arith.constant 0 : i32
      %ne3A_1045 = arith.cmpi ne, %rem3A_1043, %ne3A_1044 : i32
      %and3A_1046 = arith.andi %ne3A_1042, %ne3A_1045 : i1
      %sub3A_1047 = arith.constant 1 : i32
      %sub3A_1048 = arith.subi %div3A_1027, %sub3A_1047 : i32
      %select_n3A_1049 = arith.select %and3A_1046, %sub3A_1048, %div3A_1027 : i32
      %jit3A_1050 = arith.constant 2 : i32
      %eq3A_1051 = arith.constant 0 : i32
      %eq3A_1052 = arith.cmpi eq, %jit3A_1050, %eq3A_1051 : i32
      %jit3A_1053 = arith.constant 1 : i32
      %select_n3A_1054 = arith.select %eq3A_1052, %jit3A_1053, %jit3A_1050 : i32
      %rem3A_1055 = arith.remsi %add3A_1025, %select_n3A_1054 : i32
      %ne3A_1056 = arith.constant 0 : i32
      %ne3A_1057 = arith.cmpi ne, %rem3A_1055, %ne3A_1056 : i32
      %lt3A_1058 = arith.constant 0 : i32
      %lt3A_1059 = arith.cmpi slt, %rem3A_1055, %lt3A_1058 : i32
      %lt3A_1060 = arith.constant 0 : i32
      %lt3A_1061 = arith.cmpi slt, %select_n3A_1054, %lt3A_1060 : i32
      %ne3A_1062 = arith.xori %lt3A_1059, %lt3A_1061 : i1
      %and3A_1063 = arith.andi %ne3A_1062, %ne3A_1057 : i1
      %add3A_1064 = arith.addi %rem3A_1055, %select_n3A_1054 : i32
      %select_n3A_1065 = arith.select %and3A_1063, %add3A_1064, %rem3A_1055 : i32
      %mul3A_1066 = arith.constant 64 : i32
      %mul3A_1067 = arith.muli %select_n3A_1065, %mul3A_1066 : i32
      %add3A_1068 = arith.addi %mul3A_2, %mul3A_1067 : i32
      %dma_wait3A_1069 = arith.constant 8 : i32
      %dma_wait3A_1070 = arith.constant 8 : i32
      %dma_wait3A_1071 = arith.constant 0 : i32
      %dma_wait3A_1072 = tpu.memref_slice %arg5[%dma_wait3A_1069, %dma_wait3A_1071] : memref<10x64xi32, #tpu.memory_space<vmem>> -> memref<1x64xi32, #tpu.memory_space<vmem>>
      %dma_wait3A_1073 = tpu.memref_squeeze %dma_wait3A_1072 : memref<1x64xi32, #tpu.memory_space<vmem>> -> memref<64xi32, #tpu.memory_space<vmem>>
      %dma_wait3A_1074 = tpu.memref_slice %arg2[%select_n3A_1049, %add3A_1068] : memref<50x4096xi32, #tpu.memory_space<hbm>> -> memref<1x64xi32, #tpu.memory_space<hbm>>
      %dma_wait3A_1075 = tpu.memref_squeeze %dma_wait3A_1074 : memref<1x64xi32, #tpu.memory_space<hbm>> -> memref<64xi32, #tpu.memory_space<hbm>>
      %dma_wait3A_1076 = tpu.memref_slice %arg7[%dma_wait3A_1070] : memref<10x!tpu.dma_semaphore, #tpu.memory_space<semaphore_mem>> -> memref<1x!tpu.dma_semaphore, #tpu.memory_space<semaphore_mem>>
      %dma_wait3A_1077 = tpu.memref_squeeze %dma_wait3A_1076 : memref<1x!tpu.dma_semaphore, #tpu.memory_space<semaphore_mem>> -> memref<!tpu.dma_semaphore, #tpu.memory_space<semaphore_mem>>
      %dma_wait3A_1078 = arith.constant 0 : i32
      %dma_wait3A_1079 = tpu.memref_slice %arg5[%dma_wait3A_1069, %dma_wait3A_1078] : memref<10x64xi32, #tpu.memory_space<vmem>> -> memref<1x64xi32, #tpu.memory_space<vmem>>
      %dma_wait3A_1080 = tpu.memref_squeeze %dma_wait3A_1079 : memref<1x64xi32, #tpu.memory_space<vmem>> -> memref<64xi32, #tpu.memory_space<vmem>>
      %dma_wait3A_1081 = tpu.memref_slice %arg2[%select_n3A_1049, %add3A_1068] : memref<50x4096xi32, #tpu.memory_space<hbm>> -> memref<1x64xi32, #tpu.memory_space<hbm>>
      %dma_wait3A_1082 = tpu.memref_squeeze %dma_wait3A_1081 : memref<1x64xi32, #tpu.memory_space<hbm>> -> memref<64xi32, #tpu.memory_space<hbm>>
      tpu.wait_dma2 semaphore(%dma_wait3A_1077 : memref<!tpu.dma_semaphore, #tpu.memory_space<semaphore_mem>>) src(%dma_wait3A_1082 : memref<64xi32, #tpu.memory_space<hbm>>) dst(%dma_wait3A_1080 : memref<64xi32, #tpu.memory_space<vmem>>)
      %gt3A_1083 = arith.constant 0 : i32
      %gt3A_1084 = arith.cmpi sgt, %scan3A_386, %gt3A_1083 : i32
      %convert_element_type3A_1085 = arith.extui %gt3A_1084 : i1 to i32
      %cond3A_1086 = arith.constant 0 : i32
      %cond3A_1087 = arith.cmpi ne, %convert_element_type3A_1085, %cond3A_1086 : i32
      scf.if %cond3A_1087 {
        %sub3A_2054 = arith.constant 1 : i32
        %sub3A_2055 = arith.subi %scan3A_386, %sub3A_2054 : i32
        %mul3A_2056 = arith.constant 10 : i32
        %mul3A_2057 = arith.muli %sub3A_2055, %mul3A_2056 : i32
        %add3A_2058 = arith.constant 8 : i32
        %add3A_2059 = arith.addi %mul3A_2057, %add3A_2058 : i32
        %jit3A_2060 = arith.constant 2 : i32
        %div3A_2061 = arith.divsi %add3A_2059, %jit3A_2060 : i32
        %sign3A_2062 = arith.constant 0 : i32
        %sign3A_2063 = arith.cmpi sgt, %add3A_2059, %sign3A_2062 : i32
        %sign3A_2064 = arith.extui %sign3A_2063 : i1 to i32
        %sign3A_2065 = arith.constant 0 : i32
        %sign3A_2066 = arith.cmpi slt, %add3A_2059, %sign3A_2065 : i32
        %sign3A_2067 = arith.extui %sign3A_2066 : i1 to i32
        %sign3A_2068 = arith.subi %sign3A_2064, %sign3A_2067 : i32
        %sign3A_2069 = arith.constant 0 : i32
        %sign3A_2070 = arith.cmpi sgt, %jit3A_2060, %sign3A_2069 : i32
        %sign3A_2071 = arith.extui %sign3A_2070 : i1 to i32
        %sign3A_2072 = arith.constant 0 : i32
        %sign3A_2073 = arith.cmpi slt, %jit3A_2060, %sign3A_2072 : i32
        %sign3A_2074 = arith.extui %sign3A_2073 : i1 to i32
        %sign3A_2075 = arith.subi %sign3A_2071, %sign3A_2074 : i32
        %ne3A_2076 = arith.cmpi ne, %sign3A_2068, %sign3A_2075 : i32
        %rem3A_2077 = arith.remsi %add3A_2059, %jit3A_2060 : i32
        %ne3A_2078 = arith.constant 0 : i32
        %ne3A_2079 = arith.cmpi ne, %rem3A_2077, %ne3A_2078 : i32
        %and3A_2080 = arith.andi %ne3A_2076, %ne3A_2079 : i1
        %sub3A_2081 = arith.constant 1 : i32
        %sub3A_2082 = arith.subi %div3A_2061, %sub3A_2081 : i32
        %select_n3A_2083 = arith.select %and3A_2080, %sub3A_2082, %div3A_2061 : i32
        %jit3A_2084 = arith.constant 2 : i32
        %eq3A_2085 = arith.constant 0 : i32
        %eq3A_2086 = arith.cmpi eq, %jit3A_2084, %eq3A_2085 : i32
        %jit3A_2087 = arith.constant 1 : i32
        %select_n3A_2088 = arith.select %eq3A_2086, %jit3A_2087, %jit3A_2084 : i32
        %rem3A_2089 = arith.remsi %add3A_2059, %select_n3A_2088 : i32
        %ne3A_2090 = arith.constant 0 : i32
        %ne3A_2091 = arith.cmpi ne, %rem3A_2089, %ne3A_2090 : i32
        %lt3A_2092 = arith.constant 0 : i32
        %lt3A_2093 = arith.cmpi slt, %rem3A_2089, %lt3A_2092 : i32
        %lt3A_2094 = arith.constant 0 : i32
        %lt3A_2095 = arith.cmpi slt, %select_n3A_2088, %lt3A_2094 : i32
        %ne3A_2096 = arith.xori %lt3A_2093, %lt3A_2095 : i1
        %and3A_2097 = arith.andi %ne3A_2096, %ne3A_2091 : i1
        %add3A_2098 = arith.addi %rem3A_2089, %select_n3A_2088 : i32
        %select_n3A_2099 = arith.select %and3A_2097, %add3A_2098, %rem3A_2089 : i32
        %mul3A_2100 = arith.constant 64 : i32
        %mul3A_2101 = arith.muli %select_n3A_2099, %mul3A_2100 : i32
        %add3A_2102 = arith.addi %mul3A_2, %mul3A_2101 : i32
        %dma_wait3A_2103 = arith.constant 8 : i32
        %dma_wait3A_2104 = arith.constant 8 : i32
        %dma_wait3A_2105 = arith.constant 0 : i32
        %dma_wait3A_2106 = arith.constant 0 : i32
        %dma_wait3A_2107 = tpu.memref_slice %arg6[%dma_wait3A_2103, %dma_wait3A_2105, %dma_wait3A_2106] : memref<10x64x128xf32, #tpu.memory_space<vmem>> -> memref<1x64x128xf32, #tpu.memory_space<vmem>>
        %dma_wait3A_2108 = tpu.memref_squeeze %dma_wait3A_2107 : memref<1x64x128xf32, #tpu.memory_space<vmem>> -> memref<64x128xf32, #tpu.memory_space<vmem>>
        %dma_wait3A_2109 = arith.constant 0 : i32
        %dma_wait3A_2110 = tpu.memref_slice %arg4[%select_n3A_2083, %add3A_2102, %dma_wait3A_2109] : memref<50x4096x128xf32, #tpu.memory_space<hbm>> -> memref<1x64x128xf32, #tpu.memory_space<hbm>>
        %dma_wait3A_2111 = tpu.memref_squeeze %dma_wait3A_2110 : memref<1x64x128xf32, #tpu.memory_space<hbm>> -> memref<64x128xf32, #tpu.memory_space<hbm>>
        %dma_wait3A_2112 = tpu.memref_slice %arg9[%dma_wait3A_2104] : memref<10x!tpu.dma_semaphore, #tpu.memory_space<semaphore_mem>> -> memref<1x!tpu.dma_semaphore, #tpu.memory_space<semaphore_mem>>
        %dma_wait3A_2113 = tpu.memref_squeeze %dma_wait3A_2112 : memref<1x!tpu.dma_semaphore, #tpu.memory_space<semaphore_mem>> -> memref<!tpu.dma_semaphore, #tpu.memory_space<semaphore_mem>>
        %dma_wait3A_2114 = arith.constant 0 : i32
        %dma_wait3A_2115 = tpu.memref_slice %arg4[%select_n3A_2083, %add3A_2102, %dma_wait3A_2114] : memref<50x4096x128xf32, #tpu.memory_space<hbm>> -> memref<1x64x128xf32, #tpu.memory_space<hbm>>
        %dma_wait3A_2116 = tpu.memref_squeeze %dma_wait3A_2115 : memref<1x64x128xf32, #tpu.memory_space<hbm>> -> memref<64x128xf32, #tpu.memory_space<hbm>>
        %dma_wait3A_2117 = arith.constant 0 : i32
        %dma_wait3A_2118 = arith.constant 0 : i32
        %dma_wait3A_2119 = tpu.memref_slice %arg6[%dma_wait3A_2103, %dma_wait3A_2117, %dma_wait3A_2118] : memref<10x64x128xf32, #tpu.memory_space<vmem>> -> memref<1x64x128xf32, #tpu.memory_space<vmem>>
        %dma_wait3A_2120 = tpu.memref_squeeze %dma_wait3A_2119 : memref<1x64x128xf32, #tpu.memory_space<vmem>> -> memref<64x128xf32, #tpu.memory_space<vmem>>
        tpu.wait_dma2 semaphore(%dma_wait3A_2113 : memref<!tpu.dma_semaphore, #tpu.memory_space<semaphore_mem>>) src(%dma_wait3A_2120 : memref<64x128xf32, #tpu.memory_space<vmem>>) dst(%dma_wait3A_2116 : memref<64x128xf32, #tpu.memory_space<hbm>>)
      } else {
      }
      %dma_start3A_1088 = arith.constant 8 : i32
      %dma_start3A_1089 = arith.constant 8 : i32
      %dma_start3A_1090 = arith.constant 8 : i32
      %dma_start3A_1091 = arith.constant 0 : i32
      %dma_start3A_1092 = arith.constant 0 : i32
      %dma_start3A_1093 = tpu.memref_slice %arg6[%dma_start3A_1089, %dma_start3A_1091, %dma_start3A_1092] : memref<10x64x128xf32, #tpu.memory_space<vmem>> -> memref<1x64x128xf32, #tpu.memory_space<vmem>>
      %dma_start3A_1094 = tpu.memref_squeeze %dma_start3A_1093 : memref<1x64x128xf32, #tpu.memory_space<vmem>> -> memref<64x128xf32, #tpu.memory_space<vmem>>
      %dma_start3A_1095 = arith.constant 0 : i32
      %dma_start3A_1096 = tpu.memref_slice %arg5[%dma_start3A_1088, %dma_start3A_1095] : memref<10x64xi32, #tpu.memory_space<vmem>> -> memref<1x64xi32, #tpu.memory_space<vmem>>
      %dma_start3A_1097 = tpu.memref_squeeze %dma_start3A_1096 : memref<1x64xi32, #tpu.memory_space<vmem>> -> memref<64xi32, #tpu.memory_space<vmem>>
      %dma_start3A_1098 = arith.constant 0 : i32
      %dma_start3A_1099 = arith.constant 0 : i32
      %dma_start3A_1100 = tpu.memref_slice %arg3[%dma_start3A_1098, %dma_start3A_1099] : memref<100000x128xf32, #tpu.memory_space<hbm>> -> memref<100000x128xf32, #tpu.memory_space<hbm>>
      %dma_start3A_1101 = tpu.memref_slice %arg8[%dma_start3A_1090] : memref<10x!tpu.dma_semaphore, #tpu.memory_space<semaphore_mem>> -> memref<1x!tpu.dma_semaphore, #tpu.memory_space<semaphore_mem>>
      %dma_start3A_1102 = tpu.memref_squeeze %dma_start3A_1101 : memref<1x!tpu.dma_semaphore, #tpu.memory_space<semaphore_mem>> -> memref<!tpu.dma_semaphore, #tpu.memory_space<semaphore_mem>>
      tpu.enqueue_indirect_dma source(%dma_start3A_1100 : memref<100000x128xf32, #tpu.memory_space<hbm>>) target(%dma_start3A_1094 : memref<64x128xf32, #tpu.memory_space<vmem>>) offsets(%dma_start3A_1097 : memref<64xi32, #tpu.memory_space<vmem>>) semaphore(%dma_start3A_1102 : memref<!tpu.dma_semaphore, #tpu.memory_space<semaphore_mem>>)
      %mul3A_1103 = arith.constant 10 : i32
      %mul3A_1104 = arith.muli %scan3A_386, %mul3A_1103 : i32
      %add3A_1105 = arith.constant 9 : i32
      %add3A_1106 = arith.addi %mul3A_1104, %add3A_1105 : i32
      %jit3A_1107 = arith.constant 2 : i32
      %div3A_1108 = arith.divsi %add3A_1106, %jit3A_1107 : i32
      %sign3A_1109 = arith.constant 0 : i32
      %sign3A_1110 = arith.cmpi sgt, %add3A_1106, %sign3A_1109 : i32
      %sign3A_1111 = arith.extui %sign3A_1110 : i1 to i32
      %sign3A_1112 = arith.constant 0 : i32
      %sign3A_1113 = arith.cmpi slt, %add3A_1106, %sign3A_1112 : i32
      %sign3A_1114 = arith.extui %sign3A_1113 : i1 to i32
      %sign3A_1115 = arith.subi %sign3A_1111, %sign3A_1114 : i32
      %sign3A_1116 = arith.constant 0 : i32
      %sign3A_1117 = arith.cmpi sgt, %jit3A_1107, %sign3A_1116 : i32
      %sign3A_1118 = arith.extui %sign3A_1117 : i1 to i32
      %sign3A_1119 = arith.constant 0 : i32
      %sign3A_1120 = arith.cmpi slt, %jit3A_1107, %sign3A_1119 : i32
      %sign3A_1121 = arith.extui %sign3A_1120 : i1 to i32
      %sign3A_1122 = arith.subi %sign3A_1118, %sign3A_1121 : i32
      %ne3A_1123 = arith.cmpi ne, %sign3A_1115, %sign3A_1122 : i32
      %rem3A_1124 = arith.remsi %add3A_1106, %jit3A_1107 : i32
      %ne3A_1125 = arith.constant 0 : i32
      %ne3A_1126 = arith.cmpi ne, %rem3A_1124, %ne3A_1125 : i32
      %and3A_1127 = arith.andi %ne3A_1123, %ne3A_1126 : i1
      %sub3A_1128 = arith.constant 1 : i32
      %sub3A_1129 = arith.subi %div3A_1108, %sub3A_1128 : i32
      %select_n3A_1130 = arith.select %and3A_1127, %sub3A_1129, %div3A_1108 : i32
      %jit3A_1131 = arith.constant 2 : i32
      %eq3A_1132 = arith.constant 0 : i32
      %eq3A_1133 = arith.cmpi eq, %jit3A_1131, %eq3A_1132 : i32
      %jit3A_1134 = arith.constant 1 : i32
      %select_n3A_1135 = arith.select %eq3A_1133, %jit3A_1134, %jit3A_1131 : i32
      %rem3A_1136 = arith.remsi %add3A_1106, %select_n3A_1135 : i32
      %ne3A_1137 = arith.constant 0 : i32
      %ne3A_1138 = arith.cmpi ne, %rem3A_1136, %ne3A_1137 : i32
      %lt3A_1139 = arith.constant 0 : i32
      %lt3A_1140 = arith.cmpi slt, %rem3A_1136, %lt3A_1139 : i32
      %lt3A_1141 = arith.constant 0 : i32
      %lt3A_1142 = arith.cmpi slt, %select_n3A_1135, %lt3A_1141 : i32
      %ne3A_1143 = arith.xori %lt3A_1140, %lt3A_1142 : i1
      %and3A_1144 = arith.andi %ne3A_1143, %ne3A_1138 : i1
      %add3A_1145 = arith.addi %rem3A_1136, %select_n3A_1135 : i32
      %select_n3A_1146 = arith.select %and3A_1144, %add3A_1145, %rem3A_1136 : i32
      %mul3A_1147 = arith.constant 64 : i32
      %mul3A_1148 = arith.muli %select_n3A_1146, %mul3A_1147 : i32
      %add3A_1149 = arith.addi %mul3A_2, %mul3A_1148 : i32
      %dma_wait3A_1150 = arith.constant 9 : i32
      %dma_wait3A_1151 = arith.constant 9 : i32
      %dma_wait3A_1152 = arith.constant 0 : i32
      %dma_wait3A_1153 = tpu.memref_slice %arg5[%dma_wait3A_1150, %dma_wait3A_1152] : memref<10x64xi32, #tpu.memory_space<vmem>> -> memref<1x64xi32, #tpu.memory_space<vmem>>
      %dma_wait3A_1154 = tpu.memref_squeeze %dma_wait3A_1153 : memref<1x64xi32, #tpu.memory_space<vmem>> -> memref<64xi32, #tpu.memory_space<vmem>>
      %dma_wait3A_1155 = tpu.memref_slice %arg2[%select_n3A_1130, %add3A_1149] : memref<50x4096xi32, #tpu.memory_space<hbm>> -> memref<1x64xi32, #tpu.memory_space<hbm>>
      %dma_wait3A_1156 = tpu.memref_squeeze %dma_wait3A_1155 : memref<1x64xi32, #tpu.memory_space<hbm>> -> memref<64xi32, #tpu.memory_space<hbm>>
      %dma_wait3A_1157 = tpu.memref_slice %arg7[%dma_wait3A_1151] : memref<10x!tpu.dma_semaphore, #tpu.memory_space<semaphore_mem>> -> memref<1x!tpu.dma_semaphore, #tpu.memory_space<semaphore_mem>>
      %dma_wait3A_1158 = tpu.memref_squeeze %dma_wait3A_1157 : memref<1x!tpu.dma_semaphore, #tpu.memory_space<semaphore_mem>> -> memref<!tpu.dma_semaphore, #tpu.memory_space<semaphore_mem>>
      %dma_wait3A_1159 = arith.constant 0 : i32
      %dma_wait3A_1160 = tpu.memref_slice %arg5[%dma_wait3A_1150, %dma_wait3A_1159] : memref<10x64xi32, #tpu.memory_space<vmem>> -> memref<1x64xi32, #tpu.memory_space<vmem>>
      %dma_wait3A_1161 = tpu.memref_squeeze %dma_wait3A_1160 : memref<1x64xi32, #tpu.memory_space<vmem>> -> memref<64xi32, #tpu.memory_space<vmem>>
      %dma_wait3A_1162 = tpu.memref_slice %arg2[%select_n3A_1130, %add3A_1149] : memref<50x4096xi32, #tpu.memory_space<hbm>> -> memref<1x64xi32, #tpu.memory_space<hbm>>
      %dma_wait3A_1163 = tpu.memref_squeeze %dma_wait3A_1162 : memref<1x64xi32, #tpu.memory_space<hbm>> -> memref<64xi32, #tpu.memory_space<hbm>>
      tpu.wait_dma2 semaphore(%dma_wait3A_1158 : memref<!tpu.dma_semaphore, #tpu.memory_space<semaphore_mem>>) src(%dma_wait3A_1163 : memref<64xi32, #tpu.memory_space<hbm>>) dst(%dma_wait3A_1161 : memref<64xi32, #tpu.memory_space<vmem>>)
      %gt3A_1164 = arith.constant 0 : i32
      %gt3A_1165 = arith.cmpi sgt, %scan3A_386, %gt3A_1164 : i32
      %convert_element_type3A_1166 = arith.extui %gt3A_1165 : i1 to i32
      %cond3A_1167 = arith.constant 0 : i32
      %cond3A_1168 = arith.cmpi ne, %convert_element_type3A_1166, %cond3A_1167 : i32
      scf.if %cond3A_1168 {
        %sub3A_2054 = arith.constant 1 : i32
        %sub3A_2055 = arith.subi %scan3A_386, %sub3A_2054 : i32
        %mul3A_2056 = arith.constant 10 : i32
        %mul3A_2057 = arith.muli %sub3A_2055, %mul3A_2056 : i32
        %add3A_2058 = arith.constant 9 : i32
        %add3A_2059 = arith.addi %mul3A_2057, %add3A_2058 : i32
        %jit3A_2060 = arith.constant 2 : i32
        %div3A_2061 = arith.divsi %add3A_2059, %jit3A_2060 : i32
        %sign3A_2062 = arith.constant 0 : i32
        %sign3A_2063 = arith.cmpi sgt, %add3A_2059, %sign3A_2062 : i32
        %sign3A_2064 = arith.extui %sign3A_2063 : i1 to i32
        %sign3A_2065 = arith.constant 0 : i32
        %sign3A_2066 = arith.cmpi slt, %add3A_2059, %sign3A_2065 : i32
        %sign3A_2067 = arith.extui %sign3A_2066 : i1 to i32
        %sign3A_2068 = arith.subi %sign3A_2064, %sign3A_2067 : i32
        %sign3A_2069 = arith.constant 0 : i32
        %sign3A_2070 = arith.cmpi sgt, %jit3A_2060, %sign3A_2069 : i32
        %sign3A_2071 = arith.extui %sign3A_2070 : i1 to i32
        %sign3A_2072 = arith.constant 0 : i32
        %sign3A_2073 = arith.cmpi slt, %jit3A_2060, %sign3A_2072 : i32
        %sign3A_2074 = arith.extui %sign3A_2073 : i1 to i32
        %sign3A_2075 = arith.subi %sign3A_2071, %sign3A_2074 : i32
        %ne3A_2076 = arith.cmpi ne, %sign3A_2068, %sign3A_2075 : i32
        %rem3A_2077 = arith.remsi %add3A_2059, %jit3A_2060 : i32
        %ne3A_2078 = arith.constant 0 : i32
        %ne3A_2079 = arith.cmpi ne, %rem3A_2077, %ne3A_2078 : i32
        %and3A_2080 = arith.andi %ne3A_2076, %ne3A_2079 : i1
        %sub3A_2081 = arith.constant 1 : i32
        %sub3A_2082 = arith.subi %div3A_2061, %sub3A_2081 : i32
        %select_n3A_2083 = arith.select %and3A_2080, %sub3A_2082, %div3A_2061 : i32
        %jit3A_2084 = arith.constant 2 : i32
        %eq3A_2085 = arith.constant 0 : i32
        %eq3A_2086 = arith.cmpi eq, %jit3A_2084, %eq3A_2085 : i32
        %jit3A_2087 = arith.constant 1 : i32
        %select_n3A_2088 = arith.select %eq3A_2086, %jit3A_2087, %jit3A_2084 : i32
        %rem3A_2089 = arith.remsi %add3A_2059, %select_n3A_2088 : i32
        %ne3A_2090 = arith.constant 0 : i32
        %ne3A_2091 = arith.cmpi ne, %rem3A_2089, %ne3A_2090 : i32
        %lt3A_2092 = arith.constant 0 : i32
        %lt3A_2093 = arith.cmpi slt, %rem3A_2089, %lt3A_2092 : i32
        %lt3A_2094 = arith.constant 0 : i32
        %lt3A_2095 = arith.cmpi slt, %select_n3A_2088, %lt3A_2094 : i32
        %ne3A_2096 = arith.xori %lt3A_2093, %lt3A_2095 : i1
        %and3A_2097 = arith.andi %ne3A_2096, %ne3A_2091 : i1
        %add3A_2098 = arith.addi %rem3A_2089, %select_n3A_2088 : i32
        %select_n3A_2099 = arith.select %and3A_2097, %add3A_2098, %rem3A_2089 : i32
        %mul3A_2100 = arith.constant 64 : i32
        %mul3A_2101 = arith.muli %select_n3A_2099, %mul3A_2100 : i32
        %add3A_2102 = arith.addi %mul3A_2, %mul3A_2101 : i32
        %dma_wait3A_2103 = arith.constant 9 : i32
        %dma_wait3A_2104 = arith.constant 9 : i32
        %dma_wait3A_2105 = arith.constant 0 : i32
        %dma_wait3A_2106 = arith.constant 0 : i32
        %dma_wait3A_2107 = tpu.memref_slice %arg6[%dma_wait3A_2103, %dma_wait3A_2105, %dma_wait3A_2106] : memref<10x64x128xf32, #tpu.memory_space<vmem>> -> memref<1x64x128xf32, #tpu.memory_space<vmem>>
        %dma_wait3A_2108 = tpu.memref_squeeze %dma_wait3A_2107 : memref<1x64x128xf32, #tpu.memory_space<vmem>> -> memref<64x128xf32, #tpu.memory_space<vmem>>
        %dma_wait3A_2109 = arith.constant 0 : i32
        %dma_wait3A_2110 = tpu.memref_slice %arg4[%select_n3A_2083, %add3A_2102, %dma_wait3A_2109] : memref<50x4096x128xf32, #tpu.memory_space<hbm>> -> memref<1x64x128xf32, #tpu.memory_space<hbm>>
        %dma_wait3A_2111 = tpu.memref_squeeze %dma_wait3A_2110 : memref<1x64x128xf32, #tpu.memory_space<hbm>> -> memref<64x128xf32, #tpu.memory_space<hbm>>
        %dma_wait3A_2112 = tpu.memref_slice %arg9[%dma_wait3A_2104] : memref<10x!tpu.dma_semaphore, #tpu.memory_space<semaphore_mem>> -> memref<1x!tpu.dma_semaphore, #tpu.memory_space<semaphore_mem>>
        %dma_wait3A_2113 = tpu.memref_squeeze %dma_wait3A_2112 : memref<1x!tpu.dma_semaphore, #tpu.memory_space<semaphore_mem>> -> memref<!tpu.dma_semaphore, #tpu.memory_space<semaphore_mem>>
        %dma_wait3A_2114 = arith.constant 0 : i32
        %dma_wait3A_2115 = tpu.memref_slice %arg4[%select_n3A_2083, %add3A_2102, %dma_wait3A_2114] : memref<50x4096x128xf32, #tpu.memory_space<hbm>> -> memref<1x64x128xf32, #tpu.memory_space<hbm>>
        %dma_wait3A_2116 = tpu.memref_squeeze %dma_wait3A_2115 : memref<1x64x128xf32, #tpu.memory_space<hbm>> -> memref<64x128xf32, #tpu.memory_space<hbm>>
        %dma_wait3A_2117 = arith.constant 0 : i32
        %dma_wait3A_2118 = arith.constant 0 : i32
        %dma_wait3A_2119 = tpu.memref_slice %arg6[%dma_wait3A_2103, %dma_wait3A_2117, %dma_wait3A_2118] : memref<10x64x128xf32, #tpu.memory_space<vmem>> -> memref<1x64x128xf32, #tpu.memory_space<vmem>>
        %dma_wait3A_2120 = tpu.memref_squeeze %dma_wait3A_2119 : memref<1x64x128xf32, #tpu.memory_space<vmem>> -> memref<64x128xf32, #tpu.memory_space<vmem>>
        tpu.wait_dma2 semaphore(%dma_wait3A_2113 : memref<!tpu.dma_semaphore, #tpu.memory_space<semaphore_mem>>) src(%dma_wait3A_2120 : memref<64x128xf32, #tpu.memory_space<vmem>>) dst(%dma_wait3A_2116 : memref<64x128xf32, #tpu.memory_space<hbm>>)
      } else {
      }
      %dma_start3A_1169 = arith.constant 9 : i32
      %dma_start3A_1170 = arith.constant 9 : i32
      %dma_start3A_1171 = arith.constant 9 : i32
      %dma_start3A_1172 = arith.constant 0 : i32
      %dma_start3A_1173 = arith.constant 0 : i32
      %dma_start3A_1174 = tpu.memref_slice %arg6[%dma_start3A_1170, %dma_start3A_1172, %dma_start3A_1173] : memref<10x64x128xf32, #tpu.memory_space<vmem>> -> memref<1x64x128xf32, #tpu.memory_space<vmem>>
      %dma_start3A_1175 = tpu.memref_squeeze %dma_start3A_1174 : memref<1x64x128xf32, #tpu.memory_space<vmem>> -> memref<64x128xf32, #tpu.memory_space<vmem>>
      %dma_start3A_1176 = arith.constant 0 : i32
      %dma_start3A_1177 = tpu.memref_slice %arg5[%dma_start3A_1169, %dma_start3A_1176] : memref<10x64xi32, #tpu.memory_space<vmem>> -> memref<1x64xi32, #tpu.memory_space<vmem>>
      %dma_start3A_1178 = tpu.memref_squeeze %dma_start3A_1177 : memref<1x64xi32, #tpu.memory_space<vmem>> -> memref<64xi32, #tpu.memory_space<vmem>>
      %dma_start3A_1179 = arith.constant 0 : i32
      %dma_start3A_1180 = arith.constant 0 : i32
      %dma_start3A_1181 = tpu.memref_slice %arg3[%dma_start3A_1179, %dma_start3A_1180] : memref<100000x128xf32, #tpu.memory_space<hbm>> -> memref<100000x128xf32, #tpu.memory_space<hbm>>
      %dma_start3A_1182 = tpu.memref_slice %arg8[%dma_start3A_1171] : memref<10x!tpu.dma_semaphore, #tpu.memory_space<semaphore_mem>> -> memref<1x!tpu.dma_semaphore, #tpu.memory_space<semaphore_mem>>
      %dma_start3A_1183 = tpu.memref_squeeze %dma_start3A_1182 : memref<1x!tpu.dma_semaphore, #tpu.memory_space<semaphore_mem>> -> memref<!tpu.dma_semaphore, #tpu.memory_space<semaphore_mem>>
      tpu.enqueue_indirect_dma source(%dma_start3A_1181 : memref<100000x128xf32, #tpu.memory_space<hbm>>) target(%dma_start3A_1175 : memref<64x128xf32, #tpu.memory_space<vmem>>) offsets(%dma_start3A_1178 : memref<64xi32, #tpu.memory_space<vmem>>) semaphore(%dma_start3A_1183 : memref<!tpu.dma_semaphore, #tpu.memory_space<semaphore_mem>>)
      %dma_wait3A_1184 = arith.constant 0 : i32
      %dma_wait3A_1185 = arith.constant 0 : i32
      %dma_wait3A_1186 = arith.constant 0 : i32
      %dma_wait3A_1187 = arith.constant 0 : i32
      %dma_wait3A_1188 = arith.constant 0 : i32
      %dma_wait3A_1189 = tpu.memref_slice %arg6[%dma_wait3A_1185, %dma_wait3A_1187, %dma_wait3A_1188] : memref<10x64x128xf32, #tpu.memory_space<vmem>> -> memref<1x64x128xf32, #tpu.memory_space<vmem>>
      %dma_wait3A_1190 = tpu.memref_squeeze %dma_wait3A_1189 : memref<1x64x128xf32, #tpu.memory_space<vmem>> -> memref<64x128xf32, #tpu.memory_space<vmem>>
      %dma_wait3A_1191 = arith.constant 0 : i32
      %dma_wait3A_1192 = tpu.memref_slice %arg5[%dma_wait3A_1184, %dma_wait3A_1191] : memref<10x64xi32, #tpu.memory_space<vmem>> -> memref<1x64xi32, #tpu.memory_space<vmem>>
      %dma_wait3A_1193 = tpu.memref_squeeze %dma_wait3A_1192 : memref<1x64xi32, #tpu.memory_space<vmem>> -> memref<64xi32, #tpu.memory_space<vmem>>
      %dma_wait3A_1194 = arith.constant 0 : i32
      %dma_wait3A_1195 = arith.constant 0 : i32
      %dma_wait3A_1196 = tpu.memref_slice %arg3[%dma_wait3A_1194, %dma_wait3A_1195] : memref<100000x128xf32, #tpu.memory_space<hbm>> -> memref<100000x128xf32, #tpu.memory_space<hbm>>
      %dma_wait3A_1197 = tpu.memref_slice %arg8[%dma_wait3A_1186] : memref<10x!tpu.dma_semaphore, #tpu.memory_space<semaphore_mem>> -> memref<1x!tpu.dma_semaphore, #tpu.memory_space<semaphore_mem>>
      %dma_wait3A_1198 = tpu.memref_squeeze %dma_wait3A_1197 : memref<1x!tpu.dma_semaphore, #tpu.memory_space<semaphore_mem>> -> memref<!tpu.dma_semaphore, #tpu.memory_space<semaphore_mem>>
      tpu.wait_indirect_dma semaphore(%dma_wait3A_1198 : memref<!tpu.dma_semaphore, #tpu.memory_space<semaphore_mem>>) src(%dma_wait3A_1196 : memref<100000x128xf32, #tpu.memory_space<hbm>>) dst(%dma_wait3A_1190 : memref<64x128xf32, #tpu.memory_space<vmem>>)
      %mul3A_1199 = arith.constant 10 : i32
      %mul3A_1200 = arith.muli %scan3A_386, %mul3A_1199 : i32
      %add3A_1201 = arith.constant 0 : i32
      %add3A_1202 = arith.addi %mul3A_1200, %add3A_1201 : i32
      %jit3A_1203 = arith.constant 2 : i32
      %div3A_1204 = arith.divsi %add3A_1202, %jit3A_1203 : i32
      %sign3A_1205 = arith.constant 0 : i32
      %sign3A_1206 = arith.cmpi sgt, %add3A_1202, %sign3A_1205 : i32
      %sign3A_1207 = arith.extui %sign3A_1206 : i1 to i32
      %sign3A_1208 = arith.constant 0 : i32
      %sign3A_1209 = arith.cmpi slt, %add3A_1202, %sign3A_1208 : i32
      %sign3A_1210 = arith.extui %sign3A_1209 : i1 to i32
      %sign3A_1211 = arith.subi %sign3A_1207, %sign3A_1210 : i32
      %sign3A_1212 = arith.constant 0 : i32
      %sign3A_1213 = arith.cmpi sgt, %jit3A_1203, %sign3A_1212 : i32
      %sign3A_1214 = arith.extui %sign3A_1213 : i1 to i32
      %sign3A_1215 = arith.constant 0 : i32
      %sign3A_1216 = arith.cmpi slt, %jit3A_1203, %sign3A_1215 : i32
      %sign3A_1217 = arith.extui %sign3A_1216 : i1 to i32
      %sign3A_1218 = arith.subi %sign3A_1214, %sign3A_1217 : i32
      %ne3A_1219 = arith.cmpi ne, %sign3A_1211, %sign3A_1218 : i32
      %rem3A_1220 = arith.remsi %add3A_1202, %jit3A_1203 : i32
      %ne3A_1221 = arith.constant 0 : i32
      %ne3A_1222 = arith.cmpi ne, %rem3A_1220, %ne3A_1221 : i32
      %and3A_1223 = arith.andi %ne3A_1219, %ne3A_1222 : i1
      %sub3A_1224 = arith.constant 1 : i32
      %sub3A_1225 = arith.subi %div3A_1204, %sub3A_1224 : i32
      %select_n3A_1226 = arith.select %and3A_1223, %sub3A_1225, %div3A_1204 : i32
      %jit3A_1227 = arith.constant 2 : i32
      %eq3A_1228 = arith.constant 0 : i32
      %eq3A_1229 = arith.cmpi eq, %jit3A_1227, %eq3A_1228 : i32
      %jit3A_1230 = arith.constant 1 : i32
      %select_n3A_1231 = arith.select %eq3A_1229, %jit3A_1230, %jit3A_1227 : i32
      %rem3A_1232 = arith.remsi %add3A_1202, %select_n3A_1231 : i32
      %ne3A_1233 = arith.constant 0 : i32
      %ne3A_1234 = arith.cmpi ne, %rem3A_1232, %ne3A_1233 : i32
      %lt3A_1235 = arith.constant 0 : i32
      %lt3A_1236 = arith.cmpi slt, %rem3A_1232, %lt3A_1235 : i32
      %lt3A_1237 = arith.constant 0 : i32
      %lt3A_1238 = arith.cmpi slt, %select_n3A_1231, %lt3A_1237 : i32
      %ne3A_1239 = arith.xori %lt3A_1236, %lt3A_1238 : i1
      %and3A_1240 = arith.andi %ne3A_1239, %ne3A_1234 : i1
      %add3A_1241 = arith.addi %rem3A_1232, %select_n3A_1231 : i32
      %select_n3A_1242 = arith.select %and3A_1240, %add3A_1241, %rem3A_1232 : i32
      %mul3A_1243 = arith.constant 64 : i32
      %mul3A_1244 = arith.muli %select_n3A_1242, %mul3A_1243 : i32
      %add3A_1245 = arith.addi %mul3A_2, %mul3A_1244 : i32
      %dma_start3A_1246 = arith.constant 0 : i32
      %dma_start3A_1247 = arith.constant 0 : i32
      %dma_start3A_1248 = arith.constant 0 : i32
      %dma_start3A_1249 = arith.constant 0 : i32
      %dma_start3A_1250 = tpu.memref_slice %arg6[%dma_start3A_1246, %dma_start3A_1248, %dma_start3A_1249] : memref<10x64x128xf32, #tpu.memory_space<vmem>> -> memref<1x64x128xf32, #tpu.memory_space<vmem>>
      %dma_start3A_1251 = tpu.memref_squeeze %dma_start3A_1250 : memref<1x64x128xf32, #tpu.memory_space<vmem>> -> memref<64x128xf32, #tpu.memory_space<vmem>>
      %dma_start3A_1252 = arith.constant 0 : i32
      %dma_start3A_1253 = tpu.memref_slice %arg4[%select_n3A_1226, %add3A_1245, %dma_start3A_1252] : memref<50x4096x128xf32, #tpu.memory_space<hbm>> -> memref<1x64x128xf32, #tpu.memory_space<hbm>>
      %dma_start3A_1254 = tpu.memref_squeeze %dma_start3A_1253 : memref<1x64x128xf32, #tpu.memory_space<hbm>> -> memref<64x128xf32, #tpu.memory_space<hbm>>
      %dma_start3A_1255 = tpu.memref_slice %arg9[%dma_start3A_1247] : memref<10x!tpu.dma_semaphore, #tpu.memory_space<semaphore_mem>> -> memref<1x!tpu.dma_semaphore, #tpu.memory_space<semaphore_mem>>
      %dma_start3A_1256 = tpu.memref_squeeze %dma_start3A_1255 : memref<1x!tpu.dma_semaphore, #tpu.memory_space<semaphore_mem>> -> memref<!tpu.dma_semaphore, #tpu.memory_space<semaphore_mem>>
      %dma_start3A_1257 = arith.constant 0 : i32
      %dma_start3A_1258 = tpu.memref_slice %arg4[%select_n3A_1226, %add3A_1245, %dma_start3A_1257] : memref<50x4096x128xf32, #tpu.memory_space<hbm>> -> memref<1x64x128xf32, #tpu.memory_space<hbm>>
      %dma_start3A_1259 = tpu.memref_squeeze %dma_start3A_1258 : memref<1x64x128xf32, #tpu.memory_space<hbm>> -> memref<64x128xf32, #tpu.memory_space<hbm>>
      %dma_start3A_1260 = arith.constant 0 : i32
      %dma_start3A_1261 = arith.constant 0 : i32
      %dma_start3A_1262 = tpu.memref_slice %arg6[%dma_start3A_1246, %dma_start3A_1260, %dma_start3A_1261] : memref<10x64x128xf32, #tpu.memory_space<vmem>> -> memref<1x64x128xf32, #tpu.memory_space<vmem>>
      %dma_start3A_1263 = tpu.memref_squeeze %dma_start3A_1262 : memref<1x64x128xf32, #tpu.memory_space<vmem>> -> memref<64x128xf32, #tpu.memory_space<vmem>>
      tpu.enqueue_dma source(%dma_start3A_1263 : memref<64x128xf32, #tpu.memory_space<vmem>>) target(%dma_start3A_1259 : memref<64x128xf32, #tpu.memory_space<hbm>>) target_semaphore(%dma_start3A_1256 : memref<!tpu.dma_semaphore, #tpu.memory_space<semaphore_mem>>)
      %add3A_1264 = arith.constant 1 : i32
      %add3A_1265 = arith.addi %scan3A_386, %add3A_1264 : i32
      %lt3A_1266 = arith.constant 10 : i32
      %lt3A_1267 = arith.cmpi slt, %add3A_1265, %lt3A_1266 : i32
      %convert_element_type3A_1268 = arith.extui %lt3A_1267 : i1 to i32
      %cond3A_1269 = arith.constant 0 : i32
      %cond3A_1270 = arith.cmpi ne, %convert_element_type3A_1268, %cond3A_1269 : i32
      scf.if %cond3A_1270 {
        %add3A_2054 = arith.constant 1 : i32
        %add3A_2055 = arith.addi %scan3A_386, %add3A_2054 : i32
        %mul3A_2056 = arith.constant 10 : i32
        %mul3A_2057 = arith.muli %add3A_2055, %mul3A_2056 : i32
        %add3A_2058 = arith.constant 0 : i32
        %add3A_2059 = arith.addi %mul3A_2057, %add3A_2058 : i32
        %jit3A_2060 = arith.constant 2 : i32
        %div3A_2061 = arith.divsi %add3A_2059, %jit3A_2060 : i32
        %sign3A_2062 = arith.constant 0 : i32
        %sign3A_2063 = arith.cmpi sgt, %add3A_2059, %sign3A_2062 : i32
        %sign3A_2064 = arith.extui %sign3A_2063 : i1 to i32
        %sign3A_2065 = arith.constant 0 : i32
        %sign3A_2066 = arith.cmpi slt, %add3A_2059, %sign3A_2065 : i32
        %sign3A_2067 = arith.extui %sign3A_2066 : i1 to i32
        %sign3A_2068 = arith.subi %sign3A_2064, %sign3A_2067 : i32
        %sign3A_2069 = arith.constant 0 : i32
        %sign3A_2070 = arith.cmpi sgt, %jit3A_2060, %sign3A_2069 : i32
        %sign3A_2071 = arith.extui %sign3A_2070 : i1 to i32
        %sign3A_2072 = arith.constant 0 : i32
        %sign3A_2073 = arith.cmpi slt, %jit3A_2060, %sign3A_2072 : i32
        %sign3A_2074 = arith.extui %sign3A_2073 : i1 to i32
        %sign3A_2075 = arith.subi %sign3A_2071, %sign3A_2074 : i32
        %ne3A_2076 = arith.cmpi ne, %sign3A_2068, %sign3A_2075 : i32
        %rem3A_2077 = arith.remsi %add3A_2059, %jit3A_2060 : i32
        %ne3A_2078 = arith.constant 0 : i32
        %ne3A_2079 = arith.cmpi ne, %rem3A_2077, %ne3A_2078 : i32
        %and3A_2080 = arith.andi %ne3A_2076, %ne3A_2079 : i1
        %sub3A_2081 = arith.constant 1 : i32
        %sub3A_2082 = arith.subi %div3A_2061, %sub3A_2081 : i32
        %select_n3A_2083 = arith.select %and3A_2080, %sub3A_2082, %div3A_2061 : i32
        %jit3A_2084 = arith.constant 2 : i32
        %eq3A_2085 = arith.constant 0 : i32
        %eq3A_2086 = arith.cmpi eq, %jit3A_2084, %eq3A_2085 : i32
        %jit3A_2087 = arith.constant 1 : i32
        %select_n3A_2088 = arith.select %eq3A_2086, %jit3A_2087, %jit3A_2084 : i32
        %rem3A_2089 = arith.remsi %add3A_2059, %select_n3A_2088 : i32
        %ne3A_2090 = arith.constant 0 : i32
        %ne3A_2091 = arith.cmpi ne, %rem3A_2089, %ne3A_2090 : i32
        %lt3A_2092 = arith.constant 0 : i32
        %lt3A_2093 = arith.cmpi slt, %rem3A_2089, %lt3A_2092 : i32
        %lt3A_2094 = arith.constant 0 : i32
        %lt3A_2095 = arith.cmpi slt, %select_n3A_2088, %lt3A_2094 : i32
        %ne3A_2096 = arith.xori %lt3A_2093, %lt3A_2095 : i1
        %and3A_2097 = arith.andi %ne3A_2096, %ne3A_2091 : i1
        %add3A_2098 = arith.addi %rem3A_2089, %select_n3A_2088 : i32
        %select_n3A_2099 = arith.select %and3A_2097, %add3A_2098, %rem3A_2089 : i32
        %mul3A_2100 = arith.constant 64 : i32
        %mul3A_2101 = arith.muli %select_n3A_2099, %mul3A_2100 : i32
        %add3A_2102 = arith.addi %mul3A_2, %mul3A_2101 : i32
        %dma_start3A_2103 = arith.constant 0 : i32
        %dma_start3A_2104 = arith.constant 0 : i32
        %dma_start3A_2105 = arith.constant 0 : i32
        %dma_start3A_2106 = tpu.memref_slice %arg5[%dma_start3A_2103, %dma_start3A_2105] : memref<10x64xi32, #tpu.memory_space<vmem>> -> memref<1x64xi32, #tpu.memory_space<vmem>>
        %dma_start3A_2107 = tpu.memref_squeeze %dma_start3A_2106 : memref<1x64xi32, #tpu.memory_space<vmem>> -> memref<64xi32, #tpu.memory_space<vmem>>
        %dma_start3A_2108 = tpu.memref_slice %arg2[%select_n3A_2083, %add3A_2102] : memref<50x4096xi32, #tpu.memory_space<hbm>> -> memref<1x64xi32, #tpu.memory_space<hbm>>
        %dma_start3A_2109 = tpu.memref_squeeze %dma_start3A_2108 : memref<1x64xi32, #tpu.memory_space<hbm>> -> memref<64xi32, #tpu.memory_space<hbm>>
        %dma_start3A_2110 = tpu.memref_slice %arg7[%dma_start3A_2104] : memref<10x!tpu.dma_semaphore, #tpu.memory_space<semaphore_mem>> -> memref<1x!tpu.dma_semaphore, #tpu.memory_space<semaphore_mem>>
        %dma_start3A_2111 = tpu.memref_squeeze %dma_start3A_2110 : memref<1x!tpu.dma_semaphore, #tpu.memory_space<semaphore_mem>> -> memref<!tpu.dma_semaphore, #tpu.memory_space<semaphore_mem>>
        %dma_start3A_2112 = arith.constant 0 : i32
        %dma_start3A_2113 = tpu.memref_slice %arg5[%dma_start3A_2103, %dma_start3A_2112] : memref<10x64xi32, #tpu.memory_space<vmem>> -> memref<1x64xi32, #tpu.memory_space<vmem>>
        %dma_start3A_2114 = tpu.memref_squeeze %dma_start3A_2113 : memref<1x64xi32, #tpu.memory_space<vmem>> -> memref<64xi32, #tpu.memory_space<vmem>>
        %dma_start3A_2115 = tpu.memref_slice %arg2[%select_n3A_2083, %add3A_2102] : memref<50x4096xi32, #tpu.memory_space<hbm>> -> memref<1x64xi32, #tpu.memory_space<hbm>>
        %dma_start3A_2116 = tpu.memref_squeeze %dma_start3A_2115 : memref<1x64xi32, #tpu.memory_space<hbm>> -> memref<64xi32, #tpu.memory_space<hbm>>
        tpu.enqueue_dma source(%dma_start3A_2116 : memref<64xi32, #tpu.memory_space<hbm>>) target(%dma_start3A_2114 : memref<64xi32, #tpu.memory_space<vmem>>) target_semaphore(%dma_start3A_2111 : memref<!tpu.dma_semaphore, #tpu.memory_space<semaphore_mem>>)
      } else {
      }
      %dma_wait3A_1271 = arith.constant 1 : i32
      %dma_wait3A_1272 = arith.constant 1 : i32
      %dma_wait3A_1273 = arith.constant 1 : i32
      %dma_wait3A_1274 = arith.constant 0 : i32
      %dma_wait3A_1275 = arith.constant 0 : i32
      %dma_wait3A_1276 = tpu.memref_slice %arg6[%dma_wait3A_1272, %dma_wait3A_1274, %dma_wait3A_1275] : memref<10x64x128xf32, #tpu.memory_space<vmem>> -> memref<1x64x128xf32, #tpu.memory_space<vmem>>
      %dma_wait3A_1277 = tpu.memref_squeeze %dma_wait3A_1276 : memref<1x64x128xf32, #tpu.memory_space<vmem>> -> memref<64x128xf32, #tpu.memory_space<vmem>>
      %dma_wait3A_1278 = arith.constant 0 : i32
      %dma_wait3A_1279 = tpu.memref_slice %arg5[%dma_wait3A_1271, %dma_wait3A_1278] : memref<10x64xi32, #tpu.memory_space<vmem>> -> memref<1x64xi32, #tpu.memory_space<vmem>>
      %dma_wait3A_1280 = tpu.memref_squeeze %dma_wait3A_1279 : memref<1x64xi32, #tpu.memory_space<vmem>> -> memref<64xi32, #tpu.memory_space<vmem>>
      %dma_wait3A_1281 = arith.constant 0 : i32
      %dma_wait3A_1282 = arith.constant 0 : i32
      %dma_wait3A_1283 = tpu.memref_slice %arg3[%dma_wait3A_1281, %dma_wait3A_1282] : memref<100000x128xf32, #tpu.memory_space<hbm>> -> memref<100000x128xf32, #tpu.memory_space<hbm>>
      %dma_wait3A_1284 = tpu.memref_slice %arg8[%dma_wait3A_1273] : memref<10x!tpu.dma_semaphore, #tpu.memory_space<semaphore_mem>> -> memref<1x!tpu.dma_semaphore, #tpu.memory_space<semaphore_mem>>
      %dma_wait3A_1285 = tpu.memref_squeeze %dma_wait3A_1284 : memref<1x!tpu.dma_semaphore, #tpu.memory_space<semaphore_mem>> -> memref<!tpu.dma_semaphore, #tpu.memory_space<semaphore_mem>>
      tpu.wait_indirect_dma semaphore(%dma_wait3A_1285 : memref<!tpu.dma_semaphore, #tpu.memory_space<semaphore_mem>>) src(%dma_wait3A_1283 : memref<100000x128xf32, #tpu.memory_space<hbm>>) dst(%dma_wait3A_1277 : memref<64x128xf32, #tpu.memory_space<vmem>>)
      %mul3A_1286 = arith.constant 10 : i32
      %mul3A_1287 = arith.muli %scan3A_386, %mul3A_1286 : i32
      %add3A_1288 = arith.constant 1 : i32
      %add3A_1289 = arith.addi %mul3A_1287, %add3A_1288 : i32
      %jit3A_1290 = arith.constant 2 : i32
      %div3A_1291 = arith.divsi %add3A_1289, %jit3A_1290 : i32
      %sign3A_1292 = arith.constant 0 : i32
      %sign3A_1293 = arith.cmpi sgt, %add3A_1289, %sign3A_1292 : i32
      %sign3A_1294 = arith.extui %sign3A_1293 : i1 to i32
      %sign3A_1295 = arith.constant 0 : i32
      %sign3A_1296 = arith.cmpi slt, %add3A_1289, %sign3A_1295 : i32
      %sign3A_1297 = arith.extui %sign3A_1296 : i1 to i32
      %sign3A_1298 = arith.subi %sign3A_1294, %sign3A_1297 : i32
      %sign3A_1299 = arith.constant 0 : i32
      %sign3A_1300 = arith.cmpi sgt, %jit3A_1290, %sign3A_1299 : i32
      %sign3A_1301 = arith.extui %sign3A_1300 : i1 to i32
      %sign3A_1302 = arith.constant 0 : i32
      %sign3A_1303 = arith.cmpi slt, %jit3A_1290, %sign3A_1302 : i32
      %sign3A_1304 = arith.extui %sign3A_1303 : i1 to i32
      %sign3A_1305 = arith.subi %sign3A_1301, %sign3A_1304 : i32
      %ne3A_1306 = arith.cmpi ne, %sign3A_1298, %sign3A_1305 : i32
      %rem3A_1307 = arith.remsi %add3A_1289, %jit3A_1290 : i32
      %ne3A_1308 = arith.constant 0 : i32
      %ne3A_1309 = arith.cmpi ne, %rem3A_1307, %ne3A_1308 : i32
      %and3A_1310 = arith.andi %ne3A_1306, %ne3A_1309 : i1
      %sub3A_1311 = arith.constant 1 : i32
      %sub3A_1312 = arith.subi %div3A_1291, %sub3A_1311 : i32
      %select_n3A_1313 = arith.select %and3A_1310, %sub3A_1312, %div3A_1291 : i32
      %jit3A_1314 = arith.constant 2 : i32
      %eq3A_1315 = arith.constant 0 : i32
      %eq3A_1316 = arith.cmpi eq, %jit3A_1314, %eq3A_1315 : i32
      %jit3A_1317 = arith.constant 1 : i32
      %select_n3A_1318 = arith.select %eq3A_1316, %jit3A_1317, %jit3A_1314 : i32
      %rem3A_1319 = arith.remsi %add3A_1289, %select_n3A_1318 : i32
      %ne3A_1320 = arith.constant 0 : i32
      %ne3A_1321 = arith.cmpi ne, %rem3A_1319, %ne3A_1320 : i32
      %lt3A_1322 = arith.constant 0 : i32
      %lt3A_1323 = arith.cmpi slt, %rem3A_1319, %lt3A_1322 : i32
      %lt3A_1324 = arith.constant 0 : i32
      %lt3A_1325 = arith.cmpi slt, %select_n3A_1318, %lt3A_1324 : i32
      %ne3A_1326 = arith.xori %lt3A_1323, %lt3A_1325 : i1
      %and3A_1327 = arith.andi %ne3A_1326, %ne3A_1321 : i1
      %add3A_1328 = arith.addi %rem3A_1319, %select_n3A_1318 : i32
      %select_n3A_1329 = arith.select %and3A_1327, %add3A_1328, %rem3A_1319 : i32
      %mul3A_1330 = arith.constant 64 : i32
      %mul3A_1331 = arith.muli %select_n3A_1329, %mul3A_1330 : i32
      %add3A_1332 = arith.addi %mul3A_2, %mul3A_1331 : i32
      %dma_start3A_1333 = arith.constant 1 : i32
      %dma_start3A_1334 = arith.constant 1 : i32
      %dma_start3A_1335 = arith.constant 0 : i32
      %dma_start3A_1336 = arith.constant 0 : i32
      %dma_start3A_1337 = tpu.memref_slice %arg6[%dma_start3A_1333, %dma_start3A_1335, %dma_start3A_1336] : memref<10x64x128xf32, #tpu.memory_space<vmem>> -> memref<1x64x128xf32, #tpu.memory_space<vmem>>
      %dma_start3A_1338 = tpu.memref_squeeze %dma_start3A_1337 : memref<1x64x128xf32, #tpu.memory_space<vmem>> -> memref<64x128xf32, #tpu.memory_space<vmem>>
      %dma_start3A_1339 = arith.constant 0 : i32
      %dma_start3A_1340 = tpu.memref_slice %arg4[%select_n3A_1313, %add3A_1332, %dma_start3A_1339] : memref<50x4096x128xf32, #tpu.memory_space<hbm>> -> memref<1x64x128xf32, #tpu.memory_space<hbm>>
      %dma_start3A_1341 = tpu.memref_squeeze %dma_start3A_1340 : memref<1x64x128xf32, #tpu.memory_space<hbm>> -> memref<64x128xf32, #tpu.memory_space<hbm>>
      %dma_start3A_1342 = tpu.memref_slice %arg9[%dma_start3A_1334] : memref<10x!tpu.dma_semaphore, #tpu.memory_space<semaphore_mem>> -> memref<1x!tpu.dma_semaphore, #tpu.memory_space<semaphore_mem>>
      %dma_start3A_1343 = tpu.memref_squeeze %dma_start3A_1342 : memref<1x!tpu.dma_semaphore, #tpu.memory_space<semaphore_mem>> -> memref<!tpu.dma_semaphore, #tpu.memory_space<semaphore_mem>>
      %dma_start3A_1344 = arith.constant 0 : i32
      %dma_start3A_1345 = tpu.memref_slice %arg4[%select_n3A_1313, %add3A_1332, %dma_start3A_1344] : memref<50x4096x128xf32, #tpu.memory_space<hbm>> -> memref<1x64x128xf32, #tpu.memory_space<hbm>>
      %dma_start3A_1346 = tpu.memref_squeeze %dma_start3A_1345 : memref<1x64x128xf32, #tpu.memory_space<hbm>> -> memref<64x128xf32, #tpu.memory_space<hbm>>
      %dma_start3A_1347 = arith.constant 0 : i32
      %dma_start3A_1348 = arith.constant 0 : i32
      %dma_start3A_1349 = tpu.memref_slice %arg6[%dma_start3A_1333, %dma_start3A_1347, %dma_start3A_1348] : memref<10x64x128xf32, #tpu.memory_space<vmem>> -> memref<1x64x128xf32, #tpu.memory_space<vmem>>
      %dma_start3A_1350 = tpu.memref_squeeze %dma_start3A_1349 : memref<1x64x128xf32, #tpu.memory_space<vmem>> -> memref<64x128xf32, #tpu.memory_space<vmem>>
      tpu.enqueue_dma source(%dma_start3A_1350 : memref<64x128xf32, #tpu.memory_space<vmem>>) target(%dma_start3A_1346 : memref<64x128xf32, #tpu.memory_space<hbm>>) target_semaphore(%dma_start3A_1343 : memref<!tpu.dma_semaphore, #tpu.memory_space<semaphore_mem>>)
      %add3A_1351 = arith.constant 1 : i32
      %add3A_1352 = arith.addi %scan3A_386, %add3A_1351 : i32
      %lt3A_1353 = arith.constant 10 : i32
      %lt3A_1354 = arith.cmpi slt, %add3A_1352, %lt3A_1353 : i32
      %convert_element_type3A_1355 = arith.extui %lt3A_1354 : i1 to i32
      %cond3A_1356 = arith.constant 0 : i32
      %cond3A_1357 = arith.cmpi ne, %convert_element_type3A_1355, %cond3A_1356 : i32
      scf.if %cond3A_1357 {
        %add3A_2054 = arith.constant 1 : i32
        %add3A_2055 = arith.addi %scan3A_386, %add3A_2054 : i32
        %mul3A_2056 = arith.constant 10 : i32
        %mul3A_2057 = arith.muli %add3A_2055, %mul3A_2056 : i32
        %add3A_2058 = arith.constant 1 : i32
        %add3A_2059 = arith.addi %mul3A_2057, %add3A_2058 : i32
        %jit3A_2060 = arith.constant 2 : i32
        %div3A_2061 = arith.divsi %add3A_2059, %jit3A_2060 : i32
        %sign3A_2062 = arith.constant 0 : i32
        %sign3A_2063 = arith.cmpi sgt, %add3A_2059, %sign3A_2062 : i32
        %sign3A_2064 = arith.extui %sign3A_2063 : i1 to i32
        %sign3A_2065 = arith.constant 0 : i32
        %sign3A_2066 = arith.cmpi slt, %add3A_2059, %sign3A_2065 : i32
        %sign3A_2067 = arith.extui %sign3A_2066 : i1 to i32
        %sign3A_2068 = arith.subi %sign3A_2064, %sign3A_2067 : i32
        %sign3A_2069 = arith.constant 0 : i32
        %sign3A_2070 = arith.cmpi sgt, %jit3A_2060, %sign3A_2069 : i32
        %sign3A_2071 = arith.extui %sign3A_2070 : i1 to i32
        %sign3A_2072 = arith.constant 0 : i32
        %sign3A_2073 = arith.cmpi slt, %jit3A_2060, %sign3A_2072 : i32
        %sign3A_2074 = arith.extui %sign3A_2073 : i1 to i32
        %sign3A_2075 = arith.subi %sign3A_2071, %sign3A_2074 : i32
        %ne3A_2076 = arith.cmpi ne, %sign3A_2068, %sign3A_2075 : i32
        %rem3A_2077 = arith.remsi %add3A_2059, %jit3A_2060 : i32
        %ne3A_2078 = arith.constant 0 : i32
        %ne3A_2079 = arith.cmpi ne, %rem3A_2077, %ne3A_2078 : i32
        %and3A_2080 = arith.andi %ne3A_2076, %ne3A_2079 : i1
        %sub3A_2081 = arith.constant 1 : i32
        %sub3A_2082 = arith.subi %div3A_2061, %sub3A_2081 : i32
        %select_n3A_2083 = arith.select %and3A_2080, %sub3A_2082, %div3A_2061 : i32
        %jit3A_2084 = arith.constant 2 : i32
        %eq3A_2085 = arith.constant 0 : i32
        %eq3A_2086 = arith.cmpi eq, %jit3A_2084, %eq3A_2085 : i32
        %jit3A_2087 = arith.constant 1 : i32
        %select_n3A_2088 = arith.select %eq3A_2086, %jit3A_2087, %jit3A_2084 : i32
        %rem3A_2089 = arith.remsi %add3A_2059, %select_n3A_2088 : i32
        %ne3A_2090 = arith.constant 0 : i32
        %ne3A_2091 = arith.cmpi ne, %rem3A_2089, %ne3A_2090 : i32
        %lt3A_2092 = arith.constant 0 : i32
        %lt3A_2093 = arith.cmpi slt, %rem3A_2089, %lt3A_2092 : i32
        %lt3A_2094 = arith.constant 0 : i32
        %lt3A_2095 = arith.cmpi slt, %select_n3A_2088, %lt3A_2094 : i32
        %ne3A_2096 = arith.xori %lt3A_2093, %lt3A_2095 : i1
        %and3A_2097 = arith.andi %ne3A_2096, %ne3A_2091 : i1
        %add3A_2098 = arith.addi %rem3A_2089, %select_n3A_2088 : i32
        %select_n3A_2099 = arith.select %and3A_2097, %add3A_2098, %rem3A_2089 : i32
        %mul3A_2100 = arith.constant 64 : i32
        %mul3A_2101 = arith.muli %select_n3A_2099, %mul3A_2100 : i32
        %add3A_2102 = arith.addi %mul3A_2, %mul3A_2101 : i32
        %dma_start3A_2103 = arith.constant 1 : i32
        %dma_start3A_2104 = arith.constant 1 : i32
        %dma_start3A_2105 = arith.constant 0 : i32
        %dma_start3A_2106 = tpu.memref_slice %arg5[%dma_start3A_2103, %dma_start3A_2105] : memref<10x64xi32, #tpu.memory_space<vmem>> -> memref<1x64xi32, #tpu.memory_space<vmem>>
        %dma_start3A_2107 = tpu.memref_squeeze %dma_start3A_2106 : memref<1x64xi32, #tpu.memory_space<vmem>> -> memref<64xi32, #tpu.memory_space<vmem>>
        %dma_start3A_2108 = tpu.memref_slice %arg2[%select_n3A_2083, %add3A_2102] : memref<50x4096xi32, #tpu.memory_space<hbm>> -> memref<1x64xi32, #tpu.memory_space<hbm>>
        %dma_start3A_2109 = tpu.memref_squeeze %dma_start3A_2108 : memref<1x64xi32, #tpu.memory_space<hbm>> -> memref<64xi32, #tpu.memory_space<hbm>>
        %dma_start3A_2110 = tpu.memref_slice %arg7[%dma_start3A_2104] : memref<10x!tpu.dma_semaphore, #tpu.memory_space<semaphore_mem>> -> memref<1x!tpu.dma_semaphore, #tpu.memory_space<semaphore_mem>>
        %dma_start3A_2111 = tpu.memref_squeeze %dma_start3A_2110 : memref<1x!tpu.dma_semaphore, #tpu.memory_space<semaphore_mem>> -> memref<!tpu.dma_semaphore, #tpu.memory_space<semaphore_mem>>
        %dma_start3A_2112 = arith.constant 0 : i32
        %dma_start3A_2113 = tpu.memref_slice %arg5[%dma_start3A_2103, %dma_start3A_2112] : memref<10x64xi32, #tpu.memory_space<vmem>> -> memref<1x64xi32, #tpu.memory_space<vmem>>
        %dma_start3A_2114 = tpu.memref_squeeze %dma_start3A_2113 : memref<1x64xi32, #tpu.memory_space<vmem>> -> memref<64xi32, #tpu.memory_space<vmem>>
        %dma_start3A_2115 = tpu.memref_slice %arg2[%select_n3A_2083, %add3A_2102] : memref<50x4096xi32, #tpu.memory_space<hbm>> -> memref<1x64xi32, #tpu.memory_space<hbm>>
        %dma_start3A_2116 = tpu.memref_squeeze %dma_start3A_2115 : memref<1x64xi32, #tpu.memory_space<hbm>> -> memref<64xi32, #tpu.memory_space<hbm>>
        tpu.enqueue_dma source(%dma_start3A_2116 : memref<64xi32, #tpu.memory_space<hbm>>) target(%dma_start3A_2114 : memref<64xi32, #tpu.memory_space<vmem>>) target_semaphore(%dma_start3A_2111 : memref<!tpu.dma_semaphore, #tpu.memory_space<semaphore_mem>>)
      } else {
      }
      %dma_wait3A_1358 = arith.constant 2 : i32
      %dma_wait3A_1359 = arith.constant 2 : i32
      %dma_wait3A_1360 = arith.constant 2 : i32
      %dma_wait3A_1361 = arith.constant 0 : i32
      %dma_wait3A_1362 = arith.constant 0 : i32
      %dma_wait3A_1363 = tpu.memref_slice %arg6[%dma_wait3A_1359, %dma_wait3A_1361, %dma_wait3A_1362] : memref<10x64x128xf32, #tpu.memory_space<vmem>> -> memref<1x64x128xf32, #tpu.memory_space<vmem>>
      %dma_wait3A_1364 = tpu.memref_squeeze %dma_wait3A_1363 : memref<1x64x128xf32, #tpu.memory_space<vmem>> -> memref<64x128xf32, #tpu.memory_space<vmem>>
      %dma_wait3A_1365 = arith.constant 0 : i32
      %dma_wait3A_1366 = tpu.memref_slice %arg5[%dma_wait3A_1358, %dma_wait3A_1365] : memref<10x64xi32, #tpu.memory_space<vmem>> -> memref<1x64xi32, #tpu.memory_space<vmem>>
      %dma_wait3A_1367 = tpu.memref_squeeze %dma_wait3A_1366 : memref<1x64xi32, #tpu.memory_space<vmem>> -> memref<64xi32, #tpu.memory_space<vmem>>
      %dma_wait3A_1368 = arith.constant 0 : i32
      %dma_wait3A_1369 = arith.constant 0 : i32
      %dma_wait3A_1370 = tpu.memref_slice %arg3[%dma_wait3A_1368, %dma_wait3A_1369] : memref<100000x128xf32, #tpu.memory_space<hbm>> -> memref<100000x128xf32, #tpu.memory_space<hbm>>
      %dma_wait3A_1371 = tpu.memref_slice %arg8[%dma_wait3A_1360] : memref<10x!tpu.dma_semaphore, #tpu.memory_space<semaphore_mem>> -> memref<1x!tpu.dma_semaphore, #tpu.memory_space<semaphore_mem>>
      %dma_wait3A_1372 = tpu.memref_squeeze %dma_wait3A_1371 : memref<1x!tpu.dma_semaphore, #tpu.memory_space<semaphore_mem>> -> memref<!tpu.dma_semaphore, #tpu.memory_space<semaphore_mem>>
      tpu.wait_indirect_dma semaphore(%dma_wait3A_1372 : memref<!tpu.dma_semaphore, #tpu.memory_space<semaphore_mem>>) src(%dma_wait3A_1370 : memref<100000x128xf32, #tpu.memory_space<hbm>>) dst(%dma_wait3A_1364 : memref<64x128xf32, #tpu.memory_space<vmem>>)
      %mul3A_1373 = arith.constant 10 : i32
      %mul3A_1374 = arith.muli %scan3A_386, %mul3A_1373 : i32
      %add3A_1375 = arith.constant 2 : i32
      %add3A_1376 = arith.addi %mul3A_1374, %add3A_1375 : i32
      %jit3A_1377 = arith.constant 2 : i32
      %div3A_1378 = arith.divsi %add3A_1376, %jit3A_1377 : i32
      %sign3A_1379 = arith.constant 0 : i32
      %sign3A_1380 = arith.cmpi sgt, %add3A_1376, %sign3A_1379 : i32
      %sign3A_1381 = arith.extui %sign3A_1380 : i1 to i32
      %sign3A_1382 = arith.constant 0 : i32
      %sign3A_1383 = arith.cmpi slt, %add3A_1376, %sign3A_1382 : i32
      %sign3A_1384 = arith.extui %sign3A_1383 : i1 to i32
      %sign3A_1385 = arith.subi %sign3A_1381, %sign3A_1384 : i32
      %sign3A_1386 = arith.constant 0 : i32
      %sign3A_1387 = arith.cmpi sgt, %jit3A_1377, %sign3A_1386 : i32
      %sign3A_1388 = arith.extui %sign3A_1387 : i1 to i32
      %sign3A_1389 = arith.constant 0 : i32
      %sign3A_1390 = arith.cmpi slt, %jit3A_1377, %sign3A_1389 : i32
      %sign3A_1391 = arith.extui %sign3A_1390 : i1 to i32
      %sign3A_1392 = arith.subi %sign3A_1388, %sign3A_1391 : i32
      %ne3A_1393 = arith.cmpi ne, %sign3A_1385, %sign3A_1392 : i32
      %rem3A_1394 = arith.remsi %add3A_1376, %jit3A_1377 : i32
      %ne3A_1395 = arith.constant 0 : i32
      %ne3A_1396 = arith.cmpi ne, %rem3A_1394, %ne3A_1395 : i32
      %and3A_1397 = arith.andi %ne3A_1393, %ne3A_1396 : i1
      %sub3A_1398 = arith.constant 1 : i32
      %sub3A_1399 = arith.subi %div3A_1378, %sub3A_1398 : i32
      %select_n3A_1400 = arith.select %and3A_1397, %sub3A_1399, %div3A_1378 : i32
      %jit3A_1401 = arith.constant 2 : i32
      %eq3A_1402 = arith.constant 0 : i32
      %eq3A_1403 = arith.cmpi eq, %jit3A_1401, %eq3A_1402 : i32
      %jit3A_1404 = arith.constant 1 : i32
      %select_n3A_1405 = arith.select %eq3A_1403, %jit3A_1404, %jit3A_1401 : i32
      %rem3A_1406 = arith.remsi %add3A_1376, %select_n3A_1405 : i32
      %ne3A_1407 = arith.constant 0 : i32
      %ne3A_1408 = arith.cmpi ne, %rem3A_1406, %ne3A_1407 : i32
      %lt3A_1409 = arith.constant 0 : i32
      %lt3A_1410 = arith.cmpi slt, %rem3A_1406, %lt3A_1409 : i32
      %lt3A_1411 = arith.constant 0 : i32
      %lt3A_1412 = arith.cmpi slt, %select_n3A_1405, %lt3A_1411 : i32
      %ne3A_1413 = arith.xori %lt3A_1410, %lt3A_1412 : i1
      %and3A_1414 = arith.andi %ne3A_1413, %ne3A_1408 : i1
      %add3A_1415 = arith.addi %rem3A_1406, %select_n3A_1405 : i32
      %select_n3A_1416 = arith.select %and3A_1414, %add3A_1415, %rem3A_1406 : i32
      %mul3A_1417 = arith.constant 64 : i32
      %mul3A_1418 = arith.muli %select_n3A_1416, %mul3A_1417 : i32
      %add3A_1419 = arith.addi %mul3A_2, %mul3A_1418 : i32
      %dma_start3A_1420 = arith.constant 2 : i32
      %dma_start3A_1421 = arith.constant 2 : i32
      %dma_start3A_1422 = arith.constant 0 : i32
      %dma_start3A_1423 = arith.constant 0 : i32
      %dma_start3A_1424 = tpu.memref_slice %arg6[%dma_start3A_1420, %dma_start3A_1422, %dma_start3A_1423] : memref<10x64x128xf32, #tpu.memory_space<vmem>> -> memref<1x64x128xf32, #tpu.memory_space<vmem>>
      %dma_start3A_1425 = tpu.memref_squeeze %dma_start3A_1424 : memref<1x64x128xf32, #tpu.memory_space<vmem>> -> memref<64x128xf32, #tpu.memory_space<vmem>>
      %dma_start3A_1426 = arith.constant 0 : i32
      %dma_start3A_1427 = tpu.memref_slice %arg4[%select_n3A_1400, %add3A_1419, %dma_start3A_1426] : memref<50x4096x128xf32, #tpu.memory_space<hbm>> -> memref<1x64x128xf32, #tpu.memory_space<hbm>>
      %dma_start3A_1428 = tpu.memref_squeeze %dma_start3A_1427 : memref<1x64x128xf32, #tpu.memory_space<hbm>> -> memref<64x128xf32, #tpu.memory_space<hbm>>
      %dma_start3A_1429 = tpu.memref_slice %arg9[%dma_start3A_1421] : memref<10x!tpu.dma_semaphore, #tpu.memory_space<semaphore_mem>> -> memref<1x!tpu.dma_semaphore, #tpu.memory_space<semaphore_mem>>
      %dma_start3A_1430 = tpu.memref_squeeze %dma_start3A_1429 : memref<1x!tpu.dma_semaphore, #tpu.memory_space<semaphore_mem>> -> memref<!tpu.dma_semaphore, #tpu.memory_space<semaphore_mem>>
      %dma_start3A_1431 = arith.constant 0 : i32
      %dma_start3A_1432 = tpu.memref_slice %arg4[%select_n3A_1400, %add3A_1419, %dma_start3A_1431] : memref<50x4096x128xf32, #tpu.memory_space<hbm>> -> memref<1x64x128xf32, #tpu.memory_space<hbm>>
      %dma_start3A_1433 = tpu.memref_squeeze %dma_start3A_1432 : memref<1x64x128xf32, #tpu.memory_space<hbm>> -> memref<64x128xf32, #tpu.memory_space<hbm>>
      %dma_start3A_1434 = arith.constant 0 : i32
      %dma_start3A_1435 = arith.constant 0 : i32
      %dma_start3A_1436 = tpu.memref_slice %arg6[%dma_start3A_1420, %dma_start3A_1434, %dma_start3A_1435] : memref<10x64x128xf32, #tpu.memory_space<vmem>> -> memref<1x64x128xf32, #tpu.memory_space<vmem>>
      %dma_start3A_1437 = tpu.memref_squeeze %dma_start3A_1436 : memref<1x64x128xf32, #tpu.memory_space<vmem>> -> memref<64x128xf32, #tpu.memory_space<vmem>>
      tpu.enqueue_dma source(%dma_start3A_1437 : memref<64x128xf32, #tpu.memory_space<vmem>>) target(%dma_start3A_1433 : memref<64x128xf32, #tpu.memory_space<hbm>>) target_semaphore(%dma_start3A_1430 : memref<!tpu.dma_semaphore, #tpu.memory_space<semaphore_mem>>)
      %add3A_1438 = arith.constant 1 : i32
      %add3A_1439 = arith.addi %scan3A_386, %add3A_1438 : i32
      %lt3A_1440 = arith.constant 10 : i32
      %lt3A_1441 = arith.cmpi slt, %add3A_1439, %lt3A_1440 : i32
      %convert_element_type3A_1442 = arith.extui %lt3A_1441 : i1 to i32
      %cond3A_1443 = arith.constant 0 : i32
      %cond3A_1444 = arith.cmpi ne, %convert_element_type3A_1442, %cond3A_1443 : i32
      scf.if %cond3A_1444 {
        %add3A_2054 = arith.constant 1 : i32
        %add3A_2055 = arith.addi %scan3A_386, %add3A_2054 : i32
        %mul3A_2056 = arith.constant 10 : i32
        %mul3A_2057 = arith.muli %add3A_2055, %mul3A_2056 : i32
        %add3A_2058 = arith.constant 2 : i32
        %add3A_2059 = arith.addi %mul3A_2057, %add3A_2058 : i32
        %jit3A_2060 = arith.constant 2 : i32
        %div3A_2061 = arith.divsi %add3A_2059, %jit3A_2060 : i32
        %sign3A_2062 = arith.constant 0 : i32
        %sign3A_2063 = arith.cmpi sgt, %add3A_2059, %sign3A_2062 : i32
        %sign3A_2064 = arith.extui %sign3A_2063 : i1 to i32
        %sign3A_2065 = arith.constant 0 : i32
        %sign3A_2066 = arith.cmpi slt, %add3A_2059, %sign3A_2065 : i32
        %sign3A_2067 = arith.extui %sign3A_2066 : i1 to i32
        %sign3A_2068 = arith.subi %sign3A_2064, %sign3A_2067 : i32
        %sign3A_2069 = arith.constant 0 : i32
        %sign3A_2070 = arith.cmpi sgt, %jit3A_2060, %sign3A_2069 : i32
        %sign3A_2071 = arith.extui %sign3A_2070 : i1 to i32
        %sign3A_2072 = arith.constant 0 : i32
        %sign3A_2073 = arith.cmpi slt, %jit3A_2060, %sign3A_2072 : i32
        %sign3A_2074 = arith.extui %sign3A_2073 : i1 to i32
        %sign3A_2075 = arith.subi %sign3A_2071, %sign3A_2074 : i32
        %ne3A_2076 = arith.cmpi ne, %sign3A_2068, %sign3A_2075 : i32
        %rem3A_2077 = arith.remsi %add3A_2059, %jit3A_2060 : i32
        %ne3A_2078 = arith.constant 0 : i32
        %ne3A_2079 = arith.cmpi ne, %rem3A_2077, %ne3A_2078 : i32
        %and3A_2080 = arith.andi %ne3A_2076, %ne3A_2079 : i1
        %sub3A_2081 = arith.constant 1 : i32
        %sub3A_2082 = arith.subi %div3A_2061, %sub3A_2081 : i32
        %select_n3A_2083 = arith.select %and3A_2080, %sub3A_2082, %div3A_2061 : i32
        %jit3A_2084 = arith.constant 2 : i32
        %eq3A_2085 = arith.constant 0 : i32
        %eq3A_2086 = arith.cmpi eq, %jit3A_2084, %eq3A_2085 : i32
        %jit3A_2087 = arith.constant 1 : i32
        %select_n3A_2088 = arith.select %eq3A_2086, %jit3A_2087, %jit3A_2084 : i32
        %rem3A_2089 = arith.remsi %add3A_2059, %select_n3A_2088 : i32
        %ne3A_2090 = arith.constant 0 : i32
        %ne3A_2091 = arith.cmpi ne, %rem3A_2089, %ne3A_2090 : i32
        %lt3A_2092 = arith.constant 0 : i32
        %lt3A_2093 = arith.cmpi slt, %rem3A_2089, %lt3A_2092 : i32
        %lt3A_2094 = arith.constant 0 : i32
        %lt3A_2095 = arith.cmpi slt, %select_n3A_2088, %lt3A_2094 : i32
        %ne3A_2096 = arith.xori %lt3A_2093, %lt3A_2095 : i1
        %and3A_2097 = arith.andi %ne3A_2096, %ne3A_2091 : i1
        %add3A_2098 = arith.addi %rem3A_2089, %select_n3A_2088 : i32
        %select_n3A_2099 = arith.select %and3A_2097, %add3A_2098, %rem3A_2089 : i32
        %mul3A_2100 = arith.constant 64 : i32
        %mul3A_2101 = arith.muli %select_n3A_2099, %mul3A_2100 : i32
        %add3A_2102 = arith.addi %mul3A_2, %mul3A_2101 : i32
        %dma_start3A_2103 = arith.constant 2 : i32
        %dma_start3A_2104 = arith.constant 2 : i32
        %dma_start3A_2105 = arith.constant 0 : i32
        %dma_start3A_2106 = tpu.memref_slice %arg5[%dma_start3A_2103, %dma_start3A_2105] : memref<10x64xi32, #tpu.memory_space<vmem>> -> memref<1x64xi32, #tpu.memory_space<vmem>>
        %dma_start3A_2107 = tpu.memref_squeeze %dma_start3A_2106 : memref<1x64xi32, #tpu.memory_space<vmem>> -> memref<64xi32, #tpu.memory_space<vmem>>
        %dma_start3A_2108 = tpu.memref_slice %arg2[%select_n3A_2083, %add3A_2102] : memref<50x4096xi32, #tpu.memory_space<hbm>> -> memref<1x64xi32, #tpu.memory_space<hbm>>
        %dma_start3A_2109 = tpu.memref_squeeze %dma_start3A_2108 : memref<1x64xi32, #tpu.memory_space<hbm>> -> memref<64xi32, #tpu.memory_space<hbm>>
        %dma_start3A_2110 = tpu.memref_slice %arg7[%dma_start3A_2104] : memref<10x!tpu.dma_semaphore, #tpu.memory_space<semaphore_mem>> -> memref<1x!tpu.dma_semaphore, #tpu.memory_space<semaphore_mem>>
        %dma_start3A_2111 = tpu.memref_squeeze %dma_start3A_2110 : memref<1x!tpu.dma_semaphore, #tpu.memory_space<semaphore_mem>> -> memref<!tpu.dma_semaphore, #tpu.memory_space<semaphore_mem>>
        %dma_start3A_2112 = arith.constant 0 : i32
        %dma_start3A_2113 = tpu.memref_slice %arg5[%dma_start3A_2103, %dma_start3A_2112] : memref<10x64xi32, #tpu.memory_space<vmem>> -> memref<1x64xi32, #tpu.memory_space<vmem>>
        %dma_start3A_2114 = tpu.memref_squeeze %dma_start3A_2113 : memref<1x64xi32, #tpu.memory_space<vmem>> -> memref<64xi32, #tpu.memory_space<vmem>>
        %dma_start3A_2115 = tpu.memref_slice %arg2[%select_n3A_2083, %add3A_2102] : memref<50x4096xi32, #tpu.memory_space<hbm>> -> memref<1x64xi32, #tpu.memory_space<hbm>>
        %dma_start3A_2116 = tpu.memref_squeeze %dma_start3A_2115 : memref<1x64xi32, #tpu.memory_space<hbm>> -> memref<64xi32, #tpu.memory_space<hbm>>
        tpu.enqueue_dma source(%dma_start3A_2116 : memref<64xi32, #tpu.memory_space<hbm>>) target(%dma_start3A_2114 : memref<64xi32, #tpu.memory_space<vmem>>) target_semaphore(%dma_start3A_2111 : memref<!tpu.dma_semaphore, #tpu.memory_space<semaphore_mem>>)
      } else {
      }
      %dma_wait3A_1445 = arith.constant 3 : i32
      %dma_wait3A_1446 = arith.constant 3 : i32
      %dma_wait3A_1447 = arith.constant 3 : i32
      %dma_wait3A_1448 = arith.constant 0 : i32
      %dma_wait3A_1449 = arith.constant 0 : i32
      %dma_wait3A_1450 = tpu.memref_slice %arg6[%dma_wait3A_1446, %dma_wait3A_1448, %dma_wait3A_1449] : memref<10x64x128xf32, #tpu.memory_space<vmem>> -> memref<1x64x128xf32, #tpu.memory_space<vmem>>
      %dma_wait3A_1451 = tpu.memref_squeeze %dma_wait3A_1450 : memref<1x64x128xf32, #tpu.memory_space<vmem>> -> memref<64x128xf32, #tpu.memory_space<vmem>>
      %dma_wait3A_1452 = arith.constant 0 : i32
      %dma_wait3A_1453 = tpu.memref_slice %arg5[%dma_wait3A_1445, %dma_wait3A_1452] : memref<10x64xi32, #tpu.memory_space<vmem>> -> memref<1x64xi32, #tpu.memory_space<vmem>>
      %dma_wait3A_1454 = tpu.memref_squeeze %dma_wait3A_1453 : memref<1x64xi32, #tpu.memory_space<vmem>> -> memref<64xi32, #tpu.memory_space<vmem>>
      %dma_wait3A_1455 = arith.constant 0 : i32
      %dma_wait3A_1456 = arith.constant 0 : i32
      %dma_wait3A_1457 = tpu.memref_slice %arg3[%dma_wait3A_1455, %dma_wait3A_1456] : memref<100000x128xf32, #tpu.memory_space<hbm>> -> memref<100000x128xf32, #tpu.memory_space<hbm>>
      %dma_wait3A_1458 = tpu.memref_slice %arg8[%dma_wait3A_1447] : memref<10x!tpu.dma_semaphore, #tpu.memory_space<semaphore_mem>> -> memref<1x!tpu.dma_semaphore, #tpu.memory_space<semaphore_mem>>
      %dma_wait3A_1459 = tpu.memref_squeeze %dma_wait3A_1458 : memref<1x!tpu.dma_semaphore, #tpu.memory_space<semaphore_mem>> -> memref<!tpu.dma_semaphore, #tpu.memory_space<semaphore_mem>>
      tpu.wait_indirect_dma semaphore(%dma_wait3A_1459 : memref<!tpu.dma_semaphore, #tpu.memory_space<semaphore_mem>>) src(%dma_wait3A_1457 : memref<100000x128xf32, #tpu.memory_space<hbm>>) dst(%dma_wait3A_1451 : memref<64x128xf32, #tpu.memory_space<vmem>>)
      %mul3A_1460 = arith.constant 10 : i32
      %mul3A_1461 = arith.muli %scan3A_386, %mul3A_1460 : i32
      %add3A_1462 = arith.constant 3 : i32
      %add3A_1463 = arith.addi %mul3A_1461, %add3A_1462 : i32
      %jit3A_1464 = arith.constant 2 : i32
      %div3A_1465 = arith.divsi %add3A_1463, %jit3A_1464 : i32
      %sign3A_1466 = arith.constant 0 : i32
      %sign3A_1467 = arith.cmpi sgt, %add3A_1463, %sign3A_1466 : i32
      %sign3A_1468 = arith.extui %sign3A_1467 : i1 to i32
      %sign3A_1469 = arith.constant 0 : i32
      %sign3A_1470 = arith.cmpi slt, %add3A_1463, %sign3A_1469 : i32
      %sign3A_1471 = arith.extui %sign3A_1470 : i1 to i32
      %sign3A_1472 = arith.subi %sign3A_1468, %sign3A_1471 : i32
      %sign3A_1473 = arith.constant 0 : i32
      %sign3A_1474 = arith.cmpi sgt, %jit3A_1464, %sign3A_1473 : i32
      %sign3A_1475 = arith.extui %sign3A_1474 : i1 to i32
      %sign3A_1476 = arith.constant 0 : i32
      %sign3A_1477 = arith.cmpi slt, %jit3A_1464, %sign3A_1476 : i32
      %sign3A_1478 = arith.extui %sign3A_1477 : i1 to i32
      %sign3A_1479 = arith.subi %sign3A_1475, %sign3A_1478 : i32
      %ne3A_1480 = arith.cmpi ne, %sign3A_1472, %sign3A_1479 : i32
      %rem3A_1481 = arith.remsi %add3A_1463, %jit3A_1464 : i32
      %ne3A_1482 = arith.constant 0 : i32
      %ne3A_1483 = arith.cmpi ne, %rem3A_1481, %ne3A_1482 : i32
      %and3A_1484 = arith.andi %ne3A_1480, %ne3A_1483 : i1
      %sub3A_1485 = arith.constant 1 : i32
      %sub3A_1486 = arith.subi %div3A_1465, %sub3A_1485 : i32
      %select_n3A_1487 = arith.select %and3A_1484, %sub3A_1486, %div3A_1465 : i32
      %jit3A_1488 = arith.constant 2 : i32
      %eq3A_1489 = arith.constant 0 : i32
      %eq3A_1490 = arith.cmpi eq, %jit3A_1488, %eq3A_1489 : i32
      %jit3A_1491 = arith.constant 1 : i32
      %select_n3A_1492 = arith.select %eq3A_1490, %jit3A_1491, %jit3A_1488 : i32
      %rem3A_1493 = arith.remsi %add3A_1463, %select_n3A_1492 : i32
      %ne3A_1494 = arith.constant 0 : i32
      %ne3A_1495 = arith.cmpi ne, %rem3A_1493, %ne3A_1494 : i32
      %lt3A_1496 = arith.constant 0 : i32
      %lt3A_1497 = arith.cmpi slt, %rem3A_1493, %lt3A_1496 : i32
      %lt3A_1498 = arith.constant 0 : i32
      %lt3A_1499 = arith.cmpi slt, %select_n3A_1492, %lt3A_1498 : i32
      %ne3A_1500 = arith.xori %lt3A_1497, %lt3A_1499 : i1
      %and3A_1501 = arith.andi %ne3A_1500, %ne3A_1495 : i1
      %add3A_1502 = arith.addi %rem3A_1493, %select_n3A_1492 : i32
      %select_n3A_1503 = arith.select %and3A_1501, %add3A_1502, %rem3A_1493 : i32
      %mul3A_1504 = arith.constant 64 : i32
      %mul3A_1505 = arith.muli %select_n3A_1503, %mul3A_1504 : i32
      %add3A_1506 = arith.addi %mul3A_2, %mul3A_1505 : i32
      %dma_start3A_1507 = arith.constant 3 : i32
      %dma_start3A_1508 = arith.constant 3 : i32
      %dma_start3A_1509 = arith.constant 0 : i32
      %dma_start3A_1510 = arith.constant 0 : i32
      %dma_start3A_1511 = tpu.memref_slice %arg6[%dma_start3A_1507, %dma_start3A_1509, %dma_start3A_1510] : memref<10x64x128xf32, #tpu.memory_space<vmem>> -> memref<1x64x128xf32, #tpu.memory_space<vmem>>
      %dma_start3A_1512 = tpu.memref_squeeze %dma_start3A_1511 : memref<1x64x128xf32, #tpu.memory_space<vmem>> -> memref<64x128xf32, #tpu.memory_space<vmem>>
      %dma_start3A_1513 = arith.constant 0 : i32
      %dma_start3A_1514 = tpu.memref_slice %arg4[%select_n3A_1487, %add3A_1506, %dma_start3A_1513] : memref<50x4096x128xf32, #tpu.memory_space<hbm>> -> memref<1x64x128xf32, #tpu.memory_space<hbm>>
      %dma_start3A_1515 = tpu.memref_squeeze %dma_start3A_1514 : memref<1x64x128xf32, #tpu.memory_space<hbm>> -> memref<64x128xf32, #tpu.memory_space<hbm>>
      %dma_start3A_1516 = tpu.memref_slice %arg9[%dma_start3A_1508] : memref<10x!tpu.dma_semaphore, #tpu.memory_space<semaphore_mem>> -> memref<1x!tpu.dma_semaphore, #tpu.memory_space<semaphore_mem>>
      %dma_start3A_1517 = tpu.memref_squeeze %dma_start3A_1516 : memref<1x!tpu.dma_semaphore, #tpu.memory_space<semaphore_mem>> -> memref<!tpu.dma_semaphore, #tpu.memory_space<semaphore_mem>>
      %dma_start3A_1518 = arith.constant 0 : i32
      %dma_start3A_1519 = tpu.memref_slice %arg4[%select_n3A_1487, %add3A_1506, %dma_start3A_1518] : memref<50x4096x128xf32, #tpu.memory_space<hbm>> -> memref<1x64x128xf32, #tpu.memory_space<hbm>>
      %dma_start3A_1520 = tpu.memref_squeeze %dma_start3A_1519 : memref<1x64x128xf32, #tpu.memory_space<hbm>> -> memref<64x128xf32, #tpu.memory_space<hbm>>
      %dma_start3A_1521 = arith.constant 0 : i32
      %dma_start3A_1522 = arith.constant 0 : i32
      %dma_start3A_1523 = tpu.memref_slice %arg6[%dma_start3A_1507, %dma_start3A_1521, %dma_start3A_1522] : memref<10x64x128xf32, #tpu.memory_space<vmem>> -> memref<1x64x128xf32, #tpu.memory_space<vmem>>
      %dma_start3A_1524 = tpu.memref_squeeze %dma_start3A_1523 : memref<1x64x128xf32, #tpu.memory_space<vmem>> -> memref<64x128xf32, #tpu.memory_space<vmem>>
      tpu.enqueue_dma source(%dma_start3A_1524 : memref<64x128xf32, #tpu.memory_space<vmem>>) target(%dma_start3A_1520 : memref<64x128xf32, #tpu.memory_space<hbm>>) target_semaphore(%dma_start3A_1517 : memref<!tpu.dma_semaphore, #tpu.memory_space<semaphore_mem>>)
      %add3A_1525 = arith.constant 1 : i32
      %add3A_1526 = arith.addi %scan3A_386, %add3A_1525 : i32
      %lt3A_1527 = arith.constant 10 : i32
      %lt3A_1528 = arith.cmpi slt, %add3A_1526, %lt3A_1527 : i32
      %convert_element_type3A_1529 = arith.extui %lt3A_1528 : i1 to i32
      %cond3A_1530 = arith.constant 0 : i32
      %cond3A_1531 = arith.cmpi ne, %convert_element_type3A_1529, %cond3A_1530 : i32
      scf.if %cond3A_1531 {
        %add3A_2054 = arith.constant 1 : i32
        %add3A_2055 = arith.addi %scan3A_386, %add3A_2054 : i32
        %mul3A_2056 = arith.constant 10 : i32
        %mul3A_2057 = arith.muli %add3A_2055, %mul3A_2056 : i32
        %add3A_2058 = arith.constant 3 : i32
        %add3A_2059 = arith.addi %mul3A_2057, %add3A_2058 : i32
        %jit3A_2060 = arith.constant 2 : i32
        %div3A_2061 = arith.divsi %add3A_2059, %jit3A_2060 : i32
        %sign3A_2062 = arith.constant 0 : i32
        %sign3A_2063 = arith.cmpi sgt, %add3A_2059, %sign3A_2062 : i32
        %sign3A_2064 = arith.extui %sign3A_2063 : i1 to i32
        %sign3A_2065 = arith.constant 0 : i32
        %sign3A_2066 = arith.cmpi slt, %add3A_2059, %sign3A_2065 : i32
        %sign3A_2067 = arith.extui %sign3A_2066 : i1 to i32
        %sign3A_2068 = arith.subi %sign3A_2064, %sign3A_2067 : i32
        %sign3A_2069 = arith.constant 0 : i32
        %sign3A_2070 = arith.cmpi sgt, %jit3A_2060, %sign3A_2069 : i32
        %sign3A_2071 = arith.extui %sign3A_2070 : i1 to i32
        %sign3A_2072 = arith.constant 0 : i32
        %sign3A_2073 = arith.cmpi slt, %jit3A_2060, %sign3A_2072 : i32
        %sign3A_2074 = arith.extui %sign3A_2073 : i1 to i32
        %sign3A_2075 = arith.subi %sign3A_2071, %sign3A_2074 : i32
        %ne3A_2076 = arith.cmpi ne, %sign3A_2068, %sign3A_2075 : i32
        %rem3A_2077 = arith.remsi %add3A_2059, %jit3A_2060 : i32
        %ne3A_2078 = arith.constant 0 : i32
        %ne3A_2079 = arith.cmpi ne, %rem3A_2077, %ne3A_2078 : i32
        %and3A_2080 = arith.andi %ne3A_2076, %ne3A_2079 : i1
        %sub3A_2081 = arith.constant 1 : i32
        %sub3A_2082 = arith.subi %div3A_2061, %sub3A_2081 : i32
        %select_n3A_2083 = arith.select %and3A_2080, %sub3A_2082, %div3A_2061 : i32
        %jit3A_2084 = arith.constant 2 : i32
        %eq3A_2085 = arith.constant 0 : i32
        %eq3A_2086 = arith.cmpi eq, %jit3A_2084, %eq3A_2085 : i32
        %jit3A_2087 = arith.constant 1 : i32
        %select_n3A_2088 = arith.select %eq3A_2086, %jit3A_2087, %jit3A_2084 : i32
        %rem3A_2089 = arith.remsi %add3A_2059, %select_n3A_2088 : i32
        %ne3A_2090 = arith.constant 0 : i32
        %ne3A_2091 = arith.cmpi ne, %rem3A_2089, %ne3A_2090 : i32
        %lt3A_2092 = arith.constant 0 : i32
        %lt3A_2093 = arith.cmpi slt, %rem3A_2089, %lt3A_2092 : i32
        %lt3A_2094 = arith.constant 0 : i32
        %lt3A_2095 = arith.cmpi slt, %select_n3A_2088, %lt3A_2094 : i32
        %ne3A_2096 = arith.xori %lt3A_2093, %lt3A_2095 : i1
        %and3A_2097 = arith.andi %ne3A_2096, %ne3A_2091 : i1
        %add3A_2098 = arith.addi %rem3A_2089, %select_n3A_2088 : i32
        %select_n3A_2099 = arith.select %and3A_2097, %add3A_2098, %rem3A_2089 : i32
        %mul3A_2100 = arith.constant 64 : i32
        %mul3A_2101 = arith.muli %select_n3A_2099, %mul3A_2100 : i32
        %add3A_2102 = arith.addi %mul3A_2, %mul3A_2101 : i32
        %dma_start3A_2103 = arith.constant 3 : i32
        %dma_start3A_2104 = arith.constant 3 : i32
        %dma_start3A_2105 = arith.constant 0 : i32
        %dma_start3A_2106 = tpu.memref_slice %arg5[%dma_start3A_2103, %dma_start3A_2105] : memref<10x64xi32, #tpu.memory_space<vmem>> -> memref<1x64xi32, #tpu.memory_space<vmem>>
        %dma_start3A_2107 = tpu.memref_squeeze %dma_start3A_2106 : memref<1x64xi32, #tpu.memory_space<vmem>> -> memref<64xi32, #tpu.memory_space<vmem>>
        %dma_start3A_2108 = tpu.memref_slice %arg2[%select_n3A_2083, %add3A_2102] : memref<50x4096xi32, #tpu.memory_space<hbm>> -> memref<1x64xi32, #tpu.memory_space<hbm>>
        %dma_start3A_2109 = tpu.memref_squeeze %dma_start3A_2108 : memref<1x64xi32, #tpu.memory_space<hbm>> -> memref<64xi32, #tpu.memory_space<hbm>>
        %dma_start3A_2110 = tpu.memref_slice %arg7[%dma_start3A_2104] : memref<10x!tpu.dma_semaphore, #tpu.memory_space<semaphore_mem>> -> memref<1x!tpu.dma_semaphore, #tpu.memory_space<semaphore_mem>>
        %dma_start3A_2111 = tpu.memref_squeeze %dma_start3A_2110 : memref<1x!tpu.dma_semaphore, #tpu.memory_space<semaphore_mem>> -> memref<!tpu.dma_semaphore, #tpu.memory_space<semaphore_mem>>
        %dma_start3A_2112 = arith.constant 0 : i32
        %dma_start3A_2113 = tpu.memref_slice %arg5[%dma_start3A_2103, %dma_start3A_2112] : memref<10x64xi32, #tpu.memory_space<vmem>> -> memref<1x64xi32, #tpu.memory_space<vmem>>
        %dma_start3A_2114 = tpu.memref_squeeze %dma_start3A_2113 : memref<1x64xi32, #tpu.memory_space<vmem>> -> memref<64xi32, #tpu.memory_space<vmem>>
        %dma_start3A_2115 = tpu.memref_slice %arg2[%select_n3A_2083, %add3A_2102] : memref<50x4096xi32, #tpu.memory_space<hbm>> -> memref<1x64xi32, #tpu.memory_space<hbm>>
        %dma_start3A_2116 = tpu.memref_squeeze %dma_start3A_2115 : memref<1x64xi32, #tpu.memory_space<hbm>> -> memref<64xi32, #tpu.memory_space<hbm>>
        tpu.enqueue_dma source(%dma_start3A_2116 : memref<64xi32, #tpu.memory_space<hbm>>) target(%dma_start3A_2114 : memref<64xi32, #tpu.memory_space<vmem>>) target_semaphore(%dma_start3A_2111 : memref<!tpu.dma_semaphore, #tpu.memory_space<semaphore_mem>>)
      } else {
      }
      %dma_wait3A_1532 = arith.constant 4 : i32
      %dma_wait3A_1533 = arith.constant 4 : i32
      %dma_wait3A_1534 = arith.constant 4 : i32
      %dma_wait3A_1535 = arith.constant 0 : i32
      %dma_wait3A_1536 = arith.constant 0 : i32
      %dma_wait3A_1537 = tpu.memref_slice %arg6[%dma_wait3A_1533, %dma_wait3A_1535, %dma_wait3A_1536] : memref<10x64x128xf32, #tpu.memory_space<vmem>> -> memref<1x64x128xf32, #tpu.memory_space<vmem>>
      %dma_wait3A_1538 = tpu.memref_squeeze %dma_wait3A_1537 : memref<1x64x128xf32, #tpu.memory_space<vmem>> -> memref<64x128xf32, #tpu.memory_space<vmem>>
      %dma_wait3A_1539 = arith.constant 0 : i32
      %dma_wait3A_1540 = tpu.memref_slice %arg5[%dma_wait3A_1532, %dma_wait3A_1539] : memref<10x64xi32, #tpu.memory_space<vmem>> -> memref<1x64xi32, #tpu.memory_space<vmem>>
      %dma_wait3A_1541 = tpu.memref_squeeze %dma_wait3A_1540 : memref<1x64xi32, #tpu.memory_space<vmem>> -> memref<64xi32, #tpu.memory_space<vmem>>
      %dma_wait3A_1542 = arith.constant 0 : i32
      %dma_wait3A_1543 = arith.constant 0 : i32
      %dma_wait3A_1544 = tpu.memref_slice %arg3[%dma_wait3A_1542, %dma_wait3A_1543] : memref<100000x128xf32, #tpu.memory_space<hbm>> -> memref<100000x128xf32, #tpu.memory_space<hbm>>
      %dma_wait3A_1545 = tpu.memref_slice %arg8[%dma_wait3A_1534] : memref<10x!tpu.dma_semaphore, #tpu.memory_space<semaphore_mem>> -> memref<1x!tpu.dma_semaphore, #tpu.memory_space<semaphore_mem>>
      %dma_wait3A_1546 = tpu.memref_squeeze %dma_wait3A_1545 : memref<1x!tpu.dma_semaphore, #tpu.memory_space<semaphore_mem>> -> memref<!tpu.dma_semaphore, #tpu.memory_space<semaphore_mem>>
      tpu.wait_indirect_dma semaphore(%dma_wait3A_1546 : memref<!tpu.dma_semaphore, #tpu.memory_space<semaphore_mem>>) src(%dma_wait3A_1544 : memref<100000x128xf32, #tpu.memory_space<hbm>>) dst(%dma_wait3A_1538 : memref<64x128xf32, #tpu.memory_space<vmem>>)
      %mul3A_1547 = arith.constant 10 : i32
      %mul3A_1548 = arith.muli %scan3A_386, %mul3A_1547 : i32
      %add3A_1549 = arith.constant 4 : i32
      %add3A_1550 = arith.addi %mul3A_1548, %add3A_1549 : i32
      %jit3A_1551 = arith.constant 2 : i32
      %div3A_1552 = arith.divsi %add3A_1550, %jit3A_1551 : i32
      %sign3A_1553 = arith.constant 0 : i32
      %sign3A_1554 = arith.cmpi sgt, %add3A_1550, %sign3A_1553 : i32
      %sign3A_1555 = arith.extui %sign3A_1554 : i1 to i32
      %sign3A_1556 = arith.constant 0 : i32
      %sign3A_1557 = arith.cmpi slt, %add3A_1550, %sign3A_1556 : i32
      %sign3A_1558 = arith.extui %sign3A_1557 : i1 to i32
      %sign3A_1559 = arith.subi %sign3A_1555, %sign3A_1558 : i32
      %sign3A_1560 = arith.constant 0 : i32
      %sign3A_1561 = arith.cmpi sgt, %jit3A_1551, %sign3A_1560 : i32
      %sign3A_1562 = arith.extui %sign3A_1561 : i1 to i32
      %sign3A_1563 = arith.constant 0 : i32
      %sign3A_1564 = arith.cmpi slt, %jit3A_1551, %sign3A_1563 : i32
      %sign3A_1565 = arith.extui %sign3A_1564 : i1 to i32
      %sign3A_1566 = arith.subi %sign3A_1562, %sign3A_1565 : i32
      %ne3A_1567 = arith.cmpi ne, %sign3A_1559, %sign3A_1566 : i32
      %rem3A_1568 = arith.remsi %add3A_1550, %jit3A_1551 : i32
      %ne3A_1569 = arith.constant 0 : i32
      %ne3A_1570 = arith.cmpi ne, %rem3A_1568, %ne3A_1569 : i32
      %and3A_1571 = arith.andi %ne3A_1567, %ne3A_1570 : i1
      %sub3A_1572 = arith.constant 1 : i32
      %sub3A_1573 = arith.subi %div3A_1552, %sub3A_1572 : i32
      %select_n3A_1574 = arith.select %and3A_1571, %sub3A_1573, %div3A_1552 : i32
      %jit3A_1575 = arith.constant 2 : i32
      %eq3A_1576 = arith.constant 0 : i32
      %eq3A_1577 = arith.cmpi eq, %jit3A_1575, %eq3A_1576 : i32
      %jit3A_1578 = arith.constant 1 : i32
      %select_n3A_1579 = arith.select %eq3A_1577, %jit3A_1578, %jit3A_1575 : i32
      %rem3A_1580 = arith.remsi %add3A_1550, %select_n3A_1579 : i32
      %ne3A_1581 = arith.constant 0 : i32
      %ne3A_1582 = arith.cmpi ne, %rem3A_1580, %ne3A_1581 : i32
      %lt3A_1583 = arith.constant 0 : i32
      %lt3A_1584 = arith.cmpi slt, %rem3A_1580, %lt3A_1583 : i32
      %lt3A_1585 = arith.constant 0 : i32
      %lt3A_1586 = arith.cmpi slt, %select_n3A_1579, %lt3A_1585 : i32
      %ne3A_1587 = arith.xori %lt3A_1584, %lt3A_1586 : i1
      %and3A_1588 = arith.andi %ne3A_1587, %ne3A_1582 : i1
      %add3A_1589 = arith.addi %rem3A_1580, %select_n3A_1579 : i32
      %select_n3A_1590 = arith.select %and3A_1588, %add3A_1589, %rem3A_1580 : i32
      %mul3A_1591 = arith.constant 64 : i32
      %mul3A_1592 = arith.muli %select_n3A_1590, %mul3A_1591 : i32
      %add3A_1593 = arith.addi %mul3A_2, %mul3A_1592 : i32
      %dma_start3A_1594 = arith.constant 4 : i32
      %dma_start3A_1595 = arith.constant 4 : i32
      %dma_start3A_1596 = arith.constant 0 : i32
      %dma_start3A_1597 = arith.constant 0 : i32
      %dma_start3A_1598 = tpu.memref_slice %arg6[%dma_start3A_1594, %dma_start3A_1596, %dma_start3A_1597] : memref<10x64x128xf32, #tpu.memory_space<vmem>> -> memref<1x64x128xf32, #tpu.memory_space<vmem>>
      %dma_start3A_1599 = tpu.memref_squeeze %dma_start3A_1598 : memref<1x64x128xf32, #tpu.memory_space<vmem>> -> memref<64x128xf32, #tpu.memory_space<vmem>>
      %dma_start3A_1600 = arith.constant 0 : i32
      %dma_start3A_1601 = tpu.memref_slice %arg4[%select_n3A_1574, %add3A_1593, %dma_start3A_1600] : memref<50x4096x128xf32, #tpu.memory_space<hbm>> -> memref<1x64x128xf32, #tpu.memory_space<hbm>>
      %dma_start3A_1602 = tpu.memref_squeeze %dma_start3A_1601 : memref<1x64x128xf32, #tpu.memory_space<hbm>> -> memref<64x128xf32, #tpu.memory_space<hbm>>
      %dma_start3A_1603 = tpu.memref_slice %arg9[%dma_start3A_1595] : memref<10x!tpu.dma_semaphore, #tpu.memory_space<semaphore_mem>> -> memref<1x!tpu.dma_semaphore, #tpu.memory_space<semaphore_mem>>
      %dma_start3A_1604 = tpu.memref_squeeze %dma_start3A_1603 : memref<1x!tpu.dma_semaphore, #tpu.memory_space<semaphore_mem>> -> memref<!tpu.dma_semaphore, #tpu.memory_space<semaphore_mem>>
      %dma_start3A_1605 = arith.constant 0 : i32
      %dma_start3A_1606 = tpu.memref_slice %arg4[%select_n3A_1574, %add3A_1593, %dma_start3A_1605] : memref<50x4096x128xf32, #tpu.memory_space<hbm>> -> memref<1x64x128xf32, #tpu.memory_space<hbm>>
      %dma_start3A_1607 = tpu.memref_squeeze %dma_start3A_1606 : memref<1x64x128xf32, #tpu.memory_space<hbm>> -> memref<64x128xf32, #tpu.memory_space<hbm>>
      %dma_start3A_1608 = arith.constant 0 : i32
      %dma_start3A_1609 = arith.constant 0 : i32
      %dma_start3A_1610 = tpu.memref_slice %arg6[%dma_start3A_1594, %dma_start3A_1608, %dma_start3A_1609] : memref<10x64x128xf32, #tpu.memory_space<vmem>> -> memref<1x64x128xf32, #tpu.memory_space<vmem>>
      %dma_start3A_1611 = tpu.memref_squeeze %dma_start3A_1610 : memref<1x64x128xf32, #tpu.memory_space<vmem>> -> memref<64x128xf32, #tpu.memory_space<vmem>>
      tpu.enqueue_dma source(%dma_start3A_1611 : memref<64x128xf32, #tpu.memory_space<vmem>>) target(%dma_start3A_1607 : memref<64x128xf32, #tpu.memory_space<hbm>>) target_semaphore(%dma_start3A_1604 : memref<!tpu.dma_semaphore, #tpu.memory_space<semaphore_mem>>)
      %add3A_1612 = arith.constant 1 : i32
      %add3A_1613 = arith.addi %scan3A_386, %add3A_1612 : i32
      %lt3A_1614 = arith.constant 10 : i32
      %lt3A_1615 = arith.cmpi slt, %add3A_1613, %lt3A_1614 : i32
      %convert_element_type3A_1616 = arith.extui %lt3A_1615 : i1 to i32
      %cond3A_1617 = arith.constant 0 : i32
      %cond3A_1618 = arith.cmpi ne, %convert_element_type3A_1616, %cond3A_1617 : i32
      scf.if %cond3A_1618 {
        %add3A_2054 = arith.constant 1 : i32
        %add3A_2055 = arith.addi %scan3A_386, %add3A_2054 : i32
        %mul3A_2056 = arith.constant 10 : i32
        %mul3A_2057 = arith.muli %add3A_2055, %mul3A_2056 : i32
        %add3A_2058 = arith.constant 4 : i32
        %add3A_2059 = arith.addi %mul3A_2057, %add3A_2058 : i32
        %jit3A_2060 = arith.constant 2 : i32
        %div3A_2061 = arith.divsi %add3A_2059, %jit3A_2060 : i32
        %sign3A_2062 = arith.constant 0 : i32
        %sign3A_2063 = arith.cmpi sgt, %add3A_2059, %sign3A_2062 : i32
        %sign3A_2064 = arith.extui %sign3A_2063 : i1 to i32
        %sign3A_2065 = arith.constant 0 : i32
        %sign3A_2066 = arith.cmpi slt, %add3A_2059, %sign3A_2065 : i32
        %sign3A_2067 = arith.extui %sign3A_2066 : i1 to i32
        %sign3A_2068 = arith.subi %sign3A_2064, %sign3A_2067 : i32
        %sign3A_2069 = arith.constant 0 : i32
        %sign3A_2070 = arith.cmpi sgt, %jit3A_2060, %sign3A_2069 : i32
        %sign3A_2071 = arith.extui %sign3A_2070 : i1 to i32
        %sign3A_2072 = arith.constant 0 : i32
        %sign3A_2073 = arith.cmpi slt, %jit3A_2060, %sign3A_2072 : i32
        %sign3A_2074 = arith.extui %sign3A_2073 : i1 to i32
        %sign3A_2075 = arith.subi %sign3A_2071, %sign3A_2074 : i32
        %ne3A_2076 = arith.cmpi ne, %sign3A_2068, %sign3A_2075 : i32
        %rem3A_2077 = arith.remsi %add3A_2059, %jit3A_2060 : i32
        %ne3A_2078 = arith.constant 0 : i32
        %ne3A_2079 = arith.cmpi ne, %rem3A_2077, %ne3A_2078 : i32
        %and3A_2080 = arith.andi %ne3A_2076, %ne3A_2079 : i1
        %sub3A_2081 = arith.constant 1 : i32
        %sub3A_2082 = arith.subi %div3A_2061, %sub3A_2081 : i32
        %select_n3A_2083 = arith.select %and3A_2080, %sub3A_2082, %div3A_2061 : i32
        %jit3A_2084 = arith.constant 2 : i32
        %eq3A_2085 = arith.constant 0 : i32
        %eq3A_2086 = arith.cmpi eq, %jit3A_2084, %eq3A_2085 : i32
        %jit3A_2087 = arith.constant 1 : i32
        %select_n3A_2088 = arith.select %eq3A_2086, %jit3A_2087, %jit3A_2084 : i32
        %rem3A_2089 = arith.remsi %add3A_2059, %select_n3A_2088 : i32
        %ne3A_2090 = arith.constant 0 : i32
        %ne3A_2091 = arith.cmpi ne, %rem3A_2089, %ne3A_2090 : i32
        %lt3A_2092 = arith.constant 0 : i32
        %lt3A_2093 = arith.cmpi slt, %rem3A_2089, %lt3A_2092 : i32
        %lt3A_2094 = arith.constant 0 : i32
        %lt3A_2095 = arith.cmpi slt, %select_n3A_2088, %lt3A_2094 : i32
        %ne3A_2096 = arith.xori %lt3A_2093, %lt3A_2095 : i1
        %and3A_2097 = arith.andi %ne3A_2096, %ne3A_2091 : i1
        %add3A_2098 = arith.addi %rem3A_2089, %select_n3A_2088 : i32
        %select_n3A_2099 = arith.select %and3A_2097, %add3A_2098, %rem3A_2089 : i32
        %mul3A_2100 = arith.constant 64 : i32
        %mul3A_2101 = arith.muli %select_n3A_2099, %mul3A_2100 : i32
        %add3A_2102 = arith.addi %mul3A_2, %mul3A_2101 : i32
        %dma_start3A_2103 = arith.constant 4 : i32
        %dma_start3A_2104 = arith.constant 4 : i32
        %dma_start3A_2105 = arith.constant 0 : i32
        %dma_start3A_2106 = tpu.memref_slice %arg5[%dma_start3A_2103, %dma_start3A_2105] : memref<10x64xi32, #tpu.memory_space<vmem>> -> memref<1x64xi32, #tpu.memory_space<vmem>>
        %dma_start3A_2107 = tpu.memref_squeeze %dma_start3A_2106 : memref<1x64xi32, #tpu.memory_space<vmem>> -> memref<64xi32, #tpu.memory_space<vmem>>
        %dma_start3A_2108 = tpu.memref_slice %arg2[%select_n3A_2083, %add3A_2102] : memref<50x4096xi32, #tpu.memory_space<hbm>> -> memref<1x64xi32, #tpu.memory_space<hbm>>
        %dma_start3A_2109 = tpu.memref_squeeze %dma_start3A_2108 : memref<1x64xi32, #tpu.memory_space<hbm>> -> memref<64xi32, #tpu.memory_space<hbm>>
        %dma_start3A_2110 = tpu.memref_slice %arg7[%dma_start3A_2104] : memref<10x!tpu.dma_semaphore, #tpu.memory_space<semaphore_mem>> -> memref<1x!tpu.dma_semaphore, #tpu.memory_space<semaphore_mem>>
        %dma_start3A_2111 = tpu.memref_squeeze %dma_start3A_2110 : memref<1x!tpu.dma_semaphore, #tpu.memory_space<semaphore_mem>> -> memref<!tpu.dma_semaphore, #tpu.memory_space<semaphore_mem>>
        %dma_start3A_2112 = arith.constant 0 : i32
        %dma_start3A_2113 = tpu.memref_slice %arg5[%dma_start3A_2103, %dma_start3A_2112] : memref<10x64xi32, #tpu.memory_space<vmem>> -> memref<1x64xi32, #tpu.memory_space<vmem>>
        %dma_start3A_2114 = tpu.memref_squeeze %dma_start3A_2113 : memref<1x64xi32, #tpu.memory_space<vmem>> -> memref<64xi32, #tpu.memory_space<vmem>>
        %dma_start3A_2115 = tpu.memref_slice %arg2[%select_n3A_2083, %add3A_2102] : memref<50x4096xi32, #tpu.memory_space<hbm>> -> memref<1x64xi32, #tpu.memory_space<hbm>>
        %dma_start3A_2116 = tpu.memref_squeeze %dma_start3A_2115 : memref<1x64xi32, #tpu.memory_space<hbm>> -> memref<64xi32, #tpu.memory_space<hbm>>
        tpu.enqueue_dma source(%dma_start3A_2116 : memref<64xi32, #tpu.memory_space<hbm>>) target(%dma_start3A_2114 : memref<64xi32, #tpu.memory_space<vmem>>) target_semaphore(%dma_start3A_2111 : memref<!tpu.dma_semaphore, #tpu.memory_space<semaphore_mem>>)
      } else {
      }
      %dma_wait3A_1619 = arith.constant 5 : i32
      %dma_wait3A_1620 = arith.constant 5 : i32
      %dma_wait3A_1621 = arith.constant 5 : i32
      %dma_wait3A_1622 = arith.constant 0 : i32
      %dma_wait3A_1623 = arith.constant 0 : i32
      %dma_wait3A_1624 = tpu.memref_slice %arg6[%dma_wait3A_1620, %dma_wait3A_1622, %dma_wait3A_1623] : memref<10x64x128xf32, #tpu.memory_space<vmem>> -> memref<1x64x128xf32, #tpu.memory_space<vmem>>
      %dma_wait3A_1625 = tpu.memref_squeeze %dma_wait3A_1624 : memref<1x64x128xf32, #tpu.memory_space<vmem>> -> memref<64x128xf32, #tpu.memory_space<vmem>>
      %dma_wait3A_1626 = arith.constant 0 : i32
      %dma_wait3A_1627 = tpu.memref_slice %arg5[%dma_wait3A_1619, %dma_wait3A_1626] : memref<10x64xi32, #tpu.memory_space<vmem>> -> memref<1x64xi32, #tpu.memory_space<vmem>>
      %dma_wait3A_1628 = tpu.memref_squeeze %dma_wait3A_1627 : memref<1x64xi32, #tpu.memory_space<vmem>> -> memref<64xi32, #tpu.memory_space<vmem>>
      %dma_wait3A_1629 = arith.constant 0 : i32
      %dma_wait3A_1630 = arith.constant 0 : i32
      %dma_wait3A_1631 = tpu.memref_slice %arg3[%dma_wait3A_1629, %dma_wait3A_1630] : memref<100000x128xf32, #tpu.memory_space<hbm>> -> memref<100000x128xf32, #tpu.memory_space<hbm>>
      %dma_wait3A_1632 = tpu.memref_slice %arg8[%dma_wait3A_1621] : memref<10x!tpu.dma_semaphore, #tpu.memory_space<semaphore_mem>> -> memref<1x!tpu.dma_semaphore, #tpu.memory_space<semaphore_mem>>
      %dma_wait3A_1633 = tpu.memref_squeeze %dma_wait3A_1632 : memref<1x!tpu.dma_semaphore, #tpu.memory_space<semaphore_mem>> -> memref<!tpu.dma_semaphore, #tpu.memory_space<semaphore_mem>>
      tpu.wait_indirect_dma semaphore(%dma_wait3A_1633 : memref<!tpu.dma_semaphore, #tpu.memory_space<semaphore_mem>>) src(%dma_wait3A_1631 : memref<100000x128xf32, #tpu.memory_space<hbm>>) dst(%dma_wait3A_1625 : memref<64x128xf32, #tpu.memory_space<vmem>>)
      %mul3A_1634 = arith.constant 10 : i32
      %mul3A_1635 = arith.muli %scan3A_386, %mul3A_1634 : i32
      %add3A_1636 = arith.constant 5 : i32
      %add3A_1637 = arith.addi %mul3A_1635, %add3A_1636 : i32
      %jit3A_1638 = arith.constant 2 : i32
      %div3A_1639 = arith.divsi %add3A_1637, %jit3A_1638 : i32
      %sign3A_1640 = arith.constant 0 : i32
      %sign3A_1641 = arith.cmpi sgt, %add3A_1637, %sign3A_1640 : i32
      %sign3A_1642 = arith.extui %sign3A_1641 : i1 to i32
      %sign3A_1643 = arith.constant 0 : i32
      %sign3A_1644 = arith.cmpi slt, %add3A_1637, %sign3A_1643 : i32
      %sign3A_1645 = arith.extui %sign3A_1644 : i1 to i32
      %sign3A_1646 = arith.subi %sign3A_1642, %sign3A_1645 : i32
      %sign3A_1647 = arith.constant 0 : i32
      %sign3A_1648 = arith.cmpi sgt, %jit3A_1638, %sign3A_1647 : i32
      %sign3A_1649 = arith.extui %sign3A_1648 : i1 to i32
      %sign3A_1650 = arith.constant 0 : i32
      %sign3A_1651 = arith.cmpi slt, %jit3A_1638, %sign3A_1650 : i32
      %sign3A_1652 = arith.extui %sign3A_1651 : i1 to i32
      %sign3A_1653 = arith.subi %sign3A_1649, %sign3A_1652 : i32
      %ne3A_1654 = arith.cmpi ne, %sign3A_1646, %sign3A_1653 : i32
      %rem3A_1655 = arith.remsi %add3A_1637, %jit3A_1638 : i32
      %ne3A_1656 = arith.constant 0 : i32
      %ne3A_1657 = arith.cmpi ne, %rem3A_1655, %ne3A_1656 : i32
      %and3A_1658 = arith.andi %ne3A_1654, %ne3A_1657 : i1
      %sub3A_1659 = arith.constant 1 : i32
      %sub3A_1660 = arith.subi %div3A_1639, %sub3A_1659 : i32
      %select_n3A_1661 = arith.select %and3A_1658, %sub3A_1660, %div3A_1639 : i32
      %jit3A_1662 = arith.constant 2 : i32
      %eq3A_1663 = arith.constant 0 : i32
      %eq3A_1664 = arith.cmpi eq, %jit3A_1662, %eq3A_1663 : i32
      %jit3A_1665 = arith.constant 1 : i32
      %select_n3A_1666 = arith.select %eq3A_1664, %jit3A_1665, %jit3A_1662 : i32
      %rem3A_1667 = arith.remsi %add3A_1637, %select_n3A_1666 : i32
      %ne3A_1668 = arith.constant 0 : i32
      %ne3A_1669 = arith.cmpi ne, %rem3A_1667, %ne3A_1668 : i32
      %lt3A_1670 = arith.constant 0 : i32
      %lt3A_1671 = arith.cmpi slt, %rem3A_1667, %lt3A_1670 : i32
      %lt3A_1672 = arith.constant 0 : i32
      %lt3A_1673 = arith.cmpi slt, %select_n3A_1666, %lt3A_1672 : i32
      %ne3A_1674 = arith.xori %lt3A_1671, %lt3A_1673 : i1
      %and3A_1675 = arith.andi %ne3A_1674, %ne3A_1669 : i1
      %add3A_1676 = arith.addi %rem3A_1667, %select_n3A_1666 : i32
      %select_n3A_1677 = arith.select %and3A_1675, %add3A_1676, %rem3A_1667 : i32
      %mul3A_1678 = arith.constant 64 : i32
      %mul3A_1679 = arith.muli %select_n3A_1677, %mul3A_1678 : i32
      %add3A_1680 = arith.addi %mul3A_2, %mul3A_1679 : i32
      %dma_start3A_1681 = arith.constant 5 : i32
      %dma_start3A_1682 = arith.constant 5 : i32
      %dma_start3A_1683 = arith.constant 0 : i32
      %dma_start3A_1684 = arith.constant 0 : i32
      %dma_start3A_1685 = tpu.memref_slice %arg6[%dma_start3A_1681, %dma_start3A_1683, %dma_start3A_1684] : memref<10x64x128xf32, #tpu.memory_space<vmem>> -> memref<1x64x128xf32, #tpu.memory_space<vmem>>
      %dma_start3A_1686 = tpu.memref_squeeze %dma_start3A_1685 : memref<1x64x128xf32, #tpu.memory_space<vmem>> -> memref<64x128xf32, #tpu.memory_space<vmem>>
      %dma_start3A_1687 = arith.constant 0 : i32
      %dma_start3A_1688 = tpu.memref_slice %arg4[%select_n3A_1661, %add3A_1680, %dma_start3A_1687] : memref<50x4096x128xf32, #tpu.memory_space<hbm>> -> memref<1x64x128xf32, #tpu.memory_space<hbm>>
      %dma_start3A_1689 = tpu.memref_squeeze %dma_start3A_1688 : memref<1x64x128xf32, #tpu.memory_space<hbm>> -> memref<64x128xf32, #tpu.memory_space<hbm>>
      %dma_start3A_1690 = tpu.memref_slice %arg9[%dma_start3A_1682] : memref<10x!tpu.dma_semaphore, #tpu.memory_space<semaphore_mem>> -> memref<1x!tpu.dma_semaphore, #tpu.memory_space<semaphore_mem>>
      %dma_start3A_1691 = tpu.memref_squeeze %dma_start3A_1690 : memref<1x!tpu.dma_semaphore, #tpu.memory_space<semaphore_mem>> -> memref<!tpu.dma_semaphore, #tpu.memory_space<semaphore_mem>>
      %dma_start3A_1692 = arith.constant 0 : i32
      %dma_start3A_1693 = tpu.memref_slice %arg4[%select_n3A_1661, %add3A_1680, %dma_start3A_1692] : memref<50x4096x128xf32, #tpu.memory_space<hbm>> -> memref<1x64x128xf32, #tpu.memory_space<hbm>>
      %dma_start3A_1694 = tpu.memref_squeeze %dma_start3A_1693 : memref<1x64x128xf32, #tpu.memory_space<hbm>> -> memref<64x128xf32, #tpu.memory_space<hbm>>
      %dma_start3A_1695 = arith.constant 0 : i32
      %dma_start3A_1696 = arith.constant 0 : i32
      %dma_start3A_1697 = tpu.memref_slice %arg6[%dma_start3A_1681, %dma_start3A_1695, %dma_start3A_1696] : memref<10x64x128xf32, #tpu.memory_space<vmem>> -> memref<1x64x128xf32, #tpu.memory_space<vmem>>
      %dma_start3A_1698 = tpu.memref_squeeze %dma_start3A_1697 : memref<1x64x128xf32, #tpu.memory_space<vmem>> -> memref<64x128xf32, #tpu.memory_space<vmem>>
      tpu.enqueue_dma source(%dma_start3A_1698 : memref<64x128xf32, #tpu.memory_space<vmem>>) target(%dma_start3A_1694 : memref<64x128xf32, #tpu.memory_space<hbm>>) target_semaphore(%dma_start3A_1691 : memref<!tpu.dma_semaphore, #tpu.memory_space<semaphore_mem>>)
      %add3A_1699 = arith.constant 1 : i32
      %add3A_1700 = arith.addi %scan3A_386, %add3A_1699 : i32
      %lt3A_1701 = arith.constant 10 : i32
      %lt3A_1702 = arith.cmpi slt, %add3A_1700, %lt3A_1701 : i32
      %convert_element_type3A_1703 = arith.extui %lt3A_1702 : i1 to i32
      %cond3A_1704 = arith.constant 0 : i32
      %cond3A_1705 = arith.cmpi ne, %convert_element_type3A_1703, %cond3A_1704 : i32
      scf.if %cond3A_1705 {
        %add3A_2054 = arith.constant 1 : i32
        %add3A_2055 = arith.addi %scan3A_386, %add3A_2054 : i32
        %mul3A_2056 = arith.constant 10 : i32
        %mul3A_2057 = arith.muli %add3A_2055, %mul3A_2056 : i32
        %add3A_2058 = arith.constant 5 : i32
        %add3A_2059 = arith.addi %mul3A_2057, %add3A_2058 : i32
        %jit3A_2060 = arith.constant 2 : i32
        %div3A_2061 = arith.divsi %add3A_2059, %jit3A_2060 : i32
        %sign3A_2062 = arith.constant 0 : i32
        %sign3A_2063 = arith.cmpi sgt, %add3A_2059, %sign3A_2062 : i32
        %sign3A_2064 = arith.extui %sign3A_2063 : i1 to i32
        %sign3A_2065 = arith.constant 0 : i32
        %sign3A_2066 = arith.cmpi slt, %add3A_2059, %sign3A_2065 : i32
        %sign3A_2067 = arith.extui %sign3A_2066 : i1 to i32
        %sign3A_2068 = arith.subi %sign3A_2064, %sign3A_2067 : i32
        %sign3A_2069 = arith.constant 0 : i32
        %sign3A_2070 = arith.cmpi sgt, %jit3A_2060, %sign3A_2069 : i32
        %sign3A_2071 = arith.extui %sign3A_2070 : i1 to i32
        %sign3A_2072 = arith.constant 0 : i32
        %sign3A_2073 = arith.cmpi slt, %jit3A_2060, %sign3A_2072 : i32
        %sign3A_2074 = arith.extui %sign3A_2073 : i1 to i32
        %sign3A_2075 = arith.subi %sign3A_2071, %sign3A_2074 : i32
        %ne3A_2076 = arith.cmpi ne, %sign3A_2068, %sign3A_2075 : i32
        %rem3A_2077 = arith.remsi %add3A_2059, %jit3A_2060 : i32
        %ne3A_2078 = arith.constant 0 : i32
        %ne3A_2079 = arith.cmpi ne, %rem3A_2077, %ne3A_2078 : i32
        %and3A_2080 = arith.andi %ne3A_2076, %ne3A_2079 : i1
        %sub3A_2081 = arith.constant 1 : i32
        %sub3A_2082 = arith.subi %div3A_2061, %sub3A_2081 : i32
        %select_n3A_2083 = arith.select %and3A_2080, %sub3A_2082, %div3A_2061 : i32
        %jit3A_2084 = arith.constant 2 : i32
        %eq3A_2085 = arith.constant 0 : i32
        %eq3A_2086 = arith.cmpi eq, %jit3A_2084, %eq3A_2085 : i32
        %jit3A_2087 = arith.constant 1 : i32
        %select_n3A_2088 = arith.select %eq3A_2086, %jit3A_2087, %jit3A_2084 : i32
        %rem3A_2089 = arith.remsi %add3A_2059, %select_n3A_2088 : i32
        %ne3A_2090 = arith.constant 0 : i32
        %ne3A_2091 = arith.cmpi ne, %rem3A_2089, %ne3A_2090 : i32
        %lt3A_2092 = arith.constant 0 : i32
        %lt3A_2093 = arith.cmpi slt, %rem3A_2089, %lt3A_2092 : i32
        %lt3A_2094 = arith.constant 0 : i32
        %lt3A_2095 = arith.cmpi slt, %select_n3A_2088, %lt3A_2094 : i32
        %ne3A_2096 = arith.xori %lt3A_2093, %lt3A_2095 : i1
        %and3A_2097 = arith.andi %ne3A_2096, %ne3A_2091 : i1
        %add3A_2098 = arith.addi %rem3A_2089, %select_n3A_2088 : i32
        %select_n3A_2099 = arith.select %and3A_2097, %add3A_2098, %rem3A_2089 : i32
        %mul3A_2100 = arith.constant 64 : i32
        %mul3A_2101 = arith.muli %select_n3A_2099, %mul3A_2100 : i32
        %add3A_2102 = arith.addi %mul3A_2, %mul3A_2101 : i32
        %dma_start3A_2103 = arith.constant 5 : i32
        %dma_start3A_2104 = arith.constant 5 : i32
        %dma_start3A_2105 = arith.constant 0 : i32
        %dma_start3A_2106 = tpu.memref_slice %arg5[%dma_start3A_2103, %dma_start3A_2105] : memref<10x64xi32, #tpu.memory_space<vmem>> -> memref<1x64xi32, #tpu.memory_space<vmem>>
        %dma_start3A_2107 = tpu.memref_squeeze %dma_start3A_2106 : memref<1x64xi32, #tpu.memory_space<vmem>> -> memref<64xi32, #tpu.memory_space<vmem>>
        %dma_start3A_2108 = tpu.memref_slice %arg2[%select_n3A_2083, %add3A_2102] : memref<50x4096xi32, #tpu.memory_space<hbm>> -> memref<1x64xi32, #tpu.memory_space<hbm>>
        %dma_start3A_2109 = tpu.memref_squeeze %dma_start3A_2108 : memref<1x64xi32, #tpu.memory_space<hbm>> -> memref<64xi32, #tpu.memory_space<hbm>>
        %dma_start3A_2110 = tpu.memref_slice %arg7[%dma_start3A_2104] : memref<10x!tpu.dma_semaphore, #tpu.memory_space<semaphore_mem>> -> memref<1x!tpu.dma_semaphore, #tpu.memory_space<semaphore_mem>>
        %dma_start3A_2111 = tpu.memref_squeeze %dma_start3A_2110 : memref<1x!tpu.dma_semaphore, #tpu.memory_space<semaphore_mem>> -> memref<!tpu.dma_semaphore, #tpu.memory_space<semaphore_mem>>
        %dma_start3A_2112 = arith.constant 0 : i32
        %dma_start3A_2113 = tpu.memref_slice %arg5[%dma_start3A_2103, %dma_start3A_2112] : memref<10x64xi32, #tpu.memory_space<vmem>> -> memref<1x64xi32, #tpu.memory_space<vmem>>
        %dma_start3A_2114 = tpu.memref_squeeze %dma_start3A_2113 : memref<1x64xi32, #tpu.memory_space<vmem>> -> memref<64xi32, #tpu.memory_space<vmem>>
        %dma_start3A_2115 = tpu.memref_slice %arg2[%select_n3A_2083, %add3A_2102] : memref<50x4096xi32, #tpu.memory_space<hbm>> -> memref<1x64xi32, #tpu.memory_space<hbm>>
        %dma_start3A_2116 = tpu.memref_squeeze %dma_start3A_2115 : memref<1x64xi32, #tpu.memory_space<hbm>> -> memref<64xi32, #tpu.memory_space<hbm>>
        tpu.enqueue_dma source(%dma_start3A_2116 : memref<64xi32, #tpu.memory_space<hbm>>) target(%dma_start3A_2114 : memref<64xi32, #tpu.memory_space<vmem>>) target_semaphore(%dma_start3A_2111 : memref<!tpu.dma_semaphore, #tpu.memory_space<semaphore_mem>>)
      } else {
      }
      %dma_wait3A_1706 = arith.constant 6 : i32
      %dma_wait3A_1707 = arith.constant 6 : i32
      %dma_wait3A_1708 = arith.constant 6 : i32
      %dma_wait3A_1709 = arith.constant 0 : i32
      %dma_wait3A_1710 = arith.constant 0 : i32
      %dma_wait3A_1711 = tpu.memref_slice %arg6[%dma_wait3A_1707, %dma_wait3A_1709, %dma_wait3A_1710] : memref<10x64x128xf32, #tpu.memory_space<vmem>> -> memref<1x64x128xf32, #tpu.memory_space<vmem>>
      %dma_wait3A_1712 = tpu.memref_squeeze %dma_wait3A_1711 : memref<1x64x128xf32, #tpu.memory_space<vmem>> -> memref<64x128xf32, #tpu.memory_space<vmem>>
      %dma_wait3A_1713 = arith.constant 0 : i32
      %dma_wait3A_1714 = tpu.memref_slice %arg5[%dma_wait3A_1706, %dma_wait3A_1713] : memref<10x64xi32, #tpu.memory_space<vmem>> -> memref<1x64xi32, #tpu.memory_space<vmem>>
      %dma_wait3A_1715 = tpu.memref_squeeze %dma_wait3A_1714 : memref<1x64xi32, #tpu.memory_space<vmem>> -> memref<64xi32, #tpu.memory_space<vmem>>
      %dma_wait3A_1716 = arith.constant 0 : i32
      %dma_wait3A_1717 = arith.constant 0 : i32
      %dma_wait3A_1718 = tpu.memref_slice %arg3[%dma_wait3A_1716, %dma_wait3A_1717] : memref<100000x128xf32, #tpu.memory_space<hbm>> -> memref<100000x128xf32, #tpu.memory_space<hbm>>
      %dma_wait3A_1719 = tpu.memref_slice %arg8[%dma_wait3A_1708] : memref<10x!tpu.dma_semaphore, #tpu.memory_space<semaphore_mem>> -> memref<1x!tpu.dma_semaphore, #tpu.memory_space<semaphore_mem>>
      %dma_wait3A_1720 = tpu.memref_squeeze %dma_wait3A_1719 : memref<1x!tpu.dma_semaphore, #tpu.memory_space<semaphore_mem>> -> memref<!tpu.dma_semaphore, #tpu.memory_space<semaphore_mem>>
      tpu.wait_indirect_dma semaphore(%dma_wait3A_1720 : memref<!tpu.dma_semaphore, #tpu.memory_space<semaphore_mem>>) src(%dma_wait3A_1718 : memref<100000x128xf32, #tpu.memory_space<hbm>>) dst(%dma_wait3A_1712 : memref<64x128xf32, #tpu.memory_space<vmem>>)
      %mul3A_1721 = arith.constant 10 : i32
      %mul3A_1722 = arith.muli %scan3A_386, %mul3A_1721 : i32
      %add3A_1723 = arith.constant 6 : i32
      %add3A_1724 = arith.addi %mul3A_1722, %add3A_1723 : i32
      %jit3A_1725 = arith.constant 2 : i32
      %div3A_1726 = arith.divsi %add3A_1724, %jit3A_1725 : i32
      %sign3A_1727 = arith.constant 0 : i32
      %sign3A_1728 = arith.cmpi sgt, %add3A_1724, %sign3A_1727 : i32
      %sign3A_1729 = arith.extui %sign3A_1728 : i1 to i32
      %sign3A_1730 = arith.constant 0 : i32
      %sign3A_1731 = arith.cmpi slt, %add3A_1724, %sign3A_1730 : i32
      %sign3A_1732 = arith.extui %sign3A_1731 : i1 to i32
      %sign3A_1733 = arith.subi %sign3A_1729, %sign3A_1732 : i32
      %sign3A_1734 = arith.constant 0 : i32
      %sign3A_1735 = arith.cmpi sgt, %jit3A_1725, %sign3A_1734 : i32
      %sign3A_1736 = arith.extui %sign3A_1735 : i1 to i32
      %sign3A_1737 = arith.constant 0 : i32
      %sign3A_1738 = arith.cmpi slt, %jit3A_1725, %sign3A_1737 : i32
      %sign3A_1739 = arith.extui %sign3A_1738 : i1 to i32
      %sign3A_1740 = arith.subi %sign3A_1736, %sign3A_1739 : i32
      %ne3A_1741 = arith.cmpi ne, %sign3A_1733, %sign3A_1740 : i32
      %rem3A_1742 = arith.remsi %add3A_1724, %jit3A_1725 : i32
      %ne3A_1743 = arith.constant 0 : i32
      %ne3A_1744 = arith.cmpi ne, %rem3A_1742, %ne3A_1743 : i32
      %and3A_1745 = arith.andi %ne3A_1741, %ne3A_1744 : i1
      %sub3A_1746 = arith.constant 1 : i32
      %sub3A_1747 = arith.subi %div3A_1726, %sub3A_1746 : i32
      %select_n3A_1748 = arith.select %and3A_1745, %sub3A_1747, %div3A_1726 : i32
      %jit3A_1749 = arith.constant 2 : i32
      %eq3A_1750 = arith.constant 0 : i32
      %eq3A_1751 = arith.cmpi eq, %jit3A_1749, %eq3A_1750 : i32
      %jit3A_1752 = arith.constant 1 : i32
      %select_n3A_1753 = arith.select %eq3A_1751, %jit3A_1752, %jit3A_1749 : i32
      %rem3A_1754 = arith.remsi %add3A_1724, %select_n3A_1753 : i32
      %ne3A_1755 = arith.constant 0 : i32
      %ne3A_1756 = arith.cmpi ne, %rem3A_1754, %ne3A_1755 : i32
      %lt3A_1757 = arith.constant 0 : i32
      %lt3A_1758 = arith.cmpi slt, %rem3A_1754, %lt3A_1757 : i32
      %lt3A_1759 = arith.constant 0 : i32
      %lt3A_1760 = arith.cmpi slt, %select_n3A_1753, %lt3A_1759 : i32
      %ne3A_1761 = arith.xori %lt3A_1758, %lt3A_1760 : i1
      %and3A_1762 = arith.andi %ne3A_1761, %ne3A_1756 : i1
      %add3A_1763 = arith.addi %rem3A_1754, %select_n3A_1753 : i32
      %select_n3A_1764 = arith.select %and3A_1762, %add3A_1763, %rem3A_1754 : i32
      %mul3A_1765 = arith.constant 64 : i32
      %mul3A_1766 = arith.muli %select_n3A_1764, %mul3A_1765 : i32
      %add3A_1767 = arith.addi %mul3A_2, %mul3A_1766 : i32
      %dma_start3A_1768 = arith.constant 6 : i32
      %dma_start3A_1769 = arith.constant 6 : i32
      %dma_start3A_1770 = arith.constant 0 : i32
      %dma_start3A_1771 = arith.constant 0 : i32
      %dma_start3A_1772 = tpu.memref_slice %arg6[%dma_start3A_1768, %dma_start3A_1770, %dma_start3A_1771] : memref<10x64x128xf32, #tpu.memory_space<vmem>> -> memref<1x64x128xf32, #tpu.memory_space<vmem>>
      %dma_start3A_1773 = tpu.memref_squeeze %dma_start3A_1772 : memref<1x64x128xf32, #tpu.memory_space<vmem>> -> memref<64x128xf32, #tpu.memory_space<vmem>>
      %dma_start3A_1774 = arith.constant 0 : i32
      %dma_start3A_1775 = tpu.memref_slice %arg4[%select_n3A_1748, %add3A_1767, %dma_start3A_1774] : memref<50x4096x128xf32, #tpu.memory_space<hbm>> -> memref<1x64x128xf32, #tpu.memory_space<hbm>>
      %dma_start3A_1776 = tpu.memref_squeeze %dma_start3A_1775 : memref<1x64x128xf32, #tpu.memory_space<hbm>> -> memref<64x128xf32, #tpu.memory_space<hbm>>
      %dma_start3A_1777 = tpu.memref_slice %arg9[%dma_start3A_1769] : memref<10x!tpu.dma_semaphore, #tpu.memory_space<semaphore_mem>> -> memref<1x!tpu.dma_semaphore, #tpu.memory_space<semaphore_mem>>
      %dma_start3A_1778 = tpu.memref_squeeze %dma_start3A_1777 : memref<1x!tpu.dma_semaphore, #tpu.memory_space<semaphore_mem>> -> memref<!tpu.dma_semaphore, #tpu.memory_space<semaphore_mem>>
      %dma_start3A_1779 = arith.constant 0 : i32
      %dma_start3A_1780 = tpu.memref_slice %arg4[%select_n3A_1748, %add3A_1767, %dma_start3A_1779] : memref<50x4096x128xf32, #tpu.memory_space<hbm>> -> memref<1x64x128xf32, #tpu.memory_space<hbm>>
      %dma_start3A_1781 = tpu.memref_squeeze %dma_start3A_1780 : memref<1x64x128xf32, #tpu.memory_space<hbm>> -> memref<64x128xf32, #tpu.memory_space<hbm>>
      %dma_start3A_1782 = arith.constant 0 : i32
      %dma_start3A_1783 = arith.constant 0 : i32
      %dma_start3A_1784 = tpu.memref_slice %arg6[%dma_start3A_1768, %dma_start3A_1782, %dma_start3A_1783] : memref<10x64x128xf32, #tpu.memory_space<vmem>> -> memref<1x64x128xf32, #tpu.memory_space<vmem>>
      %dma_start3A_1785 = tpu.memref_squeeze %dma_start3A_1784 : memref<1x64x128xf32, #tpu.memory_space<vmem>> -> memref<64x128xf32, #tpu.memory_space<vmem>>
      tpu.enqueue_dma source(%dma_start3A_1785 : memref<64x128xf32, #tpu.memory_space<vmem>>) target(%dma_start3A_1781 : memref<64x128xf32, #tpu.memory_space<hbm>>) target_semaphore(%dma_start3A_1778 : memref<!tpu.dma_semaphore, #tpu.memory_space<semaphore_mem>>)
      %add3A_1786 = arith.constant 1 : i32
      %add3A_1787 = arith.addi %scan3A_386, %add3A_1786 : i32
      %lt3A_1788 = arith.constant 10 : i32
      %lt3A_1789 = arith.cmpi slt, %add3A_1787, %lt3A_1788 : i32
      %convert_element_type3A_1790 = arith.extui %lt3A_1789 : i1 to i32
      %cond3A_1791 = arith.constant 0 : i32
      %cond3A_1792 = arith.cmpi ne, %convert_element_type3A_1790, %cond3A_1791 : i32
      scf.if %cond3A_1792 {
        %add3A_2054 = arith.constant 1 : i32
        %add3A_2055 = arith.addi %scan3A_386, %add3A_2054 : i32
        %mul3A_2056 = arith.constant 10 : i32
        %mul3A_2057 = arith.muli %add3A_2055, %mul3A_2056 : i32
        %add3A_2058 = arith.constant 6 : i32
        %add3A_2059 = arith.addi %mul3A_2057, %add3A_2058 : i32
        %jit3A_2060 = arith.constant 2 : i32
        %div3A_2061 = arith.divsi %add3A_2059, %jit3A_2060 : i32
        %sign3A_2062 = arith.constant 0 : i32
        %sign3A_2063 = arith.cmpi sgt, %add3A_2059, %sign3A_2062 : i32
        %sign3A_2064 = arith.extui %sign3A_2063 : i1 to i32
        %sign3A_2065 = arith.constant 0 : i32
        %sign3A_2066 = arith.cmpi slt, %add3A_2059, %sign3A_2065 : i32
        %sign3A_2067 = arith.extui %sign3A_2066 : i1 to i32
        %sign3A_2068 = arith.subi %sign3A_2064, %sign3A_2067 : i32
        %sign3A_2069 = arith.constant 0 : i32
        %sign3A_2070 = arith.cmpi sgt, %jit3A_2060, %sign3A_2069 : i32
        %sign3A_2071 = arith.extui %sign3A_2070 : i1 to i32
        %sign3A_2072 = arith.constant 0 : i32
        %sign3A_2073 = arith.cmpi slt, %jit3A_2060, %sign3A_2072 : i32
        %sign3A_2074 = arith.extui %sign3A_2073 : i1 to i32
        %sign3A_2075 = arith.subi %sign3A_2071, %sign3A_2074 : i32
        %ne3A_2076 = arith.cmpi ne, %sign3A_2068, %sign3A_2075 : i32
        %rem3A_2077 = arith.remsi %add3A_2059, %jit3A_2060 : i32
        %ne3A_2078 = arith.constant 0 : i32
        %ne3A_2079 = arith.cmpi ne, %rem3A_2077, %ne3A_2078 : i32
        %and3A_2080 = arith.andi %ne3A_2076, %ne3A_2079 : i1
        %sub3A_2081 = arith.constant 1 : i32
        %sub3A_2082 = arith.subi %div3A_2061, %sub3A_2081 : i32
        %select_n3A_2083 = arith.select %and3A_2080, %sub3A_2082, %div3A_2061 : i32
        %jit3A_2084 = arith.constant 2 : i32
        %eq3A_2085 = arith.constant 0 : i32
        %eq3A_2086 = arith.cmpi eq, %jit3A_2084, %eq3A_2085 : i32
        %jit3A_2087 = arith.constant 1 : i32
        %select_n3A_2088 = arith.select %eq3A_2086, %jit3A_2087, %jit3A_2084 : i32
        %rem3A_2089 = arith.remsi %add3A_2059, %select_n3A_2088 : i32
        %ne3A_2090 = arith.constant 0 : i32
        %ne3A_2091 = arith.cmpi ne, %rem3A_2089, %ne3A_2090 : i32
        %lt3A_2092 = arith.constant 0 : i32
        %lt3A_2093 = arith.cmpi slt, %rem3A_2089, %lt3A_2092 : i32
        %lt3A_2094 = arith.constant 0 : i32
        %lt3A_2095 = arith.cmpi slt, %select_n3A_2088, %lt3A_2094 : i32
        %ne3A_2096 = arith.xori %lt3A_2093, %lt3A_2095 : i1
        %and3A_2097 = arith.andi %ne3A_2096, %ne3A_2091 : i1
        %add3A_2098 = arith.addi %rem3A_2089, %select_n3A_2088 : i32
        %select_n3A_2099 = arith.select %and3A_2097, %add3A_2098, %rem3A_2089 : i32
        %mul3A_2100 = arith.constant 64 : i32
        %mul3A_2101 = arith.muli %select_n3A_2099, %mul3A_2100 : i32
        %add3A_2102 = arith.addi %mul3A_2, %mul3A_2101 : i32
        %dma_start3A_2103 = arith.constant 6 : i32
        %dma_start3A_2104 = arith.constant 6 : i32
        %dma_start3A_2105 = arith.constant 0 : i32
        %dma_start3A_2106 = tpu.memref_slice %arg5[%dma_start3A_2103, %dma_start3A_2105] : memref<10x64xi32, #tpu.memory_space<vmem>> -> memref<1x64xi32, #tpu.memory_space<vmem>>
        %dma_start3A_2107 = tpu.memref_squeeze %dma_start3A_2106 : memref<1x64xi32, #tpu.memory_space<vmem>> -> memref<64xi32, #tpu.memory_space<vmem>>
        %dma_start3A_2108 = tpu.memref_slice %arg2[%select_n3A_2083, %add3A_2102] : memref<50x4096xi32, #tpu.memory_space<hbm>> -> memref<1x64xi32, #tpu.memory_space<hbm>>
        %dma_start3A_2109 = tpu.memref_squeeze %dma_start3A_2108 : memref<1x64xi32, #tpu.memory_space<hbm>> -> memref<64xi32, #tpu.memory_space<hbm>>
        %dma_start3A_2110 = tpu.memref_slice %arg7[%dma_start3A_2104] : memref<10x!tpu.dma_semaphore, #tpu.memory_space<semaphore_mem>> -> memref<1x!tpu.dma_semaphore, #tpu.memory_space<semaphore_mem>>
        %dma_start3A_2111 = tpu.memref_squeeze %dma_start3A_2110 : memref<1x!tpu.dma_semaphore, #tpu.memory_space<semaphore_mem>> -> memref<!tpu.dma_semaphore, #tpu.memory_space<semaphore_mem>>
        %dma_start3A_2112 = arith.constant 0 : i32
        %dma_start3A_2113 = tpu.memref_slice %arg5[%dma_start3A_2103, %dma_start3A_2112] : memref<10x64xi32, #tpu.memory_space<vmem>> -> memref<1x64xi32, #tpu.memory_space<vmem>>
        %dma_start3A_2114 = tpu.memref_squeeze %dma_start3A_2113 : memref<1x64xi32, #tpu.memory_space<vmem>> -> memref<64xi32, #tpu.memory_space<vmem>>
        %dma_start3A_2115 = tpu.memref_slice %arg2[%select_n3A_2083, %add3A_2102] : memref<50x4096xi32, #tpu.memory_space<hbm>> -> memref<1x64xi32, #tpu.memory_space<hbm>>
        %dma_start3A_2116 = tpu.memref_squeeze %dma_start3A_2115 : memref<1x64xi32, #tpu.memory_space<hbm>> -> memref<64xi32, #tpu.memory_space<hbm>>
        tpu.enqueue_dma source(%dma_start3A_2116 : memref<64xi32, #tpu.memory_space<hbm>>) target(%dma_start3A_2114 : memref<64xi32, #tpu.memory_space<vmem>>) target_semaphore(%dma_start3A_2111 : memref<!tpu.dma_semaphore, #tpu.memory_space<semaphore_mem>>)
      } else {
      }
      %dma_wait3A_1793 = arith.constant 7 : i32
      %dma_wait3A_1794 = arith.constant 7 : i32
      %dma_wait3A_1795 = arith.constant 7 : i32
      %dma_wait3A_1796 = arith.constant 0 : i32
      %dma_wait3A_1797 = arith.constant 0 : i32
      %dma_wait3A_1798 = tpu.memref_slice %arg6[%dma_wait3A_1794, %dma_wait3A_1796, %dma_wait3A_1797] : memref<10x64x128xf32, #tpu.memory_space<vmem>> -> memref<1x64x128xf32, #tpu.memory_space<vmem>>
      %dma_wait3A_1799 = tpu.memref_squeeze %dma_wait3A_1798 : memref<1x64x128xf32, #tpu.memory_space<vmem>> -> memref<64x128xf32, #tpu.memory_space<vmem>>
      %dma_wait3A_1800 = arith.constant 0 : i32
      %dma_wait3A_1801 = tpu.memref_slice %arg5[%dma_wait3A_1793, %dma_wait3A_1800] : memref<10x64xi32, #tpu.memory_space<vmem>> -> memref<1x64xi32, #tpu.memory_space<vmem>>
      %dma_wait3A_1802 = tpu.memref_squeeze %dma_wait3A_1801 : memref<1x64xi32, #tpu.memory_space<vmem>> -> memref<64xi32, #tpu.memory_space<vmem>>
      %dma_wait3A_1803 = arith.constant 0 : i32
      %dma_wait3A_1804 = arith.constant 0 : i32
      %dma_wait3A_1805 = tpu.memref_slice %arg3[%dma_wait3A_1803, %dma_wait3A_1804] : memref<100000x128xf32, #tpu.memory_space<hbm>> -> memref<100000x128xf32, #tpu.memory_space<hbm>>
      %dma_wait3A_1806 = tpu.memref_slice %arg8[%dma_wait3A_1795] : memref<10x!tpu.dma_semaphore, #tpu.memory_space<semaphore_mem>> -> memref<1x!tpu.dma_semaphore, #tpu.memory_space<semaphore_mem>>
      %dma_wait3A_1807 = tpu.memref_squeeze %dma_wait3A_1806 : memref<1x!tpu.dma_semaphore, #tpu.memory_space<semaphore_mem>> -> memref<!tpu.dma_semaphore, #tpu.memory_space<semaphore_mem>>
      tpu.wait_indirect_dma semaphore(%dma_wait3A_1807 : memref<!tpu.dma_semaphore, #tpu.memory_space<semaphore_mem>>) src(%dma_wait3A_1805 : memref<100000x128xf32, #tpu.memory_space<hbm>>) dst(%dma_wait3A_1799 : memref<64x128xf32, #tpu.memory_space<vmem>>)
      %mul3A_1808 = arith.constant 10 : i32
      %mul3A_1809 = arith.muli %scan3A_386, %mul3A_1808 : i32
      %add3A_1810 = arith.constant 7 : i32
      %add3A_1811 = arith.addi %mul3A_1809, %add3A_1810 : i32
      %jit3A_1812 = arith.constant 2 : i32
      %div3A_1813 = arith.divsi %add3A_1811, %jit3A_1812 : i32
      %sign3A_1814 = arith.constant 0 : i32
      %sign3A_1815 = arith.cmpi sgt, %add3A_1811, %sign3A_1814 : i32
      %sign3A_1816 = arith.extui %sign3A_1815 : i1 to i32
      %sign3A_1817 = arith.constant 0 : i32
      %sign3A_1818 = arith.cmpi slt, %add3A_1811, %sign3A_1817 : i32
      %sign3A_1819 = arith.extui %sign3A_1818 : i1 to i32
      %sign3A_1820 = arith.subi %sign3A_1816, %sign3A_1819 : i32
      %sign3A_1821 = arith.constant 0 : i32
      %sign3A_1822 = arith.cmpi sgt, %jit3A_1812, %sign3A_1821 : i32
      %sign3A_1823 = arith.extui %sign3A_1822 : i1 to i32
      %sign3A_1824 = arith.constant 0 : i32
      %sign3A_1825 = arith.cmpi slt, %jit3A_1812, %sign3A_1824 : i32
      %sign3A_1826 = arith.extui %sign3A_1825 : i1 to i32
      %sign3A_1827 = arith.subi %sign3A_1823, %sign3A_1826 : i32
      %ne3A_1828 = arith.cmpi ne, %sign3A_1820, %sign3A_1827 : i32
      %rem3A_1829 = arith.remsi %add3A_1811, %jit3A_1812 : i32
      %ne3A_1830 = arith.constant 0 : i32
      %ne3A_1831 = arith.cmpi ne, %rem3A_1829, %ne3A_1830 : i32
      %and3A_1832 = arith.andi %ne3A_1828, %ne3A_1831 : i1
      %sub3A_1833 = arith.constant 1 : i32
      %sub3A_1834 = arith.subi %div3A_1813, %sub3A_1833 : i32
      %select_n3A_1835 = arith.select %and3A_1832, %sub3A_1834, %div3A_1813 : i32
      %jit3A_1836 = arith.constant 2 : i32
      %eq3A_1837 = arith.constant 0 : i32
      %eq3A_1838 = arith.cmpi eq, %jit3A_1836, %eq3A_1837 : i32
      %jit3A_1839 = arith.constant 1 : i32
      %select_n3A_1840 = arith.select %eq3A_1838, %jit3A_1839, %jit3A_1836 : i32
      %rem3A_1841 = arith.remsi %add3A_1811, %select_n3A_1840 : i32
      %ne3A_1842 = arith.constant 0 : i32
      %ne3A_1843 = arith.cmpi ne, %rem3A_1841, %ne3A_1842 : i32
      %lt3A_1844 = arith.constant 0 : i32
      %lt3A_1845 = arith.cmpi slt, %rem3A_1841, %lt3A_1844 : i32
      %lt3A_1846 = arith.constant 0 : i32
      %lt3A_1847 = arith.cmpi slt, %select_n3A_1840, %lt3A_1846 : i32
      %ne3A_1848 = arith.xori %lt3A_1845, %lt3A_1847 : i1
      %and3A_1849 = arith.andi %ne3A_1848, %ne3A_1843 : i1
      %add3A_1850 = arith.addi %rem3A_1841, %select_n3A_1840 : i32
      %select_n3A_1851 = arith.select %and3A_1849, %add3A_1850, %rem3A_1841 : i32
      %mul3A_1852 = arith.constant 64 : i32
      %mul3A_1853 = arith.muli %select_n3A_1851, %mul3A_1852 : i32
      %add3A_1854 = arith.addi %mul3A_2, %mul3A_1853 : i32
      %dma_start3A_1855 = arith.constant 7 : i32
      %dma_start3A_1856 = arith.constant 7 : i32
      %dma_start3A_1857 = arith.constant 0 : i32
      %dma_start3A_1858 = arith.constant 0 : i32
      %dma_start3A_1859 = tpu.memref_slice %arg6[%dma_start3A_1855, %dma_start3A_1857, %dma_start3A_1858] : memref<10x64x128xf32, #tpu.memory_space<vmem>> -> memref<1x64x128xf32, #tpu.memory_space<vmem>>
      %dma_start3A_1860 = tpu.memref_squeeze %dma_start3A_1859 : memref<1x64x128xf32, #tpu.memory_space<vmem>> -> memref<64x128xf32, #tpu.memory_space<vmem>>
      %dma_start3A_1861 = arith.constant 0 : i32
      %dma_start3A_1862 = tpu.memref_slice %arg4[%select_n3A_1835, %add3A_1854, %dma_start3A_1861] : memref<50x4096x128xf32, #tpu.memory_space<hbm>> -> memref<1x64x128xf32, #tpu.memory_space<hbm>>
      %dma_start3A_1863 = tpu.memref_squeeze %dma_start3A_1862 : memref<1x64x128xf32, #tpu.memory_space<hbm>> -> memref<64x128xf32, #tpu.memory_space<hbm>>
      %dma_start3A_1864 = tpu.memref_slice %arg9[%dma_start3A_1856] : memref<10x!tpu.dma_semaphore, #tpu.memory_space<semaphore_mem>> -> memref<1x!tpu.dma_semaphore, #tpu.memory_space<semaphore_mem>>
      %dma_start3A_1865 = tpu.memref_squeeze %dma_start3A_1864 : memref<1x!tpu.dma_semaphore, #tpu.memory_space<semaphore_mem>> -> memref<!tpu.dma_semaphore, #tpu.memory_space<semaphore_mem>>
      %dma_start3A_1866 = arith.constant 0 : i32
      %dma_start3A_1867 = tpu.memref_slice %arg4[%select_n3A_1835, %add3A_1854, %dma_start3A_1866] : memref<50x4096x128xf32, #tpu.memory_space<hbm>> -> memref<1x64x128xf32, #tpu.memory_space<hbm>>
      %dma_start3A_1868 = tpu.memref_squeeze %dma_start3A_1867 : memref<1x64x128xf32, #tpu.memory_space<hbm>> -> memref<64x128xf32, #tpu.memory_space<hbm>>
      %dma_start3A_1869 = arith.constant 0 : i32
      %dma_start3A_1870 = arith.constant 0 : i32
      %dma_start3A_1871 = tpu.memref_slice %arg6[%dma_start3A_1855, %dma_start3A_1869, %dma_start3A_1870] : memref<10x64x128xf32, #tpu.memory_space<vmem>> -> memref<1x64x128xf32, #tpu.memory_space<vmem>>
      %dma_start3A_1872 = tpu.memref_squeeze %dma_start3A_1871 : memref<1x64x128xf32, #tpu.memory_space<vmem>> -> memref<64x128xf32, #tpu.memory_space<vmem>>
      tpu.enqueue_dma source(%dma_start3A_1872 : memref<64x128xf32, #tpu.memory_space<vmem>>) target(%dma_start3A_1868 : memref<64x128xf32, #tpu.memory_space<hbm>>) target_semaphore(%dma_start3A_1865 : memref<!tpu.dma_semaphore, #tpu.memory_space<semaphore_mem>>)
      %add3A_1873 = arith.constant 1 : i32
      %add3A_1874 = arith.addi %scan3A_386, %add3A_1873 : i32
      %lt3A_1875 = arith.constant 10 : i32
      %lt3A_1876 = arith.cmpi slt, %add3A_1874, %lt3A_1875 : i32
      %convert_element_type3A_1877 = arith.extui %lt3A_1876 : i1 to i32
      %cond3A_1878 = arith.constant 0 : i32
      %cond3A_1879 = arith.cmpi ne, %convert_element_type3A_1877, %cond3A_1878 : i32
      scf.if %cond3A_1879 {
        %add3A_2054 = arith.constant 1 : i32
        %add3A_2055 = arith.addi %scan3A_386, %add3A_2054 : i32
        %mul3A_2056 = arith.constant 10 : i32
        %mul3A_2057 = arith.muli %add3A_2055, %mul3A_2056 : i32
        %add3A_2058 = arith.constant 7 : i32
        %add3A_2059 = arith.addi %mul3A_2057, %add3A_2058 : i32
        %jit3A_2060 = arith.constant 2 : i32
        %div3A_2061 = arith.divsi %add3A_2059, %jit3A_2060 : i32
        %sign3A_2062 = arith.constant 0 : i32
        %sign3A_2063 = arith.cmpi sgt, %add3A_2059, %sign3A_2062 : i32
        %sign3A_2064 = arith.extui %sign3A_2063 : i1 to i32
        %sign3A_2065 = arith.constant 0 : i32
        %sign3A_2066 = arith.cmpi slt, %add3A_2059, %sign3A_2065 : i32
        %sign3A_2067 = arith.extui %sign3A_2066 : i1 to i32
        %sign3A_2068 = arith.subi %sign3A_2064, %sign3A_2067 : i32
        %sign3A_2069 = arith.constant 0 : i32
        %sign3A_2070 = arith.cmpi sgt, %jit3A_2060, %sign3A_2069 : i32
        %sign3A_2071 = arith.extui %sign3A_2070 : i1 to i32
        %sign3A_2072 = arith.constant 0 : i32
        %sign3A_2073 = arith.cmpi slt, %jit3A_2060, %sign3A_2072 : i32
        %sign3A_2074 = arith.extui %sign3A_2073 : i1 to i32
        %sign3A_2075 = arith.subi %sign3A_2071, %sign3A_2074 : i32
        %ne3A_2076 = arith.cmpi ne, %sign3A_2068, %sign3A_2075 : i32
        %rem3A_2077 = arith.remsi %add3A_2059, %jit3A_2060 : i32
        %ne3A_2078 = arith.constant 0 : i32
        %ne3A_2079 = arith.cmpi ne, %rem3A_2077, %ne3A_2078 : i32
        %and3A_2080 = arith.andi %ne3A_2076, %ne3A_2079 : i1
        %sub3A_2081 = arith.constant 1 : i32
        %sub3A_2082 = arith.subi %div3A_2061, %sub3A_2081 : i32
        %select_n3A_2083 = arith.select %and3A_2080, %sub3A_2082, %div3A_2061 : i32
        %jit3A_2084 = arith.constant 2 : i32
        %eq3A_2085 = arith.constant 0 : i32
        %eq3A_2086 = arith.cmpi eq, %jit3A_2084, %eq3A_2085 : i32
        %jit3A_2087 = arith.constant 1 : i32
        %select_n3A_2088 = arith.select %eq3A_2086, %jit3A_2087, %jit3A_2084 : i32
        %rem3A_2089 = arith.remsi %add3A_2059, %select_n3A_2088 : i32
        %ne3A_2090 = arith.constant 0 : i32
        %ne3A_2091 = arith.cmpi ne, %rem3A_2089, %ne3A_2090 : i32
        %lt3A_2092 = arith.constant 0 : i32
        %lt3A_2093 = arith.cmpi slt, %rem3A_2089, %lt3A_2092 : i32
        %lt3A_2094 = arith.constant 0 : i32
        %lt3A_2095 = arith.cmpi slt, %select_n3A_2088, %lt3A_2094 : i32
        %ne3A_2096 = arith.xori %lt3A_2093, %lt3A_2095 : i1
        %and3A_2097 = arith.andi %ne3A_2096, %ne3A_2091 : i1
        %add3A_2098 = arith.addi %rem3A_2089, %select_n3A_2088 : i32
        %select_n3A_2099 = arith.select %and3A_2097, %add3A_2098, %rem3A_2089 : i32
        %mul3A_2100 = arith.constant 64 : i32
        %mul3A_2101 = arith.muli %select_n3A_2099, %mul3A_2100 : i32
        %add3A_2102 = arith.addi %mul3A_2, %mul3A_2101 : i32
        %dma_start3A_2103 = arith.constant 7 : i32
        %dma_start3A_2104 = arith.constant 7 : i32
        %dma_start3A_2105 = arith.constant 0 : i32
        %dma_start3A_2106 = tpu.memref_slice %arg5[%dma_start3A_2103, %dma_start3A_2105] : memref<10x64xi32, #tpu.memory_space<vmem>> -> memref<1x64xi32, #tpu.memory_space<vmem>>
        %dma_start3A_2107 = tpu.memref_squeeze %dma_start3A_2106 : memref<1x64xi32, #tpu.memory_space<vmem>> -> memref<64xi32, #tpu.memory_space<vmem>>
        %dma_start3A_2108 = tpu.memref_slice %arg2[%select_n3A_2083, %add3A_2102] : memref<50x4096xi32, #tpu.memory_space<hbm>> -> memref<1x64xi32, #tpu.memory_space<hbm>>
        %dma_start3A_2109 = tpu.memref_squeeze %dma_start3A_2108 : memref<1x64xi32, #tpu.memory_space<hbm>> -> memref<64xi32, #tpu.memory_space<hbm>>
        %dma_start3A_2110 = tpu.memref_slice %arg7[%dma_start3A_2104] : memref<10x!tpu.dma_semaphore, #tpu.memory_space<semaphore_mem>> -> memref<1x!tpu.dma_semaphore, #tpu.memory_space<semaphore_mem>>
        %dma_start3A_2111 = tpu.memref_squeeze %dma_start3A_2110 : memref<1x!tpu.dma_semaphore, #tpu.memory_space<semaphore_mem>> -> memref<!tpu.dma_semaphore, #tpu.memory_space<semaphore_mem>>
        %dma_start3A_2112 = arith.constant 0 : i32
        %dma_start3A_2113 = tpu.memref_slice %arg5[%dma_start3A_2103, %dma_start3A_2112] : memref<10x64xi32, #tpu.memory_space<vmem>> -> memref<1x64xi32, #tpu.memory_space<vmem>>
        %dma_start3A_2114 = tpu.memref_squeeze %dma_start3A_2113 : memref<1x64xi32, #tpu.memory_space<vmem>> -> memref<64xi32, #tpu.memory_space<vmem>>
        %dma_start3A_2115 = tpu.memref_slice %arg2[%select_n3A_2083, %add3A_2102] : memref<50x4096xi32, #tpu.memory_space<hbm>> -> memref<1x64xi32, #tpu.memory_space<hbm>>
        %dma_start3A_2116 = tpu.memref_squeeze %dma_start3A_2115 : memref<1x64xi32, #tpu.memory_space<hbm>> -> memref<64xi32, #tpu.memory_space<hbm>>
        tpu.enqueue_dma source(%dma_start3A_2116 : memref<64xi32, #tpu.memory_space<hbm>>) target(%dma_start3A_2114 : memref<64xi32, #tpu.memory_space<vmem>>) target_semaphore(%dma_start3A_2111 : memref<!tpu.dma_semaphore, #tpu.memory_space<semaphore_mem>>)
      } else {
      }
      %dma_wait3A_1880 = arith.constant 8 : i32
      %dma_wait3A_1881 = arith.constant 8 : i32
      %dma_wait3A_1882 = arith.constant 8 : i32
      %dma_wait3A_1883 = arith.constant 0 : i32
      %dma_wait3A_1884 = arith.constant 0 : i32
      %dma_wait3A_1885 = tpu.memref_slice %arg6[%dma_wait3A_1881, %dma_wait3A_1883, %dma_wait3A_1884] : memref<10x64x128xf32, #tpu.memory_space<vmem>> -> memref<1x64x128xf32, #tpu.memory_space<vmem>>
      %dma_wait3A_1886 = tpu.memref_squeeze %dma_wait3A_1885 : memref<1x64x128xf32, #tpu.memory_space<vmem>> -> memref<64x128xf32, #tpu.memory_space<vmem>>
      %dma_wait3A_1887 = arith.constant 0 : i32
      %dma_wait3A_1888 = tpu.memref_slice %arg5[%dma_wait3A_1880, %dma_wait3A_1887] : memref<10x64xi32, #tpu.memory_space<vmem>> -> memref<1x64xi32, #tpu.memory_space<vmem>>
      %dma_wait3A_1889 = tpu.memref_squeeze %dma_wait3A_1888 : memref<1x64xi32, #tpu.memory_space<vmem>> -> memref<64xi32, #tpu.memory_space<vmem>>
      %dma_wait3A_1890 = arith.constant 0 : i32
      %dma_wait3A_1891 = arith.constant 0 : i32
      %dma_wait3A_1892 = tpu.memref_slice %arg3[%dma_wait3A_1890, %dma_wait3A_1891] : memref<100000x128xf32, #tpu.memory_space<hbm>> -> memref<100000x128xf32, #tpu.memory_space<hbm>>
      %dma_wait3A_1893 = tpu.memref_slice %arg8[%dma_wait3A_1882] : memref<10x!tpu.dma_semaphore, #tpu.memory_space<semaphore_mem>> -> memref<1x!tpu.dma_semaphore, #tpu.memory_space<semaphore_mem>>
      %dma_wait3A_1894 = tpu.memref_squeeze %dma_wait3A_1893 : memref<1x!tpu.dma_semaphore, #tpu.memory_space<semaphore_mem>> -> memref<!tpu.dma_semaphore, #tpu.memory_space<semaphore_mem>>
      tpu.wait_indirect_dma semaphore(%dma_wait3A_1894 : memref<!tpu.dma_semaphore, #tpu.memory_space<semaphore_mem>>) src(%dma_wait3A_1892 : memref<100000x128xf32, #tpu.memory_space<hbm>>) dst(%dma_wait3A_1886 : memref<64x128xf32, #tpu.memory_space<vmem>>)
      %mul3A_1895 = arith.constant 10 : i32
      %mul3A_1896 = arith.muli %scan3A_386, %mul3A_1895 : i32
      %add3A_1897 = arith.constant 8 : i32
      %add3A_1898 = arith.addi %mul3A_1896, %add3A_1897 : i32
      %jit3A_1899 = arith.constant 2 : i32
      %div3A_1900 = arith.divsi %add3A_1898, %jit3A_1899 : i32
      %sign3A_1901 = arith.constant 0 : i32
      %sign3A_1902 = arith.cmpi sgt, %add3A_1898, %sign3A_1901 : i32
      %sign3A_1903 = arith.extui %sign3A_1902 : i1 to i32
      %sign3A_1904 = arith.constant 0 : i32
      %sign3A_1905 = arith.cmpi slt, %add3A_1898, %sign3A_1904 : i32
      %sign3A_1906 = arith.extui %sign3A_1905 : i1 to i32
      %sign3A_1907 = arith.subi %sign3A_1903, %sign3A_1906 : i32
      %sign3A_1908 = arith.constant 0 : i32
      %sign3A_1909 = arith.cmpi sgt, %jit3A_1899, %sign3A_1908 : i32
      %sign3A_1910 = arith.extui %sign3A_1909 : i1 to i32
      %sign3A_1911 = arith.constant 0 : i32
      %sign3A_1912 = arith.cmpi slt, %jit3A_1899, %sign3A_1911 : i32
      %sign3A_1913 = arith.extui %sign3A_1912 : i1 to i32
      %sign3A_1914 = arith.subi %sign3A_1910, %sign3A_1913 : i32
      %ne3A_1915 = arith.cmpi ne, %sign3A_1907, %sign3A_1914 : i32
      %rem3A_1916 = arith.remsi %add3A_1898, %jit3A_1899 : i32
      %ne3A_1917 = arith.constant 0 : i32
      %ne3A_1918 = arith.cmpi ne, %rem3A_1916, %ne3A_1917 : i32
      %and3A_1919 = arith.andi %ne3A_1915, %ne3A_1918 : i1
      %sub3A_1920 = arith.constant 1 : i32
      %sub3A_1921 = arith.subi %div3A_1900, %sub3A_1920 : i32
      %select_n3A_1922 = arith.select %and3A_1919, %sub3A_1921, %div3A_1900 : i32
      %jit3A_1923 = arith.constant 2 : i32
      %eq3A_1924 = arith.constant 0 : i32
      %eq3A_1925 = arith.cmpi eq, %jit3A_1923, %eq3A_1924 : i32
      %jit3A_1926 = arith.constant 1 : i32
      %select_n3A_1927 = arith.select %eq3A_1925, %jit3A_1926, %jit3A_1923 : i32
      %rem3A_1928 = arith.remsi %add3A_1898, %select_n3A_1927 : i32
      %ne3A_1929 = arith.constant 0 : i32
      %ne3A_1930 = arith.cmpi ne, %rem3A_1928, %ne3A_1929 : i32
      %lt3A_1931 = arith.constant 0 : i32
      %lt3A_1932 = arith.cmpi slt, %rem3A_1928, %lt3A_1931 : i32
      %lt3A_1933 = arith.constant 0 : i32
      %lt3A_1934 = arith.cmpi slt, %select_n3A_1927, %lt3A_1933 : i32
      %ne3A_1935 = arith.xori %lt3A_1932, %lt3A_1934 : i1
      %and3A_1936 = arith.andi %ne3A_1935, %ne3A_1930 : i1
      %add3A_1937 = arith.addi %rem3A_1928, %select_n3A_1927 : i32
      %select_n3A_1938 = arith.select %and3A_1936, %add3A_1937, %rem3A_1928 : i32
      %mul3A_1939 = arith.constant 64 : i32
      %mul3A_1940 = arith.muli %select_n3A_1938, %mul3A_1939 : i32
      %add3A_1941 = arith.addi %mul3A_2, %mul3A_1940 : i32
      %dma_start3A_1942 = arith.constant 8 : i32
      %dma_start3A_1943 = arith.constant 8 : i32
      %dma_start3A_1944 = arith.constant 0 : i32
      %dma_start3A_1945 = arith.constant 0 : i32
      %dma_start3A_1946 = tpu.memref_slice %arg6[%dma_start3A_1942, %dma_start3A_1944, %dma_start3A_1945] : memref<10x64x128xf32, #tpu.memory_space<vmem>> -> memref<1x64x128xf32, #tpu.memory_space<vmem>>
      %dma_start3A_1947 = tpu.memref_squeeze %dma_start3A_1946 : memref<1x64x128xf32, #tpu.memory_space<vmem>> -> memref<64x128xf32, #tpu.memory_space<vmem>>
      %dma_start3A_1948 = arith.constant 0 : i32
      %dma_start3A_1949 = tpu.memref_slice %arg4[%select_n3A_1922, %add3A_1941, %dma_start3A_1948] : memref<50x4096x128xf32, #tpu.memory_space<hbm>> -> memref<1x64x128xf32, #tpu.memory_space<hbm>>
      %dma_start3A_1950 = tpu.memref_squeeze %dma_start3A_1949 : memref<1x64x128xf32, #tpu.memory_space<hbm>> -> memref<64x128xf32, #tpu.memory_space<hbm>>
      %dma_start3A_1951 = tpu.memref_slice %arg9[%dma_start3A_1943] : memref<10x!tpu.dma_semaphore, #tpu.memory_space<semaphore_mem>> -> memref<1x!tpu.dma_semaphore, #tpu.memory_space<semaphore_mem>>
      %dma_start3A_1952 = tpu.memref_squeeze %dma_start3A_1951 : memref<1x!tpu.dma_semaphore, #tpu.memory_space<semaphore_mem>> -> memref<!tpu.dma_semaphore, #tpu.memory_space<semaphore_mem>>
      %dma_start3A_1953 = arith.constant 0 : i32
      %dma_start3A_1954 = tpu.memref_slice %arg4[%select_n3A_1922, %add3A_1941, %dma_start3A_1953] : memref<50x4096x128xf32, #tpu.memory_space<hbm>> -> memref<1x64x128xf32, #tpu.memory_space<hbm>>
      %dma_start3A_1955 = tpu.memref_squeeze %dma_start3A_1954 : memref<1x64x128xf32, #tpu.memory_space<hbm>> -> memref<64x128xf32, #tpu.memory_space<hbm>>
      %dma_start3A_1956 = arith.constant 0 : i32
      %dma_start3A_1957 = arith.constant 0 : i32
      %dma_start3A_1958 = tpu.memref_slice %arg6[%dma_start3A_1942, %dma_start3A_1956, %dma_start3A_1957] : memref<10x64x128xf32, #tpu.memory_space<vmem>> -> memref<1x64x128xf32, #tpu.memory_space<vmem>>
      %dma_start3A_1959 = tpu.memref_squeeze %dma_start3A_1958 : memref<1x64x128xf32, #tpu.memory_space<vmem>> -> memref<64x128xf32, #tpu.memory_space<vmem>>
      tpu.enqueue_dma source(%dma_start3A_1959 : memref<64x128xf32, #tpu.memory_space<vmem>>) target(%dma_start3A_1955 : memref<64x128xf32, #tpu.memory_space<hbm>>) target_semaphore(%dma_start3A_1952 : memref<!tpu.dma_semaphore, #tpu.memory_space<semaphore_mem>>)
      %add3A_1960 = arith.constant 1 : i32
      %add3A_1961 = arith.addi %scan3A_386, %add3A_1960 : i32
      %lt3A_1962 = arith.constant 10 : i32
      %lt3A_1963 = arith.cmpi slt, %add3A_1961, %lt3A_1962 : i32
      %convert_element_type3A_1964 = arith.extui %lt3A_1963 : i1 to i32
      %cond3A_1965 = arith.constant 0 : i32
      %cond3A_1966 = arith.cmpi ne, %convert_element_type3A_1964, %cond3A_1965 : i32
      scf.if %cond3A_1966 {
        %add3A_2054 = arith.constant 1 : i32
        %add3A_2055 = arith.addi %scan3A_386, %add3A_2054 : i32
        %mul3A_2056 = arith.constant 10 : i32
        %mul3A_2057 = arith.muli %add3A_2055, %mul3A_2056 : i32
        %add3A_2058 = arith.constant 8 : i32
        %add3A_2059 = arith.addi %mul3A_2057, %add3A_2058 : i32
        %jit3A_2060 = arith.constant 2 : i32
        %div3A_2061 = arith.divsi %add3A_2059, %jit3A_2060 : i32
        %sign3A_2062 = arith.constant 0 : i32
        %sign3A_2063 = arith.cmpi sgt, %add3A_2059, %sign3A_2062 : i32
        %sign3A_2064 = arith.extui %sign3A_2063 : i1 to i32
        %sign3A_2065 = arith.constant 0 : i32
        %sign3A_2066 = arith.cmpi slt, %add3A_2059, %sign3A_2065 : i32
        %sign3A_2067 = arith.extui %sign3A_2066 : i1 to i32
        %sign3A_2068 = arith.subi %sign3A_2064, %sign3A_2067 : i32
        %sign3A_2069 = arith.constant 0 : i32
        %sign3A_2070 = arith.cmpi sgt, %jit3A_2060, %sign3A_2069 : i32
        %sign3A_2071 = arith.extui %sign3A_2070 : i1 to i32
        %sign3A_2072 = arith.constant 0 : i32
        %sign3A_2073 = arith.cmpi slt, %jit3A_2060, %sign3A_2072 : i32
        %sign3A_2074 = arith.extui %sign3A_2073 : i1 to i32
        %sign3A_2075 = arith.subi %sign3A_2071, %sign3A_2074 : i32
        %ne3A_2076 = arith.cmpi ne, %sign3A_2068, %sign3A_2075 : i32
        %rem3A_2077 = arith.remsi %add3A_2059, %jit3A_2060 : i32
        %ne3A_2078 = arith.constant 0 : i32
        %ne3A_2079 = arith.cmpi ne, %rem3A_2077, %ne3A_2078 : i32
        %and3A_2080 = arith.andi %ne3A_2076, %ne3A_2079 : i1
        %sub3A_2081 = arith.constant 1 : i32
        %sub3A_2082 = arith.subi %div3A_2061, %sub3A_2081 : i32
        %select_n3A_2083 = arith.select %and3A_2080, %sub3A_2082, %div3A_2061 : i32
        %jit3A_2084 = arith.constant 2 : i32
        %eq3A_2085 = arith.constant 0 : i32
        %eq3A_2086 = arith.cmpi eq, %jit3A_2084, %eq3A_2085 : i32
        %jit3A_2087 = arith.constant 1 : i32
        %select_n3A_2088 = arith.select %eq3A_2086, %jit3A_2087, %jit3A_2084 : i32
        %rem3A_2089 = arith.remsi %add3A_2059, %select_n3A_2088 : i32
        %ne3A_2090 = arith.constant 0 : i32
        %ne3A_2091 = arith.cmpi ne, %rem3A_2089, %ne3A_2090 : i32
        %lt3A_2092 = arith.constant 0 : i32
        %lt3A_2093 = arith.cmpi slt, %rem3A_2089, %lt3A_2092 : i32
        %lt3A_2094 = arith.constant 0 : i32
        %lt3A_2095 = arith.cmpi slt, %select_n3A_2088, %lt3A_2094 : i32
        %ne3A_2096 = arith.xori %lt3A_2093, %lt3A_2095 : i1
        %and3A_2097 = arith.andi %ne3A_2096, %ne3A_2091 : i1
        %add3A_2098 = arith.addi %rem3A_2089, %select_n3A_2088 : i32
        %select_n3A_2099 = arith.select %and3A_2097, %add3A_2098, %rem3A_2089 : i32
        %mul3A_2100 = arith.constant 64 : i32
        %mul3A_2101 = arith.muli %select_n3A_2099, %mul3A_2100 : i32
        %add3A_2102 = arith.addi %mul3A_2, %mul3A_2101 : i32
        %dma_start3A_2103 = arith.constant 8 : i32
        %dma_start3A_2104 = arith.constant 8 : i32
        %dma_start3A_2105 = arith.constant 0 : i32
        %dma_start3A_2106 = tpu.memref_slice %arg5[%dma_start3A_2103, %dma_start3A_2105] : memref<10x64xi32, #tpu.memory_space<vmem>> -> memref<1x64xi32, #tpu.memory_space<vmem>>
        %dma_start3A_2107 = tpu.memref_squeeze %dma_start3A_2106 : memref<1x64xi32, #tpu.memory_space<vmem>> -> memref<64xi32, #tpu.memory_space<vmem>>
        %dma_start3A_2108 = tpu.memref_slice %arg2[%select_n3A_2083, %add3A_2102] : memref<50x4096xi32, #tpu.memory_space<hbm>> -> memref<1x64xi32, #tpu.memory_space<hbm>>
        %dma_start3A_2109 = tpu.memref_squeeze %dma_start3A_2108 : memref<1x64xi32, #tpu.memory_space<hbm>> -> memref<64xi32, #tpu.memory_space<hbm>>
        %dma_start3A_2110 = tpu.memref_slice %arg7[%dma_start3A_2104] : memref<10x!tpu.dma_semaphore, #tpu.memory_space<semaphore_mem>> -> memref<1x!tpu.dma_semaphore, #tpu.memory_space<semaphore_mem>>
        %dma_start3A_2111 = tpu.memref_squeeze %dma_start3A_2110 : memref<1x!tpu.dma_semaphore, #tpu.memory_space<semaphore_mem>> -> memref<!tpu.dma_semaphore, #tpu.memory_space<semaphore_mem>>
        %dma_start3A_2112 = arith.constant 0 : i32
        %dma_start3A_2113 = tpu.memref_slice %arg5[%dma_start3A_2103, %dma_start3A_2112] : memref<10x64xi32, #tpu.memory_space<vmem>> -> memref<1x64xi32, #tpu.memory_space<vmem>>
        %dma_start3A_2114 = tpu.memref_squeeze %dma_start3A_2113 : memref<1x64xi32, #tpu.memory_space<vmem>> -> memref<64xi32, #tpu.memory_space<vmem>>
        %dma_start3A_2115 = tpu.memref_slice %arg2[%select_n3A_2083, %add3A_2102] : memref<50x4096xi32, #tpu.memory_space<hbm>> -> memref<1x64xi32, #tpu.memory_space<hbm>>
        %dma_start3A_2116 = tpu.memref_squeeze %dma_start3A_2115 : memref<1x64xi32, #tpu.memory_space<hbm>> -> memref<64xi32, #tpu.memory_space<hbm>>
        tpu.enqueue_dma source(%dma_start3A_2116 : memref<64xi32, #tpu.memory_space<hbm>>) target(%dma_start3A_2114 : memref<64xi32, #tpu.memory_space<vmem>>) target_semaphore(%dma_start3A_2111 : memref<!tpu.dma_semaphore, #tpu.memory_space<semaphore_mem>>)
      } else {
      }
      %dma_wait3A_1967 = arith.constant 9 : i32
      %dma_wait3A_1968 = arith.constant 9 : i32
      %dma_wait3A_1969 = arith.constant 9 : i32
      %dma_wait3A_1970 = arith.constant 0 : i32
      %dma_wait3A_1971 = arith.constant 0 : i32
      %dma_wait3A_1972 = tpu.memref_slice %arg6[%dma_wait3A_1968, %dma_wait3A_1970, %dma_wait3A_1971] : memref<10x64x128xf32, #tpu.memory_space<vmem>> -> memref<1x64x128xf32, #tpu.memory_space<vmem>>
      %dma_wait3A_1973 = tpu.memref_squeeze %dma_wait3A_1972 : memref<1x64x128xf32, #tpu.memory_space<vmem>> -> memref<64x128xf32, #tpu.memory_space<vmem>>
      %dma_wait3A_1974 = arith.constant 0 : i32
      %dma_wait3A_1975 = tpu.memref_slice %arg5[%dma_wait3A_1967, %dma_wait3A_1974] : memref<10x64xi32, #tpu.memory_space<vmem>> -> memref<1x64xi32, #tpu.memory_space<vmem>>
      %dma_wait3A_1976 = tpu.memref_squeeze %dma_wait3A_1975 : memref<1x64xi32, #tpu.memory_space<vmem>> -> memref<64xi32, #tpu.memory_space<vmem>>
      %dma_wait3A_1977 = arith.constant 0 : i32
      %dma_wait3A_1978 = arith.constant 0 : i32
      %dma_wait3A_1979 = tpu.memref_slice %arg3[%dma_wait3A_1977, %dma_wait3A_1978] : memref<100000x128xf32, #tpu.memory_space<hbm>> -> memref<100000x128xf32, #tpu.memory_space<hbm>>
      %dma_wait3A_1980 = tpu.memref_slice %arg8[%dma_wait3A_1969] : memref<10x!tpu.dma_semaphore, #tpu.memory_space<semaphore_mem>> -> memref<1x!tpu.dma_semaphore, #tpu.memory_space<semaphore_mem>>
      %dma_wait3A_1981 = tpu.memref_squeeze %dma_wait3A_1980 : memref<1x!tpu.dma_semaphore, #tpu.memory_space<semaphore_mem>> -> memref<!tpu.dma_semaphore, #tpu.memory_space<semaphore_mem>>
      tpu.wait_indirect_dma semaphore(%dma_wait3A_1981 : memref<!tpu.dma_semaphore, #tpu.memory_space<semaphore_mem>>) src(%dma_wait3A_1979 : memref<100000x128xf32, #tpu.memory_space<hbm>>) dst(%dma_wait3A_1973 : memref<64x128xf32, #tpu.memory_space<vmem>>)
      %mul3A_1982 = arith.constant 10 : i32
      %mul3A_1983 = arith.muli %scan3A_386, %mul3A_1982 : i32
      %add3A_1984 = arith.constant 9 : i32
      %add3A_1985 = arith.addi %mul3A_1983, %add3A_1984 : i32
      %jit3A_1986 = arith.constant 2 : i32
      %div3A_1987 = arith.divsi %add3A_1985, %jit3A_1986 : i32
      %sign3A_1988 = arith.constant 0 : i32
      %sign3A_1989 = arith.cmpi sgt, %add3A_1985, %sign3A_1988 : i32
      %sign3A_1990 = arith.extui %sign3A_1989 : i1 to i32
      %sign3A_1991 = arith.constant 0 : i32
      %sign3A_1992 = arith.cmpi slt, %add3A_1985, %sign3A_1991 : i32
      %sign3A_1993 = arith.extui %sign3A_1992 : i1 to i32
      %sign3A_1994 = arith.subi %sign3A_1990, %sign3A_1993 : i32
      %sign3A_1995 = arith.constant 0 : i32
      %sign3A_1996 = arith.cmpi sgt, %jit3A_1986, %sign3A_1995 : i32
      %sign3A_1997 = arith.extui %sign3A_1996 : i1 to i32
      %sign3A_1998 = arith.constant 0 : i32
      %sign3A_1999 = arith.cmpi slt, %jit3A_1986, %sign3A_1998 : i32
      %sign3A_2000 = arith.extui %sign3A_1999 : i1 to i32
      %sign3A_2001 = arith.subi %sign3A_1997, %sign3A_2000 : i32
      %ne3A_2002 = arith.cmpi ne, %sign3A_1994, %sign3A_2001 : i32
      %rem3A_2003 = arith.remsi %add3A_1985, %jit3A_1986 : i32
      %ne3A_2004 = arith.constant 0 : i32
      %ne3A_2005 = arith.cmpi ne, %rem3A_2003, %ne3A_2004 : i32
      %and3A_2006 = arith.andi %ne3A_2002, %ne3A_2005 : i1
      %sub3A_2007 = arith.constant 1 : i32
      %sub3A_2008 = arith.subi %div3A_1987, %sub3A_2007 : i32
      %select_n3A_2009 = arith.select %and3A_2006, %sub3A_2008, %div3A_1987 : i32
      %jit3A_2010 = arith.constant 2 : i32
      %eq3A_2011 = arith.constant 0 : i32
      %eq3A_2012 = arith.cmpi eq, %jit3A_2010, %eq3A_2011 : i32
      %jit3A_2013 = arith.constant 1 : i32
      %select_n3A_2014 = arith.select %eq3A_2012, %jit3A_2013, %jit3A_2010 : i32
      %rem3A_2015 = arith.remsi %add3A_1985, %select_n3A_2014 : i32
      %ne3A_2016 = arith.constant 0 : i32
      %ne3A_2017 = arith.cmpi ne, %rem3A_2015, %ne3A_2016 : i32
      %lt3A_2018 = arith.constant 0 : i32
      %lt3A_2019 = arith.cmpi slt, %rem3A_2015, %lt3A_2018 : i32
      %lt3A_2020 = arith.constant 0 : i32
      %lt3A_2021 = arith.cmpi slt, %select_n3A_2014, %lt3A_2020 : i32
      %ne3A_2022 = arith.xori %lt3A_2019, %lt3A_2021 : i1
      %and3A_2023 = arith.andi %ne3A_2022, %ne3A_2017 : i1
      %add3A_2024 = arith.addi %rem3A_2015, %select_n3A_2014 : i32
      %select_n3A_2025 = arith.select %and3A_2023, %add3A_2024, %rem3A_2015 : i32
      %mul3A_2026 = arith.constant 64 : i32
      %mul3A_2027 = arith.muli %select_n3A_2025, %mul3A_2026 : i32
      %add3A_2028 = arith.addi %mul3A_2, %mul3A_2027 : i32
      %dma_start3A_2029 = arith.constant 9 : i32
      %dma_start3A_2030 = arith.constant 9 : i32
      %dma_start3A_2031 = arith.constant 0 : i32
      %dma_start3A_2032 = arith.constant 0 : i32
      %dma_start3A_2033 = tpu.memref_slice %arg6[%dma_start3A_2029, %dma_start3A_2031, %dma_start3A_2032] : memref<10x64x128xf32, #tpu.memory_space<vmem>> -> memref<1x64x128xf32, #tpu.memory_space<vmem>>
      %dma_start3A_2034 = tpu.memref_squeeze %dma_start3A_2033 : memref<1x64x128xf32, #tpu.memory_space<vmem>> -> memref<64x128xf32, #tpu.memory_space<vmem>>
      %dma_start3A_2035 = arith.constant 0 : i32
      %dma_start3A_2036 = tpu.memref_slice %arg4[%select_n3A_2009, %add3A_2028, %dma_start3A_2035] : memref<50x4096x128xf32, #tpu.memory_space<hbm>> -> memref<1x64x128xf32, #tpu.memory_space<hbm>>
      %dma_start3A_2037 = tpu.memref_squeeze %dma_start3A_2036 : memref<1x64x128xf32, #tpu.memory_space<hbm>> -> memref<64x128xf32, #tpu.memory_space<hbm>>
      %dma_start3A_2038 = tpu.memref_slice %arg9[%dma_start3A_2030] : memref<10x!tpu.dma_semaphore, #tpu.memory_space<semaphore_mem>> -> memref<1x!tpu.dma_semaphore, #tpu.memory_space<semaphore_mem>>
      %dma_start3A_2039 = tpu.memref_squeeze %dma_start3A_2038 : memref<1x!tpu.dma_semaphore, #tpu.memory_space<semaphore_mem>> -> memref<!tpu.dma_semaphore, #tpu.memory_space<semaphore_mem>>
      %dma_start3A_2040 = arith.constant 0 : i32
      %dma_start3A_2041 = tpu.memref_slice %arg4[%select_n3A_2009, %add3A_2028, %dma_start3A_2040] : memref<50x4096x128xf32, #tpu.memory_space<hbm>> -> memref<1x64x128xf32, #tpu.memory_space<hbm>>
      %dma_start3A_2042 = tpu.memref_squeeze %dma_start3A_2041 : memref<1x64x128xf32, #tpu.memory_space<hbm>> -> memref<64x128xf32, #tpu.memory_space<hbm>>
      %dma_start3A_2043 = arith.constant 0 : i32
      %dma_start3A_2044 = arith.constant 0 : i32
      %dma_start3A_2045 = tpu.memref_slice %arg6[%dma_start3A_2029, %dma_start3A_2043, %dma_start3A_2044] : memref<10x64x128xf32, #tpu.memory_space<vmem>> -> memref<1x64x128xf32, #tpu.memory_space<vmem>>
      %dma_start3A_2046 = tpu.memref_squeeze %dma_start3A_2045 : memref<1x64x128xf32, #tpu.memory_space<vmem>> -> memref<64x128xf32, #tpu.memory_space<vmem>>
      tpu.enqueue_dma source(%dma_start3A_2046 : memref<64x128xf32, #tpu.memory_space<vmem>>) target(%dma_start3A_2042 : memref<64x128xf32, #tpu.memory_space<hbm>>) target_semaphore(%dma_start3A_2039 : memref<!tpu.dma_semaphore, #tpu.memory_space<semaphore_mem>>)
      %add3A_2047 = arith.constant 1 : i32
      %add3A_2048 = arith.addi %scan3A_386, %add3A_2047 : i32
      %lt3A_2049 = arith.constant 10 : i32
      %lt3A_2050 = arith.cmpi slt, %add3A_2048, %lt3A_2049 : i32
      %convert_element_type3A_2051 = arith.extui %lt3A_2050 : i1 to i32
      %cond3A_2052 = arith.constant 0 : i32
      %cond3A_2053 = arith.cmpi ne, %convert_element_type3A_2051, %cond3A_2052 : i32
      scf.if %cond3A_2053 {
        %add3A_2054 = arith.constant 1 : i32
        %add3A_2055 = arith.addi %scan3A_386, %add3A_2054 : i32
        %mul3A_2056 = arith.constant 10 : i32
        %mul3A_2057 = arith.muli %add3A_2055, %mul3A_2056 : i32
        %add3A_2058 = arith.constant 9 : i32
        %add3A_2059 = arith.addi %mul3A_2057, %add3A_2058 : i32
        %jit3A_2060 = arith.constant 2 : i32
        %div3A_2061 = arith.divsi %add3A_2059, %jit3A_2060 : i32
        %sign3A_2062 = arith.constant 0 : i32
        %sign3A_2063 = arith.cmpi sgt, %add3A_2059, %sign3A_2062 : i32
        %sign3A_2064 = arith.extui %sign3A_2063 : i1 to i32
        %sign3A_2065 = arith.constant 0 : i32
        %sign3A_2066 = arith.cmpi slt, %add3A_2059, %sign3A_2065 : i32
        %sign3A_2067 = arith.extui %sign3A_2066 : i1 to i32
        %sign3A_2068 = arith.subi %sign3A_2064, %sign3A_2067 : i32
        %sign3A_2069 = arith.constant 0 : i32
        %sign3A_2070 = arith.cmpi sgt, %jit3A_2060, %sign3A_2069 : i32
        %sign3A_2071 = arith.extui %sign3A_2070 : i1 to i32
        %sign3A_2072 = arith.constant 0 : i32
        %sign3A_2073 = arith.cmpi slt, %jit3A_2060, %sign3A_2072 : i32
        %sign3A_2074 = arith.extui %sign3A_2073 : i1 to i32
        %sign3A_2075 = arith.subi %sign3A_2071, %sign3A_2074 : i32
        %ne3A_2076 = arith.cmpi ne, %sign3A_2068, %sign3A_2075 : i32
        %rem3A_2077 = arith.remsi %add3A_2059, %jit3A_2060 : i32
        %ne3A_2078 = arith.constant 0 : i32
        %ne3A_2079 = arith.cmpi ne, %rem3A_2077, %ne3A_2078 : i32
        %and3A_2080 = arith.andi %ne3A_2076, %ne3A_2079 : i1
        %sub3A_2081 = arith.constant 1 : i32
        %sub3A_2082 = arith.subi %div3A_2061, %sub3A_2081 : i32
        %select_n3A_2083 = arith.select %and3A_2080, %sub3A_2082, %div3A_2061 : i32
        %jit3A_2084 = arith.constant 2 : i32
        %eq3A_2085 = arith.constant 0 : i32
        %eq3A_2086 = arith.cmpi eq, %jit3A_2084, %eq3A_2085 : i32
        %jit3A_2087 = arith.constant 1 : i32
        %select_n3A_2088 = arith.select %eq3A_2086, %jit3A_2087, %jit3A_2084 : i32
        %rem3A_2089 = arith.remsi %add3A_2059, %select_n3A_2088 : i32
        %ne3A_2090 = arith.constant 0 : i32
        %ne3A_2091 = arith.cmpi ne, %rem3A_2089, %ne3A_2090 : i32
        %lt3A_2092 = arith.constant 0 : i32
        %lt3A_2093 = arith.cmpi slt, %rem3A_2089, %lt3A_2092 : i32
        %lt3A_2094 = arith.constant 0 : i32
        %lt3A_2095 = arith.cmpi slt, %select_n3A_2088, %lt3A_2094 : i32
        %ne3A_2096 = arith.xori %lt3A_2093, %lt3A_2095 : i1
        %and3A_2097 = arith.andi %ne3A_2096, %ne3A_2091 : i1
        %add3A_2098 = arith.addi %rem3A_2089, %select_n3A_2088 : i32
        %select_n3A_2099 = arith.select %and3A_2097, %add3A_2098, %rem3A_2089 : i32
        %mul3A_2100 = arith.constant 64 : i32
        %mul3A_2101 = arith.muli %select_n3A_2099, %mul3A_2100 : i32
        %add3A_2102 = arith.addi %mul3A_2, %mul3A_2101 : i32
        %dma_start3A_2103 = arith.constant 9 : i32
        %dma_start3A_2104 = arith.constant 9 : i32
        %dma_start3A_2105 = arith.constant 0 : i32
        %dma_start3A_2106 = tpu.memref_slice %arg5[%dma_start3A_2103, %dma_start3A_2105] : memref<10x64xi32, #tpu.memory_space<vmem>> -> memref<1x64xi32, #tpu.memory_space<vmem>>
        %dma_start3A_2107 = tpu.memref_squeeze %dma_start3A_2106 : memref<1x64xi32, #tpu.memory_space<vmem>> -> memref<64xi32, #tpu.memory_space<vmem>>
        %dma_start3A_2108 = tpu.memref_slice %arg2[%select_n3A_2083, %add3A_2102] : memref<50x4096xi32, #tpu.memory_space<hbm>> -> memref<1x64xi32, #tpu.memory_space<hbm>>
        %dma_start3A_2109 = tpu.memref_squeeze %dma_start3A_2108 : memref<1x64xi32, #tpu.memory_space<hbm>> -> memref<64xi32, #tpu.memory_space<hbm>>
        %dma_start3A_2110 = tpu.memref_slice %arg7[%dma_start3A_2104] : memref<10x!tpu.dma_semaphore, #tpu.memory_space<semaphore_mem>> -> memref<1x!tpu.dma_semaphore, #tpu.memory_space<semaphore_mem>>
        %dma_start3A_2111 = tpu.memref_squeeze %dma_start3A_2110 : memref<1x!tpu.dma_semaphore, #tpu.memory_space<semaphore_mem>> -> memref<!tpu.dma_semaphore, #tpu.memory_space<semaphore_mem>>
        %dma_start3A_2112 = arith.constant 0 : i32
        %dma_start3A_2113 = tpu.memref_slice %arg5[%dma_start3A_2103, %dma_start3A_2112] : memref<10x64xi32, #tpu.memory_space<vmem>> -> memref<1x64xi32, #tpu.memory_space<vmem>>
        %dma_start3A_2114 = tpu.memref_squeeze %dma_start3A_2113 : memref<1x64xi32, #tpu.memory_space<vmem>> -> memref<64xi32, #tpu.memory_space<vmem>>
        %dma_start3A_2115 = tpu.memref_slice %arg2[%select_n3A_2083, %add3A_2102] : memref<50x4096xi32, #tpu.memory_space<hbm>> -> memref<1x64xi32, #tpu.memory_space<hbm>>
        %dma_start3A_2116 = tpu.memref_squeeze %dma_start3A_2115 : memref<1x64xi32, #tpu.memory_space<hbm>> -> memref<64xi32, #tpu.memory_space<hbm>>
        tpu.enqueue_dma source(%dma_start3A_2116 : memref<64xi32, #tpu.memory_space<hbm>>) target(%dma_start3A_2114 : memref<64xi32, #tpu.memory_space<vmem>>) target_semaphore(%dma_start3A_2111 : memref<!tpu.dma_semaphore, #tpu.memory_space<semaphore_mem>>)
      } else {
      }
    }
    %scan3A_176 = arith.constant 10 : i32
    %add3A_177 = arith.constant 0 : i32
    %add3A_178 = arith.addi %mul3A_2, %add3A_177 : i32
    %dma_wait3A = arith.constant 0 : i32
    %dma_wait3A_179 = arith.constant 45 : i32
    %dma_wait3A_180 = arith.constant 0 : i32
    %dma_wait3A_181 = arith.constant 0 : i32
    %dma_wait3A_182 = arith.constant 0 : i32
    %dma_wait3A_183 = tpu.memref_slice %arg6[%dma_wait3A, %dma_wait3A_181, %dma_wait3A_182] : memref<10x64x128xf32, #tpu.memory_space<vmem>> -> memref<1x64x128xf32, #tpu.memory_space<vmem>>
    %dma_wait3A_184 = tpu.memref_squeeze %dma_wait3A_183 : memref<1x64x128xf32, #tpu.memory_space<vmem>> -> memref<64x128xf32, #tpu.memory_space<vmem>>
    %dma_wait3A_185 = arith.constant 0 : i32
    %dma_wait3A_186 = tpu.memref_slice %arg4[%dma_wait3A_179, %add3A_178, %dma_wait3A_185] : memref<50x4096x128xf32, #tpu.memory_space<hbm>> -> memref<1x64x128xf32, #tpu.memory_space<hbm>>
    %dma_wait3A_187 = tpu.memref_squeeze %dma_wait3A_186 : memref<1x64x128xf32, #tpu.memory_space<hbm>> -> memref<64x128xf32, #tpu.memory_space<hbm>>
    %dma_wait3A_188 = tpu.memref_slice %arg9[%dma_wait3A_180] : memref<10x!tpu.dma_semaphore, #tpu.memory_space<semaphore_mem>> -> memref<1x!tpu.dma_semaphore, #tpu.memory_space<semaphore_mem>>
    %dma_wait3A_189 = tpu.memref_squeeze %dma_wait3A_188 : memref<1x!tpu.dma_semaphore, #tpu.memory_space<semaphore_mem>> -> memref<!tpu.dma_semaphore, #tpu.memory_space<semaphore_mem>>
    %dma_wait3A_190 = arith.constant 0 : i32
    %dma_wait3A_191 = tpu.memref_slice %arg4[%dma_wait3A_179, %add3A_178, %dma_wait3A_190] : memref<50x4096x128xf32, #tpu.memory_space<hbm>> -> memref<1x64x128xf32, #tpu.memory_space<hbm>>
    %dma_wait3A_192 = tpu.memref_squeeze %dma_wait3A_191 : memref<1x64x128xf32, #tpu.memory_space<hbm>> -> memref<64x128xf32, #tpu.memory_space<hbm>>
    %dma_wait3A_193 = arith.constant 0 : i32
    %dma_wait3A_194 = arith.constant 0 : i32
    %dma_wait3A_195 = tpu.memref_slice %arg6[%dma_wait3A, %dma_wait3A_193, %dma_wait3A_194] : memref<10x64x128xf32, #tpu.memory_space<vmem>> -> memref<1x64x128xf32, #tpu.memory_space<vmem>>
    %dma_wait3A_196 = tpu.memref_squeeze %dma_wait3A_195 : memref<1x64x128xf32, #tpu.memory_space<vmem>> -> memref<64x128xf32, #tpu.memory_space<vmem>>
    tpu.wait_dma2 semaphore(%dma_wait3A_189 : memref<!tpu.dma_semaphore, #tpu.memory_space<semaphore_mem>>) src(%dma_wait3A_196 : memref<64x128xf32, #tpu.memory_space<vmem>>) dst(%dma_wait3A_192 : memref<64x128xf32, #tpu.memory_space<hbm>>)
    %add3A_197 = arith.constant 64 : i32
    %add3A_198 = arith.addi %mul3A_2, %add3A_197 : i32
    %dma_wait3A_199 = arith.constant 1 : i32
    %dma_wait3A_200 = arith.constant 45 : i32
    %dma_wait3A_201 = arith.constant 1 : i32
    %dma_wait3A_202 = arith.constant 0 : i32
    %dma_wait3A_203 = arith.constant 0 : i32
    %dma_wait3A_204 = tpu.memref_slice %arg6[%dma_wait3A_199, %dma_wait3A_202, %dma_wait3A_203] : memref<10x64x128xf32, #tpu.memory_space<vmem>> -> memref<1x64x128xf32, #tpu.memory_space<vmem>>
    %dma_wait3A_205 = tpu.memref_squeeze %dma_wait3A_204 : memref<1x64x128xf32, #tpu.memory_space<vmem>> -> memref<64x128xf32, #tpu.memory_space<vmem>>
    %dma_wait3A_206 = arith.constant 0 : i32
    %dma_wait3A_207 = tpu.memref_slice %arg4[%dma_wait3A_200, %add3A_198, %dma_wait3A_206] : memref<50x4096x128xf32, #tpu.memory_space<hbm>> -> memref<1x64x128xf32, #tpu.memory_space<hbm>>
    %dma_wait3A_208 = tpu.memref_squeeze %dma_wait3A_207 : memref<1x64x128xf32, #tpu.memory_space<hbm>> -> memref<64x128xf32, #tpu.memory_space<hbm>>
    %dma_wait3A_209 = tpu.memref_slice %arg9[%dma_wait3A_201] : memref<10x!tpu.dma_semaphore, #tpu.memory_space<semaphore_mem>> -> memref<1x!tpu.dma_semaphore, #tpu.memory_space<semaphore_mem>>
    %dma_wait3A_210 = tpu.memref_squeeze %dma_wait3A_209 : memref<1x!tpu.dma_semaphore, #tpu.memory_space<semaphore_mem>> -> memref<!tpu.dma_semaphore, #tpu.memory_space<semaphore_mem>>
    %dma_wait3A_211 = arith.constant 0 : i32
    %dma_wait3A_212 = tpu.memref_slice %arg4[%dma_wait3A_200, %add3A_198, %dma_wait3A_211] : memref<50x4096x128xf32, #tpu.memory_space<hbm>> -> memref<1x64x128xf32, #tpu.memory_space<hbm>>
    %dma_wait3A_213 = tpu.memref_squeeze %dma_wait3A_212 : memref<1x64x128xf32, #tpu.memory_space<hbm>> -> memref<64x128xf32, #tpu.memory_space<hbm>>
    %dma_wait3A_214 = arith.constant 0 : i32
    %dma_wait3A_215 = arith.constant 0 : i32
    %dma_wait3A_216 = tpu.memref_slice %arg6[%dma_wait3A_199, %dma_wait3A_214, %dma_wait3A_215] : memref<10x64x128xf32, #tpu.memory_space<vmem>> -> memref<1x64x128xf32, #tpu.memory_space<vmem>>
    %dma_wait3A_217 = tpu.memref_squeeze %dma_wait3A_216 : memref<1x64x128xf32, #tpu.memory_space<vmem>> -> memref<64x128xf32, #tpu.memory_space<vmem>>
    tpu.wait_dma2 semaphore(%dma_wait3A_210 : memref<!tpu.dma_semaphore, #tpu.memory_space<semaphore_mem>>) src(%dma_wait3A_217 : memref<64x128xf32, #tpu.memory_space<vmem>>) dst(%dma_wait3A_213 : memref<64x128xf32, #tpu.memory_space<hbm>>)
    %add3A_218 = arith.constant 0 : i32
    %add3A_219 = arith.addi %mul3A_2, %add3A_218 : i32
    %dma_wait3A_220 = arith.constant 2 : i32
    %dma_wait3A_221 = arith.constant 46 : i32
    %dma_wait3A_222 = arith.constant 2 : i32
    %dma_wait3A_223 = arith.constant 0 : i32
    %dma_wait3A_224 = arith.constant 0 : i32
    %dma_wait3A_225 = tpu.memref_slice %arg6[%dma_wait3A_220, %dma_wait3A_223, %dma_wait3A_224] : memref<10x64x128xf32, #tpu.memory_space<vmem>> -> memref<1x64x128xf32, #tpu.memory_space<vmem>>
    %dma_wait3A_226 = tpu.memref_squeeze %dma_wait3A_225 : memref<1x64x128xf32, #tpu.memory_space<vmem>> -> memref<64x128xf32, #tpu.memory_space<vmem>>
    %dma_wait3A_227 = arith.constant 0 : i32
    %dma_wait3A_228 = tpu.memref_slice %arg4[%dma_wait3A_221, %add3A_219, %dma_wait3A_227] : memref<50x4096x128xf32, #tpu.memory_space<hbm>> -> memref<1x64x128xf32, #tpu.memory_space<hbm>>
    %dma_wait3A_229 = tpu.memref_squeeze %dma_wait3A_228 : memref<1x64x128xf32, #tpu.memory_space<hbm>> -> memref<64x128xf32, #tpu.memory_space<hbm>>
    %dma_wait3A_230 = tpu.memref_slice %arg9[%dma_wait3A_222] : memref<10x!tpu.dma_semaphore, #tpu.memory_space<semaphore_mem>> -> memref<1x!tpu.dma_semaphore, #tpu.memory_space<semaphore_mem>>
    %dma_wait3A_231 = tpu.memref_squeeze %dma_wait3A_230 : memref<1x!tpu.dma_semaphore, #tpu.memory_space<semaphore_mem>> -> memref<!tpu.dma_semaphore, #tpu.memory_space<semaphore_mem>>
    %dma_wait3A_232 = arith.constant 0 : i32
    %dma_wait3A_233 = tpu.memref_slice %arg4[%dma_wait3A_221, %add3A_219, %dma_wait3A_232] : memref<50x4096x128xf32, #tpu.memory_space<hbm>> -> memref<1x64x128xf32, #tpu.memory_space<hbm>>
    %dma_wait3A_234 = tpu.memref_squeeze %dma_wait3A_233 : memref<1x64x128xf32, #tpu.memory_space<hbm>> -> memref<64x128xf32, #tpu.memory_space<hbm>>
    %dma_wait3A_235 = arith.constant 0 : i32
    %dma_wait3A_236 = arith.constant 0 : i32
    %dma_wait3A_237 = tpu.memref_slice %arg6[%dma_wait3A_220, %dma_wait3A_235, %dma_wait3A_236] : memref<10x64x128xf32, #tpu.memory_space<vmem>> -> memref<1x64x128xf32, #tpu.memory_space<vmem>>
    %dma_wait3A_238 = tpu.memref_squeeze %dma_wait3A_237 : memref<1x64x128xf32, #tpu.memory_space<vmem>> -> memref<64x128xf32, #tpu.memory_space<vmem>>
    tpu.wait_dma2 semaphore(%dma_wait3A_231 : memref<!tpu.dma_semaphore, #tpu.memory_space<semaphore_mem>>) src(%dma_wait3A_238 : memref<64x128xf32, #tpu.memory_space<vmem>>) dst(%dma_wait3A_234 : memref<64x128xf32, #tpu.memory_space<hbm>>)
    %add3A_239 = arith.constant 64 : i32
    %add3A_240 = arith.addi %mul3A_2, %add3A_239 : i32
    %dma_wait3A_241 = arith.constant 3 : i32
    %dma_wait3A_242 = arith.constant 46 : i32
    %dma_wait3A_243 = arith.constant 3 : i32
    %dma_wait3A_244 = arith.constant 0 : i32
    %dma_wait3A_245 = arith.constant 0 : i32
    %dma_wait3A_246 = tpu.memref_slice %arg6[%dma_wait3A_241, %dma_wait3A_244, %dma_wait3A_245] : memref<10x64x128xf32, #tpu.memory_space<vmem>> -> memref<1x64x128xf32, #tpu.memory_space<vmem>>
    %dma_wait3A_247 = tpu.memref_squeeze %dma_wait3A_246 : memref<1x64x128xf32, #tpu.memory_space<vmem>> -> memref<64x128xf32, #tpu.memory_space<vmem>>
    %dma_wait3A_248 = arith.constant 0 : i32
    %dma_wait3A_249 = tpu.memref_slice %arg4[%dma_wait3A_242, %add3A_240, %dma_wait3A_248] : memref<50x4096x128xf32, #tpu.memory_space<hbm>> -> memref<1x64x128xf32, #tpu.memory_space<hbm>>
    %dma_wait3A_250 = tpu.memref_squeeze %dma_wait3A_249 : memref<1x64x128xf32, #tpu.memory_space<hbm>> -> memref<64x128xf32, #tpu.memory_space<hbm>>
    %dma_wait3A_251 = tpu.memref_slice %arg9[%dma_wait3A_243] : memref<10x!tpu.dma_semaphore, #tpu.memory_space<semaphore_mem>> -> memref<1x!tpu.dma_semaphore, #tpu.memory_space<semaphore_mem>>
    %dma_wait3A_252 = tpu.memref_squeeze %dma_wait3A_251 : memref<1x!tpu.dma_semaphore, #tpu.memory_space<semaphore_mem>> -> memref<!tpu.dma_semaphore, #tpu.memory_space<semaphore_mem>>
    %dma_wait3A_253 = arith.constant 0 : i32
    %dma_wait3A_254 = tpu.memref_slice %arg4[%dma_wait3A_242, %add3A_240, %dma_wait3A_253] : memref<50x4096x128xf32, #tpu.memory_space<hbm>> -> memref<1x64x128xf32, #tpu.memory_space<hbm>>
    %dma_wait3A_255 = tpu.memref_squeeze %dma_wait3A_254 : memref<1x64x128xf32, #tpu.memory_space<hbm>> -> memref<64x128xf32, #tpu.memory_space<hbm>>
    %dma_wait3A_256 = arith.constant 0 : i32
    %dma_wait3A_257 = arith.constant 0 : i32
    %dma_wait3A_258 = tpu.memref_slice %arg6[%dma_wait3A_241, %dma_wait3A_256, %dma_wait3A_257] : memref<10x64x128xf32, #tpu.memory_space<vmem>> -> memref<1x64x128xf32, #tpu.memory_space<vmem>>
    %dma_wait3A_259 = tpu.memref_squeeze %dma_wait3A_258 : memref<1x64x128xf32, #tpu.memory_space<vmem>> -> memref<64x128xf32, #tpu.memory_space<vmem>>
    tpu.wait_dma2 semaphore(%dma_wait3A_252 : memref<!tpu.dma_semaphore, #tpu.memory_space<semaphore_mem>>) src(%dma_wait3A_259 : memref<64x128xf32, #tpu.memory_space<vmem>>) dst(%dma_wait3A_255 : memref<64x128xf32, #tpu.memory_space<hbm>>)
    %add3A_260 = arith.constant 0 : i32
    %add3A_261 = arith.addi %mul3A_2, %add3A_260 : i32
    %dma_wait3A_262 = arith.constant 4 : i32
    %dma_wait3A_263 = arith.constant 47 : i32
    %dma_wait3A_264 = arith.constant 4 : i32
    %dma_wait3A_265 = arith.constant 0 : i32
    %dma_wait3A_266 = arith.constant 0 : i32
    %dma_wait3A_267 = tpu.memref_slice %arg6[%dma_wait3A_262, %dma_wait3A_265, %dma_wait3A_266] : memref<10x64x128xf32, #tpu.memory_space<vmem>> -> memref<1x64x128xf32, #tpu.memory_space<vmem>>
    %dma_wait3A_268 = tpu.memref_squeeze %dma_wait3A_267 : memref<1x64x128xf32, #tpu.memory_space<vmem>> -> memref<64x128xf32, #tpu.memory_space<vmem>>
    %dma_wait3A_269 = arith.constant 0 : i32
    %dma_wait3A_270 = tpu.memref_slice %arg4[%dma_wait3A_263, %add3A_261, %dma_wait3A_269] : memref<50x4096x128xf32, #tpu.memory_space<hbm>> -> memref<1x64x128xf32, #tpu.memory_space<hbm>>
    %dma_wait3A_271 = tpu.memref_squeeze %dma_wait3A_270 : memref<1x64x128xf32, #tpu.memory_space<hbm>> -> memref<64x128xf32, #tpu.memory_space<hbm>>
    %dma_wait3A_272 = tpu.memref_slice %arg9[%dma_wait3A_264] : memref<10x!tpu.dma_semaphore, #tpu.memory_space<semaphore_mem>> -> memref<1x!tpu.dma_semaphore, #tpu.memory_space<semaphore_mem>>
    %dma_wait3A_273 = tpu.memref_squeeze %dma_wait3A_272 : memref<1x!tpu.dma_semaphore, #tpu.memory_space<semaphore_mem>> -> memref<!tpu.dma_semaphore, #tpu.memory_space<semaphore_mem>>
    %dma_wait3A_274 = arith.constant 0 : i32
    %dma_wait3A_275 = tpu.memref_slice %arg4[%dma_wait3A_263, %add3A_261, %dma_wait3A_274] : memref<50x4096x128xf32, #tpu.memory_space<hbm>> -> memref<1x64x128xf32, #tpu.memory_space<hbm>>
    %dma_wait3A_276 = tpu.memref_squeeze %dma_wait3A_275 : memref<1x64x128xf32, #tpu.memory_space<hbm>> -> memref<64x128xf32, #tpu.memory_space<hbm>>
    %dma_wait3A_277 = arith.constant 0 : i32
    %dma_wait3A_278 = arith.constant 0 : i32
    %dma_wait3A_279 = tpu.memref_slice %arg6[%dma_wait3A_262, %dma_wait3A_277, %dma_wait3A_278] : memref<10x64x128xf32, #tpu.memory_space<vmem>> -> memref<1x64x128xf32, #tpu.memory_space<vmem>>
    %dma_wait3A_280 = tpu.memref_squeeze %dma_wait3A_279 : memref<1x64x128xf32, #tpu.memory_space<vmem>> -> memref<64x128xf32, #tpu.memory_space<vmem>>
    tpu.wait_dma2 semaphore(%dma_wait3A_273 : memref<!tpu.dma_semaphore, #tpu.memory_space<semaphore_mem>>) src(%dma_wait3A_280 : memref<64x128xf32, #tpu.memory_space<vmem>>) dst(%dma_wait3A_276 : memref<64x128xf32, #tpu.memory_space<hbm>>)
    %add3A_281 = arith.constant 64 : i32
    %add3A_282 = arith.addi %mul3A_2, %add3A_281 : i32
    %dma_wait3A_283 = arith.constant 5 : i32
    %dma_wait3A_284 = arith.constant 47 : i32
    %dma_wait3A_285 = arith.constant 5 : i32
    %dma_wait3A_286 = arith.constant 0 : i32
    %dma_wait3A_287 = arith.constant 0 : i32
    %dma_wait3A_288 = tpu.memref_slice %arg6[%dma_wait3A_283, %dma_wait3A_286, %dma_wait3A_287] : memref<10x64x128xf32, #tpu.memory_space<vmem>> -> memref<1x64x128xf32, #tpu.memory_space<vmem>>
    %dma_wait3A_289 = tpu.memref_squeeze %dma_wait3A_288 : memref<1x64x128xf32, #tpu.memory_space<vmem>> -> memref<64x128xf32, #tpu.memory_space<vmem>>
    %dma_wait3A_290 = arith.constant 0 : i32
    %dma_wait3A_291 = tpu.memref_slice %arg4[%dma_wait3A_284, %add3A_282, %dma_wait3A_290] : memref<50x4096x128xf32, #tpu.memory_space<hbm>> -> memref<1x64x128xf32, #tpu.memory_space<hbm>>
    %dma_wait3A_292 = tpu.memref_squeeze %dma_wait3A_291 : memref<1x64x128xf32, #tpu.memory_space<hbm>> -> memref<64x128xf32, #tpu.memory_space<hbm>>
    %dma_wait3A_293 = tpu.memref_slice %arg9[%dma_wait3A_285] : memref<10x!tpu.dma_semaphore, #tpu.memory_space<semaphore_mem>> -> memref<1x!tpu.dma_semaphore, #tpu.memory_space<semaphore_mem>>
    %dma_wait3A_294 = tpu.memref_squeeze %dma_wait3A_293 : memref<1x!tpu.dma_semaphore, #tpu.memory_space<semaphore_mem>> -> memref<!tpu.dma_semaphore, #tpu.memory_space<semaphore_mem>>
    %dma_wait3A_295 = arith.constant 0 : i32
    %dma_wait3A_296 = tpu.memref_slice %arg4[%dma_wait3A_284, %add3A_282, %dma_wait3A_295] : memref<50x4096x128xf32, #tpu.memory_space<hbm>> -> memref<1x64x128xf32, #tpu.memory_space<hbm>>
    %dma_wait3A_297 = tpu.memref_squeeze %dma_wait3A_296 : memref<1x64x128xf32, #tpu.memory_space<hbm>> -> memref<64x128xf32, #tpu.memory_space<hbm>>
    %dma_wait3A_298 = arith.constant 0 : i32
    %dma_wait3A_299 = arith.constant 0 : i32
    %dma_wait3A_300 = tpu.memref_slice %arg6[%dma_wait3A_283, %dma_wait3A_298, %dma_wait3A_299] : memref<10x64x128xf32, #tpu.memory_space<vmem>> -> memref<1x64x128xf32, #tpu.memory_space<vmem>>
    %dma_wait3A_301 = tpu.memref_squeeze %dma_wait3A_300 : memref<1x64x128xf32, #tpu.memory_space<vmem>> -> memref<64x128xf32, #tpu.memory_space<vmem>>
    tpu.wait_dma2 semaphore(%dma_wait3A_294 : memref<!tpu.dma_semaphore, #tpu.memory_space<semaphore_mem>>) src(%dma_wait3A_301 : memref<64x128xf32, #tpu.memory_space<vmem>>) dst(%dma_wait3A_297 : memref<64x128xf32, #tpu.memory_space<hbm>>)
    %add3A_302 = arith.constant 0 : i32
    %add3A_303 = arith.addi %mul3A_2, %add3A_302 : i32
    %dma_wait3A_304 = arith.constant 6 : i32
    %dma_wait3A_305 = arith.constant 48 : i32
    %dma_wait3A_306 = arith.constant 6 : i32
    %dma_wait3A_307 = arith.constant 0 : i32
    %dma_wait3A_308 = arith.constant 0 : i32
    %dma_wait3A_309 = tpu.memref_slice %arg6[%dma_wait3A_304, %dma_wait3A_307, %dma_wait3A_308] : memref<10x64x128xf32, #tpu.memory_space<vmem>> -> memref<1x64x128xf32, #tpu.memory_space<vmem>>
    %dma_wait3A_310 = tpu.memref_squeeze %dma_wait3A_309 : memref<1x64x128xf32, #tpu.memory_space<vmem>> -> memref<64x128xf32, #tpu.memory_space<vmem>>
    %dma_wait3A_311 = arith.constant 0 : i32
    %dma_wait3A_312 = tpu.memref_slice %arg4[%dma_wait3A_305, %add3A_303, %dma_wait3A_311] : memref<50x4096x128xf32, #tpu.memory_space<hbm>> -> memref<1x64x128xf32, #tpu.memory_space<hbm>>
    %dma_wait3A_313 = tpu.memref_squeeze %dma_wait3A_312 : memref<1x64x128xf32, #tpu.memory_space<hbm>> -> memref<64x128xf32, #tpu.memory_space<hbm>>
    %dma_wait3A_314 = tpu.memref_slice %arg9[%dma_wait3A_306] : memref<10x!tpu.dma_semaphore, #tpu.memory_space<semaphore_mem>> -> memref<1x!tpu.dma_semaphore, #tpu.memory_space<semaphore_mem>>
    %dma_wait3A_315 = tpu.memref_squeeze %dma_wait3A_314 : memref<1x!tpu.dma_semaphore, #tpu.memory_space<semaphore_mem>> -> memref<!tpu.dma_semaphore, #tpu.memory_space<semaphore_mem>>
    %dma_wait3A_316 = arith.constant 0 : i32
    %dma_wait3A_317 = tpu.memref_slice %arg4[%dma_wait3A_305, %add3A_303, %dma_wait3A_316] : memref<50x4096x128xf32, #tpu.memory_space<hbm>> -> memref<1x64x128xf32, #tpu.memory_space<hbm>>
    %dma_wait3A_318 = tpu.memref_squeeze %dma_wait3A_317 : memref<1x64x128xf32, #tpu.memory_space<hbm>> -> memref<64x128xf32, #tpu.memory_space<hbm>>
    %dma_wait3A_319 = arith.constant 0 : i32
    %dma_wait3A_320 = arith.constant 0 : i32
    %dma_wait3A_321 = tpu.memref_slice %arg6[%dma_wait3A_304, %dma_wait3A_319, %dma_wait3A_320] : memref<10x64x128xf32, #tpu.memory_space<vmem>> -> memref<1x64x128xf32, #tpu.memory_space<vmem>>
    %dma_wait3A_322 = tpu.memref_squeeze %dma_wait3A_321 : memref<1x64x128xf32, #tpu.memory_space<vmem>> -> memref<64x128xf32, #tpu.memory_space<vmem>>
    tpu.wait_dma2 semaphore(%dma_wait3A_315 : memref<!tpu.dma_semaphore, #tpu.memory_space<semaphore_mem>>) src(%dma_wait3A_322 : memref<64x128xf32, #tpu.memory_space<vmem>>) dst(%dma_wait3A_318 : memref<64x128xf32, #tpu.memory_space<hbm>>)
    %add3A_323 = arith.constant 64 : i32
    %add3A_324 = arith.addi %mul3A_2, %add3A_323 : i32
    %dma_wait3A_325 = arith.constant 7 : i32
    %dma_wait3A_326 = arith.constant 48 : i32
    %dma_wait3A_327 = arith.constant 7 : i32
    %dma_wait3A_328 = arith.constant 0 : i32
    %dma_wait3A_329 = arith.constant 0 : i32
    %dma_wait3A_330 = tpu.memref_slice %arg6[%dma_wait3A_325, %dma_wait3A_328, %dma_wait3A_329] : memref<10x64x128xf32, #tpu.memory_space<vmem>> -> memref<1x64x128xf32, #tpu.memory_space<vmem>>
    %dma_wait3A_331 = tpu.memref_squeeze %dma_wait3A_330 : memref<1x64x128xf32, #tpu.memory_space<vmem>> -> memref<64x128xf32, #tpu.memory_space<vmem>>
    %dma_wait3A_332 = arith.constant 0 : i32
    %dma_wait3A_333 = tpu.memref_slice %arg4[%dma_wait3A_326, %add3A_324, %dma_wait3A_332] : memref<50x4096x128xf32, #tpu.memory_space<hbm>> -> memref<1x64x128xf32, #tpu.memory_space<hbm>>
    %dma_wait3A_334 = tpu.memref_squeeze %dma_wait3A_333 : memref<1x64x128xf32, #tpu.memory_space<hbm>> -> memref<64x128xf32, #tpu.memory_space<hbm>>
    %dma_wait3A_335 = tpu.memref_slice %arg9[%dma_wait3A_327] : memref<10x!tpu.dma_semaphore, #tpu.memory_space<semaphore_mem>> -> memref<1x!tpu.dma_semaphore, #tpu.memory_space<semaphore_mem>>
    %dma_wait3A_336 = tpu.memref_squeeze %dma_wait3A_335 : memref<1x!tpu.dma_semaphore, #tpu.memory_space<semaphore_mem>> -> memref<!tpu.dma_semaphore, #tpu.memory_space<semaphore_mem>>
    %dma_wait3A_337 = arith.constant 0 : i32
    %dma_wait3A_338 = tpu.memref_slice %arg4[%dma_wait3A_326, %add3A_324, %dma_wait3A_337] : memref<50x4096x128xf32, #tpu.memory_space<hbm>> -> memref<1x64x128xf32, #tpu.memory_space<hbm>>
    %dma_wait3A_339 = tpu.memref_squeeze %dma_wait3A_338 : memref<1x64x128xf32, #tpu.memory_space<hbm>> -> memref<64x128xf32, #tpu.memory_space<hbm>>
    %dma_wait3A_340 = arith.constant 0 : i32
    %dma_wait3A_341 = arith.constant 0 : i32
    %dma_wait3A_342 = tpu.memref_slice %arg6[%dma_wait3A_325, %dma_wait3A_340, %dma_wait3A_341] : memref<10x64x128xf32, #tpu.memory_space<vmem>> -> memref<1x64x128xf32, #tpu.memory_space<vmem>>
    %dma_wait3A_343 = tpu.memref_squeeze %dma_wait3A_342 : memref<1x64x128xf32, #tpu.memory_space<vmem>> -> memref<64x128xf32, #tpu.memory_space<vmem>>
    tpu.wait_dma2 semaphore(%dma_wait3A_336 : memref<!tpu.dma_semaphore, #tpu.memory_space<semaphore_mem>>) src(%dma_wait3A_343 : memref<64x128xf32, #tpu.memory_space<vmem>>) dst(%dma_wait3A_339 : memref<64x128xf32, #tpu.memory_space<hbm>>)
    %add3A_344 = arith.constant 0 : i32
    %add3A_345 = arith.addi %mul3A_2, %add3A_344 : i32
    %dma_wait3A_346 = arith.constant 8 : i32
    %dma_wait3A_347 = arith.constant 49 : i32
    %dma_wait3A_348 = arith.constant 8 : i32
    %dma_wait3A_349 = arith.constant 0 : i32
    %dma_wait3A_350 = arith.constant 0 : i32
    %dma_wait3A_351 = tpu.memref_slice %arg6[%dma_wait3A_346, %dma_wait3A_349, %dma_wait3A_350] : memref<10x64x128xf32, #tpu.memory_space<vmem>> -> memref<1x64x128xf32, #tpu.memory_space<vmem>>
    %dma_wait3A_352 = tpu.memref_squeeze %dma_wait3A_351 : memref<1x64x128xf32, #tpu.memory_space<vmem>> -> memref<64x128xf32, #tpu.memory_space<vmem>>
    %dma_wait3A_353 = arith.constant 0 : i32
    %dma_wait3A_354 = tpu.memref_slice %arg4[%dma_wait3A_347, %add3A_345, %dma_wait3A_353] : memref<50x4096x128xf32, #tpu.memory_space<hbm>> -> memref<1x64x128xf32, #tpu.memory_space<hbm>>
    %dma_wait3A_355 = tpu.memref_squeeze %dma_wait3A_354 : memref<1x64x128xf32, #tpu.memory_space<hbm>> -> memref<64x128xf32, #tpu.memory_space<hbm>>
    %dma_wait3A_356 = tpu.memref_slice %arg9[%dma_wait3A_348] : memref<10x!tpu.dma_semaphore, #tpu.memory_space<semaphore_mem>> -> memref<1x!tpu.dma_semaphore, #tpu.memory_space<semaphore_mem>>
    %dma_wait3A_357 = tpu.memref_squeeze %dma_wait3A_356 : memref<1x!tpu.dma_semaphore, #tpu.memory_space<semaphore_mem>> -> memref<!tpu.dma_semaphore, #tpu.memory_space<semaphore_mem>>
    %dma_wait3A_358 = arith.constant 0 : i32
    %dma_wait3A_359 = tpu.memref_slice %arg4[%dma_wait3A_347, %add3A_345, %dma_wait3A_358] : memref<50x4096x128xf32, #tpu.memory_space<hbm>> -> memref<1x64x128xf32, #tpu.memory_space<hbm>>
    %dma_wait3A_360 = tpu.memref_squeeze %dma_wait3A_359 : memref<1x64x128xf32, #tpu.memory_space<hbm>> -> memref<64x128xf32, #tpu.memory_space<hbm>>
    %dma_wait3A_361 = arith.constant 0 : i32
    %dma_wait3A_362 = arith.constant 0 : i32
    %dma_wait3A_363 = tpu.memref_slice %arg6[%dma_wait3A_346, %dma_wait3A_361, %dma_wait3A_362] : memref<10x64x128xf32, #tpu.memory_space<vmem>> -> memref<1x64x128xf32, #tpu.memory_space<vmem>>
    %dma_wait3A_364 = tpu.memref_squeeze %dma_wait3A_363 : memref<1x64x128xf32, #tpu.memory_space<vmem>> -> memref<64x128xf32, #tpu.memory_space<vmem>>
    tpu.wait_dma2 semaphore(%dma_wait3A_357 : memref<!tpu.dma_semaphore, #tpu.memory_space<semaphore_mem>>) src(%dma_wait3A_364 : memref<64x128xf32, #tpu.memory_space<vmem>>) dst(%dma_wait3A_360 : memref<64x128xf32, #tpu.memory_space<hbm>>)
    %add3A_365 = arith.constant 64 : i32
    %add3A_366 = arith.addi %mul3A_2, %add3A_365 : i32
    %dma_wait3A_367 = arith.constant 9 : i32
    %dma_wait3A_368 = arith.constant 49 : i32
    %dma_wait3A_369 = arith.constant 9 : i32
    %dma_wait3A_370 = arith.constant 0 : i32
    %dma_wait3A_371 = arith.constant 0 : i32
    %dma_wait3A_372 = tpu.memref_slice %arg6[%dma_wait3A_367, %dma_wait3A_370, %dma_wait3A_371] : memref<10x64x128xf32, #tpu.memory_space<vmem>> -> memref<1x64x128xf32, #tpu.memory_space<vmem>>
    %dma_wait3A_373 = tpu.memref_squeeze %dma_wait3A_372 : memref<1x64x128xf32, #tpu.memory_space<vmem>> -> memref<64x128xf32, #tpu.memory_space<vmem>>
    %dma_wait3A_374 = arith.constant 0 : i32
    %dma_wait3A_375 = tpu.memref_slice %arg4[%dma_wait3A_368, %add3A_366, %dma_wait3A_374] : memref<50x4096x128xf32, #tpu.memory_space<hbm>> -> memref<1x64x128xf32, #tpu.memory_space<hbm>>
    %dma_wait3A_376 = tpu.memref_squeeze %dma_wait3A_375 : memref<1x64x128xf32, #tpu.memory_space<hbm>> -> memref<64x128xf32, #tpu.memory_space<hbm>>
    %dma_wait3A_377 = tpu.memref_slice %arg9[%dma_wait3A_369] : memref<10x!tpu.dma_semaphore, #tpu.memory_space<semaphore_mem>> -> memref<1x!tpu.dma_semaphore, #tpu.memory_space<semaphore_mem>>
    %dma_wait3A_378 = tpu.memref_squeeze %dma_wait3A_377 : memref<1x!tpu.dma_semaphore, #tpu.memory_space<semaphore_mem>> -> memref<!tpu.dma_semaphore, #tpu.memory_space<semaphore_mem>>
    %dma_wait3A_379 = arith.constant 0 : i32
    %dma_wait3A_380 = tpu.memref_slice %arg4[%dma_wait3A_368, %add3A_366, %dma_wait3A_379] : memref<50x4096x128xf32, #tpu.memory_space<hbm>> -> memref<1x64x128xf32, #tpu.memory_space<hbm>>
    %dma_wait3A_381 = tpu.memref_squeeze %dma_wait3A_380 : memref<1x64x128xf32, #tpu.memory_space<hbm>> -> memref<64x128xf32, #tpu.memory_space<hbm>>
    %dma_wait3A_382 = arith.constant 0 : i32
    %dma_wait3A_383 = arith.constant 0 : i32
    %dma_wait3A_384 = tpu.memref_slice %arg6[%dma_wait3A_367, %dma_wait3A_382, %dma_wait3A_383] : memref<10x64x128xf32, #tpu.memory_space<vmem>> -> memref<1x64x128xf32, #tpu.memory_space<vmem>>
    %dma_wait3A_385 = tpu.memref_squeeze %dma_wait3A_384 : memref<1x64x128xf32, #tpu.memory_space<vmem>> -> memref<64x128xf32, #tpu.memory_space<vmem>>
    tpu.wait_dma2 semaphore(%dma_wait3A_378 : memref<!tpu.dma_semaphore, #tpu.memory_space<semaphore_mem>>) src(%dma_wait3A_385 : memref<64x128xf32, #tpu.memory_space<vmem>>) dst(%dma_wait3A_381 : memref<64x128xf32, #tpu.memory_space<hbm>>)
    return
  }
}

</mosaic_0001>

<sc_bundles>
// kernel: kernel.3.cloned.1.call-start
scs
__scs_entry_jumppad:
0x0: {  	(pc) =	sbr.rel $0x88, $3  }
0x1: {  	(tag) =	ssettag $0x0;
	lr =	simm.s32 $0x1  }
0x2: {  	[smem:$0x3F9F] =	sst lr;
	_ =	strace $0xD0000000  }
0x3: {  	_ = 	snop  }
0x4: {  	_ = 	snop  }
0x5: {  	_ = 	snop  }
0x6: {  	_ = 	snop  }
0x7: {  	_ = 	snop  }
__scs_overlays_trampoline_lowered:
0x8: {  	[smem:$0x3FAE] =	sst s0  }
0x9: {  	[smem:$0x3FAF] =	sst s1  }
0xa: {  	[smem:$0x3FB0] =	sst s2  }
0xb: {  	[smem:$0x3FB1] =	sst s3  }
0xc: {  	[smem:$0x3FB2] =	sst s4  }
0xd: {  	[smem:$0x3FB3] =	sst s5  }
0xe: {  	[smem:$0x3FB4] =	sst s6  }
0xf: {  	[smem:$0x3FB5] =	sst s7  }
0x10: {  	[smem:$0x3FB6] =	sst s8  }
0x11: {  	[smem:$0x3FB7] =	sst s9;
	s0 =	simm.s32 @!p0 $0x0  }
0x12: {  	s1 =	sld [smem:$0x3F9D];
	s0 =	simm.s32 @p0 $0x1  }
0x13: {  	[smem:$0x3FB8] =	sst s0;
	s0 =	simm.s32 @!p1 $0x0  }
0x14: {  	s2 =	sld [smem:$0x3F9C];
	s0 =	simm.s32 @p1 $0x1  }
0x15: {  	[smem:$0x3FB9] =	sst s0;
	s0 =	simm.s32 @!p2 $0x0  }
0x16: {  	s3 =	sld [smem:$0x3FDB];
	s0 =	simm.s32 @p2 $0x1  }
0x17: {  	s4 =	simm.s32 $0x1BF5;
	[smem:$0x3FBB] =	sst s0  }
0x18: {  	s0 =	sld [smem:$0x3F9E];
	_ =	swait.ge [sflag:s4], $0x0  }
0x19: {  	s7 =	sld [smem:$0x3F9F]  }
0x1a: {  	s8 =	sadd.s32 $0xFFFFE003, lr  }
0x1b: {  	s9 =	sadd.s32 $0xFFFFFEF7, lr;
	s5 =	simm.s32 $0xFFFFFFFF;
	p2 =	slt.u32 s8, $0xFFFFF086  }
0x1c: {  	p1 =	slt.u32 s9, $0xF7A;
	s5 =	simm.s32 @!p2 $0x0  }
0x1d: {  	s5 =	simm.s32 @p1 $0x1;
	p0 =	seq.s32 s7, s2  }
0x1e: {  	s7 =	smul.u32 @!p0 $0xF7A, s2;
	p2 =	seq.s32 @!p0 s5, $0x0  }
0x1f: {  	s9 =	smul.u32 $0xF7A, s1;
	s8 =	simm.s32 @!p0 $0x1BF5;
	p2 =	por !p2, p0  }
0x20: {  	[sflag:s8] =	ssyncset.s32 @!p0 $0xFFFFF086;
	s6 =	sadd.s32 @!p0 s3, s7;
	s7 =	simm.s32 @!p0 $0x108  }
0x21: {  	s3 =	sadd.s32 s3, s9;
	s6 =	sadd.s32 @!p0 $0x88, s6;
	s7 =	simm.s32 @p2 $0x1082  }
0x22: {  	[simem:s7], [sflag:s8] =	dma.local @!p0 [hbm:s6], $0xF7A  }
0x23: {  	s9 =	sor.u32 $0xD0000000, s2;
	s6 =	simm.s32 $0x108;
	_ =	swait.ge @!p0 [sflag:s8], $0x0  }
0x24: {  	s3 =	sadd.s32 $0x88, s3;
	s6 =	simm.s32 @!p1 $0x1082;
	[sflag:s4] =	ssyncset.s32 $0xFFFFF086  }
0x25: {  	[simem:s6], [sflag:s4] =	dma.local [hbm:s3], $0xF7A  }
0x26: {  	[smem:$0x3F9F] =	sst s1;
	(tag) =	ssettag s2;
	_ =	strace s9  }
0x27: {  	s1 =	sld [smem:$0x3FAF]  }
0x28: {  	s2 =	sld [smem:$0x3FB0]  }
0x29: {  	s4 =	sld [smem:$0x3FB2]  }
0x2a: {  	p0 =	seq.s32 s5, $0x0;
	s5 =	sld [smem:$0x3FB3]  }
0x2b: {  	s6 =	sld [smem:$0x3FB4]  }
0x2c: {  	s7 =	sld [smem:$0x3FB5]  }
0x2d: {  	s3 =	simm.s32 $0x108;
	s8 =	sld [smem:$0x3FB6]  }
0x2e: {  	s3 =	simm.s32 @!p0 $0x1082;
	s9 =	sld [smem:$0x3FB7]  }
0x2f: {  	lr =	sadd.s32 s0, s3;
	s0 =	sld [smem:$0x3FAE]  }
0x30: {  	s3 =	sld [smem:$0x3FB1]  }
0x31: {  	[smem:$0x3FBA] =	sst s10  }
0x32: {  	s10 =	sld [smem:$0x3FB8];
	_ =	sdelay $0x3  }
0x33: {  	p0 =	seq.s32 s10, $0x1;
	s10 =	sld [smem:$0x3FBA];
	_ =	sdelay $0x3  }
0x34: {  	[smem:$0x3FBA] =	sst s10  }
0x35: {  	s10 =	sld [smem:$0x3FB9];
	_ =	sdelay $0x3  }
0x36: {  	p1 =	seq.s32 s10, $0x1;
	s10 =	sld [smem:$0x3FBA];
	_ =	sdelay $0x3  }
0x37: {  	[smem:$0x3FBA] =	sst s10  }
0x38: {  	s10 =	sld [smem:$0x3FBB]  }
0x39: {  	_ = 	snop;
	(pc) =	sbr.ind lr, $3  }
0x3a: {  	_ = 	snop  }
0x3b: {  	_ = 	snop  }
0x3c: {  	p2 =	seq.s32 s10, $0x1;
	s10 =	sld [smem:$0x3FBA]  }
0x3d: {  	_ =	shalt  }
0x3e: {  	_ =	shalt  }
0x3f: {  	_ =	shalt  }
0x40: {  	_ =	shalt  }
0x41: {  	_ =	shalt  }
0x42: {  	_ =	shalt  }
0x43: {  	_ =	shalt  }
0x44: {  	_ =	shalt  }
0x45: {  	_ =	shalt  }
0x46: {  	_ =	shalt  }
0x47: {  	_ =	shalt  }
0x48: {  	_ =	shalt  }
0x49: {  	_ =	shalt  }
0x4a: {  	_ =	shalt  }
0x4b: {  	_ =	shalt  }
0x4c: {  	_ =	shalt  }
0x4d: {  	_ =	shalt  }
0x4e: {  	_ =	shalt  }
0x4f: {  	_ =	shalt  }
0x50: {  	_ =	shalt  }
0x51: {  	_ =	shalt  }
0x52: {  	_ =	shalt  }
0x53: {  	_ =	shalt  }
0x54: {  	_ =	shalt  }
0x55: {  	_ =	shalt  }
0x56: {  	_ =	shalt  }
0x57: {  	_ =	shalt  }
0x58: {  	_ =	shalt  }
0x59: {  	_ =	shalt  }
0x5a: {  	_ =	shalt  }
0x5b: {  	_ =	shalt  }
0x5c: {  	_ =	shalt  }
0x5d: {  	_ =	shalt  }
0x5e: {  	_ =	shalt  }
0x5f: {  	_ =	shalt  }
0x60: {  	_ =	shalt  }
0x61: {  	_ =	shalt  }
0x62: {  	_ =	shalt  }
0x63: {  	_ =	shalt  }
0x64: {  	_ =	shalt  }
0x65: {  	_ =	shalt  }
0x66: {  	_ =	shalt  }
0x67: {  	_ =	shalt  }
0x68: {  	_ =	shalt  }
0x69: {  	_ =	shalt  }
0x6a: {  	_ =	shalt  }
0x6b: {  	_ =	shalt  }
0x6c: {  	_ =	shalt  }
0x6d: {  	_ =	shalt  }
0x6e: {  	_ =	shalt  }
0x6f: {  	_ =	shalt  }
0x70: {  	_ =	shalt  }
0x71: {  	_ =	shalt  }
0x72: {  	_ =	shalt  }
0x73: {  	_ =	shalt  }
0x74: {  	_ =	shalt  }
0x75: {  	_ =	shalt  }
0x76: {  	_ =	shalt  }
0x77: {  	_ =	shalt  }
0x78: {  	_ =	shalt  }
0x79: {  	_ =	shalt  }
0x7a: {  	_ =	shalt  }
0x7b: {  	_ =	shalt  }
0x7c: {  	_ =	shalt  }
0x7d: {  	_ =	shalt  }
0x7e: {  	_ =	shalt  }
0x7f: {  	_ =	shalt  }
0x80: {  	_ =	shalt  }
0x81: {  	_ =	shalt  }
0x82: {  	_ =	shalt  }
0x83: {  	_ =	shalt  }
0x84: {  	_ =	shalt  }
0x85: {  	_ =	shalt  }
0x86: {  	_ =	shalt  }
0x87: {  	_ =	shalt  }
.Lfunc_end0:
.L_simem_size_0:
called_computation_lowered:
.L_overlay_start_0:
0x88: {  	s2 =	sld [smem:$0x3FD9]  }
0x89: {  	s3 =	sld [smem:$0x3FFE];
	_ =	sdelay $0x1  }
0x8a: {  	s1 =	srdreg.scid  }
0x8b: {  	s0 =	sand.u32 $0x1, s1  }
0x8c: {  	s18 =	sshll.u32 s0, $0xA;
	s2 =	sadd.s32 s3, s2  }
0x8d: {  	s2 =	sadd.s32 s2, s18  }
0x8e: {  	[smem:$0x3FC6] =	sst s2  }
0x8f: {  	_ = 	snop  }
0x90: {  	s2 =	sld [smem:$0x3FC9]  }
0x91: {  	s19 =	sld [smem:$0x3FC8]  }
0x92: {  	s4 =	sld [smem:$0x3FD0];
	(tm) =	ssettm $0x1  }
0x93: {  	s5 =	sld [smem:$0x3FFB];
	_ =	sdelay $0x3  }
0x94: {  	_ =	strace s5  }
0x95: {  	s5 =	sld [smem:$0x3FFC];
	_ =	sdelay $0x3  }
0x96: {  	_ =	strace s5  }
0x97: {  	s5 =	sld [smem:$0x3FFD];
	_ =	sdelay $0x3  }
0x98: {  	_ =	strace s5  }
0x99: {  	_ =	strace $0x8FFFFFFF  }
0x9a: {  	s20 =	sld [smem:$0x3FDB];
	_ =	sdelay $0x1  }
0x9b: {  	s6 =	simm.s32 $_scs_section_size  }
0x9c: {  	s7 =	simm.s32 $_size__tile_overlayer_lowered;
	s8 =	simm.s32 $_tile_overlayer_lowered  }
0x9d: {  	s23 =	simm.s32 $0x1BFF;
	s22 =	sshll.u32 s8, $0x1;
	s5 =	sadd.s32 s6, s20  }
0x9e: {  	s9 =	simm.s32 $0x0;
	s21 =	sshll.u32 s7, $0x1;
	s7 =	sadd.s32 s22, s5  }
0x9f: {  	[timem:s9], [sflag:s23] =	dma.local [hbm:s7], s21  }
0xa0: {  	_ =	swait.ge [sflag:s23], s21  }
0xa1: {  	s6 =	ssub.s32 $0x0, s21;
	[sflag:s23] =	ssyncset.done $0x0  }
0xa2: {  	[sflag:s23] =	ssyncadd.s32 s6;
	_ =	sdelay $0x1  }
0xa3: {  	s24 =	simm.s32 $0x1B8B  }
0xa4: {  	_ =	swait.ge [sflag:s24], $0x1  }
0xa5: {  	[sflag:s24] =	ssyncset.done $0x0  }
0xa6: {  	s25 =	simm.s32 $0x1B8E;
	[sflag:s24] =	ssyncadd.s32 $0xFFFFFFFF  }
0xa7: {  	s26 =	simm.s32 $execute0_lowered;
	[smem:$0x3FD2] =	sst s25  }
0xa8: {  	s6 =	sshll.u32 s26, $0x1;
	_ =	strace $0x80000046;
	[dreg:$0x1] =	wrdreg $0xFFFFFFFF  }
0xa9: {  	s28 =	simm.s32 $_size_execute0_lowered;
	s5 =	sadd.s32 s5, s6;
	[dreg:$0x0] =	wrdreg $0x0  }
0xaa: {  	s6 =	sshll.u32 s28, $0x1;
	[dreg:$0x2] =	wrdreg s5  }
0xab: {  	[dreg:$0x3] =	wrdreg s6  }
0xac: {  	[dreg:$0x4] =	wrdreg $0xC0  }
0xad: {  	_ =	task [dreg:s9], $0x5FFFF  }
0xae: {  	[dreg:$0x1] =	wrdreg $0xFFFFFFFF  }
0xaf: {  	[dreg:$0x0] =	wrdreg $0x60  }
0xb0: {  	[dreg:$0x2] =	wrdreg s2  }
0xb1: {  	[dreg:$0x3] =	wrdreg s19  }
0xb2: {  	[dreg:$0x4] =	wrdreg s4  }
0xb3: {  	[dreg:$0x5] =	wrdreg $0x9  }
0xb4: {  	_ =	task.clear_ibuf [dreg:s9], $0x6FFFF;
	_ =	strace $0x90000046  }
0xb5: {  	s29 =	simm.s32 $0x9;
	_ =	strace $0x80000048  }
0xb6: {  	_ =	swait.ge [sflag:s29], $0x1  }
0xb7: {  	[sflag:s29] =	ssyncadd.s32 $0xFFFFFFFF  }
0xb8: {  	_ =	strace $0x90000048  }
0xb9: {  	_ =	sfence  }
0xba: {  	s30 =	sld [smem:$0x0];
	_ =	sdelay $0x2  }
0xbb: {  	s31 =	sshll.u32 s1, $0xD;
	s1 =	sshrl.u32 s1, $0x2  }
0xbc: {  	s3 =	sand.u32 $0x4000, s31;
	s1 =	sadd.s32 s1, s30  }
0xbd: {  	s0 =	sor.u32 s3, s0;
	s1 =	sshll.u32 s1, $0x11  }
0xbe: {  	s0 =	sor.u32 s1, s0  }
0xbf: {  	s0 =	sadd.s32 $0x8F2B, s0  }
0xc0: {  	[sflag:s0] =	ssyncadd.remote.s32 $0x1  }
0xc1: {  	_ =	sfence.sel $0xFFFF  }
0xc2: {  	[dreg:$0x0] =	wrdreg $0xFFFFFFFF;
	(pc) =	sbr.abs _section_cstart, $3  }
0xc3: {  	[dreg:$0x1] =	wrdreg $0xFFFFFFFF  }
0xc4: {  	_ =	task.clear_ibuf [dreg:s9], $0x2FFFF;
	_ =	strace $0x9FFFFFFF  }
0xc5: {  	(tm) =	ssettm $0x7FFFFFFF  }
tec
execute0_lowered:
.L_overlay_start_1:
0x0: {  	(tag) =	ssettag $0x1  }
0x1: {  	s8 =	rddreg [dreg:$0x0]  }
0x2: {  	s2 =	rddreg [dreg:$0x1]  }
0x3: {  	s0 =	rddreg [dreg:$0x2];
	s4 =	simm.s32 $0x0  }
0x4: {  	s1 =	srdreg.scid;
	s9 =	stileid.u32;
	s29 =	simm.s32 $0x12800  }
0x5: {  	s31 =	simm.s32 $0xD;
	s30 =	simm.s32 $0xF;
	s28 =	simm.s32 $0x14  }
0x6: {  	[smem:$0x7FF] =	sst s4;
	s1 =	sand.u32 $0x1, s1;
	s5 =	sshll.u32 s9, $0x8  }
0x7: {  	s10 =	sadd.s32 $0x8, s8;
	s12 =	sshll.u32 s9, $0xF;
	_ =	strace $0x80000047  }
0x8: {  	s3 =	ssub.s32 $0x2, s1;
	s6 =	sshll.u32 s1, $0x7;
	[dreg:$0x4] =	wrdreg s10  }
0x9: {  	s1 =	sshll.u32 s1, $0xE;
	s7 =	sshrl.u32 s3, $0x1;
	s5 =	sor.u32 s6, s5  }
0xa: {  	s1 =	sor.u32 s1, s12;
	s3 =	ssub.s32 s3, s7;
	s6 =	sadd.s32 s8, s5  }
0xb: {  	s7 =	sadd.s32 s5, s10;
	s16 =	sshll.u32 s5, $0x4;
	s17 =	sor.u32 $0x202000, s1  }
0xc: {  	s18 =	sor.u32 $0x200000, s1;
	s20 =	sor.u32 $0x182000, s1;
	s22 =	sor.u32 $0x180000, s1  }
0xd: {  	s24 =	sor.u32 $0x102000, s1;
	s26 =	sor.u32 $0x100000, s1;
	s11 =	sor.u32 $0x82000, s1  }
0xe: {  	s8 =	sadd.s32 $0x10, s6;
	s13 =	sadd.s32 $0x18, s6;
	s14 =	sadd.s32 $0x20, s6  }
0xf: {  	s15 =	sadd.s32 $0x28, s6;
	s9 =	sshrl.u32 s17, $0x3;
	s19 =	sshrl.u32 s18, $0x3  }
0x10: {  	s21 =	sshrl.u32 s20, $0x3;
	s23 =	sshrl.u32 s22, $0x3;
	s25 =	sshrl.u32 s24, $0x3  }
0x11: {  	s10 =	sshrl.u32 s26, $0x3;
	s12 =	sshrl.u32 s11, $0x3;
	[dreg:$0x5] =	wrdreg s8  }
0x12: {  	s17 =	sor.u32 $0x2000, s1;
	s20 =	sadd.s32 $0x30, s6;
	[dreg:$0x6] =	wrdreg s13  }
0x13: {  	s22 =	smax.u32 s3, $0x1;
	s24 =	sadd.s32 $0x38, s6;
	[dreg:$0x7] =	wrdreg s14  }
0x14: {  	s26 =	sadd.s32 $0x48, s6;
	s11 =	simm.s32 $0xB;
	[dreg:$0x8] =	wrdreg s15  }
0x15: {  	s3 =	simm.s32 $0x13;
	s8 =	sadd.s32 s16, s0;
	[dreg:$0x10] =	wrdreg s20  }
0x16: {  	s9 =	sadd.s32 s9, s0;
	s14 =	sadd.s32 s21, s0;
	[dreg:$0x12] =	wrdreg s22  }
0x17: {  	s16 =	sadd.s32 s25, s0;
	s13 =	sor.u32 $0x80000, s1;
	[dreg:$0x14] =	wrdreg s24  }
0x18: {  	s18 =	sadd.s32 s12, s0;
	s1 =	sshrl.u32 s1, $0x3;
	[dreg:$0x16] =	wrdreg s26  }
0x19: {  	s21 =	sshll.u32 s5, $0x3;
	s25 =	sadd.s32 $0x40, s6;
	[dreg:$0x9] =	wrdreg s9  }
0x1a: {  	s22 =	simm.s32 $0x3;
	s26 =	simm.s32 $0x5;
	[dreg:$0x11] =	wrdreg s21  }
0x1b: {  	s24 =	simm.s32 $0x9;
	s9 =	sadd.s32 s19, s0;
	[dreg:$0x15] =	wrdreg s25  }
0x1c: {  	s15 =	sshrl.u32 s13, $0x3;
	[dreg:$0xa] =	wrdreg s9;
	s9 =	sadd.s32 s23, s0  }
0x1d: {  	s19 =	sshrl.u32 s17, $0x3;
	s23 =	sadd.s32 $0x2D0400, s8;
	[dreg:$0xb] =	wrdreg s9  }
.Ltmp0:
0x1e: {  	s9 =	sadd.s32 s10, s0;
	[dreg:$0x13] =	wrdreg s23;
	(pc) =	sbr.rel .LBB2_1-.Ltmp0, $4  }
0x1f: {  	s25 =	simm.s32 $0x480;
	[dreg:$0xc] =	wrdreg s9;
	s9 =	sadd.s32 s15, s0  }
0x20: {  	s10 =	simm.s32 $0x40;
	[dreg:$0xd] =	wrdreg s9;
	s9 =	sadd.s32 s19, s0  }
0x21: {  	s0 =	sadd.s32 s1, s0;
	s1 =	simm.s32 $0x7;
	[dreg:$0xe] =	wrdreg s9  }
0x22: {  	[dreg:$0xf] =	wrdreg s0;
	s0 =	simm.s32 $0x11;
	s9 =	simm.s32 $0x0  }
.LBB2_3:
0x23: {  	_ =	swait.ge [sflag:s28], $0x2000  }
0x24: {  	s25 =	simm.s32 $0x480;
	[sflag:s28] =	ssyncset.done $0x0;
	s8 =	rddreg [dreg:$0x9]  }
0x25: {  	s29 =	simm.s32 $0x12800;
	[sflag:s28] =	ssyncadd.s32 $0xFFFFE000;
	s5 =	sadd.s32 s5, s8  }
0x26: {  	[hbm4b:s5+s4] =	stream.linear.scatter [tilespmem:s9], [sflag:$0x1E], $0x2000, $0x38;
	[tilespmem:$0x14800] =	vst v63  }
.LBB2_5:
0x27: {  	s5 =	simm.s32 $0x15  }
0x28: {  	_ =	swait.ge [sflag:s5], $0x2000  }
0x29: {  	[sflag:s5] =	ssyncset.done $0x0  }
0x2a: {  	s9 =	simm.s32 $0x16;
	[sflag:s5] =	ssyncadd.s32 $0xFFFFE000  }
0x2b: {  	_ =	swait.ge [sflag:s9], $0x2000  }
0x2c: {  	[sflag:s9] =	ssyncset.done $0x0  }
0x2d: {  	s12 =	simm.s32 $0x17;
	[sflag:s9] =	ssyncadd.s32 $0xFFFFE000  }
0x2e: {  	_ =	swait.ge [sflag:s12], $0x2000  }
0x2f: {  	[sflag:s12] =	ssyncset.done $0x0  }
0x30: {  	s13 =	simm.s32 $0x18;
	[sflag:s12] =	ssyncadd.s32 $0xFFFFE000  }
0x31: {  	_ =	swait.ge [sflag:s13], $0x2000  }
0x32: {  	[sflag:s13] =	ssyncset.done $0x0  }
0x33: {  	s15 =	simm.s32 $0x19;
	[sflag:s13] =	ssyncadd.s32 $0xFFFFE000  }
0x34: {  	_ =	swait.ge [sflag:s15], $0x2000  }
0x35: {  	[sflag:s15] =	ssyncset.done $0x0  }
0x36: {  	s17 =	simm.s32 $0x1A;
	[sflag:s15] =	ssyncadd.s32 $0xFFFFE000  }
0x37: {  	_ =	swait.ge [sflag:s17], $0x2000  }
0x38: {  	[sflag:s17] =	ssyncset.done $0x0  }
0x39: {  	s19 =	simm.s32 $0x1B;
	[sflag:s17] =	ssyncadd.s32 $0xFFFFE000  }
0x3a: {  	_ =	swait.ge [sflag:s19], $0x2000  }
0x3b: {  	[sflag:s19] =	ssyncset.done $0x0  }
0x3c: {  	s20 =	simm.s32 $0x1C;
	[sflag:s19] =	ssyncadd.s32 $0xFFFFE000  }
0x3d: {  	_ =	swait.ge [sflag:s20], $0x2000  }
0x3e: {  	[sflag:s20] =	ssyncset.done $0x0  }
0x3f: {  	s21 =	simm.s32 $0x1D;
	[sflag:s20] =	ssyncadd.s32 $0xFFFFE000  }
0x40: {  	_ =	swait.ge [sflag:s21], $0x2000  }
0x41: {  	[sflag:s21] =	ssyncset.done $0x0  }
0x42: {  	s8 =	simm.s32 $0x1E;
	[sflag:s21] =	ssyncadd.s32 $0xFFFFE000  }
0x43: {  	_ =	swait.ge [sflag:s8], $0x2000  }
0x44: {  	s9 =	rddreg [dreg:$0x17]  }
0x45: {  	s23 =	rddreg [dreg:$0x12];
	s9 =	sadd.s32 $0x1, s9  }
0x46: {  	p0 =	sne.s32 s9, s23  }
.Ltmp1:
0x47: {  	_ = 	snop;
	(pc) =	sbr.rel @!p0 .LBB2_6-.Ltmp1, $3  }
0x48: {  	_ =	sdelay $0x1  }
0x49: {  	[sflag:s8] =	ssyncset.done $0x0  }
0x4a: {  	[sflag:s8] =	ssyncadd.s32 $0xFFFFE000  }
.LBB2_1:
0x4b: {  	[dreg:$0x17] =	wrdreg s9  }
0x4c: {  	[tilespmem:s4], [sflag:$0x1] =	stream.linear.gather [hbm4b:s6+s4], $0x40, $0x38;
	[tilespmem:$0x14800] =	vst v63  }
0x4d: {  	s5 =	simm.s32 $0x80;
	s17 =	rddreg [dreg:$0x5]  }
0x4e: {  	[tilespmem:s5], [sflag:$0x2] =	stream.linear.gather [hbm4b:s7+s4], $0x40, $0x38;
	[tilespmem:$0x14800] =	vst v63  }
0x4f: {  	s8 =	simm.s32 $0x100;
	s19 =	rddreg [dreg:$0x6]  }
0x50: {  	[tilespmem:s8], [sflag:$0x3] =	stream.linear.gather [hbm4b:s17+s4], $0x40, $0x38;
	[tilespmem:$0x14800] =	vst v63  }
0x51: {  	s20 =	simm.s32 $0x180;
	s21 =	rddreg [dreg:$0x7]  }
0x52: {  	[tilespmem:s20], [sflag:$0x4] =	stream.linear.gather [hbm4b:s19+s4], $0x40, $0x38;
	[tilespmem:$0x14800] =	vst v63  }
0x53: {  	s23 =	simm.s32 $0x200;
	s9 =	rddreg [dreg:$0x8]  }
0x54: {  	[tilespmem:s23], [sflag:$0x5] =	stream.linear.gather [hbm4b:s21+s4], $0x40, $0x38;
	[tilespmem:$0x14800] =	vst v63  }
0x55: {  	s12 =	simm.s32 $0x280;
	s13 =	rddreg [dreg:$0x10]  }
0x56: {  	[tilespmem:s12], [sflag:$0x6] =	stream.linear.gather [hbm4b:s9+s4], $0x40, $0x38;
	[tilespmem:$0x14800] =	vst v63  }
0x57: {  	s15 =	simm.s32 $0x300;
	s17 =	rddreg [dreg:$0x14]  }
0x58: {  	[tilespmem:s15], [sflag:$0x7] =	stream.linear.gather [hbm4b:s13+s4], $0x40, $0x38;
	[tilespmem:$0x14800] =	vst v63  }
0x59: {  	s5 =	simm.s32 $0x0;
	s19 =	simm.s32 $0x380;
	s20 =	rddreg [dreg:$0x15]  }
0x5a: {  	[tilespmem:s19], [sflag:$0x8] =	stream.linear.gather [hbm4b:s17+s4], $0x40, $0x38;
	[tilespmem:$0x14800] =	vst v63  }
0x5b: {  	s21 =	simm.s32 $0x400;
	s23 =	rddreg [dreg:$0x16];
	s12 =	simm.s32 $0x90  }
0x5c: {  	[tilespmem:s21], [sflag:$0x9] =	stream.linear.gather [hbm4b:s20+s4], $0x40, $0x38;
	[tilespmem:$0x14800] =	vst v63  }
0x5d: {  	s13 =	simm.s32 $0x1200;
	s15 =	simm.s32 $0x5000;
	s17 =	simm.s32 $0x280  }
0x5e: {  	[tilespmem:s25], [sflag:$0xA] =	stream.linear.gather [hbm4b:s23+s4], $0x40, $0x38;
	[tilespmem:$0x14800] =	vst v63  }
.LBB2_2:
0x5f: {  	s8 =	simm.s32 $0x1  }
0x60: {  	p0 =	seq.s32 s5, $0x0;
	_ =	swait.ge [sflag:s8], $0x40  }
0x61: {  	s19 =	simm.s32 @p0 $0x40;
	[sflag:s8] =	ssyncset.done $0x0  }
0x62: {  	s20 =	simm.s32 @p0 $0x0;
	s21 =	simm.s32 @p0 $0x800;
	[sflag:s8] =	ssyncadd.s32 $0xFFFFFFC0  }
0x63: {  	[tilespmem:s21], [sflag:$0xB] =	stream.indirect.gather @p0 [hbm4b:s2+s19], $0x80, s20, s19, $0xb8;
	[tilespmem:$0x14800] =	vst v63  }
0x64: {  	s20 =	simm.s32 @p0 $0x2  }
0x65: {  	_ =	swait.ge @p0 [sflag:s20], $0x40  }
0x66: {  	[sflag:s20] =	ssyncset.done @p0 $0x0  }
0x67: {  	[sflag:s20] =	ssyncadd.s32 @p0 $0xFFFFFFC0;
	s20 =	simm.s32 @!p0 $0x15  }
0x68: {  	_ =	swait.ge @!p0 [sflag:s20], $0x2000  }
0x69: {  	s23 =	simm.s32 @!p0 $0x800;
	[sflag:s20] =	ssyncset.done @!p0 $0x0  }
0x6a: {  	s21 =	simm.s32 @!p0 $0x0;
	[sflag:s20] =	ssyncadd.s32 @!p0 $0xFFFFE000;
	s20 =	simm.s32 @!p0 $0x40  }
0x6b: {  	[tilespmem:s23], [sflag:$0xB] =	stream.indirect.gather @!p0 [hbm4b:s2+s20], $0x80, s21, s20, $0xb8;
	[tilespmem:$0x14800] =	vst v63  }
0x6c: {  	s21 =	simm.s32 @!p0 $0x2  }
0x6d: {  	_ =	swait.ge @!p0 [sflag:s21], $0x40  }
0x6e: {  	[sflag:s21] =	ssyncset.done @!p0 $0x0  }
0x6f: {  	[sflag:s21] =	ssyncadd.s32 @!p0 $0xFFFFFFC0;
	s21 =	simm.s32 @!p0 $0x16  }
0x70: {  	_ =	swait.ge @!p0 [sflag:s21], $0x2000  }
0x71: {  	[sflag:s21] =	ssyncset.done @!p0 $0x0  }
0x72: {  	s9 =	simm.s32 $0x2800;
	s23 =	simm.s32 $0x80;
	[sflag:s21] =	ssyncadd.s32 @!p0 $0xFFFFE000  }
0x73: {  	[tilespmem:s9], [sflag:$0xC] =	stream.indirect.gather [hbm4b:s2+s10], $0x80, s23, s10, $0xb8;
	[tilespmem:$0x14800] =	vst v63  }
0x74: {  	_ =	swait.ge [sflag:s22], $0x40  }
0x75: {  	[sflag:s22] =	ssyncset.done $0x0  }
0x76: {  	s21 =	simm.s32 @p0 $0x100;
	s23 =	simm.s32 @p0 $0x4800;
	[sflag:s22] =	ssyncadd.s32 $0xFFFFFFC0  }
0x77: {  	[tilespmem:s23], [sflag:$0xD] =	stream.indirect.gather @p0 [hbm4b:s2+s19], $0x80, s21, s19, $0xb8;
	[tilespmem:$0x14800] =	vst v63  }
0x78: {  	s21 =	simm.s32 @p0 $0x4  }
0x79: {  	_ =	swait.ge @p0 [sflag:s21], $0x40  }
0x7a: {  	[sflag:s21] =	ssyncset.done @p0 $0x0  }
0x7b: {  	[sflag:s21] =	ssyncadd.s32 @p0 $0xFFFFFFC0;
	s21 =	simm.s32 @!p0 $0x17  }
0x7c: {  	_ =	swait.ge @!p0 [sflag:s21], $0x2000  }
0x7d: {  	[sflag:s21] =	ssyncset.done @!p0 $0x0  }
0x7e: {  	s23 =	simm.s32 @!p0 $0x4800;
	[sflag:s21] =	ssyncadd.s32 @!p0 $0xFFFFE000;
	s21 =	simm.s32 @!p0 $0x100  }
0x7f: {  	[tilespmem:s23], [sflag:$0xD] =	stream.indirect.gather @!p0 [hbm4b:s2+s20], $0x80, s21, s20, $0xb8;
	[tilespmem:$0x14800] =	vst v63  }
0x80: {  	s21 =	simm.s32 @!p0 $0x4  }
0x81: {  	_ =	swait.ge @!p0 [sflag:s21], $0x40  }
0x82: {  	[sflag:s21] =	ssyncset.done @!p0 $0x0  }
0x83: {  	[sflag:s21] =	ssyncadd.s32 @!p0 $0xFFFFFFC0;
	s21 =	simm.s32 @!p0 $0x18  }
0x84: {  	_ =	swait.ge @!p0 [sflag:s21], $0x2000  }
0x85: {  	[sflag:s21] =	ssyncset.done @!p0 $0x0  }
0x86: {  	s9 =	simm.s32 $0x6800;
	s23 =	simm.s32 $0x180;
	[sflag:s21] =	ssyncadd.s32 @!p0 $0xFFFFE000  }
0x87: {  	[tilespmem:s9], [sflag:$0xE] =	stream.indirect.gather [hbm4b:s2+s10], $0x80, s23, s10, $0xb8;
	[tilespmem:$0x14800] =	vst v63  }
0x88: {  	_ =	swait.ge [sflag:s26], $0x40  }
0x89: {  	[sflag:s26] =	ssyncset.done $0x0  }
0x8a: {  	s21 =	simm.s32 @p0 $0x200;
	s23 =	simm.s32 @p0 $0x8800;
	[sflag:s26] =	ssyncadd.s32 $0xFFFFFFC0  }
0x8b: {  	[tilespmem:s23], [sflag:$0xF] =	stream.indirect.gather @p0 [hbm4b:s2+s19], $0x80, s21, s19, $0xb8;
	[tilespmem:$0x14800] =	vst v63  }
0x8c: {  	s21 =	simm.s32 @p0 $0x6  }
0x8d: {  	_ =	swait.ge @p0 [sflag:s21], $0x40  }
0x8e: {  	[sflag:s21] =	ssyncset.done @p0 $0x0  }
0x8f: {  	[sflag:s21] =	ssyncadd.s32 @p0 $0xFFFFFFC0;
	s21 =	simm.s32 @!p0 $0x19  }
0x90: {  	_ =	swait.ge @!p0 [sflag:s21], $0x2000  }
0x91: {  	[sflag:s21] =	ssyncset.done @!p0 $0x0  }
0x92: {  	s23 =	simm.s32 @!p0 $0x8800;
	[sflag:s21] =	ssyncadd.s32 @!p0 $0xFFFFE000;
	s21 =	simm.s32 @!p0 $0x200  }
0x93: {  	[tilespmem:s23], [sflag:$0xF] =	stream.indirect.gather @!p0 [hbm4b:s2+s20], $0x80, s21, s20, $0xb8;
	[tilespmem:$0x14800] =	vst v63  }
0x94: {  	s21 =	simm.s32 @!p0 $0x6  }
0x95: {  	_ =	swait.ge @!p0 [sflag:s21], $0x40  }
0x96: {  	[sflag:s21] =	ssyncset.done @!p0 $0x0  }
0x97: {  	[sflag:s21] =	ssyncadd.s32 @!p0 $0xFFFFFFC0;
	s21 =	simm.s32 @!p0 $0x1A  }
0x98: {  	_ =	swait.ge @!p0 [sflag:s21], $0x2000  }
0x99: {  	[sflag:s21] =	ssyncset.done @!p0 $0x0  }
0x9a: {  	s9 =	simm.s32 $0xA800;
	s23 =	simm.s32 $0x280;
	[sflag:s21] =	ssyncadd.s32 @!p0 $0xFFFFE000  }
0x9b: {  	[tilespmem:s9], [sflag:$0x10] =	stream.indirect.gather [hbm4b:s2+s10], $0x80, s23, s10, $0xb8;
	[tilespmem:$0x14800] =	vst v63  }
0x9c: {  	_ =	swait.ge [sflag:s1], $0x40  }
0x9d: {  	[sflag:s1] =	ssyncset.done $0x0  }
0x9e: {  	s21 =	simm.s32 @p0 $0x300;
	s23 =	simm.s32 @p0 $0xC800;
	[sflag:s1] =	ssyncadd.s32 $0xFFFFFFC0  }
0x9f: {  	[tilespmem:s23], [sflag:$0x11] =	stream.indirect.gather @p0 [hbm4b:s2+s19], $0x80, s21, s19, $0xb8;
	[tilespmem:$0x14800] =	vst v63  }
0xa0: {  	s21 =	simm.s32 @p0 $0x8  }
0xa1: {  	_ =	swait.ge @p0 [sflag:s21], $0x40  }
0xa2: {  	[sflag:s21] =	ssyncset.done @p0 $0x0  }
0xa3: {  	[sflag:s21] =	ssyncadd.s32 @p0 $0xFFFFFFC0;
	s21 =	simm.s32 @!p0 $0x1B  }
0xa4: {  	_ =	swait.ge @!p0 [sflag:s21], $0x2000  }
0xa5: {  	[sflag:s21] =	ssyncset.done @!p0 $0x0  }
0xa6: {  	s23 =	simm.s32 @!p0 $0xC800;
	[sflag:s21] =	ssyncadd.s32 @!p0 $0xFFFFE000;
	s21 =	simm.s32 @!p0 $0x300  }
0xa7: {  	[tilespmem:s23], [sflag:$0x11] =	stream.indirect.gather @!p0 [hbm4b:s2+s20], $0x80, s21, s20, $0xb8;
	[tilespmem:$0x14800] =	vst v63  }
0xa8: {  	s21 =	simm.s32 @!p0 $0x8  }
0xa9: {  	_ =	swait.ge @!p0 [sflag:s21], $0x40  }
0xaa: {  	[sflag:s21] =	ssyncset.done @!p0 $0x0  }
0xab: {  	[sflag:s21] =	ssyncadd.s32 @!p0 $0xFFFFFFC0;
	s21 =	simm.s32 @!p0 $0x1C  }
0xac: {  	_ =	swait.ge @!p0 [sflag:s21], $0x2000  }
0xad: {  	[sflag:s21] =	ssyncset.done @!p0 $0x0  }
0xae: {  	s23 =	simm.s32 $0xE800;
	[sflag:s21] =	ssyncadd.s32 @!p0 $0xFFFFE000;
	s21 =	simm.s32 $0x380  }
0xaf: {  	[tilespmem:s23], [sflag:$0x12] =	stream.indirect.gather [hbm4b:s2+s10], $0x80, s21, s10, $0xb8;
	[tilespmem:$0x14800] =	vst v63  }
0xb0: {  	_ =	swait.ge [sflag:s24], $0x40  }
0xb1: {  	[sflag:s24] =	ssyncset.done $0x0  }
0xb2: {  	s21 =	simm.s32 @p0 $0x400;
	s23 =	simm.s32 @p0 $0x10800;
	[sflag:s24] =	ssyncadd.s32 $0xFFFFFFC0  }
0xb3: {  	[tilespmem:s23], [sflag:$0x13] =	stream.indirect.gather @p0 [hbm4b:s2+s19], $0x80, s21, s19, $0xb8;
	[tilespmem:$0x14800] =	vst v63  }
0xb4: {  	s19 =	simm.s32 @p0 $0xA  }
0xb5: {  	_ =	swait.ge @p0 [sflag:s19], $0x40  }
0xb6: {  	[sflag:s19] =	ssyncset.done @p0 $0x0  }
0xb7: {  	[sflag:s19] =	ssyncadd.s32 @p0 $0xFFFFFFC0;
	s19 =	simm.s32 @!p0 $0x1D  }
0xb8: {  	_ =	swait.ge @!p0 [sflag:s19], $0x2000  }
0xb9: {  	[sflag:s19] =	ssyncset.done @!p0 $0x0  }
0xba: {  	s21 =	simm.s32 @!p0 $0x10800;
	[sflag:s19] =	ssyncadd.s32 @!p0 $0xFFFFE000;
	s19 =	simm.s32 @!p0 $0x400  }
0xbb: {  	[tilespmem:s21], [sflag:$0x13] =	stream.indirect.gather @!p0 [hbm4b:s2+s20], $0x80, s19, s20, $0xb8;
	[tilespmem:$0x14800] =	vst v63  }
0xbc: {  	s19 =	simm.s32 @!p0 $0xA  }
0xbd: {  	_ =	swait.ge @!p0 [sflag:s19], $0x40  }
0xbe: {  	[sflag:s19] =	ssyncset.done @!p0 $0x0  }
0xbf: {  	[sflag:s19] =	ssyncadd.s32 @!p0 $0xFFFFFFC0;
	s19 =	simm.s32 @!p0 $0x1E  }
0xc0: {  	_ =	swait.ge @!p0 [sflag:s19], $0x2000  }
0xc1: {  	[sflag:s19] =	ssyncset.done @!p0 $0x0  }
0xc2: {  	[sflag:s19] =	ssyncadd.s32 @!p0 $0xFFFFE000  }
0xc3: {  	[tilespmem:s29], [sflag:$0x14] =	stream.indirect.gather [hbm4b:s2+s10], $0x80, s25, s10, $0xb8;
	[tilespmem:$0x14800] =	vst v63  }
0xc4: {  	s20 =	simm.s32 $0x800;
	_ =	swait.ge [sflag:s11], $0x2000  }
0xc5: {  	p0 =	seq.s32 s5, $0x2D0000;
	[sflag:s11] =	ssyncset.done $0x0;
	s25 =	rddreg [dreg:$0xf]  }
0xc6: {  	s19 =	simm.s32 @p0 $0xC;
	[sflag:s11] =	ssyncadd.s32 $0xFFFFE000;
	s9 =	sadd.s32 s5, s25  }
0xc7: {  	[hbm4b:s9+s4] =	stream.linear.scatter [tilespmem:s20], [sflag:$0x15], $0x2000, $0x38;
	[tilespmem:$0x14800] =	vst v63  }
0xc8: {  	_ =	swait.ge @p0 [sflag:s19], $0x2000  }
0xc9: {  	s20 =	simm.s32 @p0 $0x0;
	[sflag:s19] =	ssyncset.done @p0 $0x0  }
0xca: {  	s8 =	rddreg [dreg:$0x13];
	[sflag:s19] =	ssyncadd.s32 @p0 $0xFFFFE000;
	s19 =	simm.s32 @p0 $0x2800  }
0xcb: {  	[hbm4b:s8+s20] =	stream.linear.scatter @p0 [tilespmem:s19], [sflag:$0x16], $0x2000, $0x38;
	[tilespmem:$0x14800] =	vst v63  }
0xcc: {  	s19 =	sand.u32 @!p0 $0xF8000, s15;
	s8 =	rddreg [dreg:$0x11]  }
0xcd: {  	s21 =	sand.u32 @!p0 $0x380, s17;
	s19 =	sor.u32 @!p0 s8, s19  }
0xce: {  	s19 =	sor.u32 @!p0 s21, s19  }
0xcf: {  	s8 =	rddreg [dreg:$0x0];
	s21 =	sshrl.u32 @!p0 s19, $0x3  }
0xd0: {  	s19 =	simm.s32 @!p0 $0x0;
	s23 =	sadd.s32 @!p0 s8, s21  }
0xd1: {  	[tilespmem:s19], [sflag:$0x1] =	stream.linear.gather @!p0 [hbm4b:s23+s19], $0x40, $0x38;
	[tilespmem:$0x14800] =	vst v63  }
0xd2: {  	s23 =	simm.s32 @!p0 $0xC  }
0xd3: {  	_ =	swait.ge @!p0 [sflag:s23], $0x2000  }
0xd4: {  	s25 =	simm.s32 @!p0 $0x2800;
	[sflag:s23] =	ssyncset.done @!p0 $0x0;
	s8 =	rddreg [dreg:$0xe]  }
0xd5: {  	[sflag:s23] =	ssyncadd.s32 @!p0 $0xFFFFE000;
	s23 =	sadd.s32 @!p0 s5, s8;
	s8 =	rddreg [dreg:$0x4]  }
0xd6: {  	[hbm4b:s23+s19] =	stream.linear.scatter @!p0 [tilespmem:s25], [sflag:$0x16], $0x2000, $0x38;
	[tilespmem:$0x14800] =	vst v63  }
0xd7: {  	s21 =	sadd.s32 @!p0 s21, s8;
	s23 =	simm.s32 @!p0 $0x80  }
0xd8: {  	[tilespmem:s23], [sflag:$0x2] =	stream.linear.gather @!p0 [hbm4b:s21+s19], $0x40, $0x38;
	[tilespmem:$0x14800] =	vst v63  }
0xd9: {  	_ =	swait.ge [sflag:s31], $0x2000  }
0xda: {  	s25 =	simm.s32 $0x4800;
	[sflag:s31] =	ssyncset.done $0x0;
	s21 =	rddreg [dreg:$0xd]  }
0xdb: {  	[sflag:s31] =	ssyncadd.s32 $0xFFFFE000;
	s23 =	sadd.s32 s5, s21;
	s21 =	simm.s32 @p0 $0xE  }
0xdc: {  	[hbm4b:s23+s4] =	stream.linear.scatter [tilespmem:s25], [sflag:$0x17], $0x2000, $0x38;
	[tilespmem:$0x14800] =	vst v63  }
0xdd: {  	_ =	swait.ge @p0 [sflag:s21], $0x2000  }
0xde: {  	[sflag:s21] =	ssyncset.done @p0 $0x0  }
0xdf: {  	s23 =	simm.s32 @p0 $0x6800;
	[sflag:s21] =	ssyncadd.s32 @p0 $0xFFFFE000;
	s21 =	sadd.s32 @p0 s5, s18  }
0xe0: {  	[hbm4b:s21+s20] =	stream.linear.scatter @p0 [tilespmem:s23], [sflag:$0x18], $0x2000, $0x38;
	[tilespmem:$0x14800] =	vst v63  }
0xe1: {  	s21 =	sadd.s32 @!p0 $0xFFFFFA00, s13;
	s23 =	sadd.s32 @!p0 $0xFFFFFFD0, s12  }
0xe2: {  	s21 =	sand.u32 @!p0 $0x3F000, s21;
	s23 =	sand.u32 @!p0 $0x70, s23  }
0xe3: {  	s25 =	sor.u32 @!p0 s23, s21  }
0xe4: {  	s8 =	simm.s32 @!p0 $0x100;
	s25 =	sadd.s32 @!p0 s25, s6  }
0xe5: {  	[tilespmem:s8], [sflag:$0x3] =	stream.linear.gather @!p0 [hbm4b:s25+s19], $0x40, $0x38;
	[tilespmem:$0x14800] =	vst v63  }
0xe6: {  	s8 =	simm.s32 @!p0 $0xE  }
0xe7: {  	_ =	swait.ge @!p0 [sflag:s8], $0x2000  }
0xe8: {  	[sflag:s8] =	ssyncset.done @!p0 $0x0  }
0xe9: {  	s25 =	simm.s32 @!p0 $0x6800;
	[sflag:s8] =	ssyncadd.s32 @!p0 $0xFFFFE000;
	s8 =	sadd.s32 @!p0 s5, s18  }
0xea: {  	[hbm4b:s8+s19] =	stream.linear.scatter @!p0 [tilespmem:s25], [sflag:$0x18], $0x2000, $0x38;
	[tilespmem:$0x14800] =	vst v63  }
0xeb: {  	s8 =	sadd.s32 @!p0 s23, s7  }
0xec: {  	s8 =	sadd.s32 @!p0 s21, s8;
	s21 =	simm.s32 @!p0 $0x180  }
0xed: {  	[tilespmem:s21], [sflag:$0x4] =	stream.linear.gather @!p0 [hbm4b:s8+s19], $0x40, $0x38;
	[tilespmem:$0x14800] =	vst v63  }
0xee: {  	_ =	swait.ge [sflag:s30], $0x2000  }
0xef: {  	[sflag:s30] =	ssyncset.done $0x0;
	s23 =	rddreg [dreg:$0xc]  }
0xf0: {  	s25 =	simm.s32 $0x8800;
	[sflag:s30] =	ssyncadd.s32 $0xFFFFE000;
	s8 =	sadd.s32 s5, s23  }
0xf1: {  	[hbm4b:s8+s4] =	stream.linear.scatter [tilespmem:s25], [sflag:$0x19], $0x2000, $0x38;
	[tilespmem:$0x14800] =	vst v63  }
0xf2: {  	s8 =	simm.s32 @p0 $0x10  }
0xf3: {  	_ =	swait.ge @p0 [sflag:s8], $0x2000  }
0xf4: {  	[sflag:s8] =	ssyncset.done @p0 $0x0  }
0xf5: {  	s21 =	simm.s32 @p0 $0xA800;
	[sflag:s8] =	ssyncadd.s32 @p0 $0xFFFFE000;
	s8 =	sadd.s32 @p0 s5, s16  }
0xf6: {  	[hbm4b:s8+s20] =	stream.linear.scatter @p0 [tilespmem:s21], [sflag:$0x1A], $0x2000, $0x38;
	[tilespmem:$0x14800] =	vst v63  }
0xf7: {  	s8 =	sadd.s32 @!p0 $0xFFFFFC00, s13;
	s21 =	sadd.s32 @!p0 $0xFFFFFFE0, s12  }
0xf8: {  	s8 =	sand.u32 @!p0 $0x3F000, s8;
	s21 =	sand.u32 @!p0 $0x70, s21  }
0xf9: {  	s23 =	sor.u32 @!p0 s21, s8  }
0xfa: {  	s25 =	simm.s32 @!p0 $0x200;
	s23 =	sadd.s32 @!p0 s23, s6  }
0xfb: {  	[tilespmem:s25], [sflag:$0x5] =	stream.linear.gather @!p0 [hbm4b:s23+s19], $0x40, $0x38;
	[tilespmem:$0x14800] =	vst v63  }
0xfc: {  	s23 =	simm.s32 @!p0 $0x10  }
0xfd: {  	_ =	swait.ge @!p0 [sflag:s23], $0x2000  }
0xfe: {  	s21 =	sadd.s32 @!p0 s21, s7;
	[sflag:s23] =	ssyncset.done @!p0 $0x0  }
0xff: {  	s25 =	simm.s32 @!p0 $0xA800;
	[sflag:s23] =	ssyncadd.s32 @!p0 $0xFFFFE000;
	s23 =	sadd.s32 @!p0 s5, s16  }
0x100: {  	[hbm4b:s23+s19] =	stream.linear.scatter @!p0 [tilespmem:s25], [sflag:$0x1A], $0x2000, $0x38;
	[tilespmem:$0x14800] =	vst v63  }
0x101: {  	s8 =	sadd.s32 @!p0 s8, s21;
	s21 =	simm.s32 @!p0 $0x280  }
0x102: {  	[tilespmem:s21], [sflag:$0x6] =	stream.linear.gather @!p0 [hbm4b:s8+s19], $0x40, $0x38;
	[tilespmem:$0x14800] =	vst v63  }
0x103: {  	_ =	swait.ge [sflag:s0], $0x2000  }
0x104: {  	[sflag:s0] =	ssyncset.done $0x0;
	s23 =	rddreg [dreg:$0xb]  }
0x105: {  	s25 =	simm.s32 $0xC800;
	[sflag:s0] =	ssyncadd.s32 $0xFFFFE000;
	s8 =	sadd.s32 s5, s23  }
0x106: {  	[hbm4b:s8+s4] =	stream.linear.scatter [tilespmem:s25], [sflag:$0x1B], $0x2000, $0x38;
	[tilespmem:$0x14800] =	vst v63  }
0x107: {  	s8 =	simm.s32 @p0 $0x12  }
0x108: {  	_ =	swait.ge @p0 [sflag:s8], $0x2000  }
0x109: {  	[sflag:s8] =	ssyncset.done @p0 $0x0  }
0x10a: {  	s21 =	simm.s32 @p0 $0xE800;
	[sflag:s8] =	ssyncadd.s32 @p0 $0xFFFFE000;
	s8 =	sadd.s32 @p0 s5, s14  }
0x10b: {  	[hbm4b:s8+s20] =	stream.linear.scatter @p0 [tilespmem:s21], [sflag:$0x1C], $0x2000, $0x38;
	[tilespmem:$0x14800] =	vst v63  }
0x10c: {  	s8 =	sadd.s32 @!p0 $0xFFFFFE00, s13;
	s20 =	sadd.s32 @!p0 $0xFFFFFFF0, s12  }
0x10d: {  	s8 =	sand.u32 @!p0 $0x3F000, s8;
	s20 =	sand.u32 @!p0 $0x70, s20  }
0x10e: {  	s21 =	sor.u32 @!p0 s20, s8  }
0x10f: {  	s23 =	simm.s32 @!p0 $0x300;
	s21 =	sadd.s32 @!p0 s21, s6  }
0x110: {  	[tilespmem:s23], [sflag:$0x7] =	stream.linear.gather @!p0 [hbm4b:s21+s19], $0x40, $0x38;
	[tilespmem:$0x14800] =	vst v63  }
0x111: {  	s21 =	simm.s32 @!p0 $0x12  }
0x112: {  	_ =	swait.ge @!p0 [sflag:s21], $0x2000  }
0x113: {  	s20 =	sadd.s32 @!p0 s20, s7;
	[sflag:s21] =	ssyncset.done @!p0 $0x0  }
0x114: {  	s23 =	simm.s32 @!p0 $0xE800;
	[sflag:s21] =	ssyncadd.s32 @!p0 $0xFFFFE000;
	s21 =	sadd.s32 @!p0 s5, s14  }
0x115: {  	[hbm4b:s21+s19] =	stream.linear.scatter @!p0 [tilespmem:s23], [sflag:$0x1C], $0x2000, $0x38;
	[tilespmem:$0x14800] =	vst v63  }
0x116: {  	s8 =	sadd.s32 @!p0 s8, s20;
	s20 =	simm.s32 @!p0 $0x380  }
0x117: {  	[tilespmem:s20], [sflag:$0x8] =	stream.linear.gather @!p0 [hbm4b:s8+s19], $0x40, $0x38;
	[tilespmem:$0x14800] =	vst v63  }
0x118: {  	p0 =	sne.s32 s5, $0x2D0000  }
.Ltmp2:
0x119: {  	_ = 	snop;
	(pc) =	sbr.rel @!p0 .LBB2_3-.Ltmp2, $4  }
0x11a: {  	s29 =	simm.s32 $0x480;
	_ =	swait.ge [sflag:s3], $0x2000  }
0x11b: {  	s9 =	simm.s32 $0x12800;
	[sflag:s3] =	ssyncset.done $0x0;
	s23 =	rddreg [dreg:$0xa]  }
0x11c: {  	s25 =	simm.s32 $0x10800;
	[sflag:s3] =	ssyncadd.s32 $0xFFFFE000;
	s8 =	sadd.s32 s5, s23  }
0x11d: {  	[hbm4b:s8+s4] =	stream.linear.scatter [tilespmem:s25], [sflag:$0x1D], $0x2000, $0x38;
	[tilespmem:$0x14800] =	vst v63  }
0x11e: {  	s8 =	sand.u32 $0x3F000, s13;
	s19 =	sand.u32 $0x70, s12  }
0x11f: {  	s20 =	sor.u32 s19, s8  }
0x120: {  	s21 =	simm.s32 $0x400;
	s20 =	sadd.s32 s20, s6  }
0x121: {  	[tilespmem:s21], [sflag:$0x9] =	stream.linear.gather [hbm4b:s20+s4], $0x40, $0x38;
	[tilespmem:$0x14800] =	vst v63  }
0x122: {  	_ =	swait.ge [sflag:s28], $0x2000  }
0x123: {  	[sflag:s28] =	ssyncset.done $0x0;
	s25 =	rddreg [dreg:$0x9]  }
0x124: {  	[sflag:s28] =	ssyncadd.s32 $0xFFFFE000;
	s20 =	sadd.s32 s5, s25;
	s5 =	sadd.s32 $0x50000, s5  }
0x125: {  	[hbm4b:s20+s4] =	stream.linear.scatter [tilespmem:s9], [sflag:$0x1E], $0x2000, $0x38;
	[tilespmem:$0x14800] =	vst v63  }
0x126: {  	p0 =	sne.s32 s5, $0x320000  }
.Ltmp3:
0x127: {  	_ = 	snop;
	(pc) =	sbr.rel @p0 .LBB2_2-.Ltmp3, $4  }
.Ltmp4:
0x128: {  	s12 =	sadd.s32 $0x50, s12;
	s19 =	sadd.s32 s19, s7;
	(pc) =	sbr.rel @!p0 .LBB2_5-.Ltmp4, $4  }
0x129: {  	s13 =	sadd.s32 $0xA00, s13;
	s15 =	sadd.s32 $0x5000, s15;
	s8 =	sadd.s32 s8, s19  }
0x12a: {  	[tilespmem:s29], [sflag:$0xA] =	stream.linear.gather [hbm4b:s8+s4], $0x40, $0x38;
	[tilespmem:$0x14800] =	vst v63  }
0x12b: {  	s17 =	sadd.s32 $0x280, s17;
	s25 =	simm.s32 $0x480;
	s29 =	simm.s32 $0x12800  }
0x12c: {  	_ = 	snop  }
.LBB2_6:
0x12d: {  	_ =	sfence.sel $0x180000  }
0x12e: {  	[bflag:$0x0] =	sbarrier.arrive $0xFFFF  }
0x12f: {  	_ =	strace $0x90000047  }
0x130: {  	s0 =	stileid.u32;
	[bflag:$0x2] =	sbarrier.arrive $0xFFFF  }
0x131: {  	p0 =	sne.s32 s0, $0x0;
	s0 =	rddreg [dreg:$0x3]  }
0x132: {  	s0 =	sadd.s32 @!p0 $0x100000, s0  }
0x133: {  	[sflag:s0] =	ssyncadd.tile.s32 @!p0 $0x1;
	_ =	shalt  }
.Lfunc_end2:
_tile_overlayer_lowered:
.L_overlay_start_2:
0x134: {  	(tag) =	ssettag $0x2  }
0x135: {  	s0 =	rddreg [dreg:$0x0];
	s2 =	stileid.u32  }
0x136: {  	s1 =	rddreg [dreg:$0x1];
	p0 =	sne.s32 s2, $0x0  }
0x137: {  	s3 =	rddreg [dreg:$0x2];
	[bflag:$0x3] =	sbarrier.arrive $0xFFFF;
	s2 =	simm.s32 @!p0 $0x1C1F  }
0x138: {  	[timem:s3], [sflag:s2] =	dma.local @!p0 [hbm:s0], s1  }
0x139: {  	s0 =	simm.s32 @!p0 $0x1F  }
0x13a: {  	_ =	swait.ge @!p0 [sflag:s0], s1  }
0x13b: {  	s1 =	ssub.s32 @!p0 $0x0, s1;
	[sflag:s0] =	ssyncset.done @!p0 $0x0  }
0x13c: {  	[sflag:s0] =	ssyncadd.s32 @!p0 s1  }
0x13d: {  	[bflag:$0x3] =	sbarrier.arrive $0xFFFF  }
0x13e: {  	_ =	shalt  }

</sc_bundles>
